<compile_context>
chip_gen: v7x
topology: tpu7x:2x2x1
jax: 0.10.2.dev20260603
libtpu: 0.0.44.dev20260713+nightly
codegen_flags: <defaults>
</compile_context>

<pallas_src>
import jax
import jax.numpy as jnp
from jax import lax
from jax.experimental import pallas as pl
from jax.experimental.pallas import tpu as pltpu
from jax.experimental.pallas import tpu_sc as plsc

NC = 2
NS = 16
NW = NC * NS
LANES = 16
BATCH = 16384
DIM = 32
B_PER_W = BATCH // NW
QROWS = 4
LANE_TILE = 128


def _sc_body(users_hbm, items_hbm, ut, it,
             u_out, i_out, r_out,
             idx_u, idx_i, sa_u, sa_i, sb_u, sb_i, du, di, r_vmem,
             sem_a, sem_b, sem_o):
    wid = lax.axis_index("s") * NC + lax.axis_index("c")
    base = wid * B_PER_W

    pltpu.sync_copy(users_hbm.at[wid], idx_u)
    pltpu.sync_copy(items_hbm.at[wid], idx_i)

    half_iota = lax.iota(jnp.int32, LANES)

    def fire(vu, vi, l0, su, si, sem):
        for v in range(QROWS):
            tu = pl.multiple_of(
                lax.shift_right_logical(vu[l0 + v], 7) * LANE_TILE, LANE_TILE)
            ti = pl.multiple_of(
                lax.shift_right_logical(vi[l0 + v], 7) * LANE_TILE, LANE_TILE)
            pltpu.async_copy(ut.at[:, pl.ds(tu, LANE_TILE)], su.at[v], sem)
            pltpu.async_copy(it.at[:, pl.ds(ti, LANE_TILE)], si.at[v], sem)

    def drain(su, si, sem):
        for v in range(QROWS):
            pltpu.make_async_copy(ut.at[:, pl.ds(0, LANE_TILE)], su.at[v],
                                  sem).wait()
            pltpu.make_async_copy(ut.at[:, pl.ds(0, LANE_TILE)], si.at[v],
                                  sem).wait()

    def extract(vu, vi, l0, rbase, su, si):
        for v in range(QROWS):
            row = jnp.full((LANES,), 1, jnp.int32) * (rbase + v)
            lu = jnp.full((LANES,), 1, jnp.int32) * (vu[l0 + v] & (LANE_TILE - 1))
            li = jnp.full((LANES,), 1, jnp.int32) * (vi[l0 + v] & (LANE_TILE - 1))
            for h in range(2):
                dims = half_iota + h * LANES
                uvals = plsc.load_gather(su.at[v], [dims, lu])
                ivals = plsc.load_gather(si.at[v], [dims, li])
                plsc.store_scatter(du, [dims, row], uvals)
                plsc.store_scatter(di, [dims, row], ivals)

    vu0 = idx_u[pl.ds(0, LANES)]
    vi0 = idx_i[pl.ds(0, LANES)]
    fire(vu0, vi0, 3 * QROWS, sb_u, sb_i, sem_b)

    def gather_step(i, carry):
        pu, pi = carry
        b16 = i * LANES
        vu = idx_u[pl.ds(b16, LANES)]
        vi = idx_i[pl.ds(b16, LANES)]
        prev_base = jnp.where(i == 0, 3 * QROWS, b16 - QROWS)
        fire(vu, vi, 0, sa_u, sa_i, sem_a)
        drain(sb_u, sb_i, sem_b)
        extract(pu, pi, 3 * QROWS, prev_base, sb_u, sb_i)
        fire(vu, vi, QROWS, sb_u, sb_i, sem_b)
        drain(sa_u, sa_i, sem_a)
        extract(vu, vi, 0, b16, sa_u, sa_i)
        fire(vu, vi, 2 * QROWS, sa_u, sa_i, sem_a)
        drain(sb_u, sb_i, sem_b)
        extract(vu, vi, QROWS, b16 + QROWS, sb_u, sb_i)
        fire(vu, vi, 3 * QROWS, sb_u, sb_i, sem_b)
        drain(sa_u, sa_i, sem_a)
        extract(vu, vi, 2 * QROWS, b16 + 2 * QROWS, sa_u, sa_i)
        return (vu, vi)

    puf, pif = lax.fori_loop(0, B_PER_W // LANES, gather_step, (vu0, vi0))
    drain(sb_u, sb_i, sem_b)
    extract(puf, pif, 3 * QROWS, B_PER_W - QROWS, sb_u, sb_i)

    out_u = pltpu.async_copy(du, u_out.at[:, pl.ds(base, B_PER_W)], sem_o)
    out_i = pltpu.async_copy(di, i_out.at[:, pl.ds(base, B_PER_W)], sem_o)

    def dot_step(blk, carry):
        c0 = blk * LANES
        acc = jnp.zeros((LANES,), jnp.float32)
        for d in range(DIM):
            acc = acc + du[d, pl.ds(c0, LANES)] * di[d, pl.ds(c0, LANES)]
        r_vmem[pl.ds(c0, LANES)] = acc
        return carry

    lax.fori_loop(0, B_PER_W // LANES, dot_step, 0)

    pltpu.sync_copy(r_vmem, r_out.at[pl.ds(base, B_PER_W)])
    out_u.wait()
    out_i.wait()


def kernel(users, items, user_embeddings, item_embeddings):
    users_r = users.astype(jnp.int32).reshape(NW, B_PER_W)
    items_r = items.astype(jnp.int32).reshape(NW, B_PER_W)
    ut = user_embeddings.T
    it = item_embeddings.T
    mesh = plsc.VectorSubcoreMesh(core_axis_name="c", subcore_axis_name="s",
                                  num_cores=NC, num_subcores=NS)
    k = pl.kernel(
        _sc_body,
        out_type=(
            jax.ShapeDtypeStruct((DIM, BATCH), jnp.float32),
            jax.ShapeDtypeStruct((DIM, BATCH), jnp.float32),
            jax.ShapeDtypeStruct((BATCH,), jnp.float32),
        ),
        mesh=mesh,
        scratch_types=[
            pltpu.VMEM((B_PER_W,), jnp.int32),
            pltpu.VMEM((B_PER_W,), jnp.int32),
            pltpu.VMEM((QROWS, DIM, LANE_TILE), jnp.float32),
            pltpu.VMEM((QROWS, DIM, LANE_TILE), jnp.float32),
            pltpu.VMEM((QROWS, DIM, LANE_TILE), jnp.float32),
            pltpu.VMEM((QROWS, DIM, LANE_TILE), jnp.float32),
            pltpu.VMEM((DIM, B_PER_W), jnp.float32),
            pltpu.VMEM((DIM, B_PER_W), jnp.float32),
            pltpu.VMEM((B_PER_W,), jnp.float32),
            pltpu.SemaphoreType.DMA,
            pltpu.SemaphoreType.DMA,
            pltpu.SemaphoreType.DMA,
        ],
        compiler_params=pltpu.CompilerParams(needs_layout_passes=False),
    )
    u_t, i_t, r_hats = k(users_r, items_r, ut, it)
    return (u_t.T, i_t.T, r_hats)

# --- scband reference (transcript-rebuilt; emitter-appended) ---
"""Pipeline reference for scband-pointwise-mf-26620207301014 (READ-ONLY COPY).

The authoritative reference and input builder live on the scoring server;
editing this copy changes nothing except your own understanding.
"""

import jax, jax.numpy as jnp
import numpy as np

NUM_USERS = 1000000
NUM_ITEMS = 1000000
DIM = 32
BATCH = 16384


def setup_inputs(seed: int = 0) -> dict:
    key = jax.random.key(seed)
    k1, k2, k3, k4 = jax.random.split(key, 4)
    users = jax.random.randint(k1, (BATCH,), 0, NUM_USERS)
    items = jax.random.randint(k2, (BATCH,), 0, NUM_ITEMS)
    user_embeddings = jax.random.normal(k3, (NUM_USERS, DIM), dtype=jnp.float32) * 0.01
    item_embeddings = jax.random.normal(k4, (NUM_ITEMS, DIM), dtype=jnp.float32) * 0.01
    return {
        "users": users,
        "items": items,
        "user_embeddings": user_embeddings,
        "item_embeddings": item_embeddings,
    }


def reference(users, items, user_embeddings, item_embeddings):
    # tf.nn.embedding_lookup -> jnp.take(table, idx, axis=0)
    u_embed = jnp.take(user_embeddings, users, axis=0)
    i_embed = jnp.take(item_embeddings, items, axis=0)
    r_hats = jnp.sum(u_embed * i_embed, axis=1)
    return (u_embed, i_embed, r_hats)

if __name__ == "__main__":
    import jax
    _d = setup_inputs()
    print(jax.jit(kernel)(*tuple(_d.values())))

</pallas_src>

<mosaic_0001>
#map = affine_map<(d0, d1) -> (0, 0)>
#map1 = affine_map<(d0, d1) -> (0)>
module attributes {stable_mosaic.version = 14 : i64} {
  func.func @_sc_body(%arg0: i32, %arg1: i32, %arg2: memref<32x512xi32, #tpu.memory_space<hbm>>, %arg3: memref<32x512xi32, #tpu.memory_space<hbm>>, %arg4: memref<32x1000000xf32, #tpu.memory_space<hbm>>, %arg5: memref<32x1000000xf32, #tpu.memory_space<hbm>>, %arg6: memref<32x16384xf32, #tpu.memory_space<hbm>>, %arg7: memref<32x16384xf32, #tpu.memory_space<hbm>>, %arg8: memref<16384xf32, #tpu.memory_space<hbm>>, %arg9: memref<512xi32, #tpu.memory_space<vmem>>, %arg10: memref<512xi32, #tpu.memory_space<vmem>>, %arg11: memref<4x32x128xf32, #tpu.memory_space<vmem>>, %arg12: memref<4x32x128xf32, #tpu.memory_space<vmem>>, %arg13: memref<4x32x128xf32, #tpu.memory_space<vmem>>, %arg14: memref<4x32x128xf32, #tpu.memory_space<vmem>>, %arg15: memref<32x512xf32, #tpu.memory_space<vmem>>, %arg16: memref<32x512xf32, #tpu.memory_space<vmem>>, %arg17: memref<512xf32, #tpu.memory_space<vmem>>, %arg18: memref<!tpu.dma_semaphore, #tpu.memory_space<semaphore_mem>>, %arg19: memref<!tpu.dma_semaphore, #tpu.memory_space<semaphore_mem>>, %arg20: memref<!tpu.dma_semaphore, #tpu.memory_space<semaphore_mem>>) attributes {dimension_semantics = [#tpu.dimension_semantics<core_parallel>, #tpu.dimension_semantics<subcore_parallel>], iteration_bounds = array<i64: 2, 16>, scalar_prefetch = 0 : i64, scratch_operands = 12 : i64, tpu.core_type = #tpu.core_type<sc_vector_subcore>, window_params = [{transform_indices = #map}, {transform_indices = #map}, {transform_indices = #map}, {transform_indices = #map}, {transform_indices = #map}, {transform_indices = #map}, {transform_indices = #map1}]} {
    %mul3A = arith.constant 2 : i32
    %mul3A_0 = arith.muli %arg1, %mul3A : i32
    %add3A = arith.addi %mul3A_0, %arg0 : i32
    %mul3A_1 = arith.constant 512 : i32
    %mul3A_2 = arith.muli %add3A, %mul3A_1 : i32
    "tpu.region"() ({
      %run_scoped3A = tpu.sem_alloc : memref<!tpu.dma_semaphore, #tpu.memory_space<semaphore_mem>>
      %dma_start3A_508 = arith.constant 0 : i32
      %dma_start3A_509 = tpu.memref_slice %arg2[%add3A, %dma_start3A_508] : memref<32x512xi32, #tpu.memory_space<hbm>> -> memref<1x512xi32, #tpu.memory_space<hbm>>
      %dma_start3A_510 = tpu.memref_squeeze %dma_start3A_509 : memref<1x512xi32, #tpu.memory_space<hbm>> -> memref<512xi32, #tpu.memory_space<hbm>>
      %dma_start3A_511 = arith.constant 0 : i32
      %dma_start3A_512 = tpu.memref_slice %arg2[%add3A, %dma_start3A_511] : memref<32x512xi32, #tpu.memory_space<hbm>> -> memref<1x512xi32, #tpu.memory_space<hbm>>
      %dma_start3A_513 = tpu.memref_squeeze %dma_start3A_512 : memref<1x512xi32, #tpu.memory_space<hbm>> -> memref<512xi32, #tpu.memory_space<hbm>>
      tpu.enqueue_dma source(%dma_start3A_513 : memref<512xi32, #tpu.memory_space<hbm>>) target(%arg9 : memref<512xi32, #tpu.memory_space<vmem>>) target_semaphore(%run_scoped3A : memref<!tpu.dma_semaphore, #tpu.memory_space<semaphore_mem>>)
      %dma_wait3A_514 = arith.constant 0 : i32
      %dma_wait3A_515 = tpu.memref_slice %arg2[%add3A, %dma_wait3A_514] : memref<32x512xi32, #tpu.memory_space<hbm>> -> memref<1x512xi32, #tpu.memory_space<hbm>>
      %dma_wait3A_516 = tpu.memref_squeeze %dma_wait3A_515 : memref<1x512xi32, #tpu.memory_space<hbm>> -> memref<512xi32, #tpu.memory_space<hbm>>
      %dma_wait3A_517 = arith.constant 0 : i32
      %dma_wait3A_518 = tpu.memref_slice %arg2[%add3A, %dma_wait3A_517] : memref<32x512xi32, #tpu.memory_space<hbm>> -> memref<1x512xi32, #tpu.memory_space<hbm>>
      %dma_wait3A_519 = tpu.memref_squeeze %dma_wait3A_518 : memref<1x512xi32, #tpu.memory_space<hbm>> -> memref<512xi32, #tpu.memory_space<hbm>>
      tpu.wait_dma2 semaphore(%run_scoped3A : memref<!tpu.dma_semaphore, #tpu.memory_space<semaphore_mem>>) src(%dma_wait3A_519 : memref<512xi32, #tpu.memory_space<hbm>>) dst(%arg9 : memref<512xi32, #tpu.memory_space<vmem>>)
      tpu.yield
    }) : () -> ()
    "tpu.region"() ({
      %run_scoped3A = tpu.sem_alloc : memref<!tpu.dma_semaphore, #tpu.memory_space<semaphore_mem>>
      %dma_start3A_508 = arith.constant 0 : i32
      %dma_start3A_509 = tpu.memref_slice %arg3[%add3A, %dma_start3A_508] : memref<32x512xi32, #tpu.memory_space<hbm>> -> memref<1x512xi32, #tpu.memory_space<hbm>>
      %dma_start3A_510 = tpu.memref_squeeze %dma_start3A_509 : memref<1x512xi32, #tpu.memory_space<hbm>> -> memref<512xi32, #tpu.memory_space<hbm>>
      %dma_start3A_511 = arith.constant 0 : i32
      %dma_start3A_512 = tpu.memref_slice %arg3[%add3A, %dma_start3A_511] : memref<32x512xi32, #tpu.memory_space<hbm>> -> memref<1x512xi32, #tpu.memory_space<hbm>>
      %dma_start3A_513 = tpu.memref_squeeze %dma_start3A_512 : memref<1x512xi32, #tpu.memory_space<hbm>> -> memref<512xi32, #tpu.memory_space<hbm>>
      tpu.enqueue_dma source(%dma_start3A_513 : memref<512xi32, #tpu.memory_space<hbm>>) target(%arg10 : memref<512xi32, #tpu.memory_space<vmem>>) target_semaphore(%run_scoped3A : memref<!tpu.dma_semaphore, #tpu.memory_space<semaphore_mem>>)
      %dma_wait3A_514 = arith.constant 0 : i32
      %dma_wait3A_515 = tpu.memref_slice %arg3[%add3A, %dma_wait3A_514] : memref<32x512xi32, #tpu.memory_space<hbm>> -> memref<1x512xi32, #tpu.memory_space<hbm>>
      %dma_wait3A_516 = tpu.memref_squeeze %dma_wait3A_515 : memref<1x512xi32, #tpu.memory_space<hbm>> -> memref<512xi32, #tpu.memory_space<hbm>>
      %dma_wait3A_517 = arith.constant 0 : i32
      %dma_wait3A_518 = tpu.memref_slice %arg3[%add3A, %dma_wait3A_517] : memref<32x512xi32, #tpu.memory_space<hbm>> -> memref<1x512xi32, #tpu.memory_space<hbm>>
      %dma_wait3A_519 = tpu.memref_squeeze %dma_wait3A_518 : memref<1x512xi32, #tpu.memory_space<hbm>> -> memref<512xi32, #tpu.memory_space<hbm>>
      tpu.wait_dma2 semaphore(%run_scoped3A : memref<!tpu.dma_semaphore, #tpu.memory_space<semaphore_mem>>) src(%dma_wait3A_519 : memref<512xi32, #tpu.memory_space<hbm>>) dst(%arg10 : memref<512xi32, #tpu.memory_space<vmem>>)
      tpu.yield
    }) : () -> ()
    %iota3A = tpu.iota {dimensions = array<i32: 0>} : vector<16xi32>
    %get3A = arith.constant 0 : index
    %get3A_3 = tpu.vector_load %arg9[%get3A] {strides = array<i32>} : memref<512xi32, #tpu.memory_space<vmem>>, vector<16xi32>,
    %get3A_4 = arith.constant 0 : index
    %get3A_5 = tpu.vector_load %arg10[%get3A_4] {strides = array<i32>} : memref<512xi32, #tpu.memory_space<vmem>>, vector<16xi32>,
    %slice3A = vector.extract_strided_slice %get3A_3 {offsets = [12], sizes = [1], strides = [1]} : vector<16xi32> to vector<1xi32>
    %squeeze3A = vector.extract %slice3A[0] : i32 from vector<1xi32>
    %shift_right_logical3A = arith.constant 7 : i32
    %shift_right_logical3A_6 = arith.shrui %squeeze3A, %shift_right_logical3A : i32
    %mul3A_7 = arith.constant 128 : i32
    %mul3A_8 = arith.muli %shift_right_logical3A_6, %mul3A_7 : i32
    %multiple_of3A = tpu.assume_multiple %mul3A_8, 128 : i32
    %slice3A_9 = vector.extract_strided_slice %get3A_5 {offsets = [12], sizes = [1], strides = [1]} : vector<16xi32> to vector<1xi32>
    %squeeze3A_10 = vector.extract %slice3A_9[0] : i32 from vector<1xi32>
    %shift_right_logical3A_11 = arith.constant 7 : i32
    %shift_right_logical3A_12 = arith.shrui %squeeze3A_10, %shift_right_logical3A_11 : i32
    %mul3A_13 = arith.constant 128 : i32
    %mul3A_14 = arith.muli %shift_right_logical3A_12, %mul3A_13 : i32
    %multiple_of3A_15 = tpu.assume_multiple %mul3A_14, 128 : i32
    %dma_start3A = arith.constant 0 : i32
    %dma_start3A_16 = arith.constant 0 : i32
    %dma_start3A_17 = arith.constant 0 : i32
    %dma_start3A_18 = tpu.memref_slice %arg13[%dma_start3A, %dma_start3A_16, %dma_start3A_17] : memref<4x32x128xf32, #tpu.memory_space<vmem>> -> memref<1x32x128xf32, #tpu.memory_space<vmem>>
    %dma_start3A_19 = tpu.memref_squeeze %dma_start3A_18 : memref<1x32x128xf32, #tpu.memory_space<vmem>> -> memref<32x128xf32, #tpu.memory_space<vmem>>
    %dma_start3A_20 = arith.constant 0 : i32
    %dma_start3A_21 = tpu.memref_slice %arg4[%dma_start3A_20, %multiple_of3A] : memref<32x1000000xf32, #tpu.memory_space<hbm>> -> memref<32x128xf32, #tpu.memory_space<hbm>>
    %dma_start3A_22 = arith.constant 0 : i32
    %dma_start3A_23 = arith.constant 0 : i32
    %dma_start3A_24 = tpu.memref_slice %arg13[%dma_start3A, %dma_start3A_22, %dma_start3A_23] : memref<4x32x128xf32, #tpu.memory_space<vmem>> -> memref<1x32x128xf32, #tpu.memory_space<vmem>>
    %dma_start3A_25 = tpu.memref_squeeze %dma_start3A_24 : memref<1x32x128xf32, #tpu.memory_space<vmem>> -> memref<32x128xf32, #tpu.memory_space<vmem>>
    %dma_start3A_26 = arith.constant 0 : i32
    %dma_start3A_27 = tpu.memref_slice %arg4[%dma_start3A_26, %multiple_of3A] : memref<32x1000000xf32, #tpu.memory_space<hbm>> -> memref<32x128xf32, #tpu.memory_space<hbm>>
    tpu.enqueue_dma source(%dma_start3A_27 : memref<32x128xf32, #tpu.memory_space<hbm>>) target(%dma_start3A_25 : memref<32x128xf32, #tpu.memory_space<vmem>>) target_semaphore(%arg19 : memref<!tpu.dma_semaphore, #tpu.memory_space<semaphore_mem>>)
    %dma_start3A_28 = arith.constant 0 : i32
    %dma_start3A_29 = arith.constant 0 : i32
    %dma_start3A_30 = arith.constant 0 : i32
    %dma_start3A_31 = tpu.memref_slice %arg14[%dma_start3A_28, %dma_start3A_29, %dma_start3A_30] : memref<4x32x128xf32, #tpu.memory_space<vmem>> -> memref<1x32x128xf32, #tpu.memory_space<vmem>>
    %dma_start3A_32 = tpu.memref_squeeze %dma_start3A_31 : memref<1x32x128xf32, #tpu.memory_space<vmem>> -> memref<32x128xf32, #tpu.memory_space<vmem>>
    %dma_start3A_33 = arith.constant 0 : i32
    %dma_start3A_34 = tpu.memref_slice %arg5[%dma_start3A_33, %multiple_of3A_15] : memref<32x1000000xf32, #tpu.memory_space<hbm>> -> memref<32x128xf32, #tpu.memory_space<hbm>>
    %dma_start3A_35 = arith.constant 0 : i32
    %dma_start3A_36 = arith.constant 0 : i32
    %dma_start3A_37 = tpu.memref_slice %arg14[%dma_start3A_28, %dma_start3A_35, %dma_start3A_36] : memref<4x32x128xf32, #tpu.memory_space<vmem>> -> memref<1x32x128xf32, #tpu.memory_space<vmem>>
    %dma_start3A_38 = tpu.memref_squeeze %dma_start3A_37 : memref<1x32x128xf32, #tpu.memory_space<vmem>> -> memref<32x128xf32, #tpu.memory_space<vmem>>
    %dma_start3A_39 = arith.constant 0 : i32
    %dma_start3A_40 = tpu.memref_slice %arg5[%dma_start3A_39, %multiple_of3A_15] : memref<32x1000000xf32, #tpu.memory_space<hbm>> -> memref<32x128xf32, #tpu.memory_space<hbm>>
    tpu.enqueue_dma source(%dma_start3A_40 : memref<32x128xf32, #tpu.memory_space<hbm>>) target(%dma_start3A_38 : memref<32x128xf32, #tpu.memory_space<vmem>>) target_semaphore(%arg19 : memref<!tpu.dma_semaphore, #tpu.memory_space<semaphore_mem>>)
    %slice3A_41 = vector.extract_strided_slice %get3A_3 {offsets = [13], sizes = [1], strides = [1]} : vector<16xi32> to vector<1xi32>
    %squeeze3A_42 = vector.extract %slice3A_41[0] : i32 from vector<1xi32>
    %shift_right_logical3A_43 = arith.constant 7 : i32
    %shift_right_logical3A_44 = arith.shrui %squeeze3A_42, %shift_right_logical3A_43 : i32
    %mul3A_45 = arith.constant 128 : i32
    %mul3A_46 = arith.muli %shift_right_logical3A_44, %mul3A_45 : i32
    %multiple_of3A_47 = tpu.assume_multiple %mul3A_46, 128 : i32
    %slice3A_48 = vector.extract_strided_slice %get3A_5 {offsets = [13], sizes = [1], strides = [1]} : vector<16xi32> to vector<1xi32>
    %squeeze3A_49 = vector.extract %slice3A_48[0] : i32 from vector<1xi32>
    %shift_right_logical3A_50 = arith.constant 7 : i32
    %shift_right_logical3A_51 = arith.shrui %squeeze3A_49, %shift_right_logical3A_50 : i32
    %mul3A_52 = arith.constant 128 : i32
    %mul3A_53 = arith.muli %shift_right_logical3A_51, %mul3A_52 : i32
    %multiple_of3A_54 = tpu.assume_multiple %mul3A_53, 128 : i32
    %dma_start3A_55 = arith.constant 1 : i32
    %dma_start3A_56 = arith.constant 0 : i32
    %dma_start3A_57 = arith.constant 0 : i32
    %dma_start3A_58 = tpu.memref_slice %arg13[%dma_start3A_55, %dma_start3A_56, %dma_start3A_57] : memref<4x32x128xf32, #tpu.memory_space<vmem>> -> memref<1x32x128xf32, #tpu.memory_space<vmem>>
    %dma_start3A_59 = tpu.memref_squeeze %dma_start3A_58 : memref<1x32x128xf32, #tpu.memory_space<vmem>> -> memref<32x128xf32, #tpu.memory_space<vmem>>
    %dma_start3A_60 = arith.constant 0 : i32
    %dma_start3A_61 = tpu.memref_slice %arg4[%dma_start3A_60, %multiple_of3A_47] : memref<32x1000000xf32, #tpu.memory_space<hbm>> -> memref<32x128xf32, #tpu.memory_space<hbm>>
    %dma_start3A_62 = arith.constant 0 : i32
    %dma_start3A_63 = arith.constant 0 : i32
    %dma_start3A_64 = tpu.memref_slice %arg13[%dma_start3A_55, %dma_start3A_62, %dma_start3A_63] : memref<4x32x128xf32, #tpu.memory_space<vmem>> -> memref<1x32x128xf32, #tpu.memory_space<vmem>>
    %dma_start3A_65 = tpu.memref_squeeze %dma_start3A_64 : memref<1x32x128xf32, #tpu.memory_space<vmem>> -> memref<32x128xf32, #tpu.memory_space<vmem>>
    %dma_start3A_66 = arith.constant 0 : i32
    %dma_start3A_67 = tpu.memref_slice %arg4[%dma_start3A_66, %multiple_of3A_47] : memref<32x1000000xf32, #tpu.memory_space<hbm>> -> memref<32x128xf32, #tpu.memory_space<hbm>>
    tpu.enqueue_dma source(%dma_start3A_67 : memref<32x128xf32, #tpu.memory_space<hbm>>) target(%dma_start3A_65 : memref<32x128xf32, #tpu.memory_space<vmem>>) target_semaphore(%arg19 : memref<!tpu.dma_semaphore, #tpu.memory_space<semaphore_mem>>)
    %dma_start3A_68 = arith.constant 1 : i32
    %dma_start3A_69 = arith.constant 0 : i32
    %dma_start3A_70 = arith.constant 0 : i32
    %dma_start3A_71 = tpu.memref_slice %arg14[%dma_start3A_68, %dma_start3A_69, %dma_start3A_70] : memref<4x32x128xf32, #tpu.memory_space<vmem>> -> memref<1x32x128xf32, #tpu.memory_space<vmem>>
    %dma_start3A_72 = tpu.memref_squeeze %dma_start3A_71 : memref<1x32x128xf32, #tpu.memory_space<vmem>> -> memref<32x128xf32, #tpu.memory_space<vmem>>
    %dma_start3A_73 = arith.constant 0 : i32
    %dma_start3A_74 = tpu.memref_slice %arg5[%dma_start3A_73, %multiple_of3A_54] : memref<32x1000000xf32, #tpu.memory_space<hbm>> -> memref<32x128xf32, #tpu.memory_space<hbm>>
    %dma_start3A_75 = arith.constant 0 : i32
    %dma_start3A_76 = arith.constant 0 : i32
    %dma_start3A_77 = tpu.memref_slice %arg14[%dma_start3A_68, %dma_start3A_75, %dma_start3A_76] : memref<4x32x128xf32, #tpu.memory_space<vmem>> -> memref<1x32x128xf32, #tpu.memory_space<vmem>>
    %dma_start3A_78 = tpu.memref_squeeze %dma_start3A_77 : memref<1x32x128xf32, #tpu.memory_space<vmem>> -> memref<32x128xf32, #tpu.memory_space<vmem>>
    %dma_start3A_79 = arith.constant 0 : i32
    %dma_start3A_80 = tpu.memref_slice %arg5[%dma_start3A_79, %multiple_of3A_54] : memref<32x1000000xf32, #tpu.memory_space<hbm>> -> memref<32x128xf32, #tpu.memory_space<hbm>>
    tpu.enqueue_dma source(%dma_start3A_80 : memref<32x128xf32, #tpu.memory_space<hbm>>) target(%dma_start3A_78 : memref<32x128xf32, #tpu.memory_space<vmem>>) target_semaphore(%arg19 : memref<!tpu.dma_semaphore, #tpu.memory_space<semaphore_mem>>)
    %slice3A_81 = vector.extract_strided_slice %get3A_3 {offsets = [14], sizes = [1], strides = [1]} : vector<16xi32> to vector<1xi32>
    %squeeze3A_82 = vector.extract %slice3A_81[0] : i32 from vector<1xi32>
    %shift_right_logical3A_83 = arith.constant 7 : i32
    %shift_right_logical3A_84 = arith.shrui %squeeze3A_82, %shift_right_logical3A_83 : i32
    %mul3A_85 = arith.constant 128 : i32
    %mul3A_86 = arith.muli %shift_right_logical3A_84, %mul3A_85 : i32
    %multiple_of3A_87 = tpu.assume_multiple %mul3A_86, 128 : i32
    %slice3A_88 = vector.extract_strided_slice %get3A_5 {offsets = [14], sizes = [1], strides = [1]} : vector<16xi32> to vector<1xi32>
    %squeeze3A_89 = vector.extract %slice3A_88[0] : i32 from vector<1xi32>
    %shift_right_logical3A_90 = arith.constant 7 : i32
    %shift_right_logical3A_91 = arith.shrui %squeeze3A_89, %shift_right_logical3A_90 : i32
    %mul3A_92 = arith.constant 128 : i32
    %mul3A_93 = arith.muli %shift_right_logical3A_91, %mul3A_92 : i32
    %multiple_of3A_94 = tpu.assume_multiple %mul3A_93, 128 : i32
    %dma_start3A_95 = arith.constant 2 : i32
    %dma_start3A_96 = arith.constant 0 : i32
    %dma_start3A_97 = arith.constant 0 : i32
    %dma_start3A_98 = tpu.memref_slice %arg13[%dma_start3A_95, %dma_start3A_96, %dma_start3A_97] : memref<4x32x128xf32, #tpu.memory_space<vmem>> -> memref<1x32x128xf32, #tpu.memory_space<vmem>>
    %dma_start3A_99 = tpu.memref_squeeze %dma_start3A_98 : memref<1x32x128xf32, #tpu.memory_space<vmem>> -> memref<32x128xf32, #tpu.memory_space<vmem>>
    %dma_start3A_100 = arith.constant 0 : i32
    %dma_start3A_101 = tpu.memref_slice %arg4[%dma_start3A_100, %multiple_of3A_87] : memref<32x1000000xf32, #tpu.memory_space<hbm>> -> memref<32x128xf32, #tpu.memory_space<hbm>>
    %dma_start3A_102 = arith.constant 0 : i32
    %dma_start3A_103 = arith.constant 0 : i32
    %dma_start3A_104 = tpu.memref_slice %arg13[%dma_start3A_95, %dma_start3A_102, %dma_start3A_103] : memref<4x32x128xf32, #tpu.memory_space<vmem>> -> memref<1x32x128xf32, #tpu.memory_space<vmem>>
    %dma_start3A_105 = tpu.memref_squeeze %dma_start3A_104 : memref<1x32x128xf32, #tpu.memory_space<vmem>> -> memref<32x128xf32, #tpu.memory_space<vmem>>
    %dma_start3A_106 = arith.constant 0 : i32
    %dma_start3A_107 = tpu.memref_slice %arg4[%dma_start3A_106, %multiple_of3A_87] : memref<32x1000000xf32, #tpu.memory_space<hbm>> -> memref<32x128xf32, #tpu.memory_space<hbm>>
    tpu.enqueue_dma source(%dma_start3A_107 : memref<32x128xf32, #tpu.memory_space<hbm>>) target(%dma_start3A_105 : memref<32x128xf32, #tpu.memory_space<vmem>>) target_semaphore(%arg19 : memref<!tpu.dma_semaphore, #tpu.memory_space<semaphore_mem>>)
    %dma_start3A_108 = arith.constant 2 : i32
    %dma_start3A_109 = arith.constant 0 : i32
    %dma_start3A_110 = arith.constant 0 : i32
    %dma_start3A_111 = tpu.memref_slice %arg14[%dma_start3A_108, %dma_start3A_109, %dma_start3A_110] : memref<4x32x128xf32, #tpu.memory_space<vmem>> -> memref<1x32x128xf32, #tpu.memory_space<vmem>>
    %dma_start3A_112 = tpu.memref_squeeze %dma_start3A_111 : memref<1x32x128xf32, #tpu.memory_space<vmem>> -> memref<32x128xf32, #tpu.memory_space<vmem>>
    %dma_start3A_113 = arith.constant 0 : i32
    %dma_start3A_114 = tpu.memref_slice %arg5[%dma_start3A_113, %multiple_of3A_94] : memref<32x1000000xf32, #tpu.memory_space<hbm>> -> memref<32x128xf32, #tpu.memory_space<hbm>>
    %dma_start3A_115 = arith.constant 0 : i32
    %dma_start3A_116 = arith.constant 0 : i32
    %dma_start3A_117 = tpu.memref_slice %arg14[%dma_start3A_108, %dma_start3A_115, %dma_start3A_116] : memref<4x32x128xf32, #tpu.memory_space<vmem>> -> memref<1x32x128xf32, #tpu.memory_space<vmem>>
    %dma_start3A_118 = tpu.memref_squeeze %dma_start3A_117 : memref<1x32x128xf32, #tpu.memory_space<vmem>> -> memref<32x128xf32, #tpu.memory_space<vmem>>
    %dma_start3A_119 = arith.constant 0 : i32
    %dma_start3A_120 = tpu.memref_slice %arg5[%dma_start3A_119, %multiple_of3A_94] : memref<32x1000000xf32, #tpu.memory_space<hbm>> -> memref<32x128xf32, #tpu.memory_space<hbm>>
    tpu.enqueue_dma source(%dma_start3A_120 : memref<32x128xf32, #tpu.memory_space<hbm>>) target(%dma_start3A_118 : memref<32x128xf32, #tpu.memory_space<vmem>>) target_semaphore(%arg19 : memref<!tpu.dma_semaphore, #tpu.memory_space<semaphore_mem>>)
    %slice3A_121 = vector.extract_strided_slice %get3A_3 {offsets = [15], sizes = [1], strides = [1]} : vector<16xi32> to vector<1xi32>
    %squeeze3A_122 = vector.extract %slice3A_121[0] : i32 from vector<1xi32>
    %shift_right_logical3A_123 = arith.constant 7 : i32
    %shift_right_logical3A_124 = arith.shrui %squeeze3A_122, %shift_right_logical3A_123 : i32
    %mul3A_125 = arith.constant 128 : i32
    %mul3A_126 = arith.muli %shift_right_logical3A_124, %mul3A_125 : i32
    %multiple_of3A_127 = tpu.assume_multiple %mul3A_126, 128 : i32
    %slice3A_128 = vector.extract_strided_slice %get3A_5 {offsets = [15], sizes = [1], strides = [1]} : vector<16xi32> to vector<1xi32>
    %squeeze3A_129 = vector.extract %slice3A_128[0] : i32 from vector<1xi32>
    %shift_right_logical3A_130 = arith.constant 7 : i32
    %shift_right_logical3A_131 = arith.shrui %squeeze3A_129, %shift_right_logical3A_130 : i32
    %mul3A_132 = arith.constant 128 : i32
    %mul3A_133 = arith.muli %shift_right_logical3A_131, %mul3A_132 : i32
    %multiple_of3A_134 = tpu.assume_multiple %mul3A_133, 128 : i32
    %dma_start3A_135 = arith.constant 3 : i32
    %dma_start3A_136 = arith.constant 0 : i32
    %dma_start3A_137 = arith.constant 0 : i32
    %dma_start3A_138 = tpu.memref_slice %arg13[%dma_start3A_135, %dma_start3A_136, %dma_start3A_137] : memref<4x32x128xf32, #tpu.memory_space<vmem>> -> memref<1x32x128xf32, #tpu.memory_space<vmem>>
    %dma_start3A_139 = tpu.memref_squeeze %dma_start3A_138 : memref<1x32x128xf32, #tpu.memory_space<vmem>> -> memref<32x128xf32, #tpu.memory_space<vmem>>
    %dma_start3A_140 = arith.constant 0 : i32
    %dma_start3A_141 = tpu.memref_slice %arg4[%dma_start3A_140, %multiple_of3A_127] : memref<32x1000000xf32, #tpu.memory_space<hbm>> -> memref<32x128xf32, #tpu.memory_space<hbm>>
    %dma_start3A_142 = arith.constant 0 : i32
    %dma_start3A_143 = arith.constant 0 : i32
    %dma_start3A_144 = tpu.memref_slice %arg13[%dma_start3A_135, %dma_start3A_142, %dma_start3A_143] : memref<4x32x128xf32, #tpu.memory_space<vmem>> -> memref<1x32x128xf32, #tpu.memory_space<vmem>>
    %dma_start3A_145 = tpu.memref_squeeze %dma_start3A_144 : memref<1x32x128xf32, #tpu.memory_space<vmem>> -> memref<32x128xf32, #tpu.memory_space<vmem>>
    %dma_start3A_146 = arith.constant 0 : i32
    %dma_start3A_147 = tpu.memref_slice %arg4[%dma_start3A_146, %multiple_of3A_127] : memref<32x1000000xf32, #tpu.memory_space<hbm>> -> memref<32x128xf32, #tpu.memory_space<hbm>>
    tpu.enqueue_dma source(%dma_start3A_147 : memref<32x128xf32, #tpu.memory_space<hbm>>) target(%dma_start3A_145 : memref<32x128xf32, #tpu.memory_space<vmem>>) target_semaphore(%arg19 : memref<!tpu.dma_semaphore, #tpu.memory_space<semaphore_mem>>)
    %dma_start3A_148 = arith.constant 3 : i32
    %dma_start3A_149 = arith.constant 0 : i32
    %dma_start3A_150 = arith.constant 0 : i32
    %dma_start3A_151 = tpu.memref_slice %arg14[%dma_start3A_148, %dma_start3A_149, %dma_start3A_150] : memref<4x32x128xf32, #tpu.memory_space<vmem>> -> memref<1x32x128xf32, #tpu.memory_space<vmem>>
    %dma_start3A_152 = tpu.memref_squeeze %dma_start3A_151 : memref<1x32x128xf32, #tpu.memory_space<vmem>> -> memref<32x128xf32, #tpu.memory_space<vmem>>
    %dma_start3A_153 = arith.constant 0 : i32
    %dma_start3A_154 = tpu.memref_slice %arg5[%dma_start3A_153, %multiple_of3A_134] : memref<32x1000000xf32, #tpu.memory_space<hbm>> -> memref<32x128xf32, #tpu.memory_space<hbm>>
    %dma_start3A_155 = arith.constant 0 : i32
    %dma_start3A_156 = arith.constant 0 : i32
    %dma_start3A_157 = tpu.memref_slice %arg14[%dma_start3A_148, %dma_start3A_155, %dma_start3A_156] : memref<4x32x128xf32, #tpu.memory_space<vmem>> -> memref<1x32x128xf32, #tpu.memory_space<vmem>>
    %dma_start3A_158 = tpu.memref_squeeze %dma_start3A_157 : memref<1x32x128xf32, #tpu.memory_space<vmem>> -> memref<32x128xf32, #tpu.memory_space<vmem>>
    %dma_start3A_159 = arith.constant 0 : i32
    %dma_start3A_160 = tpu.memref_slice %arg5[%dma_start3A_159, %multiple_of3A_134] : memref<32x1000000xf32, #tpu.memory_space<hbm>> -> memref<32x128xf32, #tpu.memory_space<hbm>>
    tpu.enqueue_dma source(%dma_start3A_160 : memref<32x128xf32, #tpu.memory_space<hbm>>) target(%dma_start3A_158 : memref<32x128xf32, #tpu.memory_space<vmem>>) target_semaphore(%arg19 : memref<!tpu.dma_semaphore, #tpu.memory_space<semaphore_mem>>)
    %scan3A = arith.constant 0 : i32
    %scan3A_161 = arith.constant 32 : i32
    %scan3A_162 = arith.addi %scan3A, %scan3A_161 : i32
    %scan3A_163 = arith.constant 1 : i32
    %scan3A_164:2 = scf.for %scan3A_508 = %scan3A to %scan3A_162 step %scan3A_163 iter_args(%scan3A_509 = %get3A_3, %scan3A_510 = %get3A_5) -> (vector<16xi32>, vector<16xi32>)  : i32 {
      %mul3A_511 = arith.constant 16 : i32
      %mul3A_512 = arith.muli %scan3A_508, %mul3A_511 : i32
      %get3A_513 = arith.index_cast %mul3A_512 : i32 to index
      %get3A_514 = tpu.vector_load %arg9[%get3A_513] {strides = array<i32>} : memref<512xi32, #tpu.memory_space<vmem>>, vector<16xi32>,
      %get3A_515 = arith.index_cast %mul3A_512 : i32 to index
      %get3A_516 = tpu.vector_load %arg10[%get3A_515] {strides = array<i32>} : memref<512xi32, #tpu.memory_space<vmem>>, vector<16xi32>,
      %eq3A = arith.constant 0 : i32
      %eq3A_517 = arith.cmpi eq, %scan3A_508, %eq3A : i32
      %sub3A = arith.constant 4 : i32
      %sub3A_518 = arith.subi %mul3A_512, %sub3A : i32
      %jit3A = arith.constant 12 : i32
      %select_n3A = arith.select %eq3A_517, %jit3A, %sub3A_518 : i32
      %slice3A_519 = vector.extract_strided_slice %get3A_514 {offsets = [0], sizes = [1], strides = [1]} : vector<16xi32> to vector<1xi32>
      %squeeze3A_520 = vector.extract %slice3A_519[0] : i32 from vector<1xi32>
      %shift_right_logical3A_521 = arith.constant 7 : i32
      %shift_right_logical3A_522 = arith.shrui %squeeze3A_520, %shift_right_logical3A_521 : i32
      %mul3A_523 = arith.constant 128 : i32
      %mul3A_524 = arith.muli %shift_right_logical3A_522, %mul3A_523 : i32
      %multiple_of3A_525 = tpu.assume_multiple %mul3A_524, 128 : i32
      %slice3A_526 = vector.extract_strided_slice %get3A_516 {offsets = [0], sizes = [1], strides = [1]} : vector<16xi32> to vector<1xi32>
      %squeeze3A_527 = vector.extract %slice3A_526[0] : i32 from vector<1xi32>
      %shift_right_logical3A_528 = arith.constant 7 : i32
      %shift_right_logical3A_529 = arith.shrui %squeeze3A_527, %shift_right_logical3A_528 : i32
      %mul3A_530 = arith.constant 128 : i32
      %mul3A_531 = arith.muli %shift_right_logical3A_529, %mul3A_530 : i32
      %multiple_of3A_532 = tpu.assume_multiple %mul3A_531, 128 : i32
      %dma_start3A_533 = arith.constant 0 : i32
      %dma_start3A_534 = arith.constant 0 : i32
      %dma_start3A_535 = arith.constant 0 : i32
      %dma_start3A_536 = tpu.memref_slice %arg11[%dma_start3A_533, %dma_start3A_534, %dma_start3A_535] : memref<4x32x128xf32, #tpu.memory_space<vmem>> -> memref<1x32x128xf32, #tpu.memory_space<vmem>>
      %dma_start3A_537 = tpu.memref_squeeze %dma_start3A_536 : memref<1x32x128xf32, #tpu.memory_space<vmem>> -> memref<32x128xf32, #tpu.memory_space<vmem>>
      %dma_start3A_538 = arith.constant 0 : i32
      %dma_start3A_539 = tpu.memref_slice %arg4[%dma_start3A_538, %multiple_of3A_525] : memref<32x1000000xf32, #tpu.memory_space<hbm>> -> memref<32x128xf32, #tpu.memory_space<hbm>>
      %dma_start3A_540 = arith.constant 0 : i32
      %dma_start3A_541 = arith.constant 0 : i32
      %dma_start3A_542 = tpu.memref_slice %arg11[%dma_start3A_533, %dma_start3A_540, %dma_start3A_541] : memref<4x32x128xf32, #tpu.memory_space<vmem>> -> memref<1x32x128xf32, #tpu.memory_space<vmem>>
      %dma_start3A_543 = tpu.memref_squeeze %dma_start3A_542 : memref<1x32x128xf32, #tpu.memory_space<vmem>> -> memref<32x128xf32, #tpu.memory_space<vmem>>
      %dma_start3A_544 = arith.constant 0 : i32
      %dma_start3A_545 = tpu.memref_slice %arg4[%dma_start3A_544, %multiple_of3A_525] : memref<32x1000000xf32, #tpu.memory_space<hbm>> -> memref<32x128xf32, #tpu.memory_space<hbm>>
      tpu.enqueue_dma source(%dma_start3A_545 : memref<32x128xf32, #tpu.memory_space<hbm>>) target(%dma_start3A_543 : memref<32x128xf32, #tpu.memory_space<vmem>>) target_semaphore(%arg18 : memref<!tpu.dma_semaphore, #tpu.memory_space<semaphore_mem>>)
      %dma_start3A_546 = arith.constant 0 : i32
      %dma_start3A_547 = arith.constant 0 : i32
      %dma_start3A_548 = arith.constant 0 : i32
      %dma_start3A_549 = tpu.memref_slice %arg12[%dma_start3A_546, %dma_start3A_547, %dma_start3A_548] : memref<4x32x128xf32, #tpu.memory_space<vmem>> -> memref<1x32x128xf32, #tpu.memory_space<vmem>>
      %dma_start3A_550 = tpu.memref_squeeze %dma_start3A_549 : memref<1x32x128xf32, #tpu.memory_space<vmem>> -> memref<32x128xf32, #tpu.memory_space<vmem>>
      %dma_start3A_551 = arith.constant 0 : i32
      %dma_start3A_552 = tpu.memref_slice %arg5[%dma_start3A_551, %multiple_of3A_532] : memref<32x1000000xf32, #tpu.memory_space<hbm>> -> memref<32x128xf32, #tpu.memory_space<hbm>>
      %dma_start3A_553 = arith.constant 0 : i32
      %dma_start3A_554 = arith.constant 0 : i32
      %dma_start3A_555 = tpu.memref_slice %arg12[%dma_start3A_546, %dma_start3A_553, %dma_start3A_554] : memref<4x32x128xf32, #tpu.memory_space<vmem>> -> memref<1x32x128xf32, #tpu.memory_space<vmem>>
      %dma_start3A_556 = tpu.memref_squeeze %dma_start3A_555 : memref<1x32x128xf32, #tpu.memory_space<vmem>> -> memref<32x128xf32, #tpu.memory_space<vmem>>
      %dma_start3A_557 = arith.constant 0 : i32
      %dma_start3A_558 = tpu.memref_slice %arg5[%dma_start3A_557, %multiple_of3A_532] : memref<32x1000000xf32, #tpu.memory_space<hbm>> -> memref<32x128xf32, #tpu.memory_space<hbm>>
      tpu.enqueue_dma source(%dma_start3A_558 : memref<32x128xf32, #tpu.memory_space<hbm>>) target(%dma_start3A_556 : memref<32x128xf32, #tpu.memory_space<vmem>>) target_semaphore(%arg18 : memref<!tpu.dma_semaphore, #tpu.memory_space<semaphore_mem>>)
      %slice3A_559 = vector.extract_strided_slice %get3A_514 {offsets = [1], sizes = [1], strides = [1]} : vector<16xi32> to vector<1xi32>
      %squeeze3A_560 = vector.extract %slice3A_559[0] : i32 from vector<1xi32>
      %shift_right_logical3A_561 = arith.constant 7 : i32
      %shift_right_logical3A_562 = arith.shrui %squeeze3A_560, %shift_right_logical3A_561 : i32
      %mul3A_563 = arith.constant 128 : i32
      %mul3A_564 = arith.muli %shift_right_logical3A_562, %mul3A_563 : i32
      %multiple_of3A_565 = tpu.assume_multiple %mul3A_564, 128 : i32
      %slice3A_566 = vector.extract_strided_slice %get3A_516 {offsets = [1], sizes = [1], strides = [1]} : vector<16xi32> to vector<1xi32>
      %squeeze3A_567 = vector.extract %slice3A_566[0] : i32 from vector<1xi32>
      %shift_right_logical3A_568 = arith.constant 7 : i32
      %shift_right_logical3A_569 = arith.shrui %squeeze3A_567, %shift_right_logical3A_568 : i32
      %mul3A_570 = arith.constant 128 : i32
      %mul3A_571 = arith.muli %shift_right_logical3A_569, %mul3A_570 : i32
      %multiple_of3A_572 = tpu.assume_multiple %mul3A_571, 128 : i32
      %dma_start3A_573 = arith.constant 1 : i32
      %dma_start3A_574 = arith.constant 0 : i32
      %dma_start3A_575 = arith.constant 0 : i32
      %dma_start3A_576 = tpu.memref_slice %arg11[%dma_start3A_573, %dma_start3A_574, %dma_start3A_575] : memref<4x32x128xf32, #tpu.memory_space<vmem>> -> memref<1x32x128xf32, #tpu.memory_space<vmem>>
      %dma_start3A_577 = tpu.memref_squeeze %dma_start3A_576 : memref<1x32x128xf32, #tpu.memory_space<vmem>> -> memref<32x128xf32, #tpu.memory_space<vmem>>
      %dma_start3A_578 = arith.constant 0 : i32
      %dma_start3A_579 = tpu.memref_slice %arg4[%dma_start3A_578, %multiple_of3A_565] : memref<32x1000000xf32, #tpu.memory_space<hbm>> -> memref<32x128xf32, #tpu.memory_space<hbm>>
      %dma_start3A_580 = arith.constant 0 : i32
      %dma_start3A_581 = arith.constant 0 : i32
      %dma_start3A_582 = tpu.memref_slice %arg11[%dma_start3A_573, %dma_start3A_580, %dma_start3A_581] : memref<4x32x128xf32, #tpu.memory_space<vmem>> -> memref<1x32x128xf32, #tpu.memory_space<vmem>>
      %dma_start3A_583 = tpu.memref_squeeze %dma_start3A_582 : memref<1x32x128xf32, #tpu.memory_space<vmem>> -> memref<32x128xf32, #tpu.memory_space<vmem>>
      %dma_start3A_584 = arith.constant 0 : i32
      %dma_start3A_585 = tpu.memref_slice %arg4[%dma_start3A_584, %multiple_of3A_565] : memref<32x1000000xf32, #tpu.memory_space<hbm>> -> memref<32x128xf32, #tpu.memory_space<hbm>>
      tpu.enqueue_dma source(%dma_start3A_585 : memref<32x128xf32, #tpu.memory_space<hbm>>) target(%dma_start3A_583 : memref<32x128xf32, #tpu.memory_space<vmem>>) target_semaphore(%arg18 : memref<!tpu.dma_semaphore, #tpu.memory_space<semaphore_mem>>)
      %dma_start3A_586 = arith.constant 1 : i32
      %dma_start3A_587 = arith.constant 0 : i32
      %dma_start3A_588 = arith.constant 0 : i32
      %dma_start3A_589 = tpu.memref_slice %arg12[%dma_start3A_586, %dma_start3A_587, %dma_start3A_588] : memref<4x32x128xf32, #tpu.memory_space<vmem>> -> memref<1x32x128xf32, #tpu.memory_space<vmem>>
      %dma_start3A_590 = tpu.memref_squeeze %dma_start3A_589 : memref<1x32x128xf32, #tpu.memory_space<vmem>> -> memref<32x128xf32, #tpu.memory_space<vmem>>
      %dma_start3A_591 = arith.constant 0 : i32
      %dma_start3A_592 = tpu.memref_slice %arg5[%dma_start3A_591, %multiple_of3A_572] : memref<32x1000000xf32, #tpu.memory_space<hbm>> -> memref<32x128xf32, #tpu.memory_space<hbm>>
      %dma_start3A_593 = arith.constant 0 : i32
      %dma_start3A_594 = arith.constant 0 : i32
      %dma_start3A_595 = tpu.memref_slice %arg12[%dma_start3A_586, %dma_start3A_593, %dma_start3A_594] : memref<4x32x128xf32, #tpu.memory_space<vmem>> -> memref<1x32x128xf32, #tpu.memory_space<vmem>>
      %dma_start3A_596 = tpu.memref_squeeze %dma_start3A_595 : memref<1x32x128xf32, #tpu.memory_space<vmem>> -> memref<32x128xf32, #tpu.memory_space<vmem>>
      %dma_start3A_597 = arith.constant 0 : i32
      %dma_start3A_598 = tpu.memref_slice %arg5[%dma_start3A_597, %multiple_of3A_572] : memref<32x1000000xf32, #tpu.memory_space<hbm>> -> memref<32x128xf32, #tpu.memory_space<hbm>>
      tpu.enqueue_dma source(%dma_start3A_598 : memref<32x128xf32, #tpu.memory_space<hbm>>) target(%dma_start3A_596 : memref<32x128xf32, #tpu.memory_space<vmem>>) target_semaphore(%arg18 : memref<!tpu.dma_semaphore, #tpu.memory_space<semaphore_mem>>)
      %slice3A_599 = vector.extract_strided_slice %get3A_514 {offsets = [2], sizes = [1], strides = [1]} : vector<16xi32> to vector<1xi32>
      %squeeze3A_600 = vector.extract %slice3A_599[0] : i32 from vector<1xi32>
      %shift_right_logical3A_601 = arith.constant 7 : i32
      %shift_right_logical3A_602 = arith.shrui %squeeze3A_600, %shift_right_logical3A_601 : i32
      %mul3A_603 = arith.constant 128 : i32
      %mul3A_604 = arith.muli %shift_right_logical3A_602, %mul3A_603 : i32
      %multiple_of3A_605 = tpu.assume_multiple %mul3A_604, 128 : i32
      %slice3A_606 = vector.extract_strided_slice %get3A_516 {offsets = [2], sizes = [1], strides = [1]} : vector<16xi32> to vector<1xi32>
      %squeeze3A_607 = vector.extract %slice3A_606[0] : i32 from vector<1xi32>
      %shift_right_logical3A_608 = arith.constant 7 : i32
      %shift_right_logical3A_609 = arith.shrui %squeeze3A_607, %shift_right_logical3A_608 : i32
      %mul3A_610 = arith.constant 128 : i32
      %mul3A_611 = arith.muli %shift_right_logical3A_609, %mul3A_610 : i32
      %multiple_of3A_612 = tpu.assume_multiple %mul3A_611, 128 : i32
      %dma_start3A_613 = arith.constant 2 : i32
      %dma_start3A_614 = arith.constant 0 : i32
      %dma_start3A_615 = arith.constant 0 : i32
      %dma_start3A_616 = tpu.memref_slice %arg11[%dma_start3A_613, %dma_start3A_614, %dma_start3A_615] : memref<4x32x128xf32, #tpu.memory_space<vmem>> -> memref<1x32x128xf32, #tpu.memory_space<vmem>>
      %dma_start3A_617 = tpu.memref_squeeze %dma_start3A_616 : memref<1x32x128xf32, #tpu.memory_space<vmem>> -> memref<32x128xf32, #tpu.memory_space<vmem>>
      %dma_start3A_618 = arith.constant 0 : i32
      %dma_start3A_619 = tpu.memref_slice %arg4[%dma_start3A_618, %multiple_of3A_605] : memref<32x1000000xf32, #tpu.memory_space<hbm>> -> memref<32x128xf32, #tpu.memory_space<hbm>>
      %dma_start3A_620 = arith.constant 0 : i32
      %dma_start3A_621 = arith.constant 0 : i32
      %dma_start3A_622 = tpu.memref_slice %arg11[%dma_start3A_613, %dma_start3A_620, %dma_start3A_621] : memref<4x32x128xf32, #tpu.memory_space<vmem>> -> memref<1x32x128xf32, #tpu.memory_space<vmem>>
      %dma_start3A_623 = tpu.memref_squeeze %dma_start3A_622 : memref<1x32x128xf32, #tpu.memory_space<vmem>> -> memref<32x128xf32, #tpu.memory_space<vmem>>
      %dma_start3A_624 = arith.constant 0 : i32
      %dma_start3A_625 = tpu.memref_slice %arg4[%dma_start3A_624, %multiple_of3A_605] : memref<32x1000000xf32, #tpu.memory_space<hbm>> -> memref<32x128xf32, #tpu.memory_space<hbm>>
      tpu.enqueue_dma source(%dma_start3A_625 : memref<32x128xf32, #tpu.memory_space<hbm>>) target(%dma_start3A_623 : memref<32x128xf32, #tpu.memory_space<vmem>>) target_semaphore(%arg18 : memref<!tpu.dma_semaphore, #tpu.memory_space<semaphore_mem>>)
      %dma_start3A_626 = arith.constant 2 : i32
      %dma_start3A_627 = arith.constant 0 : i32
      %dma_start3A_628 = arith.constant 0 : i32
      %dma_start3A_629 = tpu.memref_slice %arg12[%dma_start3A_626, %dma_start3A_627, %dma_start3A_628] : memref<4x32x128xf32, #tpu.memory_space<vmem>> -> memref<1x32x128xf32, #tpu.memory_space<vmem>>
      %dma_start3A_630 = tpu.memref_squeeze %dma_start3A_629 : memref<1x32x128xf32, #tpu.memory_space<vmem>> -> memref<32x128xf32, #tpu.memory_space<vmem>>
      %dma_start3A_631 = arith.constant 0 : i32
      %dma_start3A_632 = tpu.memref_slice %arg5[%dma_start3A_631, %multiple_of3A_612] : memref<32x1000000xf32, #tpu.memory_space<hbm>> -> memref<32x128xf32, #tpu.memory_space<hbm>>
      %dma_start3A_633 = arith.constant 0 : i32
      %dma_start3A_634 = arith.constant 0 : i32
      %dma_start3A_635 = tpu.memref_slice %arg12[%dma_start3A_626, %dma_start3A_633, %dma_start3A_634] : memref<4x32x128xf32, #tpu.memory_space<vmem>> -> memref<1x32x128xf32, #tpu.memory_space<vmem>>
      %dma_start3A_636 = tpu.memref_squeeze %dma_start3A_635 : memref<1x32x128xf32, #tpu.memory_space<vmem>> -> memref<32x128xf32, #tpu.memory_space<vmem>>
      %dma_start3A_637 = arith.constant 0 : i32
      %dma_start3A_638 = tpu.memref_slice %arg5[%dma_start3A_637, %multiple_of3A_612] : memref<32x1000000xf32, #tpu.memory_space<hbm>> -> memref<32x128xf32, #tpu.memory_space<hbm>>
      tpu.enqueue_dma source(%dma_start3A_638 : memref<32x128xf32, #tpu.memory_space<hbm>>) target(%dma_start3A_636 : memref<32x128xf32, #tpu.memory_space<vmem>>) target_semaphore(%arg18 : memref<!tpu.dma_semaphore, #tpu.memory_space<semaphore_mem>>)
      %slice3A_639 = vector.extract_strided_slice %get3A_514 {offsets = [3], sizes = [1], strides = [1]} : vector<16xi32> to vector<1xi32>
      %squeeze3A_640 = vector.extract %slice3A_639[0] : i32 from vector<1xi32>
      %shift_right_logical3A_641 = arith.constant 7 : i32
      %shift_right_logical3A_642 = arith.shrui %squeeze3A_640, %shift_right_logical3A_641 : i32
      %mul3A_643 = arith.constant 128 : i32
      %mul3A_644 = arith.muli %shift_right_logical3A_642, %mul3A_643 : i32
      %multiple_of3A_645 = tpu.assume_multiple %mul3A_644, 128 : i32
      %slice3A_646 = vector.extract_strided_slice %get3A_516 {offsets = [3], sizes = [1], strides = [1]} : vector<16xi32> to vector<1xi32>
      %squeeze3A_647 = vector.extract %slice3A_646[0] : i32 from vector<1xi32>
      %shift_right_logical3A_648 = arith.constant 7 : i32
      %shift_right_logical3A_649 = arith.shrui %squeeze3A_647, %shift_right_logical3A_648 : i32
      %mul3A_650 = arith.constant 128 : i32
      %mul3A_651 = arith.muli %shift_right_logical3A_649, %mul3A_650 : i32
      %multiple_of3A_652 = tpu.assume_multiple %mul3A_651, 128 : i32
      %dma_start3A_653 = arith.constant 3 : i32
      %dma_start3A_654 = arith.constant 0 : i32
      %dma_start3A_655 = arith.constant 0 : i32
      %dma_start3A_656 = tpu.memref_slice %arg11[%dma_start3A_653, %dma_start3A_654, %dma_start3A_655] : memref<4x32x128xf32, #tpu.memory_space<vmem>> -> memref<1x32x128xf32, #tpu.memory_space<vmem>>
      %dma_start3A_657 = tpu.memref_squeeze %dma_start3A_656 : memref<1x32x128xf32, #tpu.memory_space<vmem>> -> memref<32x128xf32, #tpu.memory_space<vmem>>
      %dma_start3A_658 = arith.constant 0 : i32
      %dma_start3A_659 = tpu.memref_slice %arg4[%dma_start3A_658, %multiple_of3A_645] : memref<32x1000000xf32, #tpu.memory_space<hbm>> -> memref<32x128xf32, #tpu.memory_space<hbm>>
      %dma_start3A_660 = arith.constant 0 : i32
      %dma_start3A_661 = arith.constant 0 : i32
      %dma_start3A_662 = tpu.memref_slice %arg11[%dma_start3A_653, %dma_start3A_660, %dma_start3A_661] : memref<4x32x128xf32, #tpu.memory_space<vmem>> -> memref<1x32x128xf32, #tpu.memory_space<vmem>>
      %dma_start3A_663 = tpu.memref_squeeze %dma_start3A_662 : memref<1x32x128xf32, #tpu.memory_space<vmem>> -> memref<32x128xf32, #tpu.memory_space<vmem>>
      %dma_start3A_664 = arith.constant 0 : i32
      %dma_start3A_665 = tpu.memref_slice %arg4[%dma_start3A_664, %multiple_of3A_645] : memref<32x1000000xf32, #tpu.memory_space<hbm>> -> memref<32x128xf32, #tpu.memory_space<hbm>>
      tpu.enqueue_dma source(%dma_start3A_665 : memref<32x128xf32, #tpu.memory_space<hbm>>) target(%dma_start3A_663 : memref<32x128xf32, #tpu.memory_space<vmem>>) target_semaphore(%arg18 : memref<!tpu.dma_semaphore, #tpu.memory_space<semaphore_mem>>)
      %dma_start3A_666 = arith.constant 3 : i32
      %dma_start3A_667 = arith.constant 0 : i32
      %dma_start3A_668 = arith.constant 0 : i32
      %dma_start3A_669 = tpu.memref_slice %arg12[%dma_start3A_666, %dma_start3A_667, %dma_start3A_668] : memref<4x32x128xf32, #tpu.memory_space<vmem>> -> memref<1x32x128xf32, #tpu.memory_space<vmem>>
      %dma_start3A_670 = tpu.memref_squeeze %dma_start3A_669 : memref<1x32x128xf32, #tpu.memory_space<vmem>> -> memref<32x128xf32, #tpu.memory_space<vmem>>
      %dma_start3A_671 = arith.constant 0 : i32
      %dma_start3A_672 = tpu.memref_slice %arg5[%dma_start3A_671, %multiple_of3A_652] : memref<32x1000000xf32, #tpu.memory_space<hbm>> -> memref<32x128xf32, #tpu.memory_space<hbm>>
      %dma_start3A_673 = arith.constant 0 : i32
      %dma_start3A_674 = arith.constant 0 : i32
      %dma_start3A_675 = tpu.memref_slice %arg12[%dma_start3A_666, %dma_start3A_673, %dma_start3A_674] : memref<4x32x128xf32, #tpu.memory_space<vmem>> -> memref<1x32x128xf32, #tpu.memory_space<vmem>>
      %dma_start3A_676 = tpu.memref_squeeze %dma_start3A_675 : memref<1x32x128xf32, #tpu.memory_space<vmem>> -> memref<32x128xf32, #tpu.memory_space<vmem>>
      %dma_start3A_677 = arith.constant 0 : i32
      %dma_start3A_678 = tpu.memref_slice %arg5[%dma_start3A_677, %multiple_of3A_652] : memref<32x1000000xf32, #tpu.memory_space<hbm>> -> memref<32x128xf32, #tpu.memory_space<hbm>>
      tpu.enqueue_dma source(%dma_start3A_678 : memref<32x128xf32, #tpu.memory_space<hbm>>) target(%dma_start3A_676 : memref<32x128xf32, #tpu.memory_space<vmem>>) target_semaphore(%arg18 : memref<!tpu.dma_semaphore, #tpu.memory_space<semaphore_mem>>)
      %dma_wait3A_679 = arith.constant 0 : i32
      %dma_wait3A_680 = arith.constant 0 : i32
      %dma_wait3A_681 = arith.constant 0 : i32
      %dma_wait3A_682 = tpu.memref_slice %arg13[%dma_wait3A_679, %dma_wait3A_680, %dma_wait3A_681] : memref<4x32x128xf32, #tpu.memory_space<vmem>> -> memref<1x32x128xf32, #tpu.memory_space<vmem>>
      %dma_wait3A_683 = tpu.memref_squeeze %dma_wait3A_682 : memref<1x32x128xf32, #tpu.memory_space<vmem>> -> memref<32x128xf32, #tpu.memory_space<vmem>>
      %dma_wait3A_684 = arith.constant 0 : i32
      %dma_wait3A_685 = arith.constant 0 : i32
      %dma_wait3A_686 = tpu.memref_slice %arg4[%dma_wait3A_684, %dma_wait3A_685] : memref<32x1000000xf32, #tpu.memory_space<hbm>> -> memref<32x128xf32, #tpu.memory_space<hbm>>
      %dma_wait3A_687 = arith.constant 0 : i32
      %dma_wait3A_688 = arith.constant 0 : i32
      %dma_wait3A_689 = tpu.memref_slice %arg13[%dma_wait3A_679, %dma_wait3A_687, %dma_wait3A_688] : memref<4x32x128xf32, #tpu.memory_space<vmem>> -> memref<1x32x128xf32, #tpu.memory_space<vmem>>
      %dma_wait3A_690 = tpu.memref_squeeze %dma_wait3A_689 : memref<1x32x128xf32, #tpu.memory_space<vmem>> -> memref<32x128xf32, #tpu.memory_space<vmem>>
      %dma_wait3A_691 = arith.constant 0 : i32
      %dma_wait3A_692 = arith.constant 0 : i32
      %dma_wait3A_693 = tpu.memref_slice %arg4[%dma_wait3A_691, %dma_wait3A_692] : memref<32x1000000xf32, #tpu.memory_space<hbm>> -> memref<32x128xf32, #tpu.memory_space<hbm>>
      tpu.wait_dma2 semaphore(%arg19 : memref<!tpu.dma_semaphore, #tpu.memory_space<semaphore_mem>>) src(%dma_wait3A_693 : memref<32x128xf32, #tpu.memory_space<hbm>>) dst(%dma_wait3A_690 : memref<32x128xf32, #tpu.memory_space<vmem>>)
      %dma_wait3A_694 = arith.constant 0 : i32
      %dma_wait3A_695 = arith.constant 0 : i32
      %dma_wait3A_696 = arith.constant 0 : i32
      %dma_wait3A_697 = tpu.memref_slice %arg14[%dma_wait3A_694, %dma_wait3A_695, %dma_wait3A_696] : memref<4x32x128xf32, #tpu.memory_space<vmem>> -> memref<1x32x128xf32, #tpu.memory_space<vmem>>
      %dma_wait3A_698 = tpu.memref_squeeze %dma_wait3A_697 : memref<1x32x128xf32, #tpu.memory_space<vmem>> -> memref<32x128xf32, #tpu.memory_space<vmem>>
      %dma_wait3A_699 = arith.constant 0 : i32
      %dma_wait3A_700 = arith.constant 0 : i32
      %dma_wait3A_701 = tpu.memref_slice %arg4[%dma_wait3A_699, %dma_wait3A_700] : memref<32x1000000xf32, #tpu.memory_space<hbm>> -> memref<32x128xf32, #tpu.memory_space<hbm>>
      %dma_wait3A_702 = arith.constant 0 : i32
      %dma_wait3A_703 = arith.constant 0 : i32
      %dma_wait3A_704 = tpu.memref_slice %arg14[%dma_wait3A_694, %dma_wait3A_702, %dma_wait3A_703] : memref<4x32x128xf32, #tpu.memory_space<vmem>> -> memref<1x32x128xf32, #tpu.memory_space<vmem>>
      %dma_wait3A_705 = tpu.memref_squeeze %dma_wait3A_704 : memref<1x32x128xf32, #tpu.memory_space<vmem>> -> memref<32x128xf32, #tpu.memory_space<vmem>>
      %dma_wait3A_706 = arith.constant 0 : i32
      %dma_wait3A_707 = arith.constant 0 : i32
      %dma_wait3A_708 = tpu.memref_slice %arg4[%dma_wait3A_706, %dma_wait3A_707] : memref<32x1000000xf32, #tpu.memory_space<hbm>> -> memref<32x128xf32, #tpu.memory_space<hbm>>
      tpu.wait_dma2 semaphore(%arg19 : memref<!tpu.dma_semaphore, #tpu.memory_space<semaphore_mem>>) src(%dma_wait3A_708 : memref<32x128xf32, #tpu.memory_space<hbm>>) dst(%dma_wait3A_705 : memref<32x128xf32, #tpu.memory_space<vmem>>)
      %dma_wait3A_709 = arith.constant 1 : i32
      %dma_wait3A_710 = arith.constant 0 : i32
      %dma_wait3A_711 = arith.constant 0 : i32
      %dma_wait3A_712 = tpu.memref_slice %arg13[%dma_wait3A_709, %dma_wait3A_710, %dma_wait3A_711] : memref<4x32x128xf32, #tpu.memory_space<vmem>> -> memref<1x32x128xf32, #tpu.memory_space<vmem>>
      %dma_wait3A_713 = tpu.memref_squeeze %dma_wait3A_712 : memref<1x32x128xf32, #tpu.memory_space<vmem>> -> memref<32x128xf32, #tpu.memory_space<vmem>>
      %dma_wait3A_714 = arith.constant 0 : i32
      %dma_wait3A_715 = arith.constant 0 : i32
      %dma_wait3A_716 = tpu.memref_slice %arg4[%dma_wait3A_714, %dma_wait3A_715] : memref<32x1000000xf32, #tpu.memory_space<hbm>> -> memref<32x128xf32, #tpu.memory_space<hbm>>
      %dma_wait3A_717 = arith.constant 0 : i32
      %dma_wait3A_718 = arith.constant 0 : i32
      %dma_wait3A_719 = tpu.memref_slice %arg13[%dma_wait3A_709, %dma_wait3A_717, %dma_wait3A_718] : memref<4x32x128xf32, #tpu.memory_space<vmem>> -> memref<1x32x128xf32, #tpu.memory_space<vmem>>
      %dma_wait3A_720 = tpu.memref_squeeze %dma_wait3A_719 : memref<1x32x128xf32, #tpu.memory_space<vmem>> -> memref<32x128xf32, #tpu.memory_space<vmem>>
      %dma_wait3A_721 = arith.constant 0 : i32
      %dma_wait3A_722 = arith.constant 0 : i32
      %dma_wait3A_723 = tpu.memref_slice %arg4[%dma_wait3A_721, %dma_wait3A_722] : memref<32x1000000xf32, #tpu.memory_space<hbm>> -> memref<32x128xf32, #tpu.memory_space<hbm>>
      tpu.wait_dma2 semaphore(%arg19 : memref<!tpu.dma_semaphore, #tpu.memory_space<semaphore_mem>>) src(%dma_wait3A_723 : memref<32x128xf32, #tpu.memory_space<hbm>>) dst(%dma_wait3A_720 : memref<32x128xf32, #tpu.memory_space<vmem>>)
      %dma_wait3A_724 = arith.constant 1 : i32
      %dma_wait3A_725 = arith.constant 0 : i32
      %dma_wait3A_726 = arith.constant 0 : i32
      %dma_wait3A_727 = tpu.memref_slice %arg14[%dma_wait3A_724, %dma_wait3A_725, %dma_wait3A_726] : memref<4x32x128xf32, #tpu.memory_space<vmem>> -> memref<1x32x128xf32, #tpu.memory_space<vmem>>
      %dma_wait3A_728 = tpu.memref_squeeze %dma_wait3A_727 : memref<1x32x128xf32, #tpu.memory_space<vmem>> -> memref<32x128xf32, #tpu.memory_space<vmem>>
      %dma_wait3A_729 = arith.constant 0 : i32
      %dma_wait3A_730 = arith.constant 0 : i32
      %dma_wait3A_731 = tpu.memref_slice %arg4[%dma_wait3A_729, %dma_wait3A_730] : memref<32x1000000xf32, #tpu.memory_space<hbm>> -> memref<32x128xf32, #tpu.memory_space<hbm>>
      %dma_wait3A_732 = arith.constant 0 : i32
      %dma_wait3A_733 = arith.constant 0 : i32
      %dma_wait3A_734 = tpu.memref_slice %arg14[%dma_wait3A_724, %dma_wait3A_732, %dma_wait3A_733] : memref<4x32x128xf32, #tpu.memory_space<vmem>> -> memref<1x32x128xf32, #tpu.memory_space<vmem>>
      %dma_wait3A_735 = tpu.memref_squeeze %dma_wait3A_734 : memref<1x32x128xf32, #tpu.memory_space<vmem>> -> memref<32x128xf32, #tpu.memory_space<vmem>>
      %dma_wait3A_736 = arith.constant 0 : i32
      %dma_wait3A_737 = arith.constant 0 : i32
      %dma_wait3A_738 = tpu.memref_slice %arg4[%dma_wait3A_736, %dma_wait3A_737] : memref<32x1000000xf32, #tpu.memory_space<hbm>> -> memref<32x128xf32, #tpu.memory_space<hbm>>
      tpu.wait_dma2 semaphore(%arg19 : memref<!tpu.dma_semaphore, #tpu.memory_space<semaphore_mem>>) src(%dma_wait3A_738 : memref<32x128xf32, #tpu.memory_space<hbm>>) dst(%dma_wait3A_735 : memref<32x128xf32, #tpu.memory_space<vmem>>)
      %dma_wait3A_739 = arith.constant 2 : i32
      %dma_wait3A_740 = arith.constant 0 : i32
      %dma_wait3A_741 = arith.constant 0 : i32
      %dma_wait3A_742 = tpu.memref_slice %arg13[%dma_wait3A_739, %dma_wait3A_740, %dma_wait3A_741] : memref<4x32x128xf32, #tpu.memory_space<vmem>> -> memref<1x32x128xf32, #tpu.memory_space<vmem>>
      %dma_wait3A_743 = tpu.memref_squeeze %dma_wait3A_742 : memref<1x32x128xf32, #tpu.memory_space<vmem>> -> memref<32x128xf32, #tpu.memory_space<vmem>>
      %dma_wait3A_744 = arith.constant 0 : i32
      %dma_wait3A_745 = arith.constant 0 : i32
      %dma_wait3A_746 = tpu.memref_slice %arg4[%dma_wait3A_744, %dma_wait3A_745] : memref<32x1000000xf32, #tpu.memory_space<hbm>> -> memref<32x128xf32, #tpu.memory_space<hbm>>
      %dma_wait3A_747 = arith.constant 0 : i32
      %dma_wait3A_748 = arith.constant 0 : i32
      %dma_wait3A_749 = tpu.memref_slice %arg13[%dma_wait3A_739, %dma_wait3A_747, %dma_wait3A_748] : memref<4x32x128xf32, #tpu.memory_space<vmem>> -> memref<1x32x128xf32, #tpu.memory_space<vmem>>
      %dma_wait3A_750 = tpu.memref_squeeze %dma_wait3A_749 : memref<1x32x128xf32, #tpu.memory_space<vmem>> -> memref<32x128xf32, #tpu.memory_space<vmem>>
      %dma_wait3A_751 = arith.constant 0 : i32
      %dma_wait3A_752 = arith.constant 0 : i32
      %dma_wait3A_753 = tpu.memref_slice %arg4[%dma_wait3A_751, %dma_wait3A_752] : memref<32x1000000xf32, #tpu.memory_space<hbm>> -> memref<32x128xf32, #tpu.memory_space<hbm>>
      tpu.wait_dma2 semaphore(%arg19 : memref<!tpu.dma_semaphore, #tpu.memory_space<semaphore_mem>>) src(%dma_wait3A_753 : memref<32x128xf32, #tpu.memory_space<hbm>>) dst(%dma_wait3A_750 : memref<32x128xf32, #tpu.memory_space<vmem>>)
      %dma_wait3A_754 = arith.constant 2 : i32
      %dma_wait3A_755 = arith.constant 0 : i32
      %dma_wait3A_756 = arith.constant 0 : i32
      %dma_wait3A_757 = tpu.memref_slice %arg14[%dma_wait3A_754, %dma_wait3A_755, %dma_wait3A_756] : memref<4x32x128xf32, #tpu.memory_space<vmem>> -> memref<1x32x128xf32, #tpu.memory_space<vmem>>
      %dma_wait3A_758 = tpu.memref_squeeze %dma_wait3A_757 : memref<1x32x128xf32, #tpu.memory_space<vmem>> -> memref<32x128xf32, #tpu.memory_space<vmem>>
      %dma_wait3A_759 = arith.constant 0 : i32
      %dma_wait3A_760 = arith.constant 0 : i32
      %dma_wait3A_761 = tpu.memref_slice %arg4[%dma_wait3A_759, %dma_wait3A_760] : memref<32x1000000xf32, #tpu.memory_space<hbm>> -> memref<32x128xf32, #tpu.memory_space<hbm>>
      %dma_wait3A_762 = arith.constant 0 : i32
      %dma_wait3A_763 = arith.constant 0 : i32
      %dma_wait3A_764 = tpu.memref_slice %arg14[%dma_wait3A_754, %dma_wait3A_762, %dma_wait3A_763] : memref<4x32x128xf32, #tpu.memory_space<vmem>> -> memref<1x32x128xf32, #tpu.memory_space<vmem>>
      %dma_wait3A_765 = tpu.memref_squeeze %dma_wait3A_764 : memref<1x32x128xf32, #tpu.memory_space<vmem>> -> memref<32x128xf32, #tpu.memory_space<vmem>>
      %dma_wait3A_766 = arith.constant 0 : i32
      %dma_wait3A_767 = arith.constant 0 : i32
      %dma_wait3A_768 = tpu.memref_slice %arg4[%dma_wait3A_766, %dma_wait3A_767] : memref<32x1000000xf32, #tpu.memory_space<hbm>> -> memref<32x128xf32, #tpu.memory_space<hbm>>
      tpu.wait_dma2 semaphore(%arg19 : memref<!tpu.dma_semaphore, #tpu.memory_space<semaphore_mem>>) src(%dma_wait3A_768 : memref<32x128xf32, #tpu.memory_space<hbm>>) dst(%dma_wait3A_765 : memref<32x128xf32, #tpu.memory_space<vmem>>)
      %dma_wait3A_769 = arith.constant 3 : i32
      %dma_wait3A_770 = arith.constant 0 : i32
      %dma_wait3A_771 = arith.constant 0 : i32
      %dma_wait3A_772 = tpu.memref_slice %arg13[%dma_wait3A_769, %dma_wait3A_770, %dma_wait3A_771] : memref<4x32x128xf32, #tpu.memory_space<vmem>> -> memref<1x32x128xf32, #tpu.memory_space<vmem>>
      %dma_wait3A_773 = tpu.memref_squeeze %dma_wait3A_772 : memref<1x32x128xf32, #tpu.memory_space<vmem>> -> memref<32x128xf32, #tpu.memory_space<vmem>>
      %dma_wait3A_774 = arith.constant 0 : i32
      %dma_wait3A_775 = arith.constant 0 : i32
      %dma_wait3A_776 = tpu.memref_slice %arg4[%dma_wait3A_774, %dma_wait3A_775] : memref<32x1000000xf32, #tpu.memory_space<hbm>> -> memref<32x128xf32, #tpu.memory_space<hbm>>
      %dma_wait3A_777 = arith.constant 0 : i32
      %dma_wait3A_778 = arith.constant 0 : i32
      %dma_wait3A_779 = tpu.memref_slice %arg13[%dma_wait3A_769, %dma_wait3A_777, %dma_wait3A_778] : memref<4x32x128xf32, #tpu.memory_space<vmem>> -> memref<1x32x128xf32, #tpu.memory_space<vmem>>
      %dma_wait3A_780 = tpu.memref_squeeze %dma_wait3A_779 : memref<1x32x128xf32, #tpu.memory_space<vmem>> -> memref<32x128xf32, #tpu.memory_space<vmem>>
      %dma_wait3A_781 = arith.constant 0 : i32
      %dma_wait3A_782 = arith.constant 0 : i32
      %dma_wait3A_783 = tpu.memref_slice %arg4[%dma_wait3A_781, %dma_wait3A_782] : memref<32x1000000xf32, #tpu.memory_space<hbm>> -> memref<32x128xf32, #tpu.memory_space<hbm>>
      tpu.wait_dma2 semaphore(%arg19 : memref<!tpu.dma_semaphore, #tpu.memory_space<semaphore_mem>>) src(%dma_wait3A_783 : memref<32x128xf32, #tpu.memory_space<hbm>>) dst(%dma_wait3A_780 : memref<32x128xf32, #tpu.memory_space<vmem>>)
      %dma_wait3A_784 = arith.constant 3 : i32
      %dma_wait3A_785 = arith.constant 0 : i32
      %dma_wait3A_786 = arith.constant 0 : i32
      %dma_wait3A_787 = tpu.memref_slice %arg14[%dma_wait3A_784, %dma_wait3A_785, %dma_wait3A_786] : memref<4x32x128xf32, #tpu.memory_space<vmem>> -> memref<1x32x128xf32, #tpu.memory_space<vmem>>
      %dma_wait3A_788 = tpu.memref_squeeze %dma_wait3A_787 : memref<1x32x128xf32, #tpu.memory_space<vmem>> -> memref<32x128xf32, #tpu.memory_space<vmem>>
      %dma_wait3A_789 = arith.constant 0 : i32
      %dma_wait3A_790 = arith.constant 0 : i32
      %dma_wait3A_791 = tpu.memref_slice %arg4[%dma_wait3A_789, %dma_wait3A_790] : memref<32x1000000xf32, #tpu.memory_space<hbm>> -> memref<32x128xf32, #tpu.memory_space<hbm>>
      %dma_wait3A_792 = arith.constant 0 : i32
      %dma_wait3A_793 = arith.constant 0 : i32
      %dma_wait3A_794 = tpu.memref_slice %arg14[%dma_wait3A_784, %dma_wait3A_792, %dma_wait3A_793] : memref<4x32x128xf32, #tpu.memory_space<vmem>> -> memref<1x32x128xf32, #tpu.memory_space<vmem>>
      %dma_wait3A_795 = tpu.memref_squeeze %dma_wait3A_794 : memref<1x32x128xf32, #tpu.memory_space<vmem>> -> memref<32x128xf32, #tpu.memory_space<vmem>>
      %dma_wait3A_796 = arith.constant 0 : i32
      %dma_wait3A_797 = arith.constant 0 : i32
      %dma_wait3A_798 = tpu.memref_slice %arg4[%dma_wait3A_796, %dma_wait3A_797] : memref<32x1000000xf32, #tpu.memory_space<hbm>> -> memref<32x128xf32, #tpu.memory_space<hbm>>
      tpu.wait_dma2 semaphore(%arg19 : memref<!tpu.dma_semaphore, #tpu.memory_space<semaphore_mem>>) src(%dma_wait3A_798 : memref<32x128xf32, #tpu.memory_space<hbm>>) dst(%dma_wait3A_795 : memref<32x128xf32, #tpu.memory_space<vmem>>)
      %broadcast_in_dim3A_799 = arith.constant 1 : i32
      %broadcast_in_dim3A_800 = vector.broadcast %broadcast_in_dim3A_799 : i32 to vector<16xi32>
      %add3A_801 = arith.constant 0 : i32
      %add3A_802 = arith.addi %select_n3A, %add3A_801 : i32
      %mul3A_803 = vector.broadcast %add3A_802 : i32 to vector<16xi32>
      %mul3A_804 = arith.muli %broadcast_in_dim3A_800, %mul3A_803 : vector<16xi32>
      %broadcast_in_dim3A_805 = arith.constant 1 : i32
      %broadcast_in_dim3A_806 = vector.broadcast %broadcast_in_dim3A_805 : i32 to vector<16xi32>
      %slice3A_807 = vector.extract_strided_slice %scan3A_509 {offsets = [12], sizes = [1], strides = [1]} : vector<16xi32> to vector<1xi32>
      %squeeze3A_808 = vector.extract %slice3A_807[0] : i32 from vector<1xi32>
      %and3A_809 = arith.constant 127 : i32
      %and3A_810 = arith.andi %squeeze3A_808, %and3A_809 : i32
      %mul3A_811 = vector.broadcast %and3A_810 : i32 to vector<16xi32>
      %mul3A_812 = arith.muli %broadcast_in_dim3A_806, %mul3A_811 : vector<16xi32>
      %broadcast_in_dim3A_813 = arith.constant 1 : i32
      %broadcast_in_dim3A_814 = vector.broadcast %broadcast_in_dim3A_813 : i32 to vector<16xi32>
      %slice3A_815 = vector.extract_strided_slice %scan3A_510 {offsets = [12], sizes = [1], strides = [1]} : vector<16xi32> to vector<1xi32>
      %squeeze3A_816 = vector.extract %slice3A_815[0] : i32 from vector<1xi32>
      %and3A_817 = arith.constant 127 : i32
      %and3A_818 = arith.andi %squeeze3A_816, %and3A_817 : i32
      %mul3A_819 = vector.broadcast %and3A_818 : i32 to vector<16xi32>
      %mul3A_820 = arith.muli %broadcast_in_dim3A_814, %mul3A_819 : vector<16xi32>
      %add3A_821 = arith.constant 0 : i32
      %add3A_822 = vector.broadcast %add3A_821 : i32 to vector<16xi32>
      %add3A_823 = arith.addi %iota3A, %add3A_822 : vector<16xi32>
      %gather3A_824 = arith.constant 0 : i32
      %gather3A_825 = arith.constant 0 : i32
      %gather3A_826 = arith.constant 0 : i32
      %gather3A_827 = tpu.memref_slice %arg13[%gather3A_824, %gather3A_825, %gather3A_826] : memref<4x32x128xf32, #tpu.memory_space<vmem>> -> memref<1x32x128xf32, #tpu.memory_space<vmem>>
      %gather3A_828 = tpu.memref_squeeze %gather3A_827 : memref<1x32x128xf32, #tpu.memory_space<vmem>> -> memref<32x128xf32, #tpu.memory_space<vmem>>
      %gather3A_829 = tpu.vector_load_idx %gather3A_828[%add3A_823, %mul3A_812] : memref<32x128xf32, #tpu.memory_space<vmem>>[vector<16xi32>, vector<16xi32>], vector<16xf32>,
      %gather3A_830 = arith.constant 0 : i32
      %gather3A_831 = arith.constant 0 : i32
      %gather3A_832 = arith.constant 0 : i32
      %gather3A_833 = tpu.memref_slice %arg14[%gather3A_830, %gather3A_831, %gather3A_832] : memref<4x32x128xf32, #tpu.memory_space<vmem>> -> memref<1x32x128xf32, #tpu.memory_space<vmem>>
      %gather3A_834 = tpu.memref_squeeze %gather3A_833 : memref<1x32x128xf32, #tpu.memory_space<vmem>> -> memref<32x128xf32, #tpu.memory_space<vmem>>
      %gather3A_835 = tpu.vector_load_idx %gather3A_834[%add3A_823, %mul3A_820] : memref<32x128xf32, #tpu.memory_space<vmem>>[vector<16xi32>, vector<16xi32>], vector<16xf32>,
      tpu.vector_store_idx %arg15[%add3A_823, %mul3A_804], %gather3A_829 : memref<32x512xf32, #tpu.memory_space<vmem>>[vector<16xi32>, vector<16xi32>], vector<16xf32>,
      tpu.vector_store_idx %arg16[%add3A_823, %mul3A_804], %gather3A_835 : memref<32x512xf32, #tpu.memory_space<vmem>>[vector<16xi32>, vector<16xi32>], vector<16xf32>,
      %add3A_836 = arith.constant 16 : i32
      %add3A_837 = vector.broadcast %add3A_836 : i32 to vector<16xi32>
      %add3A_838 = arith.addi %iota3A, %add3A_837 : vector<16xi32>
      %gather3A_839 = arith.constant 0 : i32
      %gather3A_840 = arith.constant 0 : i32
      %gather3A_841 = arith.constant 0 : i32
      %gather3A_842 = tpu.memref_slice %arg13[%gather3A_839, %gather3A_840, %gather3A_841] : memref<4x32x128xf32, #tpu.memory_space<vmem>> -> memref<1x32x128xf32, #tpu.memory_space<vmem>>
      %gather3A_843 = tpu.memref_squeeze %gather3A_842 : memref<1x32x128xf32, #tpu.memory_space<vmem>> -> memref<32x128xf32, #tpu.memory_space<vmem>>
      %gather3A_844 = tpu.vector_load_idx %gather3A_843[%add3A_838, %mul3A_812] : memref<32x128xf32, #tpu.memory_space<vmem>>[vector<16xi32>, vector<16xi32>], vector<16xf32>,
      %gather3A_845 = arith.constant 0 : i32
      %gather3A_846 = arith.constant 0 : i32
      %gather3A_847 = arith.constant 0 : i32
      %gather3A_848 = tpu.memref_slice %arg14[%gather3A_845, %gather3A_846, %gather3A_847] : memref<4x32x128xf32, #tpu.memory_space<vmem>> -> memref<1x32x128xf32, #tpu.memory_space<vmem>>
      %gather3A_849 = tpu.memref_squeeze %gather3A_848 : memref<1x32x128xf32, #tpu.memory_space<vmem>> -> memref<32x128xf32, #tpu.memory_space<vmem>>
      %gather3A_850 = tpu.vector_load_idx %gather3A_849[%add3A_838, %mul3A_820] : memref<32x128xf32, #tpu.memory_space<vmem>>[vector<16xi32>, vector<16xi32>], vector<16xf32>,
      tpu.vector_store_idx %arg15[%add3A_838, %mul3A_804], %gather3A_844 : memref<32x512xf32, #tpu.memory_space<vmem>>[vector<16xi32>, vector<16xi32>], vector<16xf32>,
      tpu.vector_store_idx %arg16[%add3A_838, %mul3A_804], %gather3A_850 : memref<32x512xf32, #tpu.memory_space<vmem>>[vector<16xi32>, vector<16xi32>], vector<16xf32>,
      %broadcast_in_dim3A_851 = arith.constant 1 : i32
      %broadcast_in_dim3A_852 = vector.broadcast %broadcast_in_dim3A_851 : i32 to vector<16xi32>
      %add3A_853 = arith.constant 1 : i32
      %add3A_854 = arith.addi %select_n3A, %add3A_853 : i32
      %mul3A_855 = vector.broadcast %add3A_854 : i32 to vector<16xi32>
      %mul3A_856 = arith.muli %broadcast_in_dim3A_852, %mul3A_855 : vector<16xi32>
      %broadcast_in_dim3A_857 = arith.constant 1 : i32
      %broadcast_in_dim3A_858 = vector.broadcast %broadcast_in_dim3A_857 : i32 to vector<16xi32>
      %slice3A_859 = vector.extract_strided_slice %scan3A_509 {offsets = [13], sizes = [1], strides = [1]} : vector<16xi32> to vector<1xi32>
      %squeeze3A_860 = vector.extract %slice3A_859[0] : i32 from vector<1xi32>
      %and3A_861 = arith.constant 127 : i32
      %and3A_862 = arith.andi %squeeze3A_860, %and3A_861 : i32
      %mul3A_863 = vector.broadcast %and3A_862 : i32 to vector<16xi32>
      %mul3A_864 = arith.muli %broadcast_in_dim3A_858, %mul3A_863 : vector<16xi32>
      %broadcast_in_dim3A_865 = arith.constant 1 : i32
      %broadcast_in_dim3A_866 = vector.broadcast %broadcast_in_dim3A_865 : i32 to vector<16xi32>
      %slice3A_867 = vector.extract_strided_slice %scan3A_510 {offsets = [13], sizes = [1], strides = [1]} : vector<16xi32> to vector<1xi32>
      %squeeze3A_868 = vector.extract %slice3A_867[0] : i32 from vector<1xi32>
      %and3A_869 = arith.constant 127 : i32
      %and3A_870 = arith.andi %squeeze3A_868, %and3A_869 : i32
      %mul3A_871 = vector.broadcast %and3A_870 : i32 to vector<16xi32>
      %mul3A_872 = arith.muli %broadcast_in_dim3A_866, %mul3A_871 : vector<16xi32>
      %add3A_873 = arith.constant 0 : i32
      %add3A_874 = vector.broadcast %add3A_873 : i32 to vector<16xi32>
      %add3A_875 = arith.addi %iota3A, %add3A_874 : vector<16xi32>
      %gather3A_876 = arith.constant 1 : i32
      %gather3A_877 = arith.constant 0 : i32
      %gather3A_878 = arith.constant 0 : i32
      %gather3A_879 = tpu.memref_slice %arg13[%gather3A_876, %gather3A_877, %gather3A_878] : memref<4x32x128xf32, #tpu.memory_space<vmem>> -> memref<1x32x128xf32, #tpu.memory_space<vmem>>
      %gather3A_880 = tpu.memref_squeeze %gather3A_879 : memref<1x32x128xf32, #tpu.memory_space<vmem>> -> memref<32x128xf32, #tpu.memory_space<vmem>>
      %gather3A_881 = tpu.vector_load_idx %gather3A_880[%add3A_875, %mul3A_864] : memref<32x128xf32, #tpu.memory_space<vmem>>[vector<16xi32>, vector<16xi32>], vector<16xf32>,
      %gather3A_882 = arith.constant 1 : i32
      %gather3A_883 = arith.constant 0 : i32
      %gather3A_884 = arith.constant 0 : i32
      %gather3A_885 = tpu.memref_slice %arg14[%gather3A_882, %gather3A_883, %gather3A_884] : memref<4x32x128xf32, #tpu.memory_space<vmem>> -> memref<1x32x128xf32, #tpu.memory_space<vmem>>
      %gather3A_886 = tpu.memref_squeeze %gather3A_885 : memref<1x32x128xf32, #tpu.memory_space<vmem>> -> memref<32x128xf32, #tpu.memory_space<vmem>>
      %gather3A_887 = tpu.vector_load_idx %gather3A_886[%add3A_875, %mul3A_872] : memref<32x128xf32, #tpu.memory_space<vmem>>[vector<16xi32>, vector<16xi32>], vector<16xf32>,
      tpu.vector_store_idx %arg15[%add3A_875, %mul3A_856], %gather3A_881 : memref<32x512xf32, #tpu.memory_space<vmem>>[vector<16xi32>, vector<16xi32>], vector<16xf32>,
      tpu.vector_store_idx %arg16[%add3A_875, %mul3A_856], %gather3A_887 : memref<32x512xf32, #tpu.memory_space<vmem>>[vector<16xi32>, vector<16xi32>], vector<16xf32>,
      %add3A_888 = arith.constant 16 : i32
      %add3A_889 = vector.broadcast %add3A_888 : i32 to vector<16xi32>
      %add3A_890 = arith.addi %iota3A, %add3A_889 : vector<16xi32>
      %gather3A_891 = arith.constant 1 : i32
      %gather3A_892 = arith.constant 0 : i32
      %gather3A_893 = arith.constant 0 : i32
      %gather3A_894 = tpu.memref_slice %arg13[%gather3A_891, %gather3A_892, %gather3A_893] : memref<4x32x128xf32, #tpu.memory_space<vmem>> -> memref<1x32x128xf32, #tpu.memory_space<vmem>>
      %gather3A_895 = tpu.memref_squeeze %gather3A_894 : memref<1x32x128xf32, #tpu.memory_space<vmem>> -> memref<32x128xf32, #tpu.memory_space<vmem>>
      %gather3A_896 = tpu.vector_load_idx %gather3A_895[%add3A_890, %mul3A_864] : memref<32x128xf32, #tpu.memory_space<vmem>>[vector<16xi32>, vector<16xi32>], vector<16xf32>,
      %gather3A_897 = arith.constant 1 : i32
      %gather3A_898 = arith.constant 0 : i32
      %gather3A_899 = arith.constant 0 : i32
      %gather3A_900 = tpu.memref_slice %arg14[%gather3A_897, %gather3A_898, %gather3A_899] : memref<4x32x128xf32, #tpu.memory_space<vmem>> -> memref<1x32x128xf32, #tpu.memory_space<vmem>>
      %gather3A_901 = tpu.memref_squeeze %gather3A_900 : memref<1x32x128xf32, #tpu.memory_space<vmem>> -> memref<32x128xf32, #tpu.memory_space<vmem>>
      %gather3A_902 = tpu.vector_load_idx %gather3A_901[%add3A_890, %mul3A_872] : memref<32x128xf32, #tpu.memory_space<vmem>>[vector<16xi32>, vector<16xi32>], vector<16xf32>,
      tpu.vector_store_idx %arg15[%add3A_890, %mul3A_856], %gather3A_896 : memref<32x512xf32, #tpu.memory_space<vmem>>[vector<16xi32>, vector<16xi32>], vector<16xf32>,
      tpu.vector_store_idx %arg16[%add3A_890, %mul3A_856], %gather3A_902 : memref<32x512xf32, #tpu.memory_space<vmem>>[vector<16xi32>, vector<16xi32>], vector<16xf32>,
      %broadcast_in_dim3A_903 = arith.constant 1 : i32
      %broadcast_in_dim3A_904 = vector.broadcast %broadcast_in_dim3A_903 : i32 to vector<16xi32>
      %add3A_905 = arith.constant 2 : i32
      %add3A_906 = arith.addi %select_n3A, %add3A_905 : i32
      %mul3A_907 = vector.broadcast %add3A_906 : i32 to vector<16xi32>
      %mul3A_908 = arith.muli %broadcast_in_dim3A_904, %mul3A_907 : vector<16xi32>
      %broadcast_in_dim3A_909 = arith.constant 1 : i32
      %broadcast_in_dim3A_910 = vector.broadcast %broadcast_in_dim3A_909 : i32 to vector<16xi32>
      %slice3A_911 = vector.extract_strided_slice %scan3A_509 {offsets = [14], sizes = [1], strides = [1]} : vector<16xi32> to vector<1xi32>
      %squeeze3A_912 = vector.extract %slice3A_911[0] : i32 from vector<1xi32>
      %and3A_913 = arith.constant 127 : i32
      %and3A_914 = arith.andi %squeeze3A_912, %and3A_913 : i32
      %mul3A_915 = vector.broadcast %and3A_914 : i32 to vector<16xi32>
      %mul3A_916 = arith.muli %broadcast_in_dim3A_910, %mul3A_915 : vector<16xi32>
      %broadcast_in_dim3A_917 = arith.constant 1 : i32
      %broadcast_in_dim3A_918 = vector.broadcast %broadcast_in_dim3A_917 : i32 to vector<16xi32>
      %slice3A_919 = vector.extract_strided_slice %scan3A_510 {offsets = [14], sizes = [1], strides = [1]} : vector<16xi32> to vector<1xi32>
      %squeeze3A_920 = vector.extract %slice3A_919[0] : i32 from vector<1xi32>
      %and3A_921 = arith.constant 127 : i32
      %and3A_922 = arith.andi %squeeze3A_920, %and3A_921 : i32
      %mul3A_923 = vector.broadcast %and3A_922 : i32 to vector<16xi32>
      %mul3A_924 = arith.muli %broadcast_in_dim3A_918, %mul3A_923 : vector<16xi32>
      %add3A_925 = arith.constant 0 : i32
      %add3A_926 = vector.broadcast %add3A_925 : i32 to vector<16xi32>
      %add3A_927 = arith.addi %iota3A, %add3A_926 : vector<16xi32>
      %gather3A_928 = arith.constant 2 : i32
      %gather3A_929 = arith.constant 0 : i32
      %gather3A_930 = arith.constant 0 : i32
      %gather3A_931 = tpu.memref_slice %arg13[%gather3A_928, %gather3A_929, %gather3A_930] : memref<4x32x128xf32, #tpu.memory_space<vmem>> -> memref<1x32x128xf32, #tpu.memory_space<vmem>>
      %gather3A_932 = tpu.memref_squeeze %gather3A_931 : memref<1x32x128xf32, #tpu.memory_space<vmem>> -> memref<32x128xf32, #tpu.memory_space<vmem>>
      %gather3A_933 = tpu.vector_load_idx %gather3A_932[%add3A_927, %mul3A_916] : memref<32x128xf32, #tpu.memory_space<vmem>>[vector<16xi32>, vector<16xi32>], vector<16xf32>,
      %gather3A_934 = arith.constant 2 : i32
      %gather3A_935 = arith.constant 0 : i32
      %gather3A_936 = arith.constant 0 : i32
      %gather3A_937 = tpu.memref_slice %arg14[%gather3A_934, %gather3A_935, %gather3A_936] : memref<4x32x128xf32, #tpu.memory_space<vmem>> -> memref<1x32x128xf32, #tpu.memory_space<vmem>>
      %gather3A_938 = tpu.memref_squeeze %gather3A_937 : memref<1x32x128xf32, #tpu.memory_space<vmem>> -> memref<32x128xf32, #tpu.memory_space<vmem>>
      %gather3A_939 = tpu.vector_load_idx %gather3A_938[%add3A_927, %mul3A_924] : memref<32x128xf32, #tpu.memory_space<vmem>>[vector<16xi32>, vector<16xi32>], vector<16xf32>,
      tpu.vector_store_idx %arg15[%add3A_927, %mul3A_908], %gather3A_933 : memref<32x512xf32, #tpu.memory_space<vmem>>[vector<16xi32>, vector<16xi32>], vector<16xf32>,
      tpu.vector_store_idx %arg16[%add3A_927, %mul3A_908], %gather3A_939 : memref<32x512xf32, #tpu.memory_space<vmem>>[vector<16xi32>, vector<16xi32>], vector<16xf32>,
      %add3A_940 = arith.constant 16 : i32
      %add3A_941 = vector.broadcast %add3A_940 : i32 to vector<16xi32>
      %add3A_942 = arith.addi %iota3A, %add3A_941 : vector<16xi32>
      %gather3A_943 = arith.constant 2 : i32
      %gather3A_944 = arith.constant 0 : i32
      %gather3A_945 = arith.constant 0 : i32
      %gather3A_946 = tpu.memref_slice %arg13[%gather3A_943, %gather3A_944, %gather3A_945] : memref<4x32x128xf32, #tpu.memory_space<vmem>> -> memref<1x32x128xf32, #tpu.memory_space<vmem>>
      %gather3A_947 = tpu.memref_squeeze %gather3A_946 : memref<1x32x128xf32, #tpu.memory_space<vmem>> -> memref<32x128xf32, #tpu.memory_space<vmem>>
      %gather3A_948 = tpu.vector_load_idx %gather3A_947[%add3A_942, %mul3A_916] : memref<32x128xf32, #tpu.memory_space<vmem>>[vector<16xi32>, vector<16xi32>], vector<16xf32>,
      %gather3A_949 = arith.constant 2 : i32
      %gather3A_950 = arith.constant 0 : i32
      %gather3A_951 = arith.constant 0 : i32
      %gather3A_952 = tpu.memref_slice %arg14[%gather3A_949, %gather3A_950, %gather3A_951] : memref<4x32x128xf32, #tpu.memory_space<vmem>> -> memref<1x32x128xf32, #tpu.memory_space<vmem>>
      %gather3A_953 = tpu.memref_squeeze %gather3A_952 : memref<1x32x128xf32, #tpu.memory_space<vmem>> -> memref<32x128xf32, #tpu.memory_space<vmem>>
      %gather3A_954 = tpu.vector_load_idx %gather3A_953[%add3A_942, %mul3A_924] : memref<32x128xf32, #tpu.memory_space<vmem>>[vector<16xi32>, vector<16xi32>], vector<16xf32>,
      tpu.vector_store_idx %arg15[%add3A_942, %mul3A_908], %gather3A_948 : memref<32x512xf32, #tpu.memory_space<vmem>>[vector<16xi32>, vector<16xi32>], vector<16xf32>,
      tpu.vector_store_idx %arg16[%add3A_942, %mul3A_908], %gather3A_954 : memref<32x512xf32, #tpu.memory_space<vmem>>[vector<16xi32>, vector<16xi32>], vector<16xf32>,
      %broadcast_in_dim3A_955 = arith.constant 1 : i32
      %broadcast_in_dim3A_956 = vector.broadcast %broadcast_in_dim3A_955 : i32 to vector<16xi32>
      %add3A_957 = arith.constant 3 : i32
      %add3A_958 = arith.addi %select_n3A, %add3A_957 : i32
      %mul3A_959 = vector.broadcast %add3A_958 : i32 to vector<16xi32>
      %mul3A_960 = arith.muli %broadcast_in_dim3A_956, %mul3A_959 : vector<16xi32>
      %broadcast_in_dim3A_961 = arith.constant 1 : i32
      %broadcast_in_dim3A_962 = vector.broadcast %broadcast_in_dim3A_961 : i32 to vector<16xi32>
      %slice3A_963 = vector.extract_strided_slice %scan3A_509 {offsets = [15], sizes = [1], strides = [1]} : vector<16xi32> to vector<1xi32>
      %squeeze3A_964 = vector.extract %slice3A_963[0] : i32 from vector<1xi32>
      %and3A_965 = arith.constant 127 : i32
      %and3A_966 = arith.andi %squeeze3A_964, %and3A_965 : i32
      %mul3A_967 = vector.broadcast %and3A_966 : i32 to vector<16xi32>
      %mul3A_968 = arith.muli %broadcast_in_dim3A_962, %mul3A_967 : vector<16xi32>
      %broadcast_in_dim3A_969 = arith.constant 1 : i32
      %broadcast_in_dim3A_970 = vector.broadcast %broadcast_in_dim3A_969 : i32 to vector<16xi32>
      %slice3A_971 = vector.extract_strided_slice %scan3A_510 {offsets = [15], sizes = [1], strides = [1]} : vector<16xi32> to vector<1xi32>
      %squeeze3A_972 = vector.extract %slice3A_971[0] : i32 from vector<1xi32>
      %and3A_973 = arith.constant 127 : i32
      %and3A_974 = arith.andi %squeeze3A_972, %and3A_973 : i32
      %mul3A_975 = vector.broadcast %and3A_974 : i32 to vector<16xi32>
      %mul3A_976 = arith.muli %broadcast_in_dim3A_970, %mul3A_975 : vector<16xi32>
      %add3A_977 = arith.constant 0 : i32
      %add3A_978 = vector.broadcast %add3A_977 : i32 to vector<16xi32>
      %add3A_979 = arith.addi %iota3A, %add3A_978 : vector<16xi32>
      %gather3A_980 = arith.constant 3 : i32
      %gather3A_981 = arith.constant 0 : i32
      %gather3A_982 = arith.constant 0 : i32
      %gather3A_983 = tpu.memref_slice %arg13[%gather3A_980, %gather3A_981, %gather3A_982] : memref<4x32x128xf32, #tpu.memory_space<vmem>> -> memref<1x32x128xf32, #tpu.memory_space<vmem>>
      %gather3A_984 = tpu.memref_squeeze %gather3A_983 : memref<1x32x128xf32, #tpu.memory_space<vmem>> -> memref<32x128xf32, #tpu.memory_space<vmem>>
      %gather3A_985 = tpu.vector_load_idx %gather3A_984[%add3A_979, %mul3A_968] : memref<32x128xf32, #tpu.memory_space<vmem>>[vector<16xi32>, vector<16xi32>], vector<16xf32>,
      %gather3A_986 = arith.constant 3 : i32
      %gather3A_987 = arith.constant 0 : i32
      %gather3A_988 = arith.constant 0 : i32
      %gather3A_989 = tpu.memref_slice %arg14[%gather3A_986, %gather3A_987, %gather3A_988] : memref<4x32x128xf32, #tpu.memory_space<vmem>> -> memref<1x32x128xf32, #tpu.memory_space<vmem>>
      %gather3A_990 = tpu.memref_squeeze %gather3A_989 : memref<1x32x128xf32, #tpu.memory_space<vmem>> -> memref<32x128xf32, #tpu.memory_space<vmem>>
      %gather3A_991 = tpu.vector_load_idx %gather3A_990[%add3A_979, %mul3A_976] : memref<32x128xf32, #tpu.memory_space<vmem>>[vector<16xi32>, vector<16xi32>], vector<16xf32>,
      tpu.vector_store_idx %arg15[%add3A_979, %mul3A_960], %gather3A_985 : memref<32x512xf32, #tpu.memory_space<vmem>>[vector<16xi32>, vector<16xi32>], vector<16xf32>,
      tpu.vector_store_idx %arg16[%add3A_979, %mul3A_960], %gather3A_991 : memref<32x512xf32, #tpu.memory_space<vmem>>[vector<16xi32>, vector<16xi32>], vector<16xf32>,
      %add3A_992 = arith.constant 16 : i32
      %add3A_993 = vector.broadcast %add3A_992 : i32 to vector<16xi32>
      %add3A_994 = arith.addi %iota3A, %add3A_993 : vector<16xi32>
      %gather3A_995 = arith.constant 3 : i32
      %gather3A_996 = arith.constant 0 : i32
      %gather3A_997 = arith.constant 0 : i32
      %gather3A_998 = tpu.memref_slice %arg13[%gather3A_995, %gather3A_996, %gather3A_997] : memref<4x32x128xf32, #tpu.memory_space<vmem>> -> memref<1x32x128xf32, #tpu.memory_space<vmem>>
      %gather3A_999 = tpu.memref_squeeze %gather3A_998 : memref<1x32x128xf32, #tpu.memory_space<vmem>> -> memref<32x128xf32, #tpu.memory_space<vmem>>
      %gather3A_1000 = tpu.vector_load_idx %gather3A_999[%add3A_994, %mul3A_968] : memref<32x128xf32, #tpu.memory_space<vmem>>[vector<16xi32>, vector<16xi32>], vector<16xf32>,
      %gather3A_1001 = arith.constant 3 : i32
      %gather3A_1002 = arith.constant 0 : i32
      %gather3A_1003 = arith.constant 0 : i32
      %gather3A_1004 = tpu.memref_slice %arg14[%gather3A_1001, %gather3A_1002, %gather3A_1003] : memref<4x32x128xf32, #tpu.memory_space<vmem>> -> memref<1x32x128xf32, #tpu.memory_space<vmem>>
      %gather3A_1005 = tpu.memref_squeeze %gather3A_1004 : memref<1x32x128xf32, #tpu.memory_space<vmem>> -> memref<32x128xf32, #tpu.memory_space<vmem>>
      %gather3A_1006 = tpu.vector_load_idx %gather3A_1005[%add3A_994, %mul3A_976] : memref<32x128xf32, #tpu.memory_space<vmem>>[vector<16xi32>, vector<16xi32>], vector<16xf32>,
      tpu.vector_store_idx %arg15[%add3A_994, %mul3A_960], %gather3A_1000 : memref<32x512xf32, #tpu.memory_space<vmem>>[vector<16xi32>, vector<16xi32>], vector<16xf32>,
      tpu.vector_store_idx %arg16[%add3A_994, %mul3A_960], %gather3A_1006 : memref<32x512xf32, #tpu.memory_space<vmem>>[vector<16xi32>, vector<16xi32>], vector<16xf32>,
      %slice3A_1007 = vector.extract_strided_slice %get3A_514 {offsets = [4], sizes = [1], strides = [1]} : vector<16xi32> to vector<1xi32>
      %squeeze3A_1008 = vector.extract %slice3A_1007[0] : i32 from vector<1xi32>
      %shift_right_logical3A_1009 = arith.constant 7 : i32
      %shift_right_logical3A_1010 = arith.shrui %squeeze3A_1008, %shift_right_logical3A_1009 : i32
      %mul3A_1011 = arith.constant 128 : i32
      %mul3A_1012 = arith.muli %shift_right_logical3A_1010, %mul3A_1011 : i32
      %multiple_of3A_1013 = tpu.assume_multiple %mul3A_1012, 128 : i32
      %slice3A_1014 = vector.extract_strided_slice %get3A_516 {offsets = [4], sizes = [1], strides = [1]} : vector<16xi32> to vector<1xi32>
      %squeeze3A_1015 = vector.extract %slice3A_1014[0] : i32 from vector<1xi32>
      %shift_right_logical3A_1016 = arith.constant 7 : i32
      %shift_right_logical3A_1017 = arith.shrui %squeeze3A_1015, %shift_right_logical3A_1016 : i32
      %mul3A_1018 = arith.constant 128 : i32
      %mul3A_1019 = arith.muli %shift_right_logical3A_1017, %mul3A_1018 : i32
      %multiple_of3A_1020 = tpu.assume_multiple %mul3A_1019, 128 : i32
      %dma_start3A_1021 = arith.constant 0 : i32
      %dma_start3A_1022 = arith.constant 0 : i32
      %dma_start3A_1023 = arith.constant 0 : i32
      %dma_start3A_1024 = tpu.memref_slice %arg13[%dma_start3A_1021, %dma_start3A_1022, %dma_start3A_1023] : memref<4x32x128xf32, #tpu.memory_space<vmem>> -> memref<1x32x128xf32, #tpu.memory_space<vmem>>
      %dma_start3A_1025 = tpu.memref_squeeze %dma_start3A_1024 : memref<1x32x128xf32, #tpu.memory_space<vmem>> -> memref<32x128xf32, #tpu.memory_space<vmem>>
      %dma_start3A_1026 = arith.constant 0 : i32
      %dma_start3A_1027 = tpu.memref_slice %arg4[%dma_start3A_1026, %multiple_of3A_1013] : memref<32x1000000xf32, #tpu.memory_space<hbm>> -> memref<32x128xf32, #tpu.memory_space<hbm>>
      %dma_start3A_1028 = arith.constant 0 : i32
      %dma_start3A_1029 = arith.constant 0 : i32
      %dma_start3A_1030 = tpu.memref_slice %arg13[%dma_start3A_1021, %dma_start3A_1028, %dma_start3A_1029] : memref<4x32x128xf32, #tpu.memory_space<vmem>> -> memref<1x32x128xf32, #tpu.memory_space<vmem>>
      %dma_start3A_1031 = tpu.memref_squeeze %dma_start3A_1030 : memref<1x32x128xf32, #tpu.memory_space<vmem>> -> memref<32x128xf32, #tpu.memory_space<vmem>>
      %dma_start3A_1032 = arith.constant 0 : i32
      %dma_start3A_1033 = tpu.memref_slice %arg4[%dma_start3A_1032, %multiple_of3A_1013] : memref<32x1000000xf32, #tpu.memory_space<hbm>> -> memref<32x128xf32, #tpu.memory_space<hbm>>
      tpu.enqueue_dma source(%dma_start3A_1033 : memref<32x128xf32, #tpu.memory_space<hbm>>) target(%dma_start3A_1031 : memref<32x128xf32, #tpu.memory_space<vmem>>) target_semaphore(%arg19 : memref<!tpu.dma_semaphore, #tpu.memory_space<semaphore_mem>>)
      %dma_start3A_1034 = arith.constant 0 : i32
      %dma_start3A_1035 = arith.constant 0 : i32
      %dma_start3A_1036 = arith.constant 0 : i32
      %dma_start3A_1037 = tpu.memref_slice %arg14[%dma_start3A_1034, %dma_start3A_1035, %dma_start3A_1036] : memref<4x32x128xf32, #tpu.memory_space<vmem>> -> memref<1x32x128xf32, #tpu.memory_space<vmem>>
      %dma_start3A_1038 = tpu.memref_squeeze %dma_start3A_1037 : memref<1x32x128xf32, #tpu.memory_space<vmem>> -> memref<32x128xf32, #tpu.memory_space<vmem>>
      %dma_start3A_1039 = arith.constant 0 : i32
      %dma_start3A_1040 = tpu.memref_slice %arg5[%dma_start3A_1039, %multiple_of3A_1020] : memref<32x1000000xf32, #tpu.memory_space<hbm>> -> memref<32x128xf32, #tpu.memory_space<hbm>>
      %dma_start3A_1041 = arith.constant 0 : i32
      %dma_start3A_1042 = arith.constant 0 : i32
      %dma_start3A_1043 = tpu.memref_slice %arg14[%dma_start3A_1034, %dma_start3A_1041, %dma_start3A_1042] : memref<4x32x128xf32, #tpu.memory_space<vmem>> -> memref<1x32x128xf32, #tpu.memory_space<vmem>>
      %dma_start3A_1044 = tpu.memref_squeeze %dma_start3A_1043 : memref<1x32x128xf32, #tpu.memory_space<vmem>> -> memref<32x128xf32, #tpu.memory_space<vmem>>
      %dma_start3A_1045 = arith.constant 0 : i32
      %dma_start3A_1046 = tpu.memref_slice %arg5[%dma_start3A_1045, %multiple_of3A_1020] : memref<32x1000000xf32, #tpu.memory_space<hbm>> -> memref<32x128xf32, #tpu.memory_space<hbm>>
      tpu.enqueue_dma source(%dma_start3A_1046 : memref<32x128xf32, #tpu.memory_space<hbm>>) target(%dma_start3A_1044 : memref<32x128xf32, #tpu.memory_space<vmem>>) target_semaphore(%arg19 : memref<!tpu.dma_semaphore, #tpu.memory_space<semaphore_mem>>)
      %slice3A_1047 = vector.extract_strided_slice %get3A_514 {offsets = [5], sizes = [1], strides = [1]} : vector<16xi32> to vector<1xi32>
      %squeeze3A_1048 = vector.extract %slice3A_1047[0] : i32 from vector<1xi32>
      %shift_right_logical3A_1049 = arith.constant 7 : i32
      %shift_right_logical3A_1050 = arith.shrui %squeeze3A_1048, %shift_right_logical3A_1049 : i32
      %mul3A_1051 = arith.constant 128 : i32
      %mul3A_1052 = arith.muli %shift_right_logical3A_1050, %mul3A_1051 : i32
      %multiple_of3A_1053 = tpu.assume_multiple %mul3A_1052, 128 : i32
      %slice3A_1054 = vector.extract_strided_slice %get3A_516 {offsets = [5], sizes = [1], strides = [1]} : vector<16xi32> to vector<1xi32>
      %squeeze3A_1055 = vector.extract %slice3A_1054[0] : i32 from vector<1xi32>
      %shift_right_logical3A_1056 = arith.constant 7 : i32
      %shift_right_logical3A_1057 = arith.shrui %squeeze3A_1055, %shift_right_logical3A_1056 : i32
      %mul3A_1058 = arith.constant 128 : i32
      %mul3A_1059 = arith.muli %shift_right_logical3A_1057, %mul3A_1058 : i32
      %multiple_of3A_1060 = tpu.assume_multiple %mul3A_1059, 128 : i32
      %dma_start3A_1061 = arith.constant 1 : i32
      %dma_start3A_1062 = arith.constant 0 : i32
      %dma_start3A_1063 = arith.constant 0 : i32
      %dma_start3A_1064 = tpu.memref_slice %arg13[%dma_start3A_1061, %dma_start3A_1062, %dma_start3A_1063] : memref<4x32x128xf32, #tpu.memory_space<vmem>> -> memref<1x32x128xf32, #tpu.memory_space<vmem>>
      %dma_start3A_1065 = tpu.memref_squeeze %dma_start3A_1064 : memref<1x32x128xf32, #tpu.memory_space<vmem>> -> memref<32x128xf32, #tpu.memory_space<vmem>>
      %dma_start3A_1066 = arith.constant 0 : i32
      %dma_start3A_1067 = tpu.memref_slice %arg4[%dma_start3A_1066, %multiple_of3A_1053] : memref<32x1000000xf32, #tpu.memory_space<hbm>> -> memref<32x128xf32, #tpu.memory_space<hbm>>
      %dma_start3A_1068 = arith.constant 0 : i32
      %dma_start3A_1069 = arith.constant 0 : i32
      %dma_start3A_1070 = tpu.memref_slice %arg13[%dma_start3A_1061, %dma_start3A_1068, %dma_start3A_1069] : memref<4x32x128xf32, #tpu.memory_space<vmem>> -> memref<1x32x128xf32, #tpu.memory_space<vmem>>
      %dma_start3A_1071 = tpu.memref_squeeze %dma_start3A_1070 : memref<1x32x128xf32, #tpu.memory_space<vmem>> -> memref<32x128xf32, #tpu.memory_space<vmem>>
      %dma_start3A_1072 = arith.constant 0 : i32
      %dma_start3A_1073 = tpu.memref_slice %arg4[%dma_start3A_1072, %multiple_of3A_1053] : memref<32x1000000xf32, #tpu.memory_space<hbm>> -> memref<32x128xf32, #tpu.memory_space<hbm>>
      tpu.enqueue_dma source(%dma_start3A_1073 : memref<32x128xf32, #tpu.memory_space<hbm>>) target(%dma_start3A_1071 : memref<32x128xf32, #tpu.memory_space<vmem>>) target_semaphore(%arg19 : memref<!tpu.dma_semaphore, #tpu.memory_space<semaphore_mem>>)
      %dma_start3A_1074 = arith.constant 1 : i32
      %dma_start3A_1075 = arith.constant 0 : i32
      %dma_start3A_1076 = arith.constant 0 : i32
      %dma_start3A_1077 = tpu.memref_slice %arg14[%dma_start3A_1074, %dma_start3A_1075, %dma_start3A_1076] : memref<4x32x128xf32, #tpu.memory_space<vmem>> -> memref<1x32x128xf32, #tpu.memory_space<vmem>>
      %dma_start3A_1078 = tpu.memref_squeeze %dma_start3A_1077 : memref<1x32x128xf32, #tpu.memory_space<vmem>> -> memref<32x128xf32, #tpu.memory_space<vmem>>
      %dma_start3A_1079 = arith.constant 0 : i32
      %dma_start3A_1080 = tpu.memref_slice %arg5[%dma_start3A_1079, %multiple_of3A_1060] : memref<32x1000000xf32, #tpu.memory_space<hbm>> -> memref<32x128xf32, #tpu.memory_space<hbm>>
      %dma_start3A_1081 = arith.constant 0 : i32
      %dma_start3A_1082 = arith.constant 0 : i32
      %dma_start3A_1083 = tpu.memref_slice %arg14[%dma_start3A_1074, %dma_start3A_1081, %dma_start3A_1082] : memref<4x32x128xf32, #tpu.memory_space<vmem>> -> memref<1x32x128xf32, #tpu.memory_space<vmem>>
      %dma_start3A_1084 = tpu.memref_squeeze %dma_start3A_1083 : memref<1x32x128xf32, #tpu.memory_space<vmem>> -> memref<32x128xf32, #tpu.memory_space<vmem>>
      %dma_start3A_1085 = arith.constant 0 : i32
      %dma_start3A_1086 = tpu.memref_slice %arg5[%dma_start3A_1085, %multiple_of3A_1060] : memref<32x1000000xf32, #tpu.memory_space<hbm>> -> memref<32x128xf32, #tpu.memory_space<hbm>>
      tpu.enqueue_dma source(%dma_start3A_1086 : memref<32x128xf32, #tpu.memory_space<hbm>>) target(%dma_start3A_1084 : memref<32x128xf32, #tpu.memory_space<vmem>>) target_semaphore(%arg19 : memref<!tpu.dma_semaphore, #tpu.memory_space<semaphore_mem>>)
      %slice3A_1087 = vector.extract_strided_slice %get3A_514 {offsets = [6], sizes = [1], strides = [1]} : vector<16xi32> to vector<1xi32>
      %squeeze3A_1088 = vector.extract %slice3A_1087[0] : i32 from vector<1xi32>
      %shift_right_logical3A_1089 = arith.constant 7 : i32
      %shift_right_logical3A_1090 = arith.shrui %squeeze3A_1088, %shift_right_logical3A_1089 : i32
      %mul3A_1091 = arith.constant 128 : i32
      %mul3A_1092 = arith.muli %shift_right_logical3A_1090, %mul3A_1091 : i32
      %multiple_of3A_1093 = tpu.assume_multiple %mul3A_1092, 128 : i32
      %slice3A_1094 = vector.extract_strided_slice %get3A_516 {offsets = [6], sizes = [1], strides = [1]} : vector<16xi32> to vector<1xi32>
      %squeeze3A_1095 = vector.extract %slice3A_1094[0] : i32 from vector<1xi32>
      %shift_right_logical3A_1096 = arith.constant 7 : i32
      %shift_right_logical3A_1097 = arith.shrui %squeeze3A_1095, %shift_right_logical3A_1096 : i32
      %mul3A_1098 = arith.constant 128 : i32
      %mul3A_1099 = arith.muli %shift_right_logical3A_1097, %mul3A_1098 : i32
      %multiple_of3A_1100 = tpu.assume_multiple %mul3A_1099, 128 : i32
      %dma_start3A_1101 = arith.constant 2 : i32
      %dma_start3A_1102 = arith.constant 0 : i32
      %dma_start3A_1103 = arith.constant 0 : i32
      %dma_start3A_1104 = tpu.memref_slice %arg13[%dma_start3A_1101, %dma_start3A_1102, %dma_start3A_1103] : memref<4x32x128xf32, #tpu.memory_space<vmem>> -> memref<1x32x128xf32, #tpu.memory_space<vmem>>
      %dma_start3A_1105 = tpu.memref_squeeze %dma_start3A_1104 : memref<1x32x128xf32, #tpu.memory_space<vmem>> -> memref<32x128xf32, #tpu.memory_space<vmem>>
      %dma_start3A_1106 = arith.constant 0 : i32
      %dma_start3A_1107 = tpu.memref_slice %arg4[%dma_start3A_1106, %multiple_of3A_1093] : memref<32x1000000xf32, #tpu.memory_space<hbm>> -> memref<32x128xf32, #tpu.memory_space<hbm>>
      %dma_start3A_1108 = arith.constant 0 : i32
      %dma_start3A_1109 = arith.constant 0 : i32
      %dma_start3A_1110 = tpu.memref_slice %arg13[%dma_start3A_1101, %dma_start3A_1108, %dma_start3A_1109] : memref<4x32x128xf32, #tpu.memory_space<vmem>> -> memref<1x32x128xf32, #tpu.memory_space<vmem>>
      %dma_start3A_1111 = tpu.memref_squeeze %dma_start3A_1110 : memref<1x32x128xf32, #tpu.memory_space<vmem>> -> memref<32x128xf32, #tpu.memory_space<vmem>>
      %dma_start3A_1112 = arith.constant 0 : i32
      %dma_start3A_1113 = tpu.memref_slice %arg4[%dma_start3A_1112, %multiple_of3A_1093] : memref<32x1000000xf32, #tpu.memory_space<hbm>> -> memref<32x128xf32, #tpu.memory_space<hbm>>
      tpu.enqueue_dma source(%dma_start3A_1113 : memref<32x128xf32, #tpu.memory_space<hbm>>) target(%dma_start3A_1111 : memref<32x128xf32, #tpu.memory_space<vmem>>) target_semaphore(%arg19 : memref<!tpu.dma_semaphore, #tpu.memory_space<semaphore_mem>>)
      %dma_start3A_1114 = arith.constant 2 : i32
      %dma_start3A_1115 = arith.constant 0 : i32
      %dma_start3A_1116 = arith.constant 0 : i32
      %dma_start3A_1117 = tpu.memref_slice %arg14[%dma_start3A_1114, %dma_start3A_1115, %dma_start3A_1116] : memref<4x32x128xf32, #tpu.memory_space<vmem>> -> memref<1x32x128xf32, #tpu.memory_space<vmem>>
      %dma_start3A_1118 = tpu.memref_squeeze %dma_start3A_1117 : memref<1x32x128xf32, #tpu.memory_space<vmem>> -> memref<32x128xf32, #tpu.memory_space<vmem>>
      %dma_start3A_1119 = arith.constant 0 : i32
      %dma_start3A_1120 = tpu.memref_slice %arg5[%dma_start3A_1119, %multiple_of3A_1100] : memref<32x1000000xf32, #tpu.memory_space<hbm>> -> memref<32x128xf32, #tpu.memory_space<hbm>>
      %dma_start3A_1121 = arith.constant 0 : i32
      %dma_start3A_1122 = arith.constant 0 : i32
      %dma_start3A_1123 = tpu.memref_slice %arg14[%dma_start3A_1114, %dma_start3A_1121, %dma_start3A_1122] : memref<4x32x128xf32, #tpu.memory_space<vmem>> -> memref<1x32x128xf32, #tpu.memory_space<vmem>>
      %dma_start3A_1124 = tpu.memref_squeeze %dma_start3A_1123 : memref<1x32x128xf32, #tpu.memory_space<vmem>> -> memref<32x128xf32, #tpu.memory_space<vmem>>
      %dma_start3A_1125 = arith.constant 0 : i32
      %dma_start3A_1126 = tpu.memref_slice %arg5[%dma_start3A_1125, %multiple_of3A_1100] : memref<32x1000000xf32, #tpu.memory_space<hbm>> -> memref<32x128xf32, #tpu.memory_space<hbm>>
      tpu.enqueue_dma source(%dma_start3A_1126 : memref<32x128xf32, #tpu.memory_space<hbm>>) target(%dma_start3A_1124 : memref<32x128xf32, #tpu.memory_space<vmem>>) target_semaphore(%arg19 : memref<!tpu.dma_semaphore, #tpu.memory_space<semaphore_mem>>)
      %slice3A_1127 = vector.extract_strided_slice %get3A_514 {offsets = [7], sizes = [1], strides = [1]} : vector<16xi32> to vector<1xi32>
      %squeeze3A_1128 = vector.extract %slice3A_1127[0] : i32 from vector<1xi32>
      %shift_right_logical3A_1129 = arith.constant 7 : i32
      %shift_right_logical3A_1130 = arith.shrui %squeeze3A_1128, %shift_right_logical3A_1129 : i32
      %mul3A_1131 = arith.constant 128 : i32
      %mul3A_1132 = arith.muli %shift_right_logical3A_1130, %mul3A_1131 : i32
      %multiple_of3A_1133 = tpu.assume_multiple %mul3A_1132, 128 : i32
      %slice3A_1134 = vector.extract_strided_slice %get3A_516 {offsets = [7], sizes = [1], strides = [1]} : vector<16xi32> to vector<1xi32>
      %squeeze3A_1135 = vector.extract %slice3A_1134[0] : i32 from vector<1xi32>
      %shift_right_logical3A_1136 = arith.constant 7 : i32
      %shift_right_logical3A_1137 = arith.shrui %squeeze3A_1135, %shift_right_logical3A_1136 : i32
      %mul3A_1138 = arith.constant 128 : i32
      %mul3A_1139 = arith.muli %shift_right_logical3A_1137, %mul3A_1138 : i32
      %multiple_of3A_1140 = tpu.assume_multiple %mul3A_1139, 128 : i32
      %dma_start3A_1141 = arith.constant 3 : i32
      %dma_start3A_1142 = arith.constant 0 : i32
      %dma_start3A_1143 = arith.constant 0 : i32
      %dma_start3A_1144 = tpu.memref_slice %arg13[%dma_start3A_1141, %dma_start3A_1142, %dma_start3A_1143] : memref<4x32x128xf32, #tpu.memory_space<vmem>> -> memref<1x32x128xf32, #tpu.memory_space<vmem>>
      %dma_start3A_1145 = tpu.memref_squeeze %dma_start3A_1144 : memref<1x32x128xf32, #tpu.memory_space<vmem>> -> memref<32x128xf32, #tpu.memory_space<vmem>>
      %dma_start3A_1146 = arith.constant 0 : i32
      %dma_start3A_1147 = tpu.memref_slice %arg4[%dma_start3A_1146, %multiple_of3A_1133] : memref<32x1000000xf32, #tpu.memory_space<hbm>> -> memref<32x128xf32, #tpu.memory_space<hbm>>
      %dma_start3A_1148 = arith.constant 0 : i32
      %dma_start3A_1149 = arith.constant 0 : i32
      %dma_start3A_1150 = tpu.memref_slice %arg13[%dma_start3A_1141, %dma_start3A_1148, %dma_start3A_1149] : memref<4x32x128xf32, #tpu.memory_space<vmem>> -> memref<1x32x128xf32, #tpu.memory_space<vmem>>
      %dma_start3A_1151 = tpu.memref_squeeze %dma_start3A_1150 : memref<1x32x128xf32, #tpu.memory_space<vmem>> -> memref<32x128xf32, #tpu.memory_space<vmem>>
      %dma_start3A_1152 = arith.constant 0 : i32
      %dma_start3A_1153 = tpu.memref_slice %arg4[%dma_start3A_1152, %multiple_of3A_1133] : memref<32x1000000xf32, #tpu.memory_space<hbm>> -> memref<32x128xf32, #tpu.memory_space<hbm>>
      tpu.enqueue_dma source(%dma_start3A_1153 : memref<32x128xf32, #tpu.memory_space<hbm>>) target(%dma_start3A_1151 : memref<32x128xf32, #tpu.memory_space<vmem>>) target_semaphore(%arg19 : memref<!tpu.dma_semaphore, #tpu.memory_space<semaphore_mem>>)
      %dma_start3A_1154 = arith.constant 3 : i32
      %dma_start3A_1155 = arith.constant 0 : i32
      %dma_start3A_1156 = arith.constant 0 : i32
      %dma_start3A_1157 = tpu.memref_slice %arg14[%dma_start3A_1154, %dma_start3A_1155, %dma_start3A_1156] : memref<4x32x128xf32, #tpu.memory_space<vmem>> -> memref<1x32x128xf32, #tpu.memory_space<vmem>>
      %dma_start3A_1158 = tpu.memref_squeeze %dma_start3A_1157 : memref<1x32x128xf32, #tpu.memory_space<vmem>> -> memref<32x128xf32, #tpu.memory_space<vmem>>
      %dma_start3A_1159 = arith.constant 0 : i32
      %dma_start3A_1160 = tpu.memref_slice %arg5[%dma_start3A_1159, %multiple_of3A_1140] : memref<32x1000000xf32, #tpu.memory_space<hbm>> -> memref<32x128xf32, #tpu.memory_space<hbm>>
      %dma_start3A_1161 = arith.constant 0 : i32
      %dma_start3A_1162 = arith.constant 0 : i32
      %dma_start3A_1163 = tpu.memref_slice %arg14[%dma_start3A_1154, %dma_start3A_1161, %dma_start3A_1162] : memref<4x32x128xf32, #tpu.memory_space<vmem>> -> memref<1x32x128xf32, #tpu.memory_space<vmem>>
      %dma_start3A_1164 = tpu.memref_squeeze %dma_start3A_1163 : memref<1x32x128xf32, #tpu.memory_space<vmem>> -> memref<32x128xf32, #tpu.memory_space<vmem>>
      %dma_start3A_1165 = arith.constant 0 : i32
      %dma_start3A_1166 = tpu.memref_slice %arg5[%dma_start3A_1165, %multiple_of3A_1140] : memref<32x1000000xf32, #tpu.memory_space<hbm>> -> memref<32x128xf32, #tpu.memory_space<hbm>>
      tpu.enqueue_dma source(%dma_start3A_1166 : memref<32x128xf32, #tpu.memory_space<hbm>>) target(%dma_start3A_1164 : memref<32x128xf32, #tpu.memory_space<vmem>>) target_semaphore(%arg19 : memref<!tpu.dma_semaphore, #tpu.memory_space<semaphore_mem>>)
      %dma_wait3A_1167 = arith.constant 0 : i32
      %dma_wait3A_1168 = arith.constant 0 : i32
      %dma_wait3A_1169 = arith.constant 0 : i32
      %dma_wait3A_1170 = tpu.memref_slice %arg11[%dma_wait3A_1167, %dma_wait3A_1168, %dma_wait3A_1169] : memref<4x32x128xf32, #tpu.memory_space<vmem>> -> memref<1x32x128xf32, #tpu.memory_space<vmem>>
      %dma_wait3A_1171 = tpu.memref_squeeze %dma_wait3A_1170 : memref<1x32x128xf32, #tpu.memory_space<vmem>> -> memref<32x128xf32, #tpu.memory_space<vmem>>
      %dma_wait3A_1172 = arith.constant 0 : i32
      %dma_wait3A_1173 = arith.constant 0 : i32
      %dma_wait3A_1174 = tpu.memref_slice %arg4[%dma_wait3A_1172, %dma_wait3A_1173] : memref<32x1000000xf32, #tpu.memory_space<hbm>> -> memref<32x128xf32, #tpu.memory_space<hbm>>
      %dma_wait3A_1175 = arith.constant 0 : i32
      %dma_wait3A_1176 = arith.constant 0 : i32
      %dma_wait3A_1177 = tpu.memref_slice %arg11[%dma_wait3A_1167, %dma_wait3A_1175, %dma_wait3A_1176] : memref<4x32x128xf32, #tpu.memory_space<vmem>> -> memref<1x32x128xf32, #tpu.memory_space<vmem>>
      %dma_wait3A_1178 = tpu.memref_squeeze %dma_wait3A_1177 : memref<1x32x128xf32, #tpu.memory_space<vmem>> -> memref<32x128xf32, #tpu.memory_space<vmem>>
      %dma_wait3A_1179 = arith.constant 0 : i32
      %dma_wait3A_1180 = arith.constant 0 : i32
      %dma_wait3A_1181 = tpu.memref_slice %arg4[%dma_wait3A_1179, %dma_wait3A_1180] : memref<32x1000000xf32, #tpu.memory_space<hbm>> -> memref<32x128xf32, #tpu.memory_space<hbm>>
      tpu.wait_dma2 semaphore(%arg18 : memref<!tpu.dma_semaphore, #tpu.memory_space<semaphore_mem>>) src(%dma_wait3A_1181 : memref<32x128xf32, #tpu.memory_space<hbm>>) dst(%dma_wait3A_1178 : memref<32x128xf32, #tpu.memory_space<vmem>>)
      %dma_wait3A_1182 = arith.constant 0 : i32
      %dma_wait3A_1183 = arith.constant 0 : i32
      %dma_wait3A_1184 = arith.constant 0 : i32
      %dma_wait3A_1185 = tpu.memref_slice %arg12[%dma_wait3A_1182, %dma_wait3A_1183, %dma_wait3A_1184] : memref<4x32x128xf32, #tpu.memory_space<vmem>> -> memref<1x32x128xf32, #tpu.memory_space<vmem>>
      %dma_wait3A_1186 = tpu.memref_squeeze %dma_wait3A_1185 : memref<1x32x128xf32, #tpu.memory_space<vmem>> -> memref<32x128xf32, #tpu.memory_space<vmem>>
      %dma_wait3A_1187 = arith.constant 0 : i32
      %dma_wait3A_1188 = arith.constant 0 : i32
      %dma_wait3A_1189 = tpu.memref_slice %arg4[%dma_wait3A_1187, %dma_wait3A_1188] : memref<32x1000000xf32, #tpu.memory_space<hbm>> -> memref<32x128xf32, #tpu.memory_space<hbm>>
      %dma_wait3A_1190 = arith.constant 0 : i32
      %dma_wait3A_1191 = arith.constant 0 : i32
      %dma_wait3A_1192 = tpu.memref_slice %arg12[%dma_wait3A_1182, %dma_wait3A_1190, %dma_wait3A_1191] : memref<4x32x128xf32, #tpu.memory_space<vmem>> -> memref<1x32x128xf32, #tpu.memory_space<vmem>>
      %dma_wait3A_1193 = tpu.memref_squeeze %dma_wait3A_1192 : memref<1x32x128xf32, #tpu.memory_space<vmem>> -> memref<32x128xf32, #tpu.memory_space<vmem>>
      %dma_wait3A_1194 = arith.constant 0 : i32
      %dma_wait3A_1195 = arith.constant 0 : i32
      %dma_wait3A_1196 = tpu.memref_slice %arg4[%dma_wait3A_1194, %dma_wait3A_1195] : memref<32x1000000xf32, #tpu.memory_space<hbm>> -> memref<32x128xf32, #tpu.memory_space<hbm>>
      tpu.wait_dma2 semaphore(%arg18 : memref<!tpu.dma_semaphore, #tpu.memory_space<semaphore_mem>>) src(%dma_wait3A_1196 : memref<32x128xf32, #tpu.memory_space<hbm>>) dst(%dma_wait3A_1193 : memref<32x128xf32, #tpu.memory_space<vmem>>)
      %dma_wait3A_1197 = arith.constant 1 : i32
      %dma_wait3A_1198 = arith.constant 0 : i32
      %dma_wait3A_1199 = arith.constant 0 : i32
      %dma_wait3A_1200 = tpu.memref_slice %arg11[%dma_wait3A_1197, %dma_wait3A_1198, %dma_wait3A_1199] : memref<4x32x128xf32, #tpu.memory_space<vmem>> -> memref<1x32x128xf32, #tpu.memory_space<vmem>>
      %dma_wait3A_1201 = tpu.memref_squeeze %dma_wait3A_1200 : memref<1x32x128xf32, #tpu.memory_space<vmem>> -> memref<32x128xf32, #tpu.memory_space<vmem>>
      %dma_wait3A_1202 = arith.constant 0 : i32
      %dma_wait3A_1203 = arith.constant 0 : i32
      %dma_wait3A_1204 = tpu.memref_slice %arg4[%dma_wait3A_1202, %dma_wait3A_1203] : memref<32x1000000xf32, #tpu.memory_space<hbm>> -> memref<32x128xf32, #tpu.memory_space<hbm>>
      %dma_wait3A_1205 = arith.constant 0 : i32
      %dma_wait3A_1206 = arith.constant 0 : i32
      %dma_wait3A_1207 = tpu.memref_slice %arg11[%dma_wait3A_1197, %dma_wait3A_1205, %dma_wait3A_1206] : memref<4x32x128xf32, #tpu.memory_space<vmem>> -> memref<1x32x128xf32, #tpu.memory_space<vmem>>
      %dma_wait3A_1208 = tpu.memref_squeeze %dma_wait3A_1207 : memref<1x32x128xf32, #tpu.memory_space<vmem>> -> memref<32x128xf32, #tpu.memory_space<vmem>>
      %dma_wait3A_1209 = arith.constant 0 : i32
      %dma_wait3A_1210 = arith.constant 0 : i32
      %dma_wait3A_1211 = tpu.memref_slice %arg4[%dma_wait3A_1209, %dma_wait3A_1210] : memref<32x1000000xf32, #tpu.memory_space<hbm>> -> memref<32x128xf32, #tpu.memory_space<hbm>>
      tpu.wait_dma2 semaphore(%arg18 : memref<!tpu.dma_semaphore, #tpu.memory_space<semaphore_mem>>) src(%dma_wait3A_1211 : memref<32x128xf32, #tpu.memory_space<hbm>>) dst(%dma_wait3A_1208 : memref<32x128xf32, #tpu.memory_space<vmem>>)
      %dma_wait3A_1212 = arith.constant 1 : i32
      %dma_wait3A_1213 = arith.constant 0 : i32
      %dma_wait3A_1214 = arith.constant 0 : i32
      %dma_wait3A_1215 = tpu.memref_slice %arg12[%dma_wait3A_1212, %dma_wait3A_1213, %dma_wait3A_1214] : memref<4x32x128xf32, #tpu.memory_space<vmem>> -> memref<1x32x128xf32, #tpu.memory_space<vmem>>
      %dma_wait3A_1216 = tpu.memref_squeeze %dma_wait3A_1215 : memref<1x32x128xf32, #tpu.memory_space<vmem>> -> memref<32x128xf32, #tpu.memory_space<vmem>>
      %dma_wait3A_1217 = arith.constant 0 : i32
      %dma_wait3A_1218 = arith.constant 0 : i32
      %dma_wait3A_1219 = tpu.memref_slice %arg4[%dma_wait3A_1217, %dma_wait3A_1218] : memref<32x1000000xf32, #tpu.memory_space<hbm>> -> memref<32x128xf32, #tpu.memory_space<hbm>>
      %dma_wait3A_1220 = arith.constant 0 : i32
      %dma_wait3A_1221 = arith.constant 0 : i32
      %dma_wait3A_1222 = tpu.memref_slice %arg12[%dma_wait3A_1212, %dma_wait3A_1220, %dma_wait3A_1221] : memref<4x32x128xf32, #tpu.memory_space<vmem>> -> memref<1x32x128xf32, #tpu.memory_space<vmem>>
      %dma_wait3A_1223 = tpu.memref_squeeze %dma_wait3A_1222 : memref<1x32x128xf32, #tpu.memory_space<vmem>> -> memref<32x128xf32, #tpu.memory_space<vmem>>
      %dma_wait3A_1224 = arith.constant 0 : i32
      %dma_wait3A_1225 = arith.constant 0 : i32
      %dma_wait3A_1226 = tpu.memref_slice %arg4[%dma_wait3A_1224, %dma_wait3A_1225] : memref<32x1000000xf32, #tpu.memory_space<hbm>> -> memref<32x128xf32, #tpu.memory_space<hbm>>
      tpu.wait_dma2 semaphore(%arg18 : memref<!tpu.dma_semaphore, #tpu.memory_space<semaphore_mem>>) src(%dma_wait3A_1226 : memref<32x128xf32, #tpu.memory_space<hbm>>) dst(%dma_wait3A_1223 : memref<32x128xf32, #tpu.memory_space<vmem>>)
      %dma_wait3A_1227 = arith.constant 2 : i32
      %dma_wait3A_1228 = arith.constant 0 : i32
      %dma_wait3A_1229 = arith.constant 0 : i32
      %dma_wait3A_1230 = tpu.memref_slice %arg11[%dma_wait3A_1227, %dma_wait3A_1228, %dma_wait3A_1229] : memref<4x32x128xf32, #tpu.memory_space<vmem>> -> memref<1x32x128xf32, #tpu.memory_space<vmem>>
      %dma_wait3A_1231 = tpu.memref_squeeze %dma_wait3A_1230 : memref<1x32x128xf32, #tpu.memory_space<vmem>> -> memref<32x128xf32, #tpu.memory_space<vmem>>
      %dma_wait3A_1232 = arith.constant 0 : i32
      %dma_wait3A_1233 = arith.constant 0 : i32
      %dma_wait3A_1234 = tpu.memref_slice %arg4[%dma_wait3A_1232, %dma_wait3A_1233] : memref<32x1000000xf32, #tpu.memory_space<hbm>> -> memref<32x128xf32, #tpu.memory_space<hbm>>
      %dma_wait3A_1235 = arith.constant 0 : i32
      %dma_wait3A_1236 = arith.constant 0 : i32
      %dma_wait3A_1237 = tpu.memref_slice %arg11[%dma_wait3A_1227, %dma_wait3A_1235, %dma_wait3A_1236] : memref<4x32x128xf32, #tpu.memory_space<vmem>> -> memref<1x32x128xf32, #tpu.memory_space<vmem>>
      %dma_wait3A_1238 = tpu.memref_squeeze %dma_wait3A_1237 : memref<1x32x128xf32, #tpu.memory_space<vmem>> -> memref<32x128xf32, #tpu.memory_space<vmem>>
      %dma_wait3A_1239 = arith.constant 0 : i32
      %dma_wait3A_1240 = arith.constant 0 : i32
      %dma_wait3A_1241 = tpu.memref_slice %arg4[%dma_wait3A_1239, %dma_wait3A_1240] : memref<32x1000000xf32, #tpu.memory_space<hbm>> -> memref<32x128xf32, #tpu.memory_space<hbm>>
      tpu.wait_dma2 semaphore(%arg18 : memref<!tpu.dma_semaphore, #tpu.memory_space<semaphore_mem>>) src(%dma_wait3A_1241 : memref<32x128xf32, #tpu.memory_space<hbm>>) dst(%dma_wait3A_1238 : memref<32x128xf32, #tpu.memory_space<vmem>>)
      %dma_wait3A_1242 = arith.constant 2 : i32
      %dma_wait3A_1243 = arith.constant 0 : i32
      %dma_wait3A_1244 = arith.constant 0 : i32
      %dma_wait3A_1245 = tpu.memref_slice %arg12[%dma_wait3A_1242, %dma_wait3A_1243, %dma_wait3A_1244] : memref<4x32x128xf32, #tpu.memory_space<vmem>> -> memref<1x32x128xf32, #tpu.memory_space<vmem>>
      %dma_wait3A_1246 = tpu.memref_squeeze %dma_wait3A_1245 : memref<1x32x128xf32, #tpu.memory_space<vmem>> -> memref<32x128xf32, #tpu.memory_space<vmem>>
      %dma_wait3A_1247 = arith.constant 0 : i32
      %dma_wait3A_1248 = arith.constant 0 : i32
      %dma_wait3A_1249 = tpu.memref_slice %arg4[%dma_wait3A_1247, %dma_wait3A_1248] : memref<32x1000000xf32, #tpu.memory_space<hbm>> -> memref<32x128xf32, #tpu.memory_space<hbm>>
      %dma_wait3A_1250 = arith.constant 0 : i32
      %dma_wait3A_1251 = arith.constant 0 : i32
      %dma_wait3A_1252 = tpu.memref_slice %arg12[%dma_wait3A_1242, %dma_wait3A_1250, %dma_wait3A_1251] : memref<4x32x128xf32, #tpu.memory_space<vmem>> -> memref<1x32x128xf32, #tpu.memory_space<vmem>>
      %dma_wait3A_1253 = tpu.memref_squeeze %dma_wait3A_1252 : memref<1x32x128xf32, #tpu.memory_space<vmem>> -> memref<32x128xf32, #tpu.memory_space<vmem>>
      %dma_wait3A_1254 = arith.constant 0 : i32
      %dma_wait3A_1255 = arith.constant 0 : i32
      %dma_wait3A_1256 = tpu.memref_slice %arg4[%dma_wait3A_1254, %dma_wait3A_1255] : memref<32x1000000xf32, #tpu.memory_space<hbm>> -> memref<32x128xf32, #tpu.memory_space<hbm>>
      tpu.wait_dma2 semaphore(%arg18 : memref<!tpu.dma_semaphore, #tpu.memory_space<semaphore_mem>>) src(%dma_wait3A_1256 : memref<32x128xf32, #tpu.memory_space<hbm>>) dst(%dma_wait3A_1253 : memref<32x128xf32, #tpu.memory_space<vmem>>)
      %dma_wait3A_1257 = arith.constant 3 : i32
      %dma_wait3A_1258 = arith.constant 0 : i32
      %dma_wait3A_1259 = arith.constant 0 : i32
      %dma_wait3A_1260 = tpu.memref_slice %arg11[%dma_wait3A_1257, %dma_wait3A_1258, %dma_wait3A_1259] : memref<4x32x128xf32, #tpu.memory_space<vmem>> -> memref<1x32x128xf32, #tpu.memory_space<vmem>>
      %dma_wait3A_1261 = tpu.memref_squeeze %dma_wait3A_1260 : memref<1x32x128xf32, #tpu.memory_space<vmem>> -> memref<32x128xf32, #tpu.memory_space<vmem>>
      %dma_wait3A_1262 = arith.constant 0 : i32
      %dma_wait3A_1263 = arith.constant 0 : i32
      %dma_wait3A_1264 = tpu.memref_slice %arg4[%dma_wait3A_1262, %dma_wait3A_1263] : memref<32x1000000xf32, #tpu.memory_space<hbm>> -> memref<32x128xf32, #tpu.memory_space<hbm>>
      %dma_wait3A_1265 = arith.constant 0 : i32
      %dma_wait3A_1266 = arith.constant 0 : i32
      %dma_wait3A_1267 = tpu.memref_slice %arg11[%dma_wait3A_1257, %dma_wait3A_1265, %dma_wait3A_1266] : memref<4x32x128xf32, #tpu.memory_space<vmem>> -> memref<1x32x128xf32, #tpu.memory_space<vmem>>
      %dma_wait3A_1268 = tpu.memref_squeeze %dma_wait3A_1267 : memref<1x32x128xf32, #tpu.memory_space<vmem>> -> memref<32x128xf32, #tpu.memory_space<vmem>>
      %dma_wait3A_1269 = arith.constant 0 : i32
      %dma_wait3A_1270 = arith.constant 0 : i32
      %dma_wait3A_1271 = tpu.memref_slice %arg4[%dma_wait3A_1269, %dma_wait3A_1270] : memref<32x1000000xf32, #tpu.memory_space<hbm>> -> memref<32x128xf32, #tpu.memory_space<hbm>>
      tpu.wait_dma2 semaphore(%arg18 : memref<!tpu.dma_semaphore, #tpu.memory_space<semaphore_mem>>) src(%dma_wait3A_1271 : memref<32x128xf32, #tpu.memory_space<hbm>>) dst(%dma_wait3A_1268 : memref<32x128xf32, #tpu.memory_space<vmem>>)
      %dma_wait3A_1272 = arith.constant 3 : i32
      %dma_wait3A_1273 = arith.constant 0 : i32
      %dma_wait3A_1274 = arith.constant 0 : i32
      %dma_wait3A_1275 = tpu.memref_slice %arg12[%dma_wait3A_1272, %dma_wait3A_1273, %dma_wait3A_1274] : memref<4x32x128xf32, #tpu.memory_space<vmem>> -> memref<1x32x128xf32, #tpu.memory_space<vmem>>
      %dma_wait3A_1276 = tpu.memref_squeeze %dma_wait3A_1275 : memref<1x32x128xf32, #tpu.memory_space<vmem>> -> memref<32x128xf32, #tpu.memory_space<vmem>>
      %dma_wait3A_1277 = arith.constant 0 : i32
      %dma_wait3A_1278 = arith.constant 0 : i32
      %dma_wait3A_1279 = tpu.memref_slice %arg4[%dma_wait3A_1277, %dma_wait3A_1278] : memref<32x1000000xf32, #tpu.memory_space<hbm>> -> memref<32x128xf32, #tpu.memory_space<hbm>>
      %dma_wait3A_1280 = arith.constant 0 : i32
      %dma_wait3A_1281 = arith.constant 0 : i32
      %dma_wait3A_1282 = tpu.memref_slice %arg12[%dma_wait3A_1272, %dma_wait3A_1280, %dma_wait3A_1281] : memref<4x32x128xf32, #tpu.memory_space<vmem>> -> memref<1x32x128xf32, #tpu.memory_space<vmem>>
      %dma_wait3A_1283 = tpu.memref_squeeze %dma_wait3A_1282 : memref<1x32x128xf32, #tpu.memory_space<vmem>> -> memref<32x128xf32, #tpu.memory_space<vmem>>
      %dma_wait3A_1284 = arith.constant 0 : i32
      %dma_wait3A_1285 = arith.constant 0 : i32
      %dma_wait3A_1286 = tpu.memref_slice %arg4[%dma_wait3A_1284, %dma_wait3A_1285] : memref<32x1000000xf32, #tpu.memory_space<hbm>> -> memref<32x128xf32, #tpu.memory_space<hbm>>
      tpu.wait_dma2 semaphore(%arg18 : memref<!tpu.dma_semaphore, #tpu.memory_space<semaphore_mem>>) src(%dma_wait3A_1286 : memref<32x128xf32, #tpu.memory_space<hbm>>) dst(%dma_wait3A_1283 : memref<32x128xf32, #tpu.memory_space<vmem>>)
      %broadcast_in_dim3A_1287 = arith.constant 1 : i32
      %broadcast_in_dim3A_1288 = vector.broadcast %broadcast_in_dim3A_1287 : i32 to vector<16xi32>
      %add3A_1289 = arith.constant 0 : i32
      %add3A_1290 = arith.addi %mul3A_512, %add3A_1289 : i32
      %mul3A_1291 = vector.broadcast %add3A_1290 : i32 to vector<16xi32>
      %mul3A_1292 = arith.muli %broadcast_in_dim3A_1288, %mul3A_1291 : vector<16xi32>
      %broadcast_in_dim3A_1293 = arith.constant 1 : i32
      %broadcast_in_dim3A_1294 = vector.broadcast %broadcast_in_dim3A_1293 : i32 to vector<16xi32>
      %slice3A_1295 = vector.extract_strided_slice %get3A_514 {offsets = [0], sizes = [1], strides = [1]} : vector<16xi32> to vector<1xi32>
      %squeeze3A_1296 = vector.extract %slice3A_1295[0] : i32 from vector<1xi32>
      %and3A_1297 = arith.constant 127 : i32
      %and3A_1298 = arith.andi %squeeze3A_1296, %and3A_1297 : i32
      %mul3A_1299 = vector.broadcast %and3A_1298 : i32 to vector<16xi32>
      %mul3A_1300 = arith.muli %broadcast_in_dim3A_1294, %mul3A_1299 : vector<16xi32>
      %broadcast_in_dim3A_1301 = arith.constant 1 : i32
      %broadcast_in_dim3A_1302 = vector.broadcast %broadcast_in_dim3A_1301 : i32 to vector<16xi32>
      %slice3A_1303 = vector.extract_strided_slice %get3A_516 {offsets = [0], sizes = [1], strides = [1]} : vector<16xi32> to vector<1xi32>
      %squeeze3A_1304 = vector.extract %slice3A_1303[0] : i32 from vector<1xi32>
      %and3A_1305 = arith.constant 127 : i32
      %and3A_1306 = arith.andi %squeeze3A_1304, %and3A_1305 : i32
      %mul3A_1307 = vector.broadcast %and3A_1306 : i32 to vector<16xi32>
      %mul3A_1308 = arith.muli %broadcast_in_dim3A_1302, %mul3A_1307 : vector<16xi32>
      %add3A_1309 = arith.constant 0 : i32
      %add3A_1310 = vector.broadcast %add3A_1309 : i32 to vector<16xi32>
      %add3A_1311 = arith.addi %iota3A, %add3A_1310 : vector<16xi32>
      %gather3A_1312 = arith.constant 0 : i32
      %gather3A_1313 = arith.constant 0 : i32
      %gather3A_1314 = arith.constant 0 : i32
      %gather3A_1315 = tpu.memref_slice %arg11[%gather3A_1312, %gather3A_1313, %gather3A_1314] : memref<4x32x128xf32, #tpu.memory_space<vmem>> -> memref<1x32x128xf32, #tpu.memory_space<vmem>>
      %gather3A_1316 = tpu.memref_squeeze %gather3A_1315 : memref<1x32x128xf32, #tpu.memory_space<vmem>> -> memref<32x128xf32, #tpu.memory_space<vmem>>
      %gather3A_1317 = tpu.vector_load_idx %gather3A_1316[%add3A_1311, %mul3A_1300] : memref<32x128xf32, #tpu.memory_space<vmem>>[vector<16xi32>, vector<16xi32>], vector<16xf32>,
      %gather3A_1318 = arith.constant 0 : i32
      %gather3A_1319 = arith.constant 0 : i32
      %gather3A_1320 = arith.constant 0 : i32
      %gather3A_1321 = tpu.memref_slice %arg12[%gather3A_1318, %gather3A_1319, %gather3A_1320] : memref<4x32x128xf32, #tpu.memory_space<vmem>> -> memref<1x32x128xf32, #tpu.memory_space<vmem>>
      %gather3A_1322 = tpu.memref_squeeze %gather3A_1321 : memref<1x32x128xf32, #tpu.memory_space<vmem>> -> memref<32x128xf32, #tpu.memory_space<vmem>>
      %gather3A_1323 = tpu.vector_load_idx %gather3A_1322[%add3A_1311, %mul3A_1308] : memref<32x128xf32, #tpu.memory_space<vmem>>[vector<16xi32>, vector<16xi32>], vector<16xf32>,
      tpu.vector_store_idx %arg15[%add3A_1311, %mul3A_1292], %gather3A_1317 : memref<32x512xf32, #tpu.memory_space<vmem>>[vector<16xi32>, vector<16xi32>], vector<16xf32>,
      tpu.vector_store_idx %arg16[%add3A_1311, %mul3A_1292], %gather3A_1323 : memref<32x512xf32, #tpu.memory_space<vmem>>[vector<16xi32>, vector<16xi32>], vector<16xf32>,
      %add3A_1324 = arith.constant 16 : i32
      %add3A_1325 = vector.broadcast %add3A_1324 : i32 to vector<16xi32>
      %add3A_1326 = arith.addi %iota3A, %add3A_1325 : vector<16xi32>
      %gather3A_1327 = arith.constant 0 : i32
      %gather3A_1328 = arith.constant 0 : i32
      %gather3A_1329 = arith.constant 0 : i32
      %gather3A_1330 = tpu.memref_slice %arg11[%gather3A_1327, %gather3A_1328, %gather3A_1329] : memref<4x32x128xf32, #tpu.memory_space<vmem>> -> memref<1x32x128xf32, #tpu.memory_space<vmem>>
      %gather3A_1331 = tpu.memref_squeeze %gather3A_1330 : memref<1x32x128xf32, #tpu.memory_space<vmem>> -> memref<32x128xf32, #tpu.memory_space<vmem>>
      %gather3A_1332 = tpu.vector_load_idx %gather3A_1331[%add3A_1326, %mul3A_1300] : memref<32x128xf32, #tpu.memory_space<vmem>>[vector<16xi32>, vector<16xi32>], vector<16xf32>,
      %gather3A_1333 = arith.constant 0 : i32
      %gather3A_1334 = arith.constant 0 : i32
      %gather3A_1335 = arith.constant 0 : i32
      %gather3A_1336 = tpu.memref_slice %arg12[%gather3A_1333, %gather3A_1334, %gather3A_1335] : memref<4x32x128xf32, #tpu.memory_space<vmem>> -> memref<1x32x128xf32, #tpu.memory_space<vmem>>
      %gather3A_1337 = tpu.memref_squeeze %gather3A_1336 : memref<1x32x128xf32, #tpu.memory_space<vmem>> -> memref<32x128xf32, #tpu.memory_space<vmem>>
      %gather3A_1338 = tpu.vector_load_idx %gather3A_1337[%add3A_1326, %mul3A_1308] : memref<32x128xf32, #tpu.memory_space<vmem>>[vector<16xi32>, vector<16xi32>], vector<16xf32>,
      tpu.vector_store_idx %arg15[%add3A_1326, %mul3A_1292], %gather3A_1332 : memref<32x512xf32, #tpu.memory_space<vmem>>[vector<16xi32>, vector<16xi32>], vector<16xf32>,
      tpu.vector_store_idx %arg16[%add3A_1326, %mul3A_1292], %gather3A_1338 : memref<32x512xf32, #tpu.memory_space<vmem>>[vector<16xi32>, vector<16xi32>], vector<16xf32>,
      %broadcast_in_dim3A_1339 = arith.constant 1 : i32
      %broadcast_in_dim3A_1340 = vector.broadcast %broadcast_in_dim3A_1339 : i32 to vector<16xi32>
      %add3A_1341 = arith.constant 1 : i32
      %add3A_1342 = arith.addi %mul3A_512, %add3A_1341 : i32
      %mul3A_1343 = vector.broadcast %add3A_1342 : i32 to vector<16xi32>
      %mul3A_1344 = arith.muli %broadcast_in_dim3A_1340, %mul3A_1343 : vector<16xi32>
      %broadcast_in_dim3A_1345 = arith.constant 1 : i32
      %broadcast_in_dim3A_1346 = vector.broadcast %broadcast_in_dim3A_1345 : i32 to vector<16xi32>
      %slice3A_1347 = vector.extract_strided_slice %get3A_514 {offsets = [1], sizes = [1], strides = [1]} : vector<16xi32> to vector<1xi32>
      %squeeze3A_1348 = vector.extract %slice3A_1347[0] : i32 from vector<1xi32>
      %and3A_1349 = arith.constant 127 : i32
      %and3A_1350 = arith.andi %squeeze3A_1348, %and3A_1349 : i32
      %mul3A_1351 = vector.broadcast %and3A_1350 : i32 to vector<16xi32>
      %mul3A_1352 = arith.muli %broadcast_in_dim3A_1346, %mul3A_1351 : vector<16xi32>
      %broadcast_in_dim3A_1353 = arith.constant 1 : i32
      %broadcast_in_dim3A_1354 = vector.broadcast %broadcast_in_dim3A_1353 : i32 to vector<16xi32>
      %slice3A_1355 = vector.extract_strided_slice %get3A_516 {offsets = [1], sizes = [1], strides = [1]} : vector<16xi32> to vector<1xi32>
      %squeeze3A_1356 = vector.extract %slice3A_1355[0] : i32 from vector<1xi32>
      %and3A_1357 = arith.constant 127 : i32
      %and3A_1358 = arith.andi %squeeze3A_1356, %and3A_1357 : i32
      %mul3A_1359 = vector.broadcast %and3A_1358 : i32 to vector<16xi32>
      %mul3A_1360 = arith.muli %broadcast_in_dim3A_1354, %mul3A_1359 : vector<16xi32>
      %add3A_1361 = arith.constant 0 : i32
      %add3A_1362 = vector.broadcast %add3A_1361 : i32 to vector<16xi32>
      %add3A_1363 = arith.addi %iota3A, %add3A_1362 : vector<16xi32>
      %gather3A_1364 = arith.constant 1 : i32
      %gather3A_1365 = arith.constant 0 : i32
      %gather3A_1366 = arith.constant 0 : i32
      %gather3A_1367 = tpu.memref_slice %arg11[%gather3A_1364, %gather3A_1365, %gather3A_1366] : memref<4x32x128xf32, #tpu.memory_space<vmem>> -> memref<1x32x128xf32, #tpu.memory_space<vmem>>
      %gather3A_1368 = tpu.memref_squeeze %gather3A_1367 : memref<1x32x128xf32, #tpu.memory_space<vmem>> -> memref<32x128xf32, #tpu.memory_space<vmem>>
      %gather3A_1369 = tpu.vector_load_idx %gather3A_1368[%add3A_1363, %mul3A_1352] : memref<32x128xf32, #tpu.memory_space<vmem>>[vector<16xi32>, vector<16xi32>], vector<16xf32>,
      %gather3A_1370 = arith.constant 1 : i32
      %gather3A_1371 = arith.constant 0 : i32
      %gather3A_1372 = arith.constant 0 : i32
      %gather3A_1373 = tpu.memref_slice %arg12[%gather3A_1370, %gather3A_1371, %gather3A_1372] : memref<4x32x128xf32, #tpu.memory_space<vmem>> -> memref<1x32x128xf32, #tpu.memory_space<vmem>>
      %gather3A_1374 = tpu.memref_squeeze %gather3A_1373 : memref<1x32x128xf32, #tpu.memory_space<vmem>> -> memref<32x128xf32, #tpu.memory_space<vmem>>
      %gather3A_1375 = tpu.vector_load_idx %gather3A_1374[%add3A_1363, %mul3A_1360] : memref<32x128xf32, #tpu.memory_space<vmem>>[vector<16xi32>, vector<16xi32>], vector<16xf32>,
      tpu.vector_store_idx %arg15[%add3A_1363, %mul3A_1344], %gather3A_1369 : memref<32x512xf32, #tpu.memory_space<vmem>>[vector<16xi32>, vector<16xi32>], vector<16xf32>,
      tpu.vector_store_idx %arg16[%add3A_1363, %mul3A_1344], %gather3A_1375 : memref<32x512xf32, #tpu.memory_space<vmem>>[vector<16xi32>, vector<16xi32>], vector<16xf32>,
      %add3A_1376 = arith.constant 16 : i32
      %add3A_1377 = vector.broadcast %add3A_1376 : i32 to vector<16xi32>
      %add3A_1378 = arith.addi %iota3A, %add3A_1377 : vector<16xi32>
      %gather3A_1379 = arith.constant 1 : i32
      %gather3A_1380 = arith.constant 0 : i32
      %gather3A_1381 = arith.constant 0 : i32
      %gather3A_1382 = tpu.memref_slice %arg11[%gather3A_1379, %gather3A_1380, %gather3A_1381] : memref<4x32x128xf32, #tpu.memory_space<vmem>> -> memref<1x32x128xf32, #tpu.memory_space<vmem>>
      %gather3A_1383 = tpu.memref_squeeze %gather3A_1382 : memref<1x32x128xf32, #tpu.memory_space<vmem>> -> memref<32x128xf32, #tpu.memory_space<vmem>>
      %gather3A_1384 = tpu.vector_load_idx %gather3A_1383[%add3A_1378, %mul3A_1352] : memref<32x128xf32, #tpu.memory_space<vmem>>[vector<16xi32>, vector<16xi32>], vector<16xf32>,
      %gather3A_1385 = arith.constant 1 : i32
      %gather3A_1386 = arith.constant 0 : i32
      %gather3A_1387 = arith.constant 0 : i32
      %gather3A_1388 = tpu.memref_slice %arg12[%gather3A_1385, %gather3A_1386, %gather3A_1387] : memref<4x32x128xf32, #tpu.memory_space<vmem>> -> memref<1x32x128xf32, #tpu.memory_space<vmem>>
      %gather3A_1389 = tpu.memref_squeeze %gather3A_1388 : memref<1x32x128xf32, #tpu.memory_space<vmem>> -> memref<32x128xf32, #tpu.memory_space<vmem>>
      %gather3A_1390 = tpu.vector_load_idx %gather3A_1389[%add3A_1378, %mul3A_1360] : memref<32x128xf32, #tpu.memory_space<vmem>>[vector<16xi32>, vector<16xi32>], vector<16xf32>,
      tpu.vector_store_idx %arg15[%add3A_1378, %mul3A_1344], %gather3A_1384 : memref<32x512xf32, #tpu.memory_space<vmem>>[vector<16xi32>, vector<16xi32>], vector<16xf32>,
      tpu.vector_store_idx %arg16[%add3A_1378, %mul3A_1344], %gather3A_1390 : memref<32x512xf32, #tpu.memory_space<vmem>>[vector<16xi32>, vector<16xi32>], vector<16xf32>,
      %broadcast_in_dim3A_1391 = arith.constant 1 : i32
      %broadcast_in_dim3A_1392 = vector.broadcast %broadcast_in_dim3A_1391 : i32 to vector<16xi32>
      %add3A_1393 = arith.constant 2 : i32
      %add3A_1394 = arith.addi %mul3A_512, %add3A_1393 : i32
      %mul3A_1395 = vector.broadcast %add3A_1394 : i32 to vector<16xi32>
      %mul3A_1396 = arith.muli %broadcast_in_dim3A_1392, %mul3A_1395 : vector<16xi32>
      %broadcast_in_dim3A_1397 = arith.constant 1 : i32
      %broadcast_in_dim3A_1398 = vector.broadcast %broadcast_in_dim3A_1397 : i32 to vector<16xi32>
      %slice3A_1399 = vector.extract_strided_slice %get3A_514 {offsets = [2], sizes = [1], strides = [1]} : vector<16xi32> to vector<1xi32>
      %squeeze3A_1400 = vector.extract %slice3A_1399[0] : i32 from vector<1xi32>
      %and3A_1401 = arith.constant 127 : i32
      %and3A_1402 = arith.andi %squeeze3A_1400, %and3A_1401 : i32
      %mul3A_1403 = vector.broadcast %and3A_1402 : i32 to vector<16xi32>
      %mul3A_1404 = arith.muli %broadcast_in_dim3A_1398, %mul3A_1403 : vector<16xi32>
      %broadcast_in_dim3A_1405 = arith.constant 1 : i32
      %broadcast_in_dim3A_1406 = vector.broadcast %broadcast_in_dim3A_1405 : i32 to vector<16xi32>
      %slice3A_1407 = vector.extract_strided_slice %get3A_516 {offsets = [2], sizes = [1], strides = [1]} : vector<16xi32> to vector<1xi32>
      %squeeze3A_1408 = vector.extract %slice3A_1407[0] : i32 from vector<1xi32>
      %and3A_1409 = arith.constant 127 : i32
      %and3A_1410 = arith.andi %squeeze3A_1408, %and3A_1409 : i32
      %mul3A_1411 = vector.broadcast %and3A_1410 : i32 to vector<16xi32>
      %mul3A_1412 = arith.muli %broadcast_in_dim3A_1406, %mul3A_1411 : vector<16xi32>
      %add3A_1413 = arith.constant 0 : i32
      %add3A_1414 = vector.broadcast %add3A_1413 : i32 to vector<16xi32>
      %add3A_1415 = arith.addi %iota3A, %add3A_1414 : vector<16xi32>
      %gather3A_1416 = arith.constant 2 : i32
      %gather3A_1417 = arith.constant 0 : i32
      %gather3A_1418 = arith.constant 0 : i32
      %gather3A_1419 = tpu.memref_slice %arg11[%gather3A_1416, %gather3A_1417, %gather3A_1418] : memref<4x32x128xf32, #tpu.memory_space<vmem>> -> memref<1x32x128xf32, #tpu.memory_space<vmem>>
      %gather3A_1420 = tpu.memref_squeeze %gather3A_1419 : memref<1x32x128xf32, #tpu.memory_space<vmem>> -> memref<32x128xf32, #tpu.memory_space<vmem>>
      %gather3A_1421 = tpu.vector_load_idx %gather3A_1420[%add3A_1415, %mul3A_1404] : memref<32x128xf32, #tpu.memory_space<vmem>>[vector<16xi32>, vector<16xi32>], vector<16xf32>,
      %gather3A_1422 = arith.constant 2 : i32
      %gather3A_1423 = arith.constant 0 : i32
      %gather3A_1424 = arith.constant 0 : i32
      %gather3A_1425 = tpu.memref_slice %arg12[%gather3A_1422, %gather3A_1423, %gather3A_1424] : memref<4x32x128xf32, #tpu.memory_space<vmem>> -> memref<1x32x128xf32, #tpu.memory_space<vmem>>
      %gather3A_1426 = tpu.memref_squeeze %gather3A_1425 : memref<1x32x128xf32, #tpu.memory_space<vmem>> -> memref<32x128xf32, #tpu.memory_space<vmem>>
      %gather3A_1427 = tpu.vector_load_idx %gather3A_1426[%add3A_1415, %mul3A_1412] : memref<32x128xf32, #tpu.memory_space<vmem>>[vector<16xi32>, vector<16xi32>], vector<16xf32>,
      tpu.vector_store_idx %arg15[%add3A_1415, %mul3A_1396], %gather3A_1421 : memref<32x512xf32, #tpu.memory_space<vmem>>[vector<16xi32>, vector<16xi32>], vector<16xf32>,
      tpu.vector_store_idx %arg16[%add3A_1415, %mul3A_1396], %gather3A_1427 : memref<32x512xf32, #tpu.memory_space<vmem>>[vector<16xi32>, vector<16xi32>], vector<16xf32>,
      %add3A_1428 = arith.constant 16 : i32
      %add3A_1429 = vector.broadcast %add3A_1428 : i32 to vector<16xi32>
      %add3A_1430 = arith.addi %iota3A, %add3A_1429 : vector<16xi32>
      %gather3A_1431 = arith.constant 2 : i32
      %gather3A_1432 = arith.constant 0 : i32
      %gather3A_1433 = arith.constant 0 : i32
      %gather3A_1434 = tpu.memref_slice %arg11[%gather3A_1431, %gather3A_1432, %gather3A_1433] : memref<4x32x128xf32, #tpu.memory_space<vmem>> -> memref<1x32x128xf32, #tpu.memory_space<vmem>>
      %gather3A_1435 = tpu.memref_squeeze %gather3A_1434 : memref<1x32x128xf32, #tpu.memory_space<vmem>> -> memref<32x128xf32, #tpu.memory_space<vmem>>
      %gather3A_1436 = tpu.vector_load_idx %gather3A_1435[%add3A_1430, %mul3A_1404] : memref<32x128xf32, #tpu.memory_space<vmem>>[vector<16xi32>, vector<16xi32>], vector<16xf32>,
      %gather3A_1437 = arith.constant 2 : i32
      %gather3A_1438 = arith.constant 0 : i32
      %gather3A_1439 = arith.constant 0 : i32
      %gather3A_1440 = tpu.memref_slice %arg12[%gather3A_1437, %gather3A_1438, %gather3A_1439] : memref<4x32x128xf32, #tpu.memory_space<vmem>> -> memref<1x32x128xf32, #tpu.memory_space<vmem>>
      %gather3A_1441 = tpu.memref_squeeze %gather3A_1440 : memref<1x32x128xf32, #tpu.memory_space<vmem>> -> memref<32x128xf32, #tpu.memory_space<vmem>>
      %gather3A_1442 = tpu.vector_load_idx %gather3A_1441[%add3A_1430, %mul3A_1412] : memref<32x128xf32, #tpu.memory_space<vmem>>[vector<16xi32>, vector<16xi32>], vector<16xf32>,
      tpu.vector_store_idx %arg15[%add3A_1430, %mul3A_1396], %gather3A_1436 : memref<32x512xf32, #tpu.memory_space<vmem>>[vector<16xi32>, vector<16xi32>], vector<16xf32>,
      tpu.vector_store_idx %arg16[%add3A_1430, %mul3A_1396], %gather3A_1442 : memref<32x512xf32, #tpu.memory_space<vmem>>[vector<16xi32>, vector<16xi32>], vector<16xf32>,
      %broadcast_in_dim3A_1443 = arith.constant 1 : i32
      %broadcast_in_dim3A_1444 = vector.broadcast %broadcast_in_dim3A_1443 : i32 to vector<16xi32>
      %add3A_1445 = arith.constant 3 : i32
      %add3A_1446 = arith.addi %mul3A_512, %add3A_1445 : i32
      %mul3A_1447 = vector.broadcast %add3A_1446 : i32 to vector<16xi32>
      %mul3A_1448 = arith.muli %broadcast_in_dim3A_1444, %mul3A_1447 : vector<16xi32>
      %broadcast_in_dim3A_1449 = arith.constant 1 : i32
      %broadcast_in_dim3A_1450 = vector.broadcast %broadcast_in_dim3A_1449 : i32 to vector<16xi32>
      %slice3A_1451 = vector.extract_strided_slice %get3A_514 {offsets = [3], sizes = [1], strides = [1]} : vector<16xi32> to vector<1xi32>
      %squeeze3A_1452 = vector.extract %slice3A_1451[0] : i32 from vector<1xi32>
      %and3A_1453 = arith.constant 127 : i32
      %and3A_1454 = arith.andi %squeeze3A_1452, %and3A_1453 : i32
      %mul3A_1455 = vector.broadcast %and3A_1454 : i32 to vector<16xi32>
      %mul3A_1456 = arith.muli %broadcast_in_dim3A_1450, %mul3A_1455 : vector<16xi32>
      %broadcast_in_dim3A_1457 = arith.constant 1 : i32
      %broadcast_in_dim3A_1458 = vector.broadcast %broadcast_in_dim3A_1457 : i32 to vector<16xi32>
      %slice3A_1459 = vector.extract_strided_slice %get3A_516 {offsets = [3], sizes = [1], strides = [1]} : vector<16xi32> to vector<1xi32>
      %squeeze3A_1460 = vector.extract %slice3A_1459[0] : i32 from vector<1xi32>
      %and3A_1461 = arith.constant 127 : i32
      %and3A_1462 = arith.andi %squeeze3A_1460, %and3A_1461 : i32
      %mul3A_1463 = vector.broadcast %and3A_1462 : i32 to vector<16xi32>
      %mul3A_1464 = arith.muli %broadcast_in_dim3A_1458, %mul3A_1463 : vector<16xi32>
      %add3A_1465 = arith.constant 0 : i32
      %add3A_1466 = vector.broadcast %add3A_1465 : i32 to vector<16xi32>
      %add3A_1467 = arith.addi %iota3A, %add3A_1466 : vector<16xi32>
      %gather3A_1468 = arith.constant 3 : i32
      %gather3A_1469 = arith.constant 0 : i32
      %gather3A_1470 = arith.constant 0 : i32
      %gather3A_1471 = tpu.memref_slice %arg11[%gather3A_1468, %gather3A_1469, %gather3A_1470] : memref<4x32x128xf32, #tpu.memory_space<vmem>> -> memref<1x32x128xf32, #tpu.memory_space<vmem>>
      %gather3A_1472 = tpu.memref_squeeze %gather3A_1471 : memref<1x32x128xf32, #tpu.memory_space<vmem>> -> memref<32x128xf32, #tpu.memory_space<vmem>>
      %gather3A_1473 = tpu.vector_load_idx %gather3A_1472[%add3A_1467, %mul3A_1456] : memref<32x128xf32, #tpu.memory_space<vmem>>[vector<16xi32>, vector<16xi32>], vector<16xf32>,
      %gather3A_1474 = arith.constant 3 : i32
      %gather3A_1475 = arith.constant 0 : i32
      %gather3A_1476 = arith.constant 0 : i32
      %gather3A_1477 = tpu.memref_slice %arg12[%gather3A_1474, %gather3A_1475, %gather3A_1476] : memref<4x32x128xf32, #tpu.memory_space<vmem>> -> memref<1x32x128xf32, #tpu.memory_space<vmem>>
      %gather3A_1478 = tpu.memref_squeeze %gather3A_1477 : memref<1x32x128xf32, #tpu.memory_space<vmem>> -> memref<32x128xf32, #tpu.memory_space<vmem>>
      %gather3A_1479 = tpu.vector_load_idx %gather3A_1478[%add3A_1467, %mul3A_1464] : memref<32x128xf32, #tpu.memory_space<vmem>>[vector<16xi32>, vector<16xi32>], vector<16xf32>,
      tpu.vector_store_idx %arg15[%add3A_1467, %mul3A_1448], %gather3A_1473 : memref<32x512xf32, #tpu.memory_space<vmem>>[vector<16xi32>, vector<16xi32>], vector<16xf32>,
      tpu.vector_store_idx %arg16[%add3A_1467, %mul3A_1448], %gather3A_1479 : memref<32x512xf32, #tpu.memory_space<vmem>>[vector<16xi32>, vector<16xi32>], vector<16xf32>,
      %add3A_1480 = arith.constant 16 : i32
      %add3A_1481 = vector.broadcast %add3A_1480 : i32 to vector<16xi32>
      %add3A_1482 = arith.addi %iota3A, %add3A_1481 : vector<16xi32>
      %gather3A_1483 = arith.constant 3 : i32
      %gather3A_1484 = arith.constant 0 : i32
      %gather3A_1485 = arith.constant 0 : i32
      %gather3A_1486 = tpu.memref_slice %arg11[%gather3A_1483, %gather3A_1484, %gather3A_1485] : memref<4x32x128xf32, #tpu.memory_space<vmem>> -> memref<1x32x128xf32, #tpu.memory_space<vmem>>
      %gather3A_1487 = tpu.memref_squeeze %gather3A_1486 : memref<1x32x128xf32, #tpu.memory_space<vmem>> -> memref<32x128xf32, #tpu.memory_space<vmem>>
      %gather3A_1488 = tpu.vector_load_idx %gather3A_1487[%add3A_1482, %mul3A_1456] : memref<32x128xf32, #tpu.memory_space<vmem>>[vector<16xi32>, vector<16xi32>], vector<16xf32>,
      %gather3A_1489 = arith.constant 3 : i32
      %gather3A_1490 = arith.constant 0 : i32
      %gather3A_1491 = arith.constant 0 : i32
      %gather3A_1492 = tpu.memref_slice %arg12[%gather3A_1489, %gather3A_1490, %gather3A_1491] : memref<4x32x128xf32, #tpu.memory_space<vmem>> -> memref<1x32x128xf32, #tpu.memory_space<vmem>>
      %gather3A_1493 = tpu.memref_squeeze %gather3A_1492 : memref<1x32x128xf32, #tpu.memory_space<vmem>> -> memref<32x128xf32, #tpu.memory_space<vmem>>
      %gather3A_1494 = tpu.vector_load_idx %gather3A_1493[%add3A_1482, %mul3A_1464] : memref<32x128xf32, #tpu.memory_space<vmem>>[vector<16xi32>, vector<16xi32>], vector<16xf32>,
      tpu.vector_store_idx %arg15[%add3A_1482, %mul3A_1448], %gather3A_1488 : memref<32x512xf32, #tpu.memory_space<vmem>>[vector<16xi32>, vector<16xi32>], vector<16xf32>,
      tpu.vector_store_idx %arg16[%add3A_1482, %mul3A_1448], %gather3A_1494 : memref<32x512xf32, #tpu.memory_space<vmem>>[vector<16xi32>, vector<16xi32>], vector<16xf32>,
      %slice3A_1495 = vector.extract_strided_slice %get3A_514 {offsets = [8], sizes = [1], strides = [1]} : vector<16xi32> to vector<1xi32>
      %squeeze3A_1496 = vector.extract %slice3A_1495[0] : i32 from vector<1xi32>
      %shift_right_logical3A_1497 = arith.constant 7 : i32
      %shift_right_logical3A_1498 = arith.shrui %squeeze3A_1496, %shift_right_logical3A_1497 : i32
      %mul3A_1499 = arith.constant 128 : i32
      %mul3A_1500 = arith.muli %shift_right_logical3A_1498, %mul3A_1499 : i32
      %multiple_of3A_1501 = tpu.assume_multiple %mul3A_1500, 128 : i32
      %slice3A_1502 = vector.extract_strided_slice %get3A_516 {offsets = [8], sizes = [1], strides = [1]} : vector<16xi32> to vector<1xi32>
      %squeeze3A_1503 = vector.extract %slice3A_1502[0] : i32 from vector<1xi32>
      %shift_right_logical3A_1504 = arith.constant 7 : i32
      %shift_right_logical3A_1505 = arith.shrui %squeeze3A_1503, %shift_right_logical3A_1504 : i32
      %mul3A_1506 = arith.constant 128 : i32
      %mul3A_1507 = arith.muli %shift_right_logical3A_1505, %mul3A_1506 : i32
      %multiple_of3A_1508 = tpu.assume_multiple %mul3A_1507, 128 : i32
      %dma_start3A_1509 = arith.constant 0 : i32
      %dma_start3A_1510 = arith.constant 0 : i32
      %dma_start3A_1511 = arith.constant 0 : i32
      %dma_start3A_1512 = tpu.memref_slice %arg11[%dma_start3A_1509, %dma_start3A_1510, %dma_start3A_1511] : memref<4x32x128xf32, #tpu.memory_space<vmem>> -> memref<1x32x128xf32, #tpu.memory_space<vmem>>
      %dma_start3A_1513 = tpu.memref_squeeze %dma_start3A_1512 : memref<1x32x128xf32, #tpu.memory_space<vmem>> -> memref<32x128xf32, #tpu.memory_space<vmem>>
      %dma_start3A_1514 = arith.constant 0 : i32
      %dma_start3A_1515 = tpu.memref_slice %arg4[%dma_start3A_1514, %multiple_of3A_1501] : memref<32x1000000xf32, #tpu.memory_space<hbm>> -> memref<32x128xf32, #tpu.memory_space<hbm>>
      %dma_start3A_1516 = arith.constant 0 : i32
      %dma_start3A_1517 = arith.constant 0 : i32
      %dma_start3A_1518 = tpu.memref_slice %arg11[%dma_start3A_1509, %dma_start3A_1516, %dma_start3A_1517] : memref<4x32x128xf32, #tpu.memory_space<vmem>> -> memref<1x32x128xf32, #tpu.memory_space<vmem>>
      %dma_start3A_1519 = tpu.memref_squeeze %dma_start3A_1518 : memref<1x32x128xf32, #tpu.memory_space<vmem>> -> memref<32x128xf32, #tpu.memory_space<vmem>>
      %dma_start3A_1520 = arith.constant 0 : i32
      %dma_start3A_1521 = tpu.memref_slice %arg4[%dma_start3A_1520, %multiple_of3A_1501] : memref<32x1000000xf32, #tpu.memory_space<hbm>> -> memref<32x128xf32, #tpu.memory_space<hbm>>
      tpu.enqueue_dma source(%dma_start3A_1521 : memref<32x128xf32, #tpu.memory_space<hbm>>) target(%dma_start3A_1519 : memref<32x128xf32, #tpu.memory_space<vmem>>) target_semaphore(%arg18 : memref<!tpu.dma_semaphore, #tpu.memory_space<semaphore_mem>>)
      %dma_start3A_1522 = arith.constant 0 : i32
      %dma_start3A_1523 = arith.constant 0 : i32
      %dma_start3A_1524 = arith.constant 0 : i32
      %dma_start3A_1525 = tpu.memref_slice %arg12[%dma_start3A_1522, %dma_start3A_1523, %dma_start3A_1524] : memref<4x32x128xf32, #tpu.memory_space<vmem>> -> memref<1x32x128xf32, #tpu.memory_space<vmem>>
      %dma_start3A_1526 = tpu.memref_squeeze %dma_start3A_1525 : memref<1x32x128xf32, #tpu.memory_space<vmem>> -> memref<32x128xf32, #tpu.memory_space<vmem>>
      %dma_start3A_1527 = arith.constant 0 : i32
      %dma_start3A_1528 = tpu.memref_slice %arg5[%dma_start3A_1527, %multiple_of3A_1508] : memref<32x1000000xf32, #tpu.memory_space<hbm>> -> memref<32x128xf32, #tpu.memory_space<hbm>>
      %dma_start3A_1529 = arith.constant 0 : i32
      %dma_start3A_1530 = arith.constant 0 : i32
      %dma_start3A_1531 = tpu.memref_slice %arg12[%dma_start3A_1522, %dma_start3A_1529, %dma_start3A_1530] : memref<4x32x128xf32, #tpu.memory_space<vmem>> -> memref<1x32x128xf32, #tpu.memory_space<vmem>>
      %dma_start3A_1532 = tpu.memref_squeeze %dma_start3A_1531 : memref<1x32x128xf32, #tpu.memory_space<vmem>> -> memref<32x128xf32, #tpu.memory_space<vmem>>
      %dma_start3A_1533 = arith.constant 0 : i32
      %dma_start3A_1534 = tpu.memref_slice %arg5[%dma_start3A_1533, %multiple_of3A_1508] : memref<32x1000000xf32, #tpu.memory_space<hbm>> -> memref<32x128xf32, #tpu.memory_space<hbm>>
      tpu.enqueue_dma source(%dma_start3A_1534 : memref<32x128xf32, #tpu.memory_space<hbm>>) target(%dma_start3A_1532 : memref<32x128xf32, #tpu.memory_space<vmem>>) target_semaphore(%arg18 : memref<!tpu.dma_semaphore, #tpu.memory_space<semaphore_mem>>)
      %slice3A_1535 = vector.extract_strided_slice %get3A_514 {offsets = [9], sizes = [1], strides = [1]} : vector<16xi32> to vector<1xi32>
      %squeeze3A_1536 = vector.extract %slice3A_1535[0] : i32 from vector<1xi32>
      %shift_right_logical3A_1537 = arith.constant 7 : i32
      %shift_right_logical3A_1538 = arith.shrui %squeeze3A_1536, %shift_right_logical3A_1537 : i32
      %mul3A_1539 = arith.constant 128 : i32
      %mul3A_1540 = arith.muli %shift_right_logical3A_1538, %mul3A_1539 : i32
      %multiple_of3A_1541 = tpu.assume_multiple %mul3A_1540, 128 : i32
      %slice3A_1542 = vector.extract_strided_slice %get3A_516 {offsets = [9], sizes = [1], strides = [1]} : vector<16xi32> to vector<1xi32>
      %squeeze3A_1543 = vector.extract %slice3A_1542[0] : i32 from vector<1xi32>
      %shift_right_logical3A_1544 = arith.constant 7 : i32
      %shift_right_logical3A_1545 = arith.shrui %squeeze3A_1543, %shift_right_logical3A_1544 : i32
      %mul3A_1546 = arith.constant 128 : i32
      %mul3A_1547 = arith.muli %shift_right_logical3A_1545, %mul3A_1546 : i32
      %multiple_of3A_1548 = tpu.assume_multiple %mul3A_1547, 128 : i32
      %dma_start3A_1549 = arith.constant 1 : i32
      %dma_start3A_1550 = arith.constant 0 : i32
      %dma_start3A_1551 = arith.constant 0 : i32
      %dma_start3A_1552 = tpu.memref_slice %arg11[%dma_start3A_1549, %dma_start3A_1550, %dma_start3A_1551] : memref<4x32x128xf32, #tpu.memory_space<vmem>> -> memref<1x32x128xf32, #tpu.memory_space<vmem>>
      %dma_start3A_1553 = tpu.memref_squeeze %dma_start3A_1552 : memref<1x32x128xf32, #tpu.memory_space<vmem>> -> memref<32x128xf32, #tpu.memory_space<vmem>>
      %dma_start3A_1554 = arith.constant 0 : i32
      %dma_start3A_1555 = tpu.memref_slice %arg4[%dma_start3A_1554, %multiple_of3A_1541] : memref<32x1000000xf32, #tpu.memory_space<hbm>> -> memref<32x128xf32, #tpu.memory_space<hbm>>
      %dma_start3A_1556 = arith.constant 0 : i32
      %dma_start3A_1557 = arith.constant 0 : i32
      %dma_start3A_1558 = tpu.memref_slice %arg11[%dma_start3A_1549, %dma_start3A_1556, %dma_start3A_1557] : memref<4x32x128xf32, #tpu.memory_space<vmem>> -> memref<1x32x128xf32, #tpu.memory_space<vmem>>
      %dma_start3A_1559 = tpu.memref_squeeze %dma_start3A_1558 : memref<1x32x128xf32, #tpu.memory_space<vmem>> -> memref<32x128xf32, #tpu.memory_space<vmem>>
      %dma_start3A_1560 = arith.constant 0 : i32
      %dma_start3A_1561 = tpu.memref_slice %arg4[%dma_start3A_1560, %multiple_of3A_1541] : memref<32x1000000xf32, #tpu.memory_space<hbm>> -> memref<32x128xf32, #tpu.memory_space<hbm>>
      tpu.enqueue_dma source(%dma_start3A_1561 : memref<32x128xf32, #tpu.memory_space<hbm>>) target(%dma_start3A_1559 : memref<32x128xf32, #tpu.memory_space<vmem>>) target_semaphore(%arg18 : memref<!tpu.dma_semaphore, #tpu.memory_space<semaphore_mem>>)
      %dma_start3A_1562 = arith.constant 1 : i32
      %dma_start3A_1563 = arith.constant 0 : i32
      %dma_start3A_1564 = arith.constant 0 : i32
      %dma_start3A_1565 = tpu.memref_slice %arg12[%dma_start3A_1562, %dma_start3A_1563, %dma_start3A_1564] : memref<4x32x128xf32, #tpu.memory_space<vmem>> -> memref<1x32x128xf32, #tpu.memory_space<vmem>>
      %dma_start3A_1566 = tpu.memref_squeeze %dma_start3A_1565 : memref<1x32x128xf32, #tpu.memory_space<vmem>> -> memref<32x128xf32, #tpu.memory_space<vmem>>
      %dma_start3A_1567 = arith.constant 0 : i32
      %dma_start3A_1568 = tpu.memref_slice %arg5[%dma_start3A_1567, %multiple_of3A_1548] : memref<32x1000000xf32, #tpu.memory_space<hbm>> -> memref<32x128xf32, #tpu.memory_space<hbm>>
      %dma_start3A_1569 = arith.constant 0 : i32
      %dma_start3A_1570 = arith.constant 0 : i32
      %dma_start3A_1571 = tpu.memref_slice %arg12[%dma_start3A_1562, %dma_start3A_1569, %dma_start3A_1570] : memref<4x32x128xf32, #tpu.memory_space<vmem>> -> memref<1x32x128xf32, #tpu.memory_space<vmem>>
      %dma_start3A_1572 = tpu.memref_squeeze %dma_start3A_1571 : memref<1x32x128xf32, #tpu.memory_space<vmem>> -> memref<32x128xf32, #tpu.memory_space<vmem>>
      %dma_start3A_1573 = arith.constant 0 : i32
      %dma_start3A_1574 = tpu.memref_slice %arg5[%dma_start3A_1573, %multiple_of3A_1548] : memref<32x1000000xf32, #tpu.memory_space<hbm>> -> memref<32x128xf32, #tpu.memory_space<hbm>>
      tpu.enqueue_dma source(%dma_start3A_1574 : memref<32x128xf32, #tpu.memory_space<hbm>>) target(%dma_start3A_1572 : memref<32x128xf32, #tpu.memory_space<vmem>>) target_semaphore(%arg18 : memref<!tpu.dma_semaphore, #tpu.memory_space<semaphore_mem>>)
      %slice3A_1575 = vector.extract_strided_slice %get3A_514 {offsets = [10], sizes = [1], strides = [1]} : vector<16xi32> to vector<1xi32>
      %squeeze3A_1576 = vector.extract %slice3A_1575[0] : i32 from vector<1xi32>
      %shift_right_logical3A_1577 = arith.constant 7 : i32
      %shift_right_logical3A_1578 = arith.shrui %squeeze3A_1576, %shift_right_logical3A_1577 : i32
      %mul3A_1579 = arith.constant 128 : i32
      %mul3A_1580 = arith.muli %shift_right_logical3A_1578, %mul3A_1579 : i32
      %multiple_of3A_1581 = tpu.assume_multiple %mul3A_1580, 128 : i32
      %slice3A_1582 = vector.extract_strided_slice %get3A_516 {offsets = [10], sizes = [1], strides = [1]} : vector<16xi32> to vector<1xi32>
      %squeeze3A_1583 = vector.extract %slice3A_1582[0] : i32 from vector<1xi32>
      %shift_right_logical3A_1584 = arith.constant 7 : i32
      %shift_right_logical3A_1585 = arith.shrui %squeeze3A_1583, %shift_right_logical3A_1584 : i32
      %mul3A_1586 = arith.constant 128 : i32
      %mul3A_1587 = arith.muli %shift_right_logical3A_1585, %mul3A_1586 : i32
      %multiple_of3A_1588 = tpu.assume_multiple %mul3A_1587, 128 : i32
      %dma_start3A_1589 = arith.constant 2 : i32
      %dma_start3A_1590 = arith.constant 0 : i32
      %dma_start3A_1591 = arith.constant 0 : i32
      %dma_start3A_1592 = tpu.memref_slice %arg11[%dma_start3A_1589, %dma_start3A_1590, %dma_start3A_1591] : memref<4x32x128xf32, #tpu.memory_space<vmem>> -> memref<1x32x128xf32, #tpu.memory_space<vmem>>
      %dma_start3A_1593 = tpu.memref_squeeze %dma_start3A_1592 : memref<1x32x128xf32, #tpu.memory_space<vmem>> -> memref<32x128xf32, #tpu.memory_space<vmem>>
      %dma_start3A_1594 = arith.constant 0 : i32
      %dma_start3A_1595 = tpu.memref_slice %arg4[%dma_start3A_1594, %multiple_of3A_1581] : memref<32x1000000xf32, #tpu.memory_space<hbm>> -> memref<32x128xf32, #tpu.memory_space<hbm>>
      %dma_start3A_1596 = arith.constant 0 : i32
      %dma_start3A_1597 = arith.constant 0 : i32
      %dma_start3A_1598 = tpu.memref_slice %arg11[%dma_start3A_1589, %dma_start3A_1596, %dma_start3A_1597] : memref<4x32x128xf32, #tpu.memory_space<vmem>> -> memref<1x32x128xf32, #tpu.memory_space<vmem>>
      %dma_start3A_1599 = tpu.memref_squeeze %dma_start3A_1598 : memref<1x32x128xf32, #tpu.memory_space<vmem>> -> memref<32x128xf32, #tpu.memory_space<vmem>>
      %dma_start3A_1600 = arith.constant 0 : i32
      %dma_start3A_1601 = tpu.memref_slice %arg4[%dma_start3A_1600, %multiple_of3A_1581] : memref<32x1000000xf32, #tpu.memory_space<hbm>> -> memref<32x128xf32, #tpu.memory_space<hbm>>
      tpu.enqueue_dma source(%dma_start3A_1601 : memref<32x128xf32, #tpu.memory_space<hbm>>) target(%dma_start3A_1599 : memref<32x128xf32, #tpu.memory_space<vmem>>) target_semaphore(%arg18 : memref<!tpu.dma_semaphore, #tpu.memory_space<semaphore_mem>>)
      %dma_start3A_1602 = arith.constant 2 : i32
      %dma_start3A_1603 = arith.constant 0 : i32
      %dma_start3A_1604 = arith.constant 0 : i32
      %dma_start3A_1605 = tpu.memref_slice %arg12[%dma_start3A_1602, %dma_start3A_1603, %dma_start3A_1604] : memref<4x32x128xf32, #tpu.memory_space<vmem>> -> memref<1x32x128xf32, #tpu.memory_space<vmem>>
      %dma_start3A_1606 = tpu.memref_squeeze %dma_start3A_1605 : memref<1x32x128xf32, #tpu.memory_space<vmem>> -> memref<32x128xf32, #tpu.memory_space<vmem>>
      %dma_start3A_1607 = arith.constant 0 : i32
      %dma_start3A_1608 = tpu.memref_slice %arg5[%dma_start3A_1607, %multiple_of3A_1588] : memref<32x1000000xf32, #tpu.memory_space<hbm>> -> memref<32x128xf32, #tpu.memory_space<hbm>>
      %dma_start3A_1609 = arith.constant 0 : i32
      %dma_start3A_1610 = arith.constant 0 : i32
      %dma_start3A_1611 = tpu.memref_slice %arg12[%dma_start3A_1602, %dma_start3A_1609, %dma_start3A_1610] : memref<4x32x128xf32, #tpu.memory_space<vmem>> -> memref<1x32x128xf32, #tpu.memory_space<vmem>>
      %dma_start3A_1612 = tpu.memref_squeeze %dma_start3A_1611 : memref<1x32x128xf32, #tpu.memory_space<vmem>> -> memref<32x128xf32, #tpu.memory_space<vmem>>
      %dma_start3A_1613 = arith.constant 0 : i32
      %dma_start3A_1614 = tpu.memref_slice %arg5[%dma_start3A_1613, %multiple_of3A_1588] : memref<32x1000000xf32, #tpu.memory_space<hbm>> -> memref<32x128xf32, #tpu.memory_space<hbm>>
      tpu.enqueue_dma source(%dma_start3A_1614 : memref<32x128xf32, #tpu.memory_space<hbm>>) target(%dma_start3A_1612 : memref<32x128xf32, #tpu.memory_space<vmem>>) target_semaphore(%arg18 : memref<!tpu.dma_semaphore, #tpu.memory_space<semaphore_mem>>)
      %slice3A_1615 = vector.extract_strided_slice %get3A_514 {offsets = [11], sizes = [1], strides = [1]} : vector<16xi32> to vector<1xi32>
      %squeeze3A_1616 = vector.extract %slice3A_1615[0] : i32 from vector<1xi32>
      %shift_right_logical3A_1617 = arith.constant 7 : i32
      %shift_right_logical3A_1618 = arith.shrui %squeeze3A_1616, %shift_right_logical3A_1617 : i32
      %mul3A_1619 = arith.constant 128 : i32
      %mul3A_1620 = arith.muli %shift_right_logical3A_1618, %mul3A_1619 : i32
      %multiple_of3A_1621 = tpu.assume_multiple %mul3A_1620, 128 : i32
      %slice3A_1622 = vector.extract_strided_slice %get3A_516 {offsets = [11], sizes = [1], strides = [1]} : vector<16xi32> to vector<1xi32>
      %squeeze3A_1623 = vector.extract %slice3A_1622[0] : i32 from vector<1xi32>
      %shift_right_logical3A_1624 = arith.constant 7 : i32
      %shift_right_logical3A_1625 = arith.shrui %squeeze3A_1623, %shift_right_logical3A_1624 : i32
      %mul3A_1626 = arith.constant 128 : i32
      %mul3A_1627 = arith.muli %shift_right_logical3A_1625, %mul3A_1626 : i32
      %multiple_of3A_1628 = tpu.assume_multiple %mul3A_1627, 128 : i32
      %dma_start3A_1629 = arith.constant 3 : i32
      %dma_start3A_1630 = arith.constant 0 : i32
      %dma_start3A_1631 = arith.constant 0 : i32
      %dma_start3A_1632 = tpu.memref_slice %arg11[%dma_start3A_1629, %dma_start3A_1630, %dma_start3A_1631] : memref<4x32x128xf32, #tpu.memory_space<vmem>> -> memref<1x32x128xf32, #tpu.memory_space<vmem>>
      %dma_start3A_1633 = tpu.memref_squeeze %dma_start3A_1632 : memref<1x32x128xf32, #tpu.memory_space<vmem>> -> memref<32x128xf32, #tpu.memory_space<vmem>>
      %dma_start3A_1634 = arith.constant 0 : i32
      %dma_start3A_1635 = tpu.memref_slice %arg4[%dma_start3A_1634, %multiple_of3A_1621] : memref<32x1000000xf32, #tpu.memory_space<hbm>> -> memref<32x128xf32, #tpu.memory_space<hbm>>
      %dma_start3A_1636 = arith.constant 0 : i32
      %dma_start3A_1637 = arith.constant 0 : i32
      %dma_start3A_1638 = tpu.memref_slice %arg11[%dma_start3A_1629, %dma_start3A_1636, %dma_start3A_1637] : memref<4x32x128xf32, #tpu.memory_space<vmem>> -> memref<1x32x128xf32, #tpu.memory_space<vmem>>
      %dma_start3A_1639 = tpu.memref_squeeze %dma_start3A_1638 : memref<1x32x128xf32, #tpu.memory_space<vmem>> -> memref<32x128xf32, #tpu.memory_space<vmem>>
      %dma_start3A_1640 = arith.constant 0 : i32
      %dma_start3A_1641 = tpu.memref_slice %arg4[%dma_start3A_1640, %multiple_of3A_1621] : memref<32x1000000xf32, #tpu.memory_space<hbm>> -> memref<32x128xf32, #tpu.memory_space<hbm>>
      tpu.enqueue_dma source(%dma_start3A_1641 : memref<32x128xf32, #tpu.memory_space<hbm>>) target(%dma_start3A_1639 : memref<32x128xf32, #tpu.memory_space<vmem>>) target_semaphore(%arg18 : memref<!tpu.dma_semaphore, #tpu.memory_space<semaphore_mem>>)
      %dma_start3A_1642 = arith.constant 3 : i32
      %dma_start3A_1643 = arith.constant 0 : i32
      %dma_start3A_1644 = arith.constant 0 : i32
      %dma_start3A_1645 = tpu.memref_slice %arg12[%dma_start3A_1642, %dma_start3A_1643, %dma_start3A_1644] : memref<4x32x128xf32, #tpu.memory_space<vmem>> -> memref<1x32x128xf32, #tpu.memory_space<vmem>>
      %dma_start3A_1646 = tpu.memref_squeeze %dma_start3A_1645 : memref<1x32x128xf32, #tpu.memory_space<vmem>> -> memref<32x128xf32, #tpu.memory_space<vmem>>
      %dma_start3A_1647 = arith.constant 0 : i32
      %dma_start3A_1648 = tpu.memref_slice %arg5[%dma_start3A_1647, %multiple_of3A_1628] : memref<32x1000000xf32, #tpu.memory_space<hbm>> -> memref<32x128xf32, #tpu.memory_space<hbm>>
      %dma_start3A_1649 = arith.constant 0 : i32
      %dma_start3A_1650 = arith.constant 0 : i32
      %dma_start3A_1651 = tpu.memref_slice %arg12[%dma_start3A_1642, %dma_start3A_1649, %dma_start3A_1650] : memref<4x32x128xf32, #tpu.memory_space<vmem>> -> memref<1x32x128xf32, #tpu.memory_space<vmem>>
      %dma_start3A_1652 = tpu.memref_squeeze %dma_start3A_1651 : memref<1x32x128xf32, #tpu.memory_space<vmem>> -> memref<32x128xf32, #tpu.memory_space<vmem>>
      %dma_start3A_1653 = arith.constant 0 : i32
      %dma_start3A_1654 = tpu.memref_slice %arg5[%dma_start3A_1653, %multiple_of3A_1628] : memref<32x1000000xf32, #tpu.memory_space<hbm>> -> memref<32x128xf32, #tpu.memory_space<hbm>>
      tpu.enqueue_dma source(%dma_start3A_1654 : memref<32x128xf32, #tpu.memory_space<hbm>>) target(%dma_start3A_1652 : memref<32x128xf32, #tpu.memory_space<vmem>>) target_semaphore(%arg18 : memref<!tpu.dma_semaphore, #tpu.memory_space<semaphore_mem>>)
      %dma_wait3A_1655 = arith.constant 0 : i32
      %dma_wait3A_1656 = arith.constant 0 : i32
      %dma_wait3A_1657 = arith.constant 0 : i32
      %dma_wait3A_1658 = tpu.memref_slice %arg13[%dma_wait3A_1655, %dma_wait3A_1656, %dma_wait3A_1657] : memref<4x32x128xf32, #tpu.memory_space<vmem>> -> memref<1x32x128xf32, #tpu.memory_space<vmem>>
      %dma_wait3A_1659 = tpu.memref_squeeze %dma_wait3A_1658 : memref<1x32x128xf32, #tpu.memory_space<vmem>> -> memref<32x128xf32, #tpu.memory_space<vmem>>
      %dma_wait3A_1660 = arith.constant 0 : i32
      %dma_wait3A_1661 = arith.constant 0 : i32
      %dma_wait3A_1662 = tpu.memref_slice %arg4[%dma_wait3A_1660, %dma_wait3A_1661] : memref<32x1000000xf32, #tpu.memory_space<hbm>> -> memref<32x128xf32, #tpu.memory_space<hbm>>
      %dma_wait3A_1663 = arith.constant 0 : i32
      %dma_wait3A_1664 = arith.constant 0 : i32
      %dma_wait3A_1665 = tpu.memref_slice %arg13[%dma_wait3A_1655, %dma_wait3A_1663, %dma_wait3A_1664] : memref<4x32x128xf32, #tpu.memory_space<vmem>> -> memref<1x32x128xf32, #tpu.memory_space<vmem>>
      %dma_wait3A_1666 = tpu.memref_squeeze %dma_wait3A_1665 : memref<1x32x128xf32, #tpu.memory_space<vmem>> -> memref<32x128xf32, #tpu.memory_space<vmem>>
      %dma_wait3A_1667 = arith.constant 0 : i32
      %dma_wait3A_1668 = arith.constant 0 : i32
      %dma_wait3A_1669 = tpu.memref_slice %arg4[%dma_wait3A_1667, %dma_wait3A_1668] : memref<32x1000000xf32, #tpu.memory_space<hbm>> -> memref<32x128xf32, #tpu.memory_space<hbm>>
      tpu.wait_dma2 semaphore(%arg19 : memref<!tpu.dma_semaphore, #tpu.memory_space<semaphore_mem>>) src(%dma_wait3A_1669 : memref<32x128xf32, #tpu.memory_space<hbm>>) dst(%dma_wait3A_1666 : memref<32x128xf32, #tpu.memory_space<vmem>>)
      %dma_wait3A_1670 = arith.constant 0 : i32
      %dma_wait3A_1671 = arith.constant 0 : i32
      %dma_wait3A_1672 = arith.constant 0 : i32
      %dma_wait3A_1673 = tpu.memref_slice %arg14[%dma_wait3A_1670, %dma_wait3A_1671, %dma_wait3A_1672] : memref<4x32x128xf32, #tpu.memory_space<vmem>> -> memref<1x32x128xf32, #tpu.memory_space<vmem>>
      %dma_wait3A_1674 = tpu.memref_squeeze %dma_wait3A_1673 : memref<1x32x128xf32, #tpu.memory_space<vmem>> -> memref<32x128xf32, #tpu.memory_space<vmem>>
      %dma_wait3A_1675 = arith.constant 0 : i32
      %dma_wait3A_1676 = arith.constant 0 : i32
      %dma_wait3A_1677 = tpu.memref_slice %arg4[%dma_wait3A_1675, %dma_wait3A_1676] : memref<32x1000000xf32, #tpu.memory_space<hbm>> -> memref<32x128xf32, #tpu.memory_space<hbm>>
      %dma_wait3A_1678 = arith.constant 0 : i32
      %dma_wait3A_1679 = arith.constant 0 : i32
      %dma_wait3A_1680 = tpu.memref_slice %arg14[%dma_wait3A_1670, %dma_wait3A_1678, %dma_wait3A_1679] : memref<4x32x128xf32, #tpu.memory_space<vmem>> -> memref<1x32x128xf32, #tpu.memory_space<vmem>>
      %dma_wait3A_1681 = tpu.memref_squeeze %dma_wait3A_1680 : memref<1x32x128xf32, #tpu.memory_space<vmem>> -> memref<32x128xf32, #tpu.memory_space<vmem>>
      %dma_wait3A_1682 = arith.constant 0 : i32
      %dma_wait3A_1683 = arith.constant 0 : i32
      %dma_wait3A_1684 = tpu.memref_slice %arg4[%dma_wait3A_1682, %dma_wait3A_1683] : memref<32x1000000xf32, #tpu.memory_space<hbm>> -> memref<32x128xf32, #tpu.memory_space<hbm>>
      tpu.wait_dma2 semaphore(%arg19 : memref<!tpu.dma_semaphore, #tpu.memory_space<semaphore_mem>>) src(%dma_wait3A_1684 : memref<32x128xf32, #tpu.memory_space<hbm>>) dst(%dma_wait3A_1681 : memref<32x128xf32, #tpu.memory_space<vmem>>)
      %dma_wait3A_1685 = arith.constant 1 : i32
      %dma_wait3A_1686 = arith.constant 0 : i32
      %dma_wait3A_1687 = arith.constant 0 : i32
      %dma_wait3A_1688 = tpu.memref_slice %arg13[%dma_wait3A_1685, %dma_wait3A_1686, %dma_wait3A_1687] : memref<4x32x128xf32, #tpu.memory_space<vmem>> -> memref<1x32x128xf32, #tpu.memory_space<vmem>>
      %dma_wait3A_1689 = tpu.memref_squeeze %dma_wait3A_1688 : memref<1x32x128xf32, #tpu.memory_space<vmem>> -> memref<32x128xf32, #tpu.memory_space<vmem>>
      %dma_wait3A_1690 = arith.constant 0 : i32
      %dma_wait3A_1691 = arith.constant 0 : i32
      %dma_wait3A_1692 = tpu.memref_slice %arg4[%dma_wait3A_1690, %dma_wait3A_1691] : memref<32x1000000xf32, #tpu.memory_space<hbm>> -> memref<32x128xf32, #tpu.memory_space<hbm>>
      %dma_wait3A_1693 = arith.constant 0 : i32
      %dma_wait3A_1694 = arith.constant 0 : i32
      %dma_wait3A_1695 = tpu.memref_slice %arg13[%dma_wait3A_1685, %dma_wait3A_1693, %dma_wait3A_1694] : memref<4x32x128xf32, #tpu.memory_space<vmem>> -> memref<1x32x128xf32, #tpu.memory_space<vmem>>
      %dma_wait3A_1696 = tpu.memref_squeeze %dma_wait3A_1695 : memref<1x32x128xf32, #tpu.memory_space<vmem>> -> memref<32x128xf32, #tpu.memory_space<vmem>>
      %dma_wait3A_1697 = arith.constant 0 : i32
      %dma_wait3A_1698 = arith.constant 0 : i32
      %dma_wait3A_1699 = tpu.memref_slice %arg4[%dma_wait3A_1697, %dma_wait3A_1698] : memref<32x1000000xf32, #tpu.memory_space<hbm>> -> memref<32x128xf32, #tpu.memory_space<hbm>>
      tpu.wait_dma2 semaphore(%arg19 : memref<!tpu.dma_semaphore, #tpu.memory_space<semaphore_mem>>) src(%dma_wait3A_1699 : memref<32x128xf32, #tpu.memory_space<hbm>>) dst(%dma_wait3A_1696 : memref<32x128xf32, #tpu.memory_space<vmem>>)
      %dma_wait3A_1700 = arith.constant 1 : i32
      %dma_wait3A_1701 = arith.constant 0 : i32
      %dma_wait3A_1702 = arith.constant 0 : i32
      %dma_wait3A_1703 = tpu.memref_slice %arg14[%dma_wait3A_1700, %dma_wait3A_1701, %dma_wait3A_1702] : memref<4x32x128xf32, #tpu.memory_space<vmem>> -> memref<1x32x128xf32, #tpu.memory_space<vmem>>
      %dma_wait3A_1704 = tpu.memref_squeeze %dma_wait3A_1703 : memref<1x32x128xf32, #tpu.memory_space<vmem>> -> memref<32x128xf32, #tpu.memory_space<vmem>>
      %dma_wait3A_1705 = arith.constant 0 : i32
      %dma_wait3A_1706 = arith.constant 0 : i32
      %dma_wait3A_1707 = tpu.memref_slice %arg4[%dma_wait3A_1705, %dma_wait3A_1706] : memref<32x1000000xf32, #tpu.memory_space<hbm>> -> memref<32x128xf32, #tpu.memory_space<hbm>>
      %dma_wait3A_1708 = arith.constant 0 : i32
      %dma_wait3A_1709 = arith.constant 0 : i32
      %dma_wait3A_1710 = tpu.memref_slice %arg14[%dma_wait3A_1700, %dma_wait3A_1708, %dma_wait3A_1709] : memref<4x32x128xf32, #tpu.memory_space<vmem>> -> memref<1x32x128xf32, #tpu.memory_space<vmem>>
      %dma_wait3A_1711 = tpu.memref_squeeze %dma_wait3A_1710 : memref<1x32x128xf32, #tpu.memory_space<vmem>> -> memref<32x128xf32, #tpu.memory_space<vmem>>
      %dma_wait3A_1712 = arith.constant 0 : i32
      %dma_wait3A_1713 = arith.constant 0 : i32
      %dma_wait3A_1714 = tpu.memref_slice %arg4[%dma_wait3A_1712, %dma_wait3A_1713] : memref<32x1000000xf32, #tpu.memory_space<hbm>> -> memref<32x128xf32, #tpu.memory_space<hbm>>
      tpu.wait_dma2 semaphore(%arg19 : memref<!tpu.dma_semaphore, #tpu.memory_space<semaphore_mem>>) src(%dma_wait3A_1714 : memref<32x128xf32, #tpu.memory_space<hbm>>) dst(%dma_wait3A_1711 : memref<32x128xf32, #tpu.memory_space<vmem>>)
      %dma_wait3A_1715 = arith.constant 2 : i32
      %dma_wait3A_1716 = arith.constant 0 : i32
      %dma_wait3A_1717 = arith.constant 0 : i32
      %dma_wait3A_1718 = tpu.memref_slice %arg13[%dma_wait3A_1715, %dma_wait3A_1716, %dma_wait3A_1717] : memref<4x32x128xf32, #tpu.memory_space<vmem>> -> memref<1x32x128xf32, #tpu.memory_space<vmem>>
      %dma_wait3A_1719 = tpu.memref_squeeze %dma_wait3A_1718 : memref<1x32x128xf32, #tpu.memory_space<vmem>> -> memref<32x128xf32, #tpu.memory_space<vmem>>
      %dma_wait3A_1720 = arith.constant 0 : i32
      %dma_wait3A_1721 = arith.constant 0 : i32
      %dma_wait3A_1722 = tpu.memref_slice %arg4[%dma_wait3A_1720, %dma_wait3A_1721] : memref<32x1000000xf32, #tpu.memory_space<hbm>> -> memref<32x128xf32, #tpu.memory_space<hbm>>
      %dma_wait3A_1723 = arith.constant 0 : i32
      %dma_wait3A_1724 = arith.constant 0 : i32
      %dma_wait3A_1725 = tpu.memref_slice %arg13[%dma_wait3A_1715, %dma_wait3A_1723, %dma_wait3A_1724] : memref<4x32x128xf32, #tpu.memory_space<vmem>> -> memref<1x32x128xf32, #tpu.memory_space<vmem>>
      %dma_wait3A_1726 = tpu.memref_squeeze %dma_wait3A_1725 : memref<1x32x128xf32, #tpu.memory_space<vmem>> -> memref<32x128xf32, #tpu.memory_space<vmem>>
      %dma_wait3A_1727 = arith.constant 0 : i32
      %dma_wait3A_1728 = arith.constant 0 : i32
      %dma_wait3A_1729 = tpu.memref_slice %arg4[%dma_wait3A_1727, %dma_wait3A_1728] : memref<32x1000000xf32, #tpu.memory_space<hbm>> -> memref<32x128xf32, #tpu.memory_space<hbm>>
      tpu.wait_dma2 semaphore(%arg19 : memref<!tpu.dma_semaphore, #tpu.memory_space<semaphore_mem>>) src(%dma_wait3A_1729 : memref<32x128xf32, #tpu.memory_space<hbm>>) dst(%dma_wait3A_1726 : memref<32x128xf32, #tpu.memory_space<vmem>>)
      %dma_wait3A_1730 = arith.constant 2 : i32
      %dma_wait3A_1731 = arith.constant 0 : i32
      %dma_wait3A_1732 = arith.constant 0 : i32
      %dma_wait3A_1733 = tpu.memref_slice %arg14[%dma_wait3A_1730, %dma_wait3A_1731, %dma_wait3A_1732] : memref<4x32x128xf32, #tpu.memory_space<vmem>> -> memref<1x32x128xf32, #tpu.memory_space<vmem>>
      %dma_wait3A_1734 = tpu.memref_squeeze %dma_wait3A_1733 : memref<1x32x128xf32, #tpu.memory_space<vmem>> -> memref<32x128xf32, #tpu.memory_space<vmem>>
      %dma_wait3A_1735 = arith.constant 0 : i32
      %dma_wait3A_1736 = arith.constant 0 : i32
      %dma_wait3A_1737 = tpu.memref_slice %arg4[%dma_wait3A_1735, %dma_wait3A_1736] : memref<32x1000000xf32, #tpu.memory_space<hbm>> -> memref<32x128xf32, #tpu.memory_space<hbm>>
      %dma_wait3A_1738 = arith.constant 0 : i32
      %dma_wait3A_1739 = arith.constant 0 : i32
      %dma_wait3A_1740 = tpu.memref_slice %arg14[%dma_wait3A_1730, %dma_wait3A_1738, %dma_wait3A_1739] : memref<4x32x128xf32, #tpu.memory_space<vmem>> -> memref<1x32x128xf32, #tpu.memory_space<vmem>>
      %dma_wait3A_1741 = tpu.memref_squeeze %dma_wait3A_1740 : memref<1x32x128xf32, #tpu.memory_space<vmem>> -> memref<32x128xf32, #tpu.memory_space<vmem>>
      %dma_wait3A_1742 = arith.constant 0 : i32
      %dma_wait3A_1743 = arith.constant 0 : i32
      %dma_wait3A_1744 = tpu.memref_slice %arg4[%dma_wait3A_1742, %dma_wait3A_1743] : memref<32x1000000xf32, #tpu.memory_space<hbm>> -> memref<32x128xf32, #tpu.memory_space<hbm>>
      tpu.wait_dma2 semaphore(%arg19 : memref<!tpu.dma_semaphore, #tpu.memory_space<semaphore_mem>>) src(%dma_wait3A_1744 : memref<32x128xf32, #tpu.memory_space<hbm>>) dst(%dma_wait3A_1741 : memref<32x128xf32, #tpu.memory_space<vmem>>)
      %dma_wait3A_1745 = arith.constant 3 : i32
      %dma_wait3A_1746 = arith.constant 0 : i32
      %dma_wait3A_1747 = arith.constant 0 : i32
      %dma_wait3A_1748 = tpu.memref_slice %arg13[%dma_wait3A_1745, %dma_wait3A_1746, %dma_wait3A_1747] : memref<4x32x128xf32, #tpu.memory_space<vmem>> -> memref<1x32x128xf32, #tpu.memory_space<vmem>>
      %dma_wait3A_1749 = tpu.memref_squeeze %dma_wait3A_1748 : memref<1x32x128xf32, #tpu.memory_space<vmem>> -> memref<32x128xf32, #tpu.memory_space<vmem>>
      %dma_wait3A_1750 = arith.constant 0 : i32
      %dma_wait3A_1751 = arith.constant 0 : i32
      %dma_wait3A_1752 = tpu.memref_slice %arg4[%dma_wait3A_1750, %dma_wait3A_1751] : memref<32x1000000xf32, #tpu.memory_space<hbm>> -> memref<32x128xf32, #tpu.memory_space<hbm>>
      %dma_wait3A_1753 = arith.constant 0 : i32
      %dma_wait3A_1754 = arith.constant 0 : i32
      %dma_wait3A_1755 = tpu.memref_slice %arg13[%dma_wait3A_1745, %dma_wait3A_1753, %dma_wait3A_1754] : memref<4x32x128xf32, #tpu.memory_space<vmem>> -> memref<1x32x128xf32, #tpu.memory_space<vmem>>
      %dma_wait3A_1756 = tpu.memref_squeeze %dma_wait3A_1755 : memref<1x32x128xf32, #tpu.memory_space<vmem>> -> memref<32x128xf32, #tpu.memory_space<vmem>>
      %dma_wait3A_1757 = arith.constant 0 : i32
      %dma_wait3A_1758 = arith.constant 0 : i32
      %dma_wait3A_1759 = tpu.memref_slice %arg4[%dma_wait3A_1757, %dma_wait3A_1758] : memref<32x1000000xf32, #tpu.memory_space<hbm>> -> memref<32x128xf32, #tpu.memory_space<hbm>>
      tpu.wait_dma2 semaphore(%arg19 : memref<!tpu.dma_semaphore, #tpu.memory_space<semaphore_mem>>) src(%dma_wait3A_1759 : memref<32x128xf32, #tpu.memory_space<hbm>>) dst(%dma_wait3A_1756 : memref<32x128xf32, #tpu.memory_space<vmem>>)
      %dma_wait3A_1760 = arith.constant 3 : i32
      %dma_wait3A_1761 = arith.constant 0 : i32
      %dma_wait3A_1762 = arith.constant 0 : i32
      %dma_wait3A_1763 = tpu.memref_slice %arg14[%dma_wait3A_1760, %dma_wait3A_1761, %dma_wait3A_1762] : memref<4x32x128xf32, #tpu.memory_space<vmem>> -> memref<1x32x128xf32, #tpu.memory_space<vmem>>
      %dma_wait3A_1764 = tpu.memref_squeeze %dma_wait3A_1763 : memref<1x32x128xf32, #tpu.memory_space<vmem>> -> memref<32x128xf32, #tpu.memory_space<vmem>>
      %dma_wait3A_1765 = arith.constant 0 : i32
      %dma_wait3A_1766 = arith.constant 0 : i32
      %dma_wait3A_1767 = tpu.memref_slice %arg4[%dma_wait3A_1765, %dma_wait3A_1766] : memref<32x1000000xf32, #tpu.memory_space<hbm>> -> memref<32x128xf32, #tpu.memory_space<hbm>>
      %dma_wait3A_1768 = arith.constant 0 : i32
      %dma_wait3A_1769 = arith.constant 0 : i32
      %dma_wait3A_1770 = tpu.memref_slice %arg14[%dma_wait3A_1760, %dma_wait3A_1768, %dma_wait3A_1769] : memref<4x32x128xf32, #tpu.memory_space<vmem>> -> memref<1x32x128xf32, #tpu.memory_space<vmem>>
      %dma_wait3A_1771 = tpu.memref_squeeze %dma_wait3A_1770 : memref<1x32x128xf32, #tpu.memory_space<vmem>> -> memref<32x128xf32, #tpu.memory_space<vmem>>
      %dma_wait3A_1772 = arith.constant 0 : i32
      %dma_wait3A_1773 = arith.constant 0 : i32
      %dma_wait3A_1774 = tpu.memref_slice %arg4[%dma_wait3A_1772, %dma_wait3A_1773] : memref<32x1000000xf32, #tpu.memory_space<hbm>> -> memref<32x128xf32, #tpu.memory_space<hbm>>
      tpu.wait_dma2 semaphore(%arg19 : memref<!tpu.dma_semaphore, #tpu.memory_space<semaphore_mem>>) src(%dma_wait3A_1774 : memref<32x128xf32, #tpu.memory_space<hbm>>) dst(%dma_wait3A_1771 : memref<32x128xf32, #tpu.memory_space<vmem>>)
      %add3A_1775 = arith.constant 4 : i32
      %add3A_1776 = arith.addi %mul3A_512, %add3A_1775 : i32
      %broadcast_in_dim3A_1777 = arith.constant 1 : i32
      %broadcast_in_dim3A_1778 = vector.broadcast %broadcast_in_dim3A_1777 : i32 to vector<16xi32>
      %add3A_1779 = arith.constant 0 : i32
      %add3A_1780 = arith.addi %add3A_1776, %add3A_1779 : i32
      %mul3A_1781 = vector.broadcast %add3A_1780 : i32 to vector<16xi32>
      %mul3A_1782 = arith.muli %broadcast_in_dim3A_1778, %mul3A_1781 : vector<16xi32>
      %broadcast_in_dim3A_1783 = arith.constant 1 : i32
      %broadcast_in_dim3A_1784 = vector.broadcast %broadcast_in_dim3A_1783 : i32 to vector<16xi32>
      %slice3A_1785 = vector.extract_strided_slice %get3A_514 {offsets = [4], sizes = [1], strides = [1]} : vector<16xi32> to vector<1xi32>
      %squeeze3A_1786 = vector.extract %slice3A_1785[0] : i32 from vector<1xi32>
      %and3A_1787 = arith.constant 127 : i32
      %and3A_1788 = arith.andi %squeeze3A_1786, %and3A_1787 : i32
      %mul3A_1789 = vector.broadcast %and3A_1788 : i32 to vector<16xi32>
      %mul3A_1790 = arith.muli %broadcast_in_dim3A_1784, %mul3A_1789 : vector<16xi32>
      %broadcast_in_dim3A_1791 = arith.constant 1 : i32
      %broadcast_in_dim3A_1792 = vector.broadcast %broadcast_in_dim3A_1791 : i32 to vector<16xi32>
      %slice3A_1793 = vector.extract_strided_slice %get3A_516 {offsets = [4], sizes = [1], strides = [1]} : vector<16xi32> to vector<1xi32>
      %squeeze3A_1794 = vector.extract %slice3A_1793[0] : i32 from vector<1xi32>
      %and3A_1795 = arith.constant 127 : i32
      %and3A_1796 = arith.andi %squeeze3A_1794, %and3A_1795 : i32
      %mul3A_1797 = vector.broadcast %and3A_1796 : i32 to vector<16xi32>
      %mul3A_1798 = arith.muli %broadcast_in_dim3A_1792, %mul3A_1797 : vector<16xi32>
      %add3A_1799 = arith.constant 0 : i32
      %add3A_1800 = vector.broadcast %add3A_1799 : i32 to vector<16xi32>
      %add3A_1801 = arith.addi %iota3A, %add3A_1800 : vector<16xi32>
      %gather3A_1802 = arith.constant 0 : i32
      %gather3A_1803 = arith.constant 0 : i32
      %gather3A_1804 = arith.constant 0 : i32
      %gather3A_1805 = tpu.memref_slice %arg13[%gather3A_1802, %gather3A_1803, %gather3A_1804] : memref<4x32x128xf32, #tpu.memory_space<vmem>> -> memref<1x32x128xf32, #tpu.memory_space<vmem>>
      %gather3A_1806 = tpu.memref_squeeze %gather3A_1805 : memref<1x32x128xf32, #tpu.memory_space<vmem>> -> memref<32x128xf32, #tpu.memory_space<vmem>>
      %gather3A_1807 = tpu.vector_load_idx %gather3A_1806[%add3A_1801, %mul3A_1790] : memref<32x128xf32, #tpu.memory_space<vmem>>[vector<16xi32>, vector<16xi32>], vector<16xf32>,
      %gather3A_1808 = arith.constant 0 : i32
      %gather3A_1809 = arith.constant 0 : i32
      %gather3A_1810 = arith.constant 0 : i32
      %gather3A_1811 = tpu.memref_slice %arg14[%gather3A_1808, %gather3A_1809, %gather3A_1810] : memref<4x32x128xf32, #tpu.memory_space<vmem>> -> memref<1x32x128xf32, #tpu.memory_space<vmem>>
      %gather3A_1812 = tpu.memref_squeeze %gather3A_1811 : memref<1x32x128xf32, #tpu.memory_space<vmem>> -> memref<32x128xf32, #tpu.memory_space<vmem>>
      %gather3A_1813 = tpu.vector_load_idx %gather3A_1812[%add3A_1801, %mul3A_1798] : memref<32x128xf32, #tpu.memory_space<vmem>>[vector<16xi32>, vector<16xi32>], vector<16xf32>,
      tpu.vector_store_idx %arg15[%add3A_1801, %mul3A_1782], %gather3A_1807 : memref<32x512xf32, #tpu.memory_space<vmem>>[vector<16xi32>, vector<16xi32>], vector<16xf32>,
      tpu.vector_store_idx %arg16[%add3A_1801, %mul3A_1782], %gather3A_1813 : memref<32x512xf32, #tpu.memory_space<vmem>>[vector<16xi32>, vector<16xi32>], vector<16xf32>,
      %add3A_1814 = arith.constant 16 : i32
      %add3A_1815 = vector.broadcast %add3A_1814 : i32 to vector<16xi32>
      %add3A_1816 = arith.addi %iota3A, %add3A_1815 : vector<16xi32>
      %gather3A_1817 = arith.constant 0 : i32
      %gather3A_1818 = arith.constant 0 : i32
      %gather3A_1819 = arith.constant 0 : i32
      %gather3A_1820 = tpu.memref_slice %arg13[%gather3A_1817, %gather3A_1818, %gather3A_1819] : memref<4x32x128xf32, #tpu.memory_space<vmem>> -> memref<1x32x128xf32, #tpu.memory_space<vmem>>
      %gather3A_1821 = tpu.memref_squeeze %gather3A_1820 : memref<1x32x128xf32, #tpu.memory_space<vmem>> -> memref<32x128xf32, #tpu.memory_space<vmem>>
      %gather3A_1822 = tpu.vector_load_idx %gather3A_1821[%add3A_1816, %mul3A_1790] : memref<32x128xf32, #tpu.memory_space<vmem>>[vector<16xi32>, vector<16xi32>], vector<16xf32>,
      %gather3A_1823 = arith.constant 0 : i32
      %gather3A_1824 = arith.constant 0 : i32
      %gather3A_1825 = arith.constant 0 : i32
      %gather3A_1826 = tpu.memref_slice %arg14[%gather3A_1823, %gather3A_1824, %gather3A_1825] : memref<4x32x128xf32, #tpu.memory_space<vmem>> -> memref<1x32x128xf32, #tpu.memory_space<vmem>>
      %gather3A_1827 = tpu.memref_squeeze %gather3A_1826 : memref<1x32x128xf32, #tpu.memory_space<vmem>> -> memref<32x128xf32, #tpu.memory_space<vmem>>
      %gather3A_1828 = tpu.vector_load_idx %gather3A_1827[%add3A_1816, %mul3A_1798] : memref<32x128xf32, #tpu.memory_space<vmem>>[vector<16xi32>, vector<16xi32>], vector<16xf32>,
      tpu.vector_store_idx %arg15[%add3A_1816, %mul3A_1782], %gather3A_1822 : memref<32x512xf32, #tpu.memory_space<vmem>>[vector<16xi32>, vector<16xi32>], vector<16xf32>,
      tpu.vector_store_idx %arg16[%add3A_1816, %mul3A_1782], %gather3A_1828 : memref<32x512xf32, #tpu.memory_space<vmem>>[vector<16xi32>, vector<16xi32>], vector<16xf32>,
      %broadcast_in_dim3A_1829 = arith.constant 1 : i32
      %broadcast_in_dim3A_1830 = vector.broadcast %broadcast_in_dim3A_1829 : i32 to vector<16xi32>
      %add3A_1831 = arith.constant 1 : i32
      %add3A_1832 = arith.addi %add3A_1776, %add3A_1831 : i32
      %mul3A_1833 = vector.broadcast %add3A_1832 : i32 to vector<16xi32>
      %mul3A_1834 = arith.muli %broadcast_in_dim3A_1830, %mul3A_1833 : vector<16xi32>
      %broadcast_in_dim3A_1835 = arith.constant 1 : i32
      %broadcast_in_dim3A_1836 = vector.broadcast %broadcast_in_dim3A_1835 : i32 to vector<16xi32>
      %slice3A_1837 = vector.extract_strided_slice %get3A_514 {offsets = [5], sizes = [1], strides = [1]} : vector<16xi32> to vector<1xi32>
      %squeeze3A_1838 = vector.extract %slice3A_1837[0] : i32 from vector<1xi32>
      %and3A_1839 = arith.constant 127 : i32
      %and3A_1840 = arith.andi %squeeze3A_1838, %and3A_1839 : i32
      %mul3A_1841 = vector.broadcast %and3A_1840 : i32 to vector<16xi32>
      %mul3A_1842 = arith.muli %broadcast_in_dim3A_1836, %mul3A_1841 : vector<16xi32>
      %broadcast_in_dim3A_1843 = arith.constant 1 : i32
      %broadcast_in_dim3A_1844 = vector.broadcast %broadcast_in_dim3A_1843 : i32 to vector<16xi32>
      %slice3A_1845 = vector.extract_strided_slice %get3A_516 {offsets = [5], sizes = [1], strides = [1]} : vector<16xi32> to vector<1xi32>
      %squeeze3A_1846 = vector.extract %slice3A_1845[0] : i32 from vector<1xi32>
      %and3A_1847 = arith.constant 127 : i32
      %and3A_1848 = arith.andi %squeeze3A_1846, %and3A_1847 : i32
      %mul3A_1849 = vector.broadcast %and3A_1848 : i32 to vector<16xi32>
      %mul3A_1850 = arith.muli %broadcast_in_dim3A_1844, %mul3A_1849 : vector<16xi32>
      %add3A_1851 = arith.constant 0 : i32
      %add3A_1852 = vector.broadcast %add3A_1851 : i32 to vector<16xi32>
      %add3A_1853 = arith.addi %iota3A, %add3A_1852 : vector<16xi32>
      %gather3A_1854 = arith.constant 1 : i32
      %gather3A_1855 = arith.constant 0 : i32
      %gather3A_1856 = arith.constant 0 : i32
      %gather3A_1857 = tpu.memref_slice %arg13[%gather3A_1854, %gather3A_1855, %gather3A_1856] : memref<4x32x128xf32, #tpu.memory_space<vmem>> -> memref<1x32x128xf32, #tpu.memory_space<vmem>>
      %gather3A_1858 = tpu.memref_squeeze %gather3A_1857 : memref<1x32x128xf32, #tpu.memory_space<vmem>> -> memref<32x128xf32, #tpu.memory_space<vmem>>
      %gather3A_1859 = tpu.vector_load_idx %gather3A_1858[%add3A_1853, %mul3A_1842] : memref<32x128xf32, #tpu.memory_space<vmem>>[vector<16xi32>, vector<16xi32>], vector<16xf32>,
      %gather3A_1860 = arith.constant 1 : i32
      %gather3A_1861 = arith.constant 0 : i32
      %gather3A_1862 = arith.constant 0 : i32
      %gather3A_1863 = tpu.memref_slice %arg14[%gather3A_1860, %gather3A_1861, %gather3A_1862] : memref<4x32x128xf32, #tpu.memory_space<vmem>> -> memref<1x32x128xf32, #tpu.memory_space<vmem>>
      %gather3A_1864 = tpu.memref_squeeze %gather3A_1863 : memref<1x32x128xf32, #tpu.memory_space<vmem>> -> memref<32x128xf32, #tpu.memory_space<vmem>>
      %gather3A_1865 = tpu.vector_load_idx %gather3A_1864[%add3A_1853, %mul3A_1850] : memref<32x128xf32, #tpu.memory_space<vmem>>[vector<16xi32>, vector<16xi32>], vector<16xf32>,
      tpu.vector_store_idx %arg15[%add3A_1853, %mul3A_1834], %gather3A_1859 : memref<32x512xf32, #tpu.memory_space<vmem>>[vector<16xi32>, vector<16xi32>], vector<16xf32>,
      tpu.vector_store_idx %arg16[%add3A_1853, %mul3A_1834], %gather3A_1865 : memref<32x512xf32, #tpu.memory_space<vmem>>[vector<16xi32>, vector<16xi32>], vector<16xf32>,
      %add3A_1866 = arith.constant 16 : i32
      %add3A_1867 = vector.broadcast %add3A_1866 : i32 to vector<16xi32>
      %add3A_1868 = arith.addi %iota3A, %add3A_1867 : vector<16xi32>
      %gather3A_1869 = arith.constant 1 : i32
      %gather3A_1870 = arith.constant 0 : i32
      %gather3A_1871 = arith.constant 0 : i32
      %gather3A_1872 = tpu.memref_slice %arg13[%gather3A_1869, %gather3A_1870, %gather3A_1871] : memref<4x32x128xf32, #tpu.memory_space<vmem>> -> memref<1x32x128xf32, #tpu.memory_space<vmem>>
      %gather3A_1873 = tpu.memref_squeeze %gather3A_1872 : memref<1x32x128xf32, #tpu.memory_space<vmem>> -> memref<32x128xf32, #tpu.memory_space<vmem>>
      %gather3A_1874 = tpu.vector_load_idx %gather3A_1873[%add3A_1868, %mul3A_1842] : memref<32x128xf32, #tpu.memory_space<vmem>>[vector<16xi32>, vector<16xi32>], vector<16xf32>,
      %gather3A_1875 = arith.constant 1 : i32
      %gather3A_1876 = arith.constant 0 : i32
      %gather3A_1877 = arith.constant 0 : i32
      %gather3A_1878 = tpu.memref_slice %arg14[%gather3A_1875, %gather3A_1876, %gather3A_1877] : memref<4x32x128xf32, #tpu.memory_space<vmem>> -> memref<1x32x128xf32, #tpu.memory_space<vmem>>
      %gather3A_1879 = tpu.memref_squeeze %gather3A_1878 : memref<1x32x128xf32, #tpu.memory_space<vmem>> -> memref<32x128xf32, #tpu.memory_space<vmem>>
      %gather3A_1880 = tpu.vector_load_idx %gather3A_1879[%add3A_1868, %mul3A_1850] : memref<32x128xf32, #tpu.memory_space<vmem>>[vector<16xi32>, vector<16xi32>], vector<16xf32>,
      tpu.vector_store_idx %arg15[%add3A_1868, %mul3A_1834], %gather3A_1874 : memref<32x512xf32, #tpu.memory_space<vmem>>[vector<16xi32>, vector<16xi32>], vector<16xf32>,
      tpu.vector_store_idx %arg16[%add3A_1868, %mul3A_1834], %gather3A_1880 : memref<32x512xf32, #tpu.memory_space<vmem>>[vector<16xi32>, vector<16xi32>], vector<16xf32>,
      %broadcast_in_dim3A_1881 = arith.constant 1 : i32
      %broadcast_in_dim3A_1882 = vector.broadcast %broadcast_in_dim3A_1881 : i32 to vector<16xi32>
      %add3A_1883 = arith.constant 2 : i32
      %add3A_1884 = arith.addi %add3A_1776, %add3A_1883 : i32
      %mul3A_1885 = vector.broadcast %add3A_1884 : i32 to vector<16xi32>
      %mul3A_1886 = arith.muli %broadcast_in_dim3A_1882, %mul3A_1885 : vector<16xi32>
      %broadcast_in_dim3A_1887 = arith.constant 1 : i32
      %broadcast_in_dim3A_1888 = vector.broadcast %broadcast_in_dim3A_1887 : i32 to vector<16xi32>
      %slice3A_1889 = vector.extract_strided_slice %get3A_514 {offsets = [6], sizes = [1], strides = [1]} : vector<16xi32> to vector<1xi32>
      %squeeze3A_1890 = vector.extract %slice3A_1889[0] : i32 from vector<1xi32>
      %and3A_1891 = arith.constant 127 : i32
      %and3A_1892 = arith.andi %squeeze3A_1890, %and3A_1891 : i32
      %mul3A_1893 = vector.broadcast %and3A_1892 : i32 to vector<16xi32>
      %mul3A_1894 = arith.muli %broadcast_in_dim3A_1888, %mul3A_1893 : vector<16xi32>
      %broadcast_in_dim3A_1895 = arith.constant 1 : i32
      %broadcast_in_dim3A_1896 = vector.broadcast %broadcast_in_dim3A_1895 : i32 to vector<16xi32>
      %slice3A_1897 = vector.extract_strided_slice %get3A_516 {offsets = [6], sizes = [1], strides = [1]} : vector<16xi32> to vector<1xi32>
      %squeeze3A_1898 = vector.extract %slice3A_1897[0] : i32 from vector<1xi32>
      %and3A_1899 = arith.constant 127 : i32
      %and3A_1900 = arith.andi %squeeze3A_1898, %and3A_1899 : i32
      %mul3A_1901 = vector.broadcast %and3A_1900 : i32 to vector<16xi32>
      %mul3A_1902 = arith.muli %broadcast_in_dim3A_1896, %mul3A_1901 : vector<16xi32>
      %add3A_1903 = arith.constant 0 : i32
      %add3A_1904 = vector.broadcast %add3A_1903 : i32 to vector<16xi32>
      %add3A_1905 = arith.addi %iota3A, %add3A_1904 : vector<16xi32>
      %gather3A_1906 = arith.constant 2 : i32
      %gather3A_1907 = arith.constant 0 : i32
      %gather3A_1908 = arith.constant 0 : i32
      %gather3A_1909 = tpu.memref_slice %arg13[%gather3A_1906, %gather3A_1907, %gather3A_1908] : memref<4x32x128xf32, #tpu.memory_space<vmem>> -> memref<1x32x128xf32, #tpu.memory_space<vmem>>
      %gather3A_1910 = tpu.memref_squeeze %gather3A_1909 : memref<1x32x128xf32, #tpu.memory_space<vmem>> -> memref<32x128xf32, #tpu.memory_space<vmem>>
      %gather3A_1911 = tpu.vector_load_idx %gather3A_1910[%add3A_1905, %mul3A_1894] : memref<32x128xf32, #tpu.memory_space<vmem>>[vector<16xi32>, vector<16xi32>], vector<16xf32>,
      %gather3A_1912 = arith.constant 2 : i32
      %gather3A_1913 = arith.constant 0 : i32
      %gather3A_1914 = arith.constant 0 : i32
      %gather3A_1915 = tpu.memref_slice %arg14[%gather3A_1912, %gather3A_1913, %gather3A_1914] : memref<4x32x128xf32, #tpu.memory_space<vmem>> -> memref<1x32x128xf32, #tpu.memory_space<vmem>>
      %gather3A_1916 = tpu.memref_squeeze %gather3A_1915 : memref<1x32x128xf32, #tpu.memory_space<vmem>> -> memref<32x128xf32, #tpu.memory_space<vmem>>
      %gather3A_1917 = tpu.vector_load_idx %gather3A_1916[%add3A_1905, %mul3A_1902] : memref<32x128xf32, #tpu.memory_space<vmem>>[vector<16xi32>, vector<16xi32>], vector<16xf32>,
      tpu.vector_store_idx %arg15[%add3A_1905, %mul3A_1886], %gather3A_1911 : memref<32x512xf32, #tpu.memory_space<vmem>>[vector<16xi32>, vector<16xi32>], vector<16xf32>,
      tpu.vector_store_idx %arg16[%add3A_1905, %mul3A_1886], %gather3A_1917 : memref<32x512xf32, #tpu.memory_space<vmem>>[vector<16xi32>, vector<16xi32>], vector<16xf32>,
      %add3A_1918 = arith.constant 16 : i32
      %add3A_1919 = vector.broadcast %add3A_1918 : i32 to vector<16xi32>
      %add3A_1920 = arith.addi %iota3A, %add3A_1919 : vector<16xi32>
      %gather3A_1921 = arith.constant 2 : i32
      %gather3A_1922 = arith.constant 0 : i32
      %gather3A_1923 = arith.constant 0 : i32
      %gather3A_1924 = tpu.memref_slice %arg13[%gather3A_1921, %gather3A_1922, %gather3A_1923] : memref<4x32x128xf32, #tpu.memory_space<vmem>> -> memref<1x32x128xf32, #tpu.memory_space<vmem>>
      %gather3A_1925 = tpu.memref_squeeze %gather3A_1924 : memref<1x32x128xf32, #tpu.memory_space<vmem>> -> memref<32x128xf32, #tpu.memory_space<vmem>>
      %gather3A_1926 = tpu.vector_load_idx %gather3A_1925[%add3A_1920, %mul3A_1894] : memref<32x128xf32, #tpu.memory_space<vmem>>[vector<16xi32>, vector<16xi32>], vector<16xf32>,
      %gather3A_1927 = arith.constant 2 : i32
      %gather3A_1928 = arith.constant 0 : i32
      %gather3A_1929 = arith.constant 0 : i32
      %gather3A_1930 = tpu.memref_slice %arg14[%gather3A_1927, %gather3A_1928, %gather3A_1929] : memref<4x32x128xf32, #tpu.memory_space<vmem>> -> memref<1x32x128xf32, #tpu.memory_space<vmem>>
      %gather3A_1931 = tpu.memref_squeeze %gather3A_1930 : memref<1x32x128xf32, #tpu.memory_space<vmem>> -> memref<32x128xf32, #tpu.memory_space<vmem>>
      %gather3A_1932 = tpu.vector_load_idx %gather3A_1931[%add3A_1920, %mul3A_1902] : memref<32x128xf32, #tpu.memory_space<vmem>>[vector<16xi32>, vector<16xi32>], vector<16xf32>,
      tpu.vector_store_idx %arg15[%add3A_1920, %mul3A_1886], %gather3A_1926 : memref<32x512xf32, #tpu.memory_space<vmem>>[vector<16xi32>, vector<16xi32>], vector<16xf32>,
      tpu.vector_store_idx %arg16[%add3A_1920, %mul3A_1886], %gather3A_1932 : memref<32x512xf32, #tpu.memory_space<vmem>>[vector<16xi32>, vector<16xi32>], vector<16xf32>,
      %broadcast_in_dim3A_1933 = arith.constant 1 : i32
      %broadcast_in_dim3A_1934 = vector.broadcast %broadcast_in_dim3A_1933 : i32 to vector<16xi32>
      %add3A_1935 = arith.constant 3 : i32
      %add3A_1936 = arith.addi %add3A_1776, %add3A_1935 : i32
      %mul3A_1937 = vector.broadcast %add3A_1936 : i32 to vector<16xi32>
      %mul3A_1938 = arith.muli %broadcast_in_dim3A_1934, %mul3A_1937 : vector<16xi32>
      %broadcast_in_dim3A_1939 = arith.constant 1 : i32
      %broadcast_in_dim3A_1940 = vector.broadcast %broadcast_in_dim3A_1939 : i32 to vector<16xi32>
      %slice3A_1941 = vector.extract_strided_slice %get3A_514 {offsets = [7], sizes = [1], strides = [1]} : vector<16xi32> to vector<1xi32>
      %squeeze3A_1942 = vector.extract %slice3A_1941[0] : i32 from vector<1xi32>
      %and3A_1943 = arith.constant 127 : i32
      %and3A_1944 = arith.andi %squeeze3A_1942, %and3A_1943 : i32
      %mul3A_1945 = vector.broadcast %and3A_1944 : i32 to vector<16xi32>
      %mul3A_1946 = arith.muli %broadcast_in_dim3A_1940, %mul3A_1945 : vector<16xi32>
      %broadcast_in_dim3A_1947 = arith.constant 1 : i32
      %broadcast_in_dim3A_1948 = vector.broadcast %broadcast_in_dim3A_1947 : i32 to vector<16xi32>
      %slice3A_1949 = vector.extract_strided_slice %get3A_516 {offsets = [7], sizes = [1], strides = [1]} : vector<16xi32> to vector<1xi32>
      %squeeze3A_1950 = vector.extract %slice3A_1949[0] : i32 from vector<1xi32>
      %and3A_1951 = arith.constant 127 : i32
      %and3A_1952 = arith.andi %squeeze3A_1950, %and3A_1951 : i32
      %mul3A_1953 = vector.broadcast %and3A_1952 : i32 to vector<16xi32>
      %mul3A_1954 = arith.muli %broadcast_in_dim3A_1948, %mul3A_1953 : vector<16xi32>
      %add3A_1955 = arith.constant 0 : i32
      %add3A_1956 = vector.broadcast %add3A_1955 : i32 to vector<16xi32>
      %add3A_1957 = arith.addi %iota3A, %add3A_1956 : vector<16xi32>
      %gather3A_1958 = arith.constant 3 : i32
      %gather3A_1959 = arith.constant 0 : i32
      %gather3A_1960 = arith.constant 0 : i32
      %gather3A_1961 = tpu.memref_slice %arg13[%gather3A_1958, %gather3A_1959, %gather3A_1960] : memref<4x32x128xf32, #tpu.memory_space<vmem>> -> memref<1x32x128xf32, #tpu.memory_space<vmem>>
      %gather3A_1962 = tpu.memref_squeeze %gather3A_1961 : memref<1x32x128xf32, #tpu.memory_space<vmem>> -> memref<32x128xf32, #tpu.memory_space<vmem>>
      %gather3A_1963 = tpu.vector_load_idx %gather3A_1962[%add3A_1957, %mul3A_1946] : memref<32x128xf32, #tpu.memory_space<vmem>>[vector<16xi32>, vector<16xi32>], vector<16xf32>,
      %gather3A_1964 = arith.constant 3 : i32
      %gather3A_1965 = arith.constant 0 : i32
      %gather3A_1966 = arith.constant 0 : i32
      %gather3A_1967 = tpu.memref_slice %arg14[%gather3A_1964, %gather3A_1965, %gather3A_1966] : memref<4x32x128xf32, #tpu.memory_space<vmem>> -> memref<1x32x128xf32, #tpu.memory_space<vmem>>
      %gather3A_1968 = tpu.memref_squeeze %gather3A_1967 : memref<1x32x128xf32, #tpu.memory_space<vmem>> -> memref<32x128xf32, #tpu.memory_space<vmem>>
      %gather3A_1969 = tpu.vector_load_idx %gather3A_1968[%add3A_1957, %mul3A_1954] : memref<32x128xf32, #tpu.memory_space<vmem>>[vector<16xi32>, vector<16xi32>], vector<16xf32>,
      tpu.vector_store_idx %arg15[%add3A_1957, %mul3A_1938], %gather3A_1963 : memref<32x512xf32, #tpu.memory_space<vmem>>[vector<16xi32>, vector<16xi32>], vector<16xf32>,
      tpu.vector_store_idx %arg16[%add3A_1957, %mul3A_1938], %gather3A_1969 : memref<32x512xf32, #tpu.memory_space<vmem>>[vector<16xi32>, vector<16xi32>], vector<16xf32>,
      %add3A_1970 = arith.constant 16 : i32
      %add3A_1971 = vector.broadcast %add3A_1970 : i32 to vector<16xi32>
      %add3A_1972 = arith.addi %iota3A, %add3A_1971 : vector<16xi32>
      %gather3A_1973 = arith.constant 3 : i32
      %gather3A_1974 = arith.constant 0 : i32
      %gather3A_1975 = arith.constant 0 : i32
      %gather3A_1976 = tpu.memref_slice %arg13[%gather3A_1973, %gather3A_1974, %gather3A_1975] : memref<4x32x128xf32, #tpu.memory_space<vmem>> -> memref<1x32x128xf32, #tpu.memory_space<vmem>>
      %gather3A_1977 = tpu.memref_squeeze %gather3A_1976 : memref<1x32x128xf32, #tpu.memory_space<vmem>> -> memref<32x128xf32, #tpu.memory_space<vmem>>
      %gather3A_1978 = tpu.vector_load_idx %gather3A_1977[%add3A_1972, %mul3A_1946] : memref<32x128xf32, #tpu.memory_space<vmem>>[vector<16xi32>, vector<16xi32>], vector<16xf32>,
      %gather3A_1979 = arith.constant 3 : i32
      %gather3A_1980 = arith.constant 0 : i32
      %gather3A_1981 = arith.constant 0 : i32
      %gather3A_1982 = tpu.memref_slice %arg14[%gather3A_1979, %gather3A_1980, %gather3A_1981] : memref<4x32x128xf32, #tpu.memory_space<vmem>> -> memref<1x32x128xf32, #tpu.memory_space<vmem>>
      %gather3A_1983 = tpu.memref_squeeze %gather3A_1982 : memref<1x32x128xf32, #tpu.memory_space<vmem>> -> memref<32x128xf32, #tpu.memory_space<vmem>>
      %gather3A_1984 = tpu.vector_load_idx %gather3A_1983[%add3A_1972, %mul3A_1954] : memref<32x128xf32, #tpu.memory_space<vmem>>[vector<16xi32>, vector<16xi32>], vector<16xf32>,
      tpu.vector_store_idx %arg15[%add3A_1972, %mul3A_1938], %gather3A_1978 : memref<32x512xf32, #tpu.memory_space<vmem>>[vector<16xi32>, vector<16xi32>], vector<16xf32>,
      tpu.vector_store_idx %arg16[%add3A_1972, %mul3A_1938], %gather3A_1984 : memref<32x512xf32, #tpu.memory_space<vmem>>[vector<16xi32>, vector<16xi32>], vector<16xf32>,
      %slice3A_1985 = vector.extract_strided_slice %get3A_514 {offsets = [12], sizes = [1], strides = [1]} : vector<16xi32> to vector<1xi32>
      %squeeze3A_1986 = vector.extract %slice3A_1985[0] : i32 from vector<1xi32>
      %shift_right_logical3A_1987 = arith.constant 7 : i32
      %shift_right_logical3A_1988 = arith.shrui %squeeze3A_1986, %shift_right_logical3A_1987 : i32
      %mul3A_1989 = arith.constant 128 : i32
      %mul3A_1990 = arith.muli %shift_right_logical3A_1988, %mul3A_1989 : i32
      %multiple_of3A_1991 = tpu.assume_multiple %mul3A_1990, 128 : i32
      %slice3A_1992 = vector.extract_strided_slice %get3A_516 {offsets = [12], sizes = [1], strides = [1]} : vector<16xi32> to vector<1xi32>
      %squeeze3A_1993 = vector.extract %slice3A_1992[0] : i32 from vector<1xi32>
      %shift_right_logical3A_1994 = arith.constant 7 : i32
      %shift_right_logical3A_1995 = arith.shrui %squeeze3A_1993, %shift_right_logical3A_1994 : i32
      %mul3A_1996 = arith.constant 128 : i32
      %mul3A_1997 = arith.muli %shift_right_logical3A_1995, %mul3A_1996 : i32
      %multiple_of3A_1998 = tpu.assume_multiple %mul3A_1997, 128 : i32
      %dma_start3A_1999 = arith.constant 0 : i32
      %dma_start3A_2000 = arith.constant 0 : i32
      %dma_start3A_2001 = arith.constant 0 : i32
      %dma_start3A_2002 = tpu.memref_slice %arg13[%dma_start3A_1999, %dma_start3A_2000, %dma_start3A_2001] : memref<4x32x128xf32, #tpu.memory_space<vmem>> -> memref<1x32x128xf32, #tpu.memory_space<vmem>>
      %dma_start3A_2003 = tpu.memref_squeeze %dma_start3A_2002 : memref<1x32x128xf32, #tpu.memory_space<vmem>> -> memref<32x128xf32, #tpu.memory_space<vmem>>
      %dma_start3A_2004 = arith.constant 0 : i32
      %dma_start3A_2005 = tpu.memref_slice %arg4[%dma_start3A_2004, %multiple_of3A_1991] : memref<32x1000000xf32, #tpu.memory_space<hbm>> -> memref<32x128xf32, #tpu.memory_space<hbm>>
      %dma_start3A_2006 = arith.constant 0 : i32
      %dma_start3A_2007 = arith.constant 0 : i32
      %dma_start3A_2008 = tpu.memref_slice %arg13[%dma_start3A_1999, %dma_start3A_2006, %dma_start3A_2007] : memref<4x32x128xf32, #tpu.memory_space<vmem>> -> memref<1x32x128xf32, #tpu.memory_space<vmem>>
      %dma_start3A_2009 = tpu.memref_squeeze %dma_start3A_2008 : memref<1x32x128xf32, #tpu.memory_space<vmem>> -> memref<32x128xf32, #tpu.memory_space<vmem>>
      %dma_start3A_2010 = arith.constant 0 : i32
      %dma_start3A_2011 = tpu.memref_slice %arg4[%dma_start3A_2010, %multiple_of3A_1991] : memref<32x1000000xf32, #tpu.memory_space<hbm>> -> memref<32x128xf32, #tpu.memory_space<hbm>>
      tpu.enqueue_dma source(%dma_start3A_2011 : memref<32x128xf32, #tpu.memory_space<hbm>>) target(%dma_start3A_2009 : memref<32x128xf32, #tpu.memory_space<vmem>>) target_semaphore(%arg19 : memref<!tpu.dma_semaphore, #tpu.memory_space<semaphore_mem>>)
      %dma_start3A_2012 = arith.constant 0 : i32
      %dma_start3A_2013 = arith.constant 0 : i32
      %dma_start3A_2014 = arith.constant 0 : i32
      %dma_start3A_2015 = tpu.memref_slice %arg14[%dma_start3A_2012, %dma_start3A_2013, %dma_start3A_2014] : memref<4x32x128xf32, #tpu.memory_space<vmem>> -> memref<1x32x128xf32, #tpu.memory_space<vmem>>
      %dma_start3A_2016 = tpu.memref_squeeze %dma_start3A_2015 : memref<1x32x128xf32, #tpu.memory_space<vmem>> -> memref<32x128xf32, #tpu.memory_space<vmem>>
      %dma_start3A_2017 = arith.constant 0 : i32
      %dma_start3A_2018 = tpu.memref_slice %arg5[%dma_start3A_2017, %multiple_of3A_1998] : memref<32x1000000xf32, #tpu.memory_space<hbm>> -> memref<32x128xf32, #tpu.memory_space<hbm>>
      %dma_start3A_2019 = arith.constant 0 : i32
      %dma_start3A_2020 = arith.constant 0 : i32
      %dma_start3A_2021 = tpu.memref_slice %arg14[%dma_start3A_2012, %dma_start3A_2019, %dma_start3A_2020] : memref<4x32x128xf32, #tpu.memory_space<vmem>> -> memref<1x32x128xf32, #tpu.memory_space<vmem>>
      %dma_start3A_2022 = tpu.memref_squeeze %dma_start3A_2021 : memref<1x32x128xf32, #tpu.memory_space<vmem>> -> memref<32x128xf32, #tpu.memory_space<vmem>>
      %dma_start3A_2023 = arith.constant 0 : i32
      %dma_start3A_2024 = tpu.memref_slice %arg5[%dma_start3A_2023, %multiple_of3A_1998] : memref<32x1000000xf32, #tpu.memory_space<hbm>> -> memref<32x128xf32, #tpu.memory_space<hbm>>
      tpu.enqueue_dma source(%dma_start3A_2024 : memref<32x128xf32, #tpu.memory_space<hbm>>) target(%dma_start3A_2022 : memref<32x128xf32, #tpu.memory_space<vmem>>) target_semaphore(%arg19 : memref<!tpu.dma_semaphore, #tpu.memory_space<semaphore_mem>>)
      %slice3A_2025 = vector.extract_strided_slice %get3A_514 {offsets = [13], sizes = [1], strides = [1]} : vector<16xi32> to vector<1xi32>
      %squeeze3A_2026 = vector.extract %slice3A_2025[0] : i32 from vector<1xi32>
      %shift_right_logical3A_2027 = arith.constant 7 : i32
      %shift_right_logical3A_2028 = arith.shrui %squeeze3A_2026, %shift_right_logical3A_2027 : i32
      %mul3A_2029 = arith.constant 128 : i32
      %mul3A_2030 = arith.muli %shift_right_logical3A_2028, %mul3A_2029 : i32
      %multiple_of3A_2031 = tpu.assume_multiple %mul3A_2030, 128 : i32
      %slice3A_2032 = vector.extract_strided_slice %get3A_516 {offsets = [13], sizes = [1], strides = [1]} : vector<16xi32> to vector<1xi32>
      %squeeze3A_2033 = vector.extract %slice3A_2032[0] : i32 from vector<1xi32>
      %shift_right_logical3A_2034 = arith.constant 7 : i32
      %shift_right_logical3A_2035 = arith.shrui %squeeze3A_2033, %shift_right_logical3A_2034 : i32
      %mul3A_2036 = arith.constant 128 : i32
      %mul3A_2037 = arith.muli %shift_right_logical3A_2035, %mul3A_2036 : i32
      %multiple_of3A_2038 = tpu.assume_multiple %mul3A_2037, 128 : i32
      %dma_start3A_2039 = arith.constant 1 : i32
      %dma_start3A_2040 = arith.constant 0 : i32
      %dma_start3A_2041 = arith.constant 0 : i32
      %dma_start3A_2042 = tpu.memref_slice %arg13[%dma_start3A_2039, %dma_start3A_2040, %dma_start3A_2041] : memref<4x32x128xf32, #tpu.memory_space<vmem>> -> memref<1x32x128xf32, #tpu.memory_space<vmem>>
      %dma_start3A_2043 = tpu.memref_squeeze %dma_start3A_2042 : memref<1x32x128xf32, #tpu.memory_space<vmem>> -> memref<32x128xf32, #tpu.memory_space<vmem>>
      %dma_start3A_2044 = arith.constant 0 : i32
      %dma_start3A_2045 = tpu.memref_slice %arg4[%dma_start3A_2044, %multiple_of3A_2031] : memref<32x1000000xf32, #tpu.memory_space<hbm>> -> memref<32x128xf32, #tpu.memory_space<hbm>>
      %dma_start3A_2046 = arith.constant 0 : i32
      %dma_start3A_2047 = arith.constant 0 : i32
      %dma_start3A_2048 = tpu.memref_slice %arg13[%dma_start3A_2039, %dma_start3A_2046, %dma_start3A_2047] : memref<4x32x128xf32, #tpu.memory_space<vmem>> -> memref<1x32x128xf32, #tpu.memory_space<vmem>>
      %dma_start3A_2049 = tpu.memref_squeeze %dma_start3A_2048 : memref<1x32x128xf32, #tpu.memory_space<vmem>> -> memref<32x128xf32, #tpu.memory_space<vmem>>
      %dma_start3A_2050 = arith.constant 0 : i32
      %dma_start3A_2051 = tpu.memref_slice %arg4[%dma_start3A_2050, %multiple_of3A_2031] : memref<32x1000000xf32, #tpu.memory_space<hbm>> -> memref<32x128xf32, #tpu.memory_space<hbm>>
      tpu.enqueue_dma source(%dma_start3A_2051 : memref<32x128xf32, #tpu.memory_space<hbm>>) target(%dma_start3A_2049 : memref<32x128xf32, #tpu.memory_space<vmem>>) target_semaphore(%arg19 : memref<!tpu.dma_semaphore, #tpu.memory_space<semaphore_mem>>)
      %dma_start3A_2052 = arith.constant 1 : i32
      %dma_start3A_2053 = arith.constant 0 : i32
      %dma_start3A_2054 = arith.constant 0 : i32
      %dma_start3A_2055 = tpu.memref_slice %arg14[%dma_start3A_2052, %dma_start3A_2053, %dma_start3A_2054] : memref<4x32x128xf32, #tpu.memory_space<vmem>> -> memref<1x32x128xf32, #tpu.memory_space<vmem>>
      %dma_start3A_2056 = tpu.memref_squeeze %dma_start3A_2055 : memref<1x32x128xf32, #tpu.memory_space<vmem>> -> memref<32x128xf32, #tpu.memory_space<vmem>>
      %dma_start3A_2057 = arith.constant 0 : i32
      %dma_start3A_2058 = tpu.memref_slice %arg5[%dma_start3A_2057, %multiple_of3A_2038] : memref<32x1000000xf32, #tpu.memory_space<hbm>> -> memref<32x128xf32, #tpu.memory_space<hbm>>
      %dma_start3A_2059 = arith.constant 0 : i32
      %dma_start3A_2060 = arith.constant 0 : i32
      %dma_start3A_2061 = tpu.memref_slice %arg14[%dma_start3A_2052, %dma_start3A_2059, %dma_start3A_2060] : memref<4x32x128xf32, #tpu.memory_space<vmem>> -> memref<1x32x128xf32, #tpu.memory_space<vmem>>
      %dma_start3A_2062 = tpu.memref_squeeze %dma_start3A_2061 : memref<1x32x128xf32, #tpu.memory_space<vmem>> -> memref<32x128xf32, #tpu.memory_space<vmem>>
      %dma_start3A_2063 = arith.constant 0 : i32
      %dma_start3A_2064 = tpu.memref_slice %arg5[%dma_start3A_2063, %multiple_of3A_2038] : memref<32x1000000xf32, #tpu.memory_space<hbm>> -> memref<32x128xf32, #tpu.memory_space<hbm>>
      tpu.enqueue_dma source(%dma_start3A_2064 : memref<32x128xf32, #tpu.memory_space<hbm>>) target(%dma_start3A_2062 : memref<32x128xf32, #tpu.memory_space<vmem>>) target_semaphore(%arg19 : memref<!tpu.dma_semaphore, #tpu.memory_space<semaphore_mem>>)
      %slice3A_2065 = vector.extract_strided_slice %get3A_514 {offsets = [14], sizes = [1], strides = [1]} : vector<16xi32> to vector<1xi32>
      %squeeze3A_2066 = vector.extract %slice3A_2065[0] : i32 from vector<1xi32>
      %shift_right_logical3A_2067 = arith.constant 7 : i32
      %shift_right_logical3A_2068 = arith.shrui %squeeze3A_2066, %shift_right_logical3A_2067 : i32
      %mul3A_2069 = arith.constant 128 : i32
      %mul3A_2070 = arith.muli %shift_right_logical3A_2068, %mul3A_2069 : i32
      %multiple_of3A_2071 = tpu.assume_multiple %mul3A_2070, 128 : i32
      %slice3A_2072 = vector.extract_strided_slice %get3A_516 {offsets = [14], sizes = [1], strides = [1]} : vector<16xi32> to vector<1xi32>
      %squeeze3A_2073 = vector.extract %slice3A_2072[0] : i32 from vector<1xi32>
      %shift_right_logical3A_2074 = arith.constant 7 : i32
      %shift_right_logical3A_2075 = arith.shrui %squeeze3A_2073, %shift_right_logical3A_2074 : i32
      %mul3A_2076 = arith.constant 128 : i32
      %mul3A_2077 = arith.muli %shift_right_logical3A_2075, %mul3A_2076 : i32
      %multiple_of3A_2078 = tpu.assume_multiple %mul3A_2077, 128 : i32
      %dma_start3A_2079 = arith.constant 2 : i32
      %dma_start3A_2080 = arith.constant 0 : i32
      %dma_start3A_2081 = arith.constant 0 : i32
      %dma_start3A_2082 = tpu.memref_slice %arg13[%dma_start3A_2079, %dma_start3A_2080, %dma_start3A_2081] : memref<4x32x128xf32, #tpu.memory_space<vmem>> -> memref<1x32x128xf32, #tpu.memory_space<vmem>>
      %dma_start3A_2083 = tpu.memref_squeeze %dma_start3A_2082 : memref<1x32x128xf32, #tpu.memory_space<vmem>> -> memref<32x128xf32, #tpu.memory_space<vmem>>
      %dma_start3A_2084 = arith.constant 0 : i32
      %dma_start3A_2085 = tpu.memref_slice %arg4[%dma_start3A_2084, %multiple_of3A_2071] : memref<32x1000000xf32, #tpu.memory_space<hbm>> -> memref<32x128xf32, #tpu.memory_space<hbm>>
      %dma_start3A_2086 = arith.constant 0 : i32
      %dma_start3A_2087 = arith.constant 0 : i32
      %dma_start3A_2088 = tpu.memref_slice %arg13[%dma_start3A_2079, %dma_start3A_2086, %dma_start3A_2087] : memref<4x32x128xf32, #tpu.memory_space<vmem>> -> memref<1x32x128xf32, #tpu.memory_space<vmem>>
      %dma_start3A_2089 = tpu.memref_squeeze %dma_start3A_2088 : memref<1x32x128xf32, #tpu.memory_space<vmem>> -> memref<32x128xf32, #tpu.memory_space<vmem>>
      %dma_start3A_2090 = arith.constant 0 : i32
      %dma_start3A_2091 = tpu.memref_slice %arg4[%dma_start3A_2090, %multiple_of3A_2071] : memref<32x1000000xf32, #tpu.memory_space<hbm>> -> memref<32x128xf32, #tpu.memory_space<hbm>>
      tpu.enqueue_dma source(%dma_start3A_2091 : memref<32x128xf32, #tpu.memory_space<hbm>>) target(%dma_start3A_2089 : memref<32x128xf32, #tpu.memory_space<vmem>>) target_semaphore(%arg19 : memref<!tpu.dma_semaphore, #tpu.memory_space<semaphore_mem>>)
      %dma_start3A_2092 = arith.constant 2 : i32
      %dma_start3A_2093 = arith.constant 0 : i32
      %dma_start3A_2094 = arith.constant 0 : i32
      %dma_start3A_2095 = tpu.memref_slice %arg14[%dma_start3A_2092, %dma_start3A_2093, %dma_start3A_2094] : memref<4x32x128xf32, #tpu.memory_space<vmem>> -> memref<1x32x128xf32, #tpu.memory_space<vmem>>
      %dma_start3A_2096 = tpu.memref_squeeze %dma_start3A_2095 : memref<1x32x128xf32, #tpu.memory_space<vmem>> -> memref<32x128xf32, #tpu.memory_space<vmem>>
      %dma_start3A_2097 = arith.constant 0 : i32
      %dma_start3A_2098 = tpu.memref_slice %arg5[%dma_start3A_2097, %multiple_of3A_2078] : memref<32x1000000xf32, #tpu.memory_space<hbm>> -> memref<32x128xf32, #tpu.memory_space<hbm>>
      %dma_start3A_2099 = arith.constant 0 : i32
      %dma_start3A_2100 = arith.constant 0 : i32
      %dma_start3A_2101 = tpu.memref_slice %arg14[%dma_start3A_2092, %dma_start3A_2099, %dma_start3A_2100] : memref<4x32x128xf32, #tpu.memory_space<vmem>> -> memref<1x32x128xf32, #tpu.memory_space<vmem>>
      %dma_start3A_2102 = tpu.memref_squeeze %dma_start3A_2101 : memref<1x32x128xf32, #tpu.memory_space<vmem>> -> memref<32x128xf32, #tpu.memory_space<vmem>>
      %dma_start3A_2103 = arith.constant 0 : i32
      %dma_start3A_2104 = tpu.memref_slice %arg5[%dma_start3A_2103, %multiple_of3A_2078] : memref<32x1000000xf32, #tpu.memory_space<hbm>> -> memref<32x128xf32, #tpu.memory_space<hbm>>
      tpu.enqueue_dma source(%dma_start3A_2104 : memref<32x128xf32, #tpu.memory_space<hbm>>) target(%dma_start3A_2102 : memref<32x128xf32, #tpu.memory_space<vmem>>) target_semaphore(%arg19 : memref<!tpu.dma_semaphore, #tpu.memory_space<semaphore_mem>>)
      %slice3A_2105 = vector.extract_strided_slice %get3A_514 {offsets = [15], sizes = [1], strides = [1]} : vector<16xi32> to vector<1xi32>
      %squeeze3A_2106 = vector.extract %slice3A_2105[0] : i32 from vector<1xi32>
      %shift_right_logical3A_2107 = arith.constant 7 : i32
      %shift_right_logical3A_2108 = arith.shrui %squeeze3A_2106, %shift_right_logical3A_2107 : i32
      %mul3A_2109 = arith.constant 128 : i32
      %mul3A_2110 = arith.muli %shift_right_logical3A_2108, %mul3A_2109 : i32
      %multiple_of3A_2111 = tpu.assume_multiple %mul3A_2110, 128 : i32
      %slice3A_2112 = vector.extract_strided_slice %get3A_516 {offsets = [15], sizes = [1], strides = [1]} : vector<16xi32> to vector<1xi32>
      %squeeze3A_2113 = vector.extract %slice3A_2112[0] : i32 from vector<1xi32>
      %shift_right_logical3A_2114 = arith.constant 7 : i32
      %shift_right_logical3A_2115 = arith.shrui %squeeze3A_2113, %shift_right_logical3A_2114 : i32
      %mul3A_2116 = arith.constant 128 : i32
      %mul3A_2117 = arith.muli %shift_right_logical3A_2115, %mul3A_2116 : i32
      %multiple_of3A_2118 = tpu.assume_multiple %mul3A_2117, 128 : i32
      %dma_start3A_2119 = arith.constant 3 : i32
      %dma_start3A_2120 = arith.constant 0 : i32
      %dma_start3A_2121 = arith.constant 0 : i32
      %dma_start3A_2122 = tpu.memref_slice %arg13[%dma_start3A_2119, %dma_start3A_2120, %dma_start3A_2121] : memref<4x32x128xf32, #tpu.memory_space<vmem>> -> memref<1x32x128xf32, #tpu.memory_space<vmem>>
      %dma_start3A_2123 = tpu.memref_squeeze %dma_start3A_2122 : memref<1x32x128xf32, #tpu.memory_space<vmem>> -> memref<32x128xf32, #tpu.memory_space<vmem>>
      %dma_start3A_2124 = arith.constant 0 : i32
      %dma_start3A_2125 = tpu.memref_slice %arg4[%dma_start3A_2124, %multiple_of3A_2111] : memref<32x1000000xf32, #tpu.memory_space<hbm>> -> memref<32x128xf32, #tpu.memory_space<hbm>>
      %dma_start3A_2126 = arith.constant 0 : i32
      %dma_start3A_2127 = arith.constant 0 : i32
      %dma_start3A_2128 = tpu.memref_slice %arg13[%dma_start3A_2119, %dma_start3A_2126, %dma_start3A_2127] : memref<4x32x128xf32, #tpu.memory_space<vmem>> -> memref<1x32x128xf32, #tpu.memory_space<vmem>>
      %dma_start3A_2129 = tpu.memref_squeeze %dma_start3A_2128 : memref<1x32x128xf32, #tpu.memory_space<vmem>> -> memref<32x128xf32, #tpu.memory_space<vmem>>
      %dma_start3A_2130 = arith.constant 0 : i32
      %dma_start3A_2131 = tpu.memref_slice %arg4[%dma_start3A_2130, %multiple_of3A_2111] : memref<32x1000000xf32, #tpu.memory_space<hbm>> -> memref<32x128xf32, #tpu.memory_space<hbm>>
      tpu.enqueue_dma source(%dma_start3A_2131 : memref<32x128xf32, #tpu.memory_space<hbm>>) target(%dma_start3A_2129 : memref<32x128xf32, #tpu.memory_space<vmem>>) target_semaphore(%arg19 : memref<!tpu.dma_semaphore, #tpu.memory_space<semaphore_mem>>)
      %dma_start3A_2132 = arith.constant 3 : i32
      %dma_start3A_2133 = arith.constant 0 : i32
      %dma_start3A_2134 = arith.constant 0 : i32
      %dma_start3A_2135 = tpu.memref_slice %arg14[%dma_start3A_2132, %dma_start3A_2133, %dma_start3A_2134] : memref<4x32x128xf32, #tpu.memory_space<vmem>> -> memref<1x32x128xf32, #tpu.memory_space<vmem>>
      %dma_start3A_2136 = tpu.memref_squeeze %dma_start3A_2135 : memref<1x32x128xf32, #tpu.memory_space<vmem>> -> memref<32x128xf32, #tpu.memory_space<vmem>>
      %dma_start3A_2137 = arith.constant 0 : i32
      %dma_start3A_2138 = tpu.memref_slice %arg5[%dma_start3A_2137, %multiple_of3A_2118] : memref<32x1000000xf32, #tpu.memory_space<hbm>> -> memref<32x128xf32, #tpu.memory_space<hbm>>
      %dma_start3A_2139 = arith.constant 0 : i32
      %dma_start3A_2140 = arith.constant 0 : i32
      %dma_start3A_2141 = tpu.memref_slice %arg14[%dma_start3A_2132, %dma_start3A_2139, %dma_start3A_2140] : memref<4x32x128xf32, #tpu.memory_space<vmem>> -> memref<1x32x128xf32, #tpu.memory_space<vmem>>
      %dma_start3A_2142 = tpu.memref_squeeze %dma_start3A_2141 : memref<1x32x128xf32, #tpu.memory_space<vmem>> -> memref<32x128xf32, #tpu.memory_space<vmem>>
      %dma_start3A_2143 = arith.constant 0 : i32
      %dma_start3A_2144 = tpu.memref_slice %arg5[%dma_start3A_2143, %multiple_of3A_2118] : memref<32x1000000xf32, #tpu.memory_space<hbm>> -> memref<32x128xf32, #tpu.memory_space<hbm>>
      tpu.enqueue_dma source(%dma_start3A_2144 : memref<32x128xf32, #tpu.memory_space<hbm>>) target(%dma_start3A_2142 : memref<32x128xf32, #tpu.memory_space<vmem>>) target_semaphore(%arg19 : memref<!tpu.dma_semaphore, #tpu.memory_space<semaphore_mem>>)
      %dma_wait3A_2145 = arith.constant 0 : i32
      %dma_wait3A_2146 = arith.constant 0 : i32
      %dma_wait3A_2147 = arith.constant 0 : i32
      %dma_wait3A_2148 = tpu.memref_slice %arg11[%dma_wait3A_2145, %dma_wait3A_2146, %dma_wait3A_2147] : memref<4x32x128xf32, #tpu.memory_space<vmem>> -> memref<1x32x128xf32, #tpu.memory_space<vmem>>
      %dma_wait3A_2149 = tpu.memref_squeeze %dma_wait3A_2148 : memref<1x32x128xf32, #tpu.memory_space<vmem>> -> memref<32x128xf32, #tpu.memory_space<vmem>>
      %dma_wait3A_2150 = arith.constant 0 : i32
      %dma_wait3A_2151 = arith.constant 0 : i32
      %dma_wait3A_2152 = tpu.memref_slice %arg4[%dma_wait3A_2150, %dma_wait3A_2151] : memref<32x1000000xf32, #tpu.memory_space<hbm>> -> memref<32x128xf32, #tpu.memory_space<hbm>>
      %dma_wait3A_2153 = arith.constant 0 : i32
      %dma_wait3A_2154 = arith.constant 0 : i32
      %dma_wait3A_2155 = tpu.memref_slice %arg11[%dma_wait3A_2145, %dma_wait3A_2153, %dma_wait3A_2154] : memref<4x32x128xf32, #tpu.memory_space<vmem>> -> memref<1x32x128xf32, #tpu.memory_space<vmem>>
      %dma_wait3A_2156 = tpu.memref_squeeze %dma_wait3A_2155 : memref<1x32x128xf32, #tpu.memory_space<vmem>> -> memref<32x128xf32, #tpu.memory_space<vmem>>
      %dma_wait3A_2157 = arith.constant 0 : i32
      %dma_wait3A_2158 = arith.constant 0 : i32
      %dma_wait3A_2159 = tpu.memref_slice %arg4[%dma_wait3A_2157, %dma_wait3A_2158] : memref<32x1000000xf32, #tpu.memory_space<hbm>> -> memref<32x128xf32, #tpu.memory_space<hbm>>
      tpu.wait_dma2 semaphore(%arg18 : memref<!tpu.dma_semaphore, #tpu.memory_space<semaphore_mem>>) src(%dma_wait3A_2159 : memref<32x128xf32, #tpu.memory_space<hbm>>) dst(%dma_wait3A_2156 : memref<32x128xf32, #tpu.memory_space<vmem>>)
      %dma_wait3A_2160 = arith.constant 0 : i32
      %dma_wait3A_2161 = arith.constant 0 : i32
      %dma_wait3A_2162 = arith.constant 0 : i32
      %dma_wait3A_2163 = tpu.memref_slice %arg12[%dma_wait3A_2160, %dma_wait3A_2161, %dma_wait3A_2162] : memref<4x32x128xf32, #tpu.memory_space<vmem>> -> memref<1x32x128xf32, #tpu.memory_space<vmem>>
      %dma_wait3A_2164 = tpu.memref_squeeze %dma_wait3A_2163 : memref<1x32x128xf32, #tpu.memory_space<vmem>> -> memref<32x128xf32, #tpu.memory_space<vmem>>
      %dma_wait3A_2165 = arith.constant 0 : i32
      %dma_wait3A_2166 = arith.constant 0 : i32
      %dma_wait3A_2167 = tpu.memref_slice %arg4[%dma_wait3A_2165, %dma_wait3A_2166] : memref<32x1000000xf32, #tpu.memory_space<hbm>> -> memref<32x128xf32, #tpu.memory_space<hbm>>
      %dma_wait3A_2168 = arith.constant 0 : i32
      %dma_wait3A_2169 = arith.constant 0 : i32
      %dma_wait3A_2170 = tpu.memref_slice %arg12[%dma_wait3A_2160, %dma_wait3A_2168, %dma_wait3A_2169] : memref<4x32x128xf32, #tpu.memory_space<vmem>> -> memref<1x32x128xf32, #tpu.memory_space<vmem>>
      %dma_wait3A_2171 = tpu.memref_squeeze %dma_wait3A_2170 : memref<1x32x128xf32, #tpu.memory_space<vmem>> -> memref<32x128xf32, #tpu.memory_space<vmem>>
      %dma_wait3A_2172 = arith.constant 0 : i32
      %dma_wait3A_2173 = arith.constant 0 : i32
      %dma_wait3A_2174 = tpu.memref_slice %arg4[%dma_wait3A_2172, %dma_wait3A_2173] : memref<32x1000000xf32, #tpu.memory_space<hbm>> -> memref<32x128xf32, #tpu.memory_space<hbm>>
      tpu.wait_dma2 semaphore(%arg18 : memref<!tpu.dma_semaphore, #tpu.memory_space<semaphore_mem>>) src(%dma_wait3A_2174 : memref<32x128xf32, #tpu.memory_space<hbm>>) dst(%dma_wait3A_2171 : memref<32x128xf32, #tpu.memory_space<vmem>>)
      %dma_wait3A_2175 = arith.constant 1 : i32
      %dma_wait3A_2176 = arith.constant 0 : i32
      %dma_wait3A_2177 = arith.constant 0 : i32
      %dma_wait3A_2178 = tpu.memref_slice %arg11[%dma_wait3A_2175, %dma_wait3A_2176, %dma_wait3A_2177] : memref<4x32x128xf32, #tpu.memory_space<vmem>> -> memref<1x32x128xf32, #tpu.memory_space<vmem>>
      %dma_wait3A_2179 = tpu.memref_squeeze %dma_wait3A_2178 : memref<1x32x128xf32, #tpu.memory_space<vmem>> -> memref<32x128xf32, #tpu.memory_space<vmem>>
      %dma_wait3A_2180 = arith.constant 0 : i32
      %dma_wait3A_2181 = arith.constant 0 : i32
      %dma_wait3A_2182 = tpu.memref_slice %arg4[%dma_wait3A_2180, %dma_wait3A_2181] : memref<32x1000000xf32, #tpu.memory_space<hbm>> -> memref<32x128xf32, #tpu.memory_space<hbm>>
      %dma_wait3A_2183 = arith.constant 0 : i32
      %dma_wait3A_2184 = arith.constant 0 : i32
      %dma_wait3A_2185 = tpu.memref_slice %arg11[%dma_wait3A_2175, %dma_wait3A_2183, %dma_wait3A_2184] : memref<4x32x128xf32, #tpu.memory_space<vmem>> -> memref<1x32x128xf32, #tpu.memory_space<vmem>>
      %dma_wait3A_2186 = tpu.memref_squeeze %dma_wait3A_2185 : memref<1x32x128xf32, #tpu.memory_space<vmem>> -> memref<32x128xf32, #tpu.memory_space<vmem>>
      %dma_wait3A_2187 = arith.constant 0 : i32
      %dma_wait3A_2188 = arith.constant 0 : i32
      %dma_wait3A_2189 = tpu.memref_slice %arg4[%dma_wait3A_2187, %dma_wait3A_2188] : memref<32x1000000xf32, #tpu.memory_space<hbm>> -> memref<32x128xf32, #tpu.memory_space<hbm>>
      tpu.wait_dma2 semaphore(%arg18 : memref<!tpu.dma_semaphore, #tpu.memory_space<semaphore_mem>>) src(%dma_wait3A_2189 : memref<32x128xf32, #tpu.memory_space<hbm>>) dst(%dma_wait3A_2186 : memref<32x128xf32, #tpu.memory_space<vmem>>)
      %dma_wait3A_2190 = arith.constant 1 : i32
      %dma_wait3A_2191 = arith.constant 0 : i32
      %dma_wait3A_2192 = arith.constant 0 : i32
      %dma_wait3A_2193 = tpu.memref_slice %arg12[%dma_wait3A_2190, %dma_wait3A_2191, %dma_wait3A_2192] : memref<4x32x128xf32, #tpu.memory_space<vmem>> -> memref<1x32x128xf32, #tpu.memory_space<vmem>>
      %dma_wait3A_2194 = tpu.memref_squeeze %dma_wait3A_2193 : memref<1x32x128xf32, #tpu.memory_space<vmem>> -> memref<32x128xf32, #tpu.memory_space<vmem>>
      %dma_wait3A_2195 = arith.constant 0 : i32
      %dma_wait3A_2196 = arith.constant 0 : i32
      %dma_wait3A_2197 = tpu.memref_slice %arg4[%dma_wait3A_2195, %dma_wait3A_2196] : memref<32x1000000xf32, #tpu.memory_space<hbm>> -> memref<32x128xf32, #tpu.memory_space<hbm>>
      %dma_wait3A_2198 = arith.constant 0 : i32
      %dma_wait3A_2199 = arith.constant 0 : i32
      %dma_wait3A_2200 = tpu.memref_slice %arg12[%dma_wait3A_2190, %dma_wait3A_2198, %dma_wait3A_2199] : memref<4x32x128xf32, #tpu.memory_space<vmem>> -> memref<1x32x128xf32, #tpu.memory_space<vmem>>
      %dma_wait3A_2201 = tpu.memref_squeeze %dma_wait3A_2200 : memref<1x32x128xf32, #tpu.memory_space<vmem>> -> memref<32x128xf32, #tpu.memory_space<vmem>>
      %dma_wait3A_2202 = arith.constant 0 : i32
      %dma_wait3A_2203 = arith.constant 0 : i32
      %dma_wait3A_2204 = tpu.memref_slice %arg4[%dma_wait3A_2202, %dma_wait3A_2203] : memref<32x1000000xf32, #tpu.memory_space<hbm>> -> memref<32x128xf32, #tpu.memory_space<hbm>>
      tpu.wait_dma2 semaphore(%arg18 : memref<!tpu.dma_semaphore, #tpu.memory_space<semaphore_mem>>) src(%dma_wait3A_2204 : memref<32x128xf32, #tpu.memory_space<hbm>>) dst(%dma_wait3A_2201 : memref<32x128xf32, #tpu.memory_space<vmem>>)
      %dma_wait3A_2205 = arith.constant 2 : i32
      %dma_wait3A_2206 = arith.constant 0 : i32
      %dma_wait3A_2207 = arith.constant 0 : i32
      %dma_wait3A_2208 = tpu.memref_slice %arg11[%dma_wait3A_2205, %dma_wait3A_2206, %dma_wait3A_2207] : memref<4x32x128xf32, #tpu.memory_space<vmem>> -> memref<1x32x128xf32, #tpu.memory_space<vmem>>
      %dma_wait3A_2209 = tpu.memref_squeeze %dma_wait3A_2208 : memref<1x32x128xf32, #tpu.memory_space<vmem>> -> memref<32x128xf32, #tpu.memory_space<vmem>>
      %dma_wait3A_2210 = arith.constant 0 : i32
      %dma_wait3A_2211 = arith.constant 0 : i32
      %dma_wait3A_2212 = tpu.memref_slice %arg4[%dma_wait3A_2210, %dma_wait3A_2211] : memref<32x1000000xf32, #tpu.memory_space<hbm>> -> memref<32x128xf32, #tpu.memory_space<hbm>>
      %dma_wait3A_2213 = arith.constant 0 : i32
      %dma_wait3A_2214 = arith.constant 0 : i32
      %dma_wait3A_2215 = tpu.memref_slice %arg11[%dma_wait3A_2205, %dma_wait3A_2213, %dma_wait3A_2214] : memref<4x32x128xf32, #tpu.memory_space<vmem>> -> memref<1x32x128xf32, #tpu.memory_space<vmem>>
      %dma_wait3A_2216 = tpu.memref_squeeze %dma_wait3A_2215 : memref<1x32x128xf32, #tpu.memory_space<vmem>> -> memref<32x128xf32, #tpu.memory_space<vmem>>
      %dma_wait3A_2217 = arith.constant 0 : i32
      %dma_wait3A_2218 = arith.constant 0 : i32
      %dma_wait3A_2219 = tpu.memref_slice %arg4[%dma_wait3A_2217, %dma_wait3A_2218] : memref<32x1000000xf32, #tpu.memory_space<hbm>> -> memref<32x128xf32, #tpu.memory_space<hbm>>
      tpu.wait_dma2 semaphore(%arg18 : memref<!tpu.dma_semaphore, #tpu.memory_space<semaphore_mem>>) src(%dma_wait3A_2219 : memref<32x128xf32, #tpu.memory_space<hbm>>) dst(%dma_wait3A_2216 : memref<32x128xf32, #tpu.memory_space<vmem>>)
      %dma_wait3A_2220 = arith.constant 2 : i32
      %dma_wait3A_2221 = arith.constant 0 : i32
      %dma_wait3A_2222 = arith.constant 0 : i32
      %dma_wait3A_2223 = tpu.memref_slice %arg12[%dma_wait3A_2220, %dma_wait3A_2221, %dma_wait3A_2222] : memref<4x32x128xf32, #tpu.memory_space<vmem>> -> memref<1x32x128xf32, #tpu.memory_space<vmem>>
      %dma_wait3A_2224 = tpu.memref_squeeze %dma_wait3A_2223 : memref<1x32x128xf32, #tpu.memory_space<vmem>> -> memref<32x128xf32, #tpu.memory_space<vmem>>
      %dma_wait3A_2225 = arith.constant 0 : i32
      %dma_wait3A_2226 = arith.constant 0 : i32
      %dma_wait3A_2227 = tpu.memref_slice %arg4[%dma_wait3A_2225, %dma_wait3A_2226] : memref<32x1000000xf32, #tpu.memory_space<hbm>> -> memref<32x128xf32, #tpu.memory_space<hbm>>
      %dma_wait3A_2228 = arith.constant 0 : i32
      %dma_wait3A_2229 = arith.constant 0 : i32
      %dma_wait3A_2230 = tpu.memref_slice %arg12[%dma_wait3A_2220, %dma_wait3A_2228, %dma_wait3A_2229] : memref<4x32x128xf32, #tpu.memory_space<vmem>> -> memref<1x32x128xf32, #tpu.memory_space<vmem>>
      %dma_wait3A_2231 = tpu.memref_squeeze %dma_wait3A_2230 : memref<1x32x128xf32, #tpu.memory_space<vmem>> -> memref<32x128xf32, #tpu.memory_space<vmem>>
      %dma_wait3A_2232 = arith.constant 0 : i32
      %dma_wait3A_2233 = arith.constant 0 : i32
      %dma_wait3A_2234 = tpu.memref_slice %arg4[%dma_wait3A_2232, %dma_wait3A_2233] : memref<32x1000000xf32, #tpu.memory_space<hbm>> -> memref<32x128xf32, #tpu.memory_space<hbm>>
      tpu.wait_dma2 semaphore(%arg18 : memref<!tpu.dma_semaphore, #tpu.memory_space<semaphore_mem>>) src(%dma_wait3A_2234 : memref<32x128xf32, #tpu.memory_space<hbm>>) dst(%dma_wait3A_2231 : memref<32x128xf32, #tpu.memory_space<vmem>>)
      %dma_wait3A_2235 = arith.constant 3 : i32
      %dma_wait3A_2236 = arith.constant 0 : i32
      %dma_wait3A_2237 = arith.constant 0 : i32
      %dma_wait3A_2238 = tpu.memref_slice %arg11[%dma_wait3A_2235, %dma_wait3A_2236, %dma_wait3A_2237] : memref<4x32x128xf32, #tpu.memory_space<vmem>> -> memref<1x32x128xf32, #tpu.memory_space<vmem>>
      %dma_wait3A_2239 = tpu.memref_squeeze %dma_wait3A_2238 : memref<1x32x128xf32, #tpu.memory_space<vmem>> -> memref<32x128xf32, #tpu.memory_space<vmem>>
      %dma_wait3A_2240 = arith.constant 0 : i32
      %dma_wait3A_2241 = arith.constant 0 : i32
      %dma_wait3A_2242 = tpu.memref_slice %arg4[%dma_wait3A_2240, %dma_wait3A_2241] : memref<32x1000000xf32, #tpu.memory_space<hbm>> -> memref<32x128xf32, #tpu.memory_space<hbm>>
      %dma_wait3A_2243 = arith.constant 0 : i32
      %dma_wait3A_2244 = arith.constant 0 : i32
      %dma_wait3A_2245 = tpu.memref_slice %arg11[%dma_wait3A_2235, %dma_wait3A_2243, %dma_wait3A_2244] : memref<4x32x128xf32, #tpu.memory_space<vmem>> -> memref<1x32x128xf32, #tpu.memory_space<vmem>>
      %dma_wait3A_2246 = tpu.memref_squeeze %dma_wait3A_2245 : memref<1x32x128xf32, #tpu.memory_space<vmem>> -> memref<32x128xf32, #tpu.memory_space<vmem>>
      %dma_wait3A_2247 = arith.constant 0 : i32
      %dma_wait3A_2248 = arith.constant 0 : i32
      %dma_wait3A_2249 = tpu.memref_slice %arg4[%dma_wait3A_2247, %dma_wait3A_2248] : memref<32x1000000xf32, #tpu.memory_space<hbm>> -> memref<32x128xf32, #tpu.memory_space<hbm>>
      tpu.wait_dma2 semaphore(%arg18 : memref<!tpu.dma_semaphore, #tpu.memory_space<semaphore_mem>>) src(%dma_wait3A_2249 : memref<32x128xf32, #tpu.memory_space<hbm>>) dst(%dma_wait3A_2246 : memref<32x128xf32, #tpu.memory_space<vmem>>)
      %dma_wait3A_2250 = arith.constant 3 : i32
      %dma_wait3A_2251 = arith.constant 0 : i32
      %dma_wait3A_2252 = arith.constant 0 : i32
      %dma_wait3A_2253 = tpu.memref_slice %arg12[%dma_wait3A_2250, %dma_wait3A_2251, %dma_wait3A_2252] : memref<4x32x128xf32, #tpu.memory_space<vmem>> -> memref<1x32x128xf32, #tpu.memory_space<vmem>>
      %dma_wait3A_2254 = tpu.memref_squeeze %dma_wait3A_2253 : memref<1x32x128xf32, #tpu.memory_space<vmem>> -> memref<32x128xf32, #tpu.memory_space<vmem>>
      %dma_wait3A_2255 = arith.constant 0 : i32
      %dma_wait3A_2256 = arith.constant 0 : i32
      %dma_wait3A_2257 = tpu.memref_slice %arg4[%dma_wait3A_2255, %dma_wait3A_2256] : memref<32x1000000xf32, #tpu.memory_space<hbm>> -> memref<32x128xf32, #tpu.memory_space<hbm>>
      %dma_wait3A_2258 = arith.constant 0 : i32
      %dma_wait3A_2259 = arith.constant 0 : i32
      %dma_wait3A_2260 = tpu.memref_slice %arg12[%dma_wait3A_2250, %dma_wait3A_2258, %dma_wait3A_2259] : memref<4x32x128xf32, #tpu.memory_space<vmem>> -> memref<1x32x128xf32, #tpu.memory_space<vmem>>
      %dma_wait3A_2261 = tpu.memref_squeeze %dma_wait3A_2260 : memref<1x32x128xf32, #tpu.memory_space<vmem>> -> memref<32x128xf32, #tpu.memory_space<vmem>>
      %dma_wait3A_2262 = arith.constant 0 : i32
      %dma_wait3A_2263 = arith.constant 0 : i32
      %dma_wait3A_2264 = tpu.memref_slice %arg4[%dma_wait3A_2262, %dma_wait3A_2263] : memref<32x1000000xf32, #tpu.memory_space<hbm>> -> memref<32x128xf32, #tpu.memory_space<hbm>>
      tpu.wait_dma2 semaphore(%arg18 : memref<!tpu.dma_semaphore, #tpu.memory_space<semaphore_mem>>) src(%dma_wait3A_2264 : memref<32x128xf32, #tpu.memory_space<hbm>>) dst(%dma_wait3A_2261 : memref<32x128xf32, #tpu.memory_space<vmem>>)
      %add3A_2265 = arith.constant 8 : i32
      %add3A_2266 = arith.addi %mul3A_512, %add3A_2265 : i32
      %broadcast_in_dim3A_2267 = arith.constant 1 : i32
      %broadcast_in_dim3A_2268 = vector.broadcast %broadcast_in_dim3A_2267 : i32 to vector<16xi32>
      %add3A_2269 = arith.constant 0 : i32
      %add3A_2270 = arith.addi %add3A_2266, %add3A_2269 : i32
      %mul3A_2271 = vector.broadcast %add3A_2270 : i32 to vector<16xi32>
      %mul3A_2272 = arith.muli %broadcast_in_dim3A_2268, %mul3A_2271 : vector<16xi32>
      %broadcast_in_dim3A_2273 = arith.constant 1 : i32
      %broadcast_in_dim3A_2274 = vector.broadcast %broadcast_in_dim3A_2273 : i32 to vector<16xi32>
      %slice3A_2275 = vector.extract_strided_slice %get3A_514 {offsets = [8], sizes = [1], strides = [1]} : vector<16xi32> to vector<1xi32>
      %squeeze3A_2276 = vector.extract %slice3A_2275[0] : i32 from vector<1xi32>
      %and3A_2277 = arith.constant 127 : i32
      %and3A_2278 = arith.andi %squeeze3A_2276, %and3A_2277 : i32
      %mul3A_2279 = vector.broadcast %and3A_2278 : i32 to vector<16xi32>
      %mul3A_2280 = arith.muli %broadcast_in_dim3A_2274, %mul3A_2279 : vector<16xi32>
      %broadcast_in_dim3A_2281 = arith.constant 1 : i32
      %broadcast_in_dim3A_2282 = vector.broadcast %broadcast_in_dim3A_2281 : i32 to vector<16xi32>
      %slice3A_2283 = vector.extract_strided_slice %get3A_516 {offsets = [8], sizes = [1], strides = [1]} : vector<16xi32> to vector<1xi32>
      %squeeze3A_2284 = vector.extract %slice3A_2283[0] : i32 from vector<1xi32>
      %and3A_2285 = arith.constant 127 : i32
      %and3A_2286 = arith.andi %squeeze3A_2284, %and3A_2285 : i32
      %mul3A_2287 = vector.broadcast %and3A_2286 : i32 to vector<16xi32>
      %mul3A_2288 = arith.muli %broadcast_in_dim3A_2282, %mul3A_2287 : vector<16xi32>
      %add3A_2289 = arith.constant 0 : i32
      %add3A_2290 = vector.broadcast %add3A_2289 : i32 to vector<16xi32>
      %add3A_2291 = arith.addi %iota3A, %add3A_2290 : vector<16xi32>
      %gather3A_2292 = arith.constant 0 : i32
      %gather3A_2293 = arith.constant 0 : i32
      %gather3A_2294 = arith.constant 0 : i32
      %gather3A_2295 = tpu.memref_slice %arg11[%gather3A_2292, %gather3A_2293, %gather3A_2294] : memref<4x32x128xf32, #tpu.memory_space<vmem>> -> memref<1x32x128xf32, #tpu.memory_space<vmem>>
      %gather3A_2296 = tpu.memref_squeeze %gather3A_2295 : memref<1x32x128xf32, #tpu.memory_space<vmem>> -> memref<32x128xf32, #tpu.memory_space<vmem>>
      %gather3A_2297 = tpu.vector_load_idx %gather3A_2296[%add3A_2291, %mul3A_2280] : memref<32x128xf32, #tpu.memory_space<vmem>>[vector<16xi32>, vector<16xi32>], vector<16xf32>,
      %gather3A_2298 = arith.constant 0 : i32
      %gather3A_2299 = arith.constant 0 : i32
      %gather3A_2300 = arith.constant 0 : i32
      %gather3A_2301 = tpu.memref_slice %arg12[%gather3A_2298, %gather3A_2299, %gather3A_2300] : memref<4x32x128xf32, #tpu.memory_space<vmem>> -> memref<1x32x128xf32, #tpu.memory_space<vmem>>
      %gather3A_2302 = tpu.memref_squeeze %gather3A_2301 : memref<1x32x128xf32, #tpu.memory_space<vmem>> -> memref<32x128xf32, #tpu.memory_space<vmem>>
      %gather3A_2303 = tpu.vector_load_idx %gather3A_2302[%add3A_2291, %mul3A_2288] : memref<32x128xf32, #tpu.memory_space<vmem>>[vector<16xi32>, vector<16xi32>], vector<16xf32>,
      tpu.vector_store_idx %arg15[%add3A_2291, %mul3A_2272], %gather3A_2297 : memref<32x512xf32, #tpu.memory_space<vmem>>[vector<16xi32>, vector<16xi32>], vector<16xf32>,
      tpu.vector_store_idx %arg16[%add3A_2291, %mul3A_2272], %gather3A_2303 : memref<32x512xf32, #tpu.memory_space<vmem>>[vector<16xi32>, vector<16xi32>], vector<16xf32>,
      %add3A_2304 = arith.constant 16 : i32
      %add3A_2305 = vector.broadcast %add3A_2304 : i32 to vector<16xi32>
      %add3A_2306 = arith.addi %iota3A, %add3A_2305 : vector<16xi32>
      %gather3A_2307 = arith.constant 0 : i32
      %gather3A_2308 = arith.constant 0 : i32
      %gather3A_2309 = arith.constant 0 : i32
      %gather3A_2310 = tpu.memref_slice %arg11[%gather3A_2307, %gather3A_2308, %gather3A_2309] : memref<4x32x128xf32, #tpu.memory_space<vmem>> -> memref<1x32x128xf32, #tpu.memory_space<vmem>>
      %gather3A_2311 = tpu.memref_squeeze %gather3A_2310 : memref<1x32x128xf32, #tpu.memory_space<vmem>> -> memref<32x128xf32, #tpu.memory_space<vmem>>
      %gather3A_2312 = tpu.vector_load_idx %gather3A_2311[%add3A_2306, %mul3A_2280] : memref<32x128xf32, #tpu.memory_space<vmem>>[vector<16xi32>, vector<16xi32>], vector<16xf32>,
      %gather3A_2313 = arith.constant 0 : i32
      %gather3A_2314 = arith.constant 0 : i32
      %gather3A_2315 = arith.constant 0 : i32
      %gather3A_2316 = tpu.memref_slice %arg12[%gather3A_2313, %gather3A_2314, %gather3A_2315] : memref<4x32x128xf32, #tpu.memory_space<vmem>> -> memref<1x32x128xf32, #tpu.memory_space<vmem>>
      %gather3A_2317 = tpu.memref_squeeze %gather3A_2316 : memref<1x32x128xf32, #tpu.memory_space<vmem>> -> memref<32x128xf32, #tpu.memory_space<vmem>>
      %gather3A_2318 = tpu.vector_load_idx %gather3A_2317[%add3A_2306, %mul3A_2288] : memref<32x128xf32, #tpu.memory_space<vmem>>[vector<16xi32>, vector<16xi32>], vector<16xf32>,
      tpu.vector_store_idx %arg15[%add3A_2306, %mul3A_2272], %gather3A_2312 : memref<32x512xf32, #tpu.memory_space<vmem>>[vector<16xi32>, vector<16xi32>], vector<16xf32>,
      tpu.vector_store_idx %arg16[%add3A_2306, %mul3A_2272], %gather3A_2318 : memref<32x512xf32, #tpu.memory_space<vmem>>[vector<16xi32>, vector<16xi32>], vector<16xf32>,
      %broadcast_in_dim3A_2319 = arith.constant 1 : i32
      %broadcast_in_dim3A_2320 = vector.broadcast %broadcast_in_dim3A_2319 : i32 to vector<16xi32>
      %add3A_2321 = arith.constant 1 : i32
      %add3A_2322 = arith.addi %add3A_2266, %add3A_2321 : i32
      %mul3A_2323 = vector.broadcast %add3A_2322 : i32 to vector<16xi32>
      %mul3A_2324 = arith.muli %broadcast_in_dim3A_2320, %mul3A_2323 : vector<16xi32>
      %broadcast_in_dim3A_2325 = arith.constant 1 : i32
      %broadcast_in_dim3A_2326 = vector.broadcast %broadcast_in_dim3A_2325 : i32 to vector<16xi32>
      %slice3A_2327 = vector.extract_strided_slice %get3A_514 {offsets = [9], sizes = [1], strides = [1]} : vector<16xi32> to vector<1xi32>
      %squeeze3A_2328 = vector.extract %slice3A_2327[0] : i32 from vector<1xi32>
      %and3A_2329 = arith.constant 127 : i32
      %and3A_2330 = arith.andi %squeeze3A_2328, %and3A_2329 : i32
      %mul3A_2331 = vector.broadcast %and3A_2330 : i32 to vector<16xi32>
      %mul3A_2332 = arith.muli %broadcast_in_dim3A_2326, %mul3A_2331 : vector<16xi32>
      %broadcast_in_dim3A_2333 = arith.constant 1 : i32
      %broadcast_in_dim3A_2334 = vector.broadcast %broadcast_in_dim3A_2333 : i32 to vector<16xi32>
      %slice3A_2335 = vector.extract_strided_slice %get3A_516 {offsets = [9], sizes = [1], strides = [1]} : vector<16xi32> to vector<1xi32>
      %squeeze3A_2336 = vector.extract %slice3A_2335[0] : i32 from vector<1xi32>
      %and3A_2337 = arith.constant 127 : i32
      %and3A_2338 = arith.andi %squeeze3A_2336, %and3A_2337 : i32
      %mul3A_2339 = vector.broadcast %and3A_2338 : i32 to vector<16xi32>
      %mul3A_2340 = arith.muli %broadcast_in_dim3A_2334, %mul3A_2339 : vector<16xi32>
      %add3A_2341 = arith.constant 0 : i32
      %add3A_2342 = vector.broadcast %add3A_2341 : i32 to vector<16xi32>
      %add3A_2343 = arith.addi %iota3A, %add3A_2342 : vector<16xi32>
      %gather3A_2344 = arith.constant 1 : i32
      %gather3A_2345 = arith.constant 0 : i32
      %gather3A_2346 = arith.constant 0 : i32
      %gather3A_2347 = tpu.memref_slice %arg11[%gather3A_2344, %gather3A_2345, %gather3A_2346] : memref<4x32x128xf32, #tpu.memory_space<vmem>> -> memref<1x32x128xf32, #tpu.memory_space<vmem>>
      %gather3A_2348 = tpu.memref_squeeze %gather3A_2347 : memref<1x32x128xf32, #tpu.memory_space<vmem>> -> memref<32x128xf32, #tpu.memory_space<vmem>>
      %gather3A_2349 = tpu.vector_load_idx %gather3A_2348[%add3A_2343, %mul3A_2332] : memref<32x128xf32, #tpu.memory_space<vmem>>[vector<16xi32>, vector<16xi32>], vector<16xf32>,
      %gather3A_2350 = arith.constant 1 : i32
      %gather3A_2351 = arith.constant 0 : i32
      %gather3A_2352 = arith.constant 0 : i32
      %gather3A_2353 = tpu.memref_slice %arg12[%gather3A_2350, %gather3A_2351, %gather3A_2352] : memref<4x32x128xf32, #tpu.memory_space<vmem>> -> memref<1x32x128xf32, #tpu.memory_space<vmem>>
      %gather3A_2354 = tpu.memref_squeeze %gather3A_2353 : memref<1x32x128xf32, #tpu.memory_space<vmem>> -> memref<32x128xf32, #tpu.memory_space<vmem>>
      %gather3A_2355 = tpu.vector_load_idx %gather3A_2354[%add3A_2343, %mul3A_2340] : memref<32x128xf32, #tpu.memory_space<vmem>>[vector<16xi32>, vector<16xi32>], vector<16xf32>,
      tpu.vector_store_idx %arg15[%add3A_2343, %mul3A_2324], %gather3A_2349 : memref<32x512xf32, #tpu.memory_space<vmem>>[vector<16xi32>, vector<16xi32>], vector<16xf32>,
      tpu.vector_store_idx %arg16[%add3A_2343, %mul3A_2324], %gather3A_2355 : memref<32x512xf32, #tpu.memory_space<vmem>>[vector<16xi32>, vector<16xi32>], vector<16xf32>,
      %add3A_2356 = arith.constant 16 : i32
      %add3A_2357 = vector.broadcast %add3A_2356 : i32 to vector<16xi32>
      %add3A_2358 = arith.addi %iota3A, %add3A_2357 : vector<16xi32>
      %gather3A_2359 = arith.constant 1 : i32
      %gather3A_2360 = arith.constant 0 : i32
      %gather3A_2361 = arith.constant 0 : i32
      %gather3A_2362 = tpu.memref_slice %arg11[%gather3A_2359, %gather3A_2360, %gather3A_2361] : memref<4x32x128xf32, #tpu.memory_space<vmem>> -> memref<1x32x128xf32, #tpu.memory_space<vmem>>
      %gather3A_2363 = tpu.memref_squeeze %gather3A_2362 : memref<1x32x128xf32, #tpu.memory_space<vmem>> -> memref<32x128xf32, #tpu.memory_space<vmem>>
      %gather3A_2364 = tpu.vector_load_idx %gather3A_2363[%add3A_2358, %mul3A_2332] : memref<32x128xf32, #tpu.memory_space<vmem>>[vector<16xi32>, vector<16xi32>], vector<16xf32>,
      %gather3A_2365 = arith.constant 1 : i32
      %gather3A_2366 = arith.constant 0 : i32
      %gather3A_2367 = arith.constant 0 : i32
      %gather3A_2368 = tpu.memref_slice %arg12[%gather3A_2365, %gather3A_2366, %gather3A_2367] : memref<4x32x128xf32, #tpu.memory_space<vmem>> -> memref<1x32x128xf32, #tpu.memory_space<vmem>>
      %gather3A_2369 = tpu.memref_squeeze %gather3A_2368 : memref<1x32x128xf32, #tpu.memory_space<vmem>> -> memref<32x128xf32, #tpu.memory_space<vmem>>
      %gather3A_2370 = tpu.vector_load_idx %gather3A_2369[%add3A_2358, %mul3A_2340] : memref<32x128xf32, #tpu.memory_space<vmem>>[vector<16xi32>, vector<16xi32>], vector<16xf32>,
      tpu.vector_store_idx %arg15[%add3A_2358, %mul3A_2324], %gather3A_2364 : memref<32x512xf32, #tpu.memory_space<vmem>>[vector<16xi32>, vector<16xi32>], vector<16xf32>,
      tpu.vector_store_idx %arg16[%add3A_2358, %mul3A_2324], %gather3A_2370 : memref<32x512xf32, #tpu.memory_space<vmem>>[vector<16xi32>, vector<16xi32>], vector<16xf32>,
      %broadcast_in_dim3A_2371 = arith.constant 1 : i32
      %broadcast_in_dim3A_2372 = vector.broadcast %broadcast_in_dim3A_2371 : i32 to vector<16xi32>
      %add3A_2373 = arith.constant 2 : i32
      %add3A_2374 = arith.addi %add3A_2266, %add3A_2373 : i32
      %mul3A_2375 = vector.broadcast %add3A_2374 : i32 to vector<16xi32>
      %mul3A_2376 = arith.muli %broadcast_in_dim3A_2372, %mul3A_2375 : vector<16xi32>
      %broadcast_in_dim3A_2377 = arith.constant 1 : i32
      %broadcast_in_dim3A_2378 = vector.broadcast %broadcast_in_dim3A_2377 : i32 to vector<16xi32>
      %slice3A_2379 = vector.extract_strided_slice %get3A_514 {offsets = [10], sizes = [1], strides = [1]} : vector<16xi32> to vector<1xi32>
      %squeeze3A_2380 = vector.extract %slice3A_2379[0] : i32 from vector<1xi32>
      %and3A_2381 = arith.constant 127 : i32
      %and3A_2382 = arith.andi %squeeze3A_2380, %and3A_2381 : i32
      %mul3A_2383 = vector.broadcast %and3A_2382 : i32 to vector<16xi32>
      %mul3A_2384 = arith.muli %broadcast_in_dim3A_2378, %mul3A_2383 : vector<16xi32>
      %broadcast_in_dim3A_2385 = arith.constant 1 : i32
      %broadcast_in_dim3A_2386 = vector.broadcast %broadcast_in_dim3A_2385 : i32 to vector<16xi32>
      %slice3A_2387 = vector.extract_strided_slice %get3A_516 {offsets = [10], sizes = [1], strides = [1]} : vector<16xi32> to vector<1xi32>
      %squeeze3A_2388 = vector.extract %slice3A_2387[0] : i32 from vector<1xi32>
      %and3A_2389 = arith.constant 127 : i32
      %and3A_2390 = arith.andi %squeeze3A_2388, %and3A_2389 : i32
      %mul3A_2391 = vector.broadcast %and3A_2390 : i32 to vector<16xi32>
      %mul3A_2392 = arith.muli %broadcast_in_dim3A_2386, %mul3A_2391 : vector<16xi32>
      %add3A_2393 = arith.constant 0 : i32
      %add3A_2394 = vector.broadcast %add3A_2393 : i32 to vector<16xi32>
      %add3A_2395 = arith.addi %iota3A, %add3A_2394 : vector<16xi32>
      %gather3A_2396 = arith.constant 2 : i32
      %gather3A_2397 = arith.constant 0 : i32
      %gather3A_2398 = arith.constant 0 : i32
      %gather3A_2399 = tpu.memref_slice %arg11[%gather3A_2396, %gather3A_2397, %gather3A_2398] : memref<4x32x128xf32, #tpu.memory_space<vmem>> -> memref<1x32x128xf32, #tpu.memory_space<vmem>>
      %gather3A_2400 = tpu.memref_squeeze %gather3A_2399 : memref<1x32x128xf32, #tpu.memory_space<vmem>> -> memref<32x128xf32, #tpu.memory_space<vmem>>
      %gather3A_2401 = tpu.vector_load_idx %gather3A_2400[%add3A_2395, %mul3A_2384] : memref<32x128xf32, #tpu.memory_space<vmem>>[vector<16xi32>, vector<16xi32>], vector<16xf32>,
      %gather3A_2402 = arith.constant 2 : i32
      %gather3A_2403 = arith.constant 0 : i32
      %gather3A_2404 = arith.constant 0 : i32
      %gather3A_2405 = tpu.memref_slice %arg12[%gather3A_2402, %gather3A_2403, %gather3A_2404] : memref<4x32x128xf32, #tpu.memory_space<vmem>> -> memref<1x32x128xf32, #tpu.memory_space<vmem>>
      %gather3A_2406 = tpu.memref_squeeze %gather3A_2405 : memref<1x32x128xf32, #tpu.memory_space<vmem>> -> memref<32x128xf32, #tpu.memory_space<vmem>>
      %gather3A_2407 = tpu.vector_load_idx %gather3A_2406[%add3A_2395, %mul3A_2392] : memref<32x128xf32, #tpu.memory_space<vmem>>[vector<16xi32>, vector<16xi32>], vector<16xf32>,
      tpu.vector_store_idx %arg15[%add3A_2395, %mul3A_2376], %gather3A_2401 : memref<32x512xf32, #tpu.memory_space<vmem>>[vector<16xi32>, vector<16xi32>], vector<16xf32>,
      tpu.vector_store_idx %arg16[%add3A_2395, %mul3A_2376], %gather3A_2407 : memref<32x512xf32, #tpu.memory_space<vmem>>[vector<16xi32>, vector<16xi32>], vector<16xf32>,
      %add3A_2408 = arith.constant 16 : i32
      %add3A_2409 = vector.broadcast %add3A_2408 : i32 to vector<16xi32>
      %add3A_2410 = arith.addi %iota3A, %add3A_2409 : vector<16xi32>
      %gather3A_2411 = arith.constant 2 : i32
      %gather3A_2412 = arith.constant 0 : i32
      %gather3A_2413 = arith.constant 0 : i32
      %gather3A_2414 = tpu.memref_slice %arg11[%gather3A_2411, %gather3A_2412, %gather3A_2413] : memref<4x32x128xf32, #tpu.memory_space<vmem>> -> memref<1x32x128xf32, #tpu.memory_space<vmem>>
      %gather3A_2415 = tpu.memref_squeeze %gather3A_2414 : memref<1x32x128xf32, #tpu.memory_space<vmem>> -> memref<32x128xf32, #tpu.memory_space<vmem>>
      %gather3A_2416 = tpu.vector_load_idx %gather3A_2415[%add3A_2410, %mul3A_2384] : memref<32x128xf32, #tpu.memory_space<vmem>>[vector<16xi32>, vector<16xi32>], vector<16xf32>,
      %gather3A_2417 = arith.constant 2 : i32
      %gather3A_2418 = arith.constant 0 : i32
      %gather3A_2419 = arith.constant 0 : i32
      %gather3A_2420 = tpu.memref_slice %arg12[%gather3A_2417, %gather3A_2418, %gather3A_2419] : memref<4x32x128xf32, #tpu.memory_space<vmem>> -> memref<1x32x128xf32, #tpu.memory_space<vmem>>
      %gather3A_2421 = tpu.memref_squeeze %gather3A_2420 : memref<1x32x128xf32, #tpu.memory_space<vmem>> -> memref<32x128xf32, #tpu.memory_space<vmem>>
      %gather3A_2422 = tpu.vector_load_idx %gather3A_2421[%add3A_2410, %mul3A_2392] : memref<32x128xf32, #tpu.memory_space<vmem>>[vector<16xi32>, vector<16xi32>], vector<16xf32>,
      tpu.vector_store_idx %arg15[%add3A_2410, %mul3A_2376], %gather3A_2416 : memref<32x512xf32, #tpu.memory_space<vmem>>[vector<16xi32>, vector<16xi32>], vector<16xf32>,
      tpu.vector_store_idx %arg16[%add3A_2410, %mul3A_2376], %gather3A_2422 : memref<32x512xf32, #tpu.memory_space<vmem>>[vector<16xi32>, vector<16xi32>], vector<16xf32>,
      %broadcast_in_dim3A_2423 = arith.constant 1 : i32
      %broadcast_in_dim3A_2424 = vector.broadcast %broadcast_in_dim3A_2423 : i32 to vector<16xi32>
      %add3A_2425 = arith.constant 3 : i32
      %add3A_2426 = arith.addi %add3A_2266, %add3A_2425 : i32
      %mul3A_2427 = vector.broadcast %add3A_2426 : i32 to vector<16xi32>
      %mul3A_2428 = arith.muli %broadcast_in_dim3A_2424, %mul3A_2427 : vector<16xi32>
      %broadcast_in_dim3A_2429 = arith.constant 1 : i32
      %broadcast_in_dim3A_2430 = vector.broadcast %broadcast_in_dim3A_2429 : i32 to vector<16xi32>
      %slice3A_2431 = vector.extract_strided_slice %get3A_514 {offsets = [11], sizes = [1], strides = [1]} : vector<16xi32> to vector<1xi32>
      %squeeze3A_2432 = vector.extract %slice3A_2431[0] : i32 from vector<1xi32>
      %and3A_2433 = arith.constant 127 : i32
      %and3A_2434 = arith.andi %squeeze3A_2432, %and3A_2433 : i32
      %mul3A_2435 = vector.broadcast %and3A_2434 : i32 to vector<16xi32>
      %mul3A_2436 = arith.muli %broadcast_in_dim3A_2430, %mul3A_2435 : vector<16xi32>
      %broadcast_in_dim3A_2437 = arith.constant 1 : i32
      %broadcast_in_dim3A_2438 = vector.broadcast %broadcast_in_dim3A_2437 : i32 to vector<16xi32>
      %slice3A_2439 = vector.extract_strided_slice %get3A_516 {offsets = [11], sizes = [1], strides = [1]} : vector<16xi32> to vector<1xi32>
      %squeeze3A_2440 = vector.extract %slice3A_2439[0] : i32 from vector<1xi32>
      %and3A_2441 = arith.constant 127 : i32
      %and3A_2442 = arith.andi %squeeze3A_2440, %and3A_2441 : i32
      %mul3A_2443 = vector.broadcast %and3A_2442 : i32 to vector<16xi32>
      %mul3A_2444 = arith.muli %broadcast_in_dim3A_2438, %mul3A_2443 : vector<16xi32>
      %add3A_2445 = arith.constant 0 : i32
      %add3A_2446 = vector.broadcast %add3A_2445 : i32 to vector<16xi32>
      %add3A_2447 = arith.addi %iota3A, %add3A_2446 : vector<16xi32>
      %gather3A_2448 = arith.constant 3 : i32
      %gather3A_2449 = arith.constant 0 : i32
      %gather3A_2450 = arith.constant 0 : i32
      %gather3A_2451 = tpu.memref_slice %arg11[%gather3A_2448, %gather3A_2449, %gather3A_2450] : memref<4x32x128xf32, #tpu.memory_space<vmem>> -> memref<1x32x128xf32, #tpu.memory_space<vmem>>
      %gather3A_2452 = tpu.memref_squeeze %gather3A_2451 : memref<1x32x128xf32, #tpu.memory_space<vmem>> -> memref<32x128xf32, #tpu.memory_space<vmem>>
      %gather3A_2453 = tpu.vector_load_idx %gather3A_2452[%add3A_2447, %mul3A_2436] : memref<32x128xf32, #tpu.memory_space<vmem>>[vector<16xi32>, vector<16xi32>], vector<16xf32>,
      %gather3A_2454 = arith.constant 3 : i32
      %gather3A_2455 = arith.constant 0 : i32
      %gather3A_2456 = arith.constant 0 : i32
      %gather3A_2457 = tpu.memref_slice %arg12[%gather3A_2454, %gather3A_2455, %gather3A_2456] : memref<4x32x128xf32, #tpu.memory_space<vmem>> -> memref<1x32x128xf32, #tpu.memory_space<vmem>>
      %gather3A_2458 = tpu.memref_squeeze %gather3A_2457 : memref<1x32x128xf32, #tpu.memory_space<vmem>> -> memref<32x128xf32, #tpu.memory_space<vmem>>
      %gather3A_2459 = tpu.vector_load_idx %gather3A_2458[%add3A_2447, %mul3A_2444] : memref<32x128xf32, #tpu.memory_space<vmem>>[vector<16xi32>, vector<16xi32>], vector<16xf32>,
      tpu.vector_store_idx %arg15[%add3A_2447, %mul3A_2428], %gather3A_2453 : memref<32x512xf32, #tpu.memory_space<vmem>>[vector<16xi32>, vector<16xi32>], vector<16xf32>,
      tpu.vector_store_idx %arg16[%add3A_2447, %mul3A_2428], %gather3A_2459 : memref<32x512xf32, #tpu.memory_space<vmem>>[vector<16xi32>, vector<16xi32>], vector<16xf32>,
      %add3A_2460 = arith.constant 16 : i32
      %add3A_2461 = vector.broadcast %add3A_2460 : i32 to vector<16xi32>
      %add3A_2462 = arith.addi %iota3A, %add3A_2461 : vector<16xi32>
      %gather3A_2463 = arith.constant 3 : i32
      %gather3A_2464 = arith.constant 0 : i32
      %gather3A_2465 = arith.constant 0 : i32
      %gather3A_2466 = tpu.memref_slice %arg11[%gather3A_2463, %gather3A_2464, %gather3A_2465] : memref<4x32x128xf32, #tpu.memory_space<vmem>> -> memref<1x32x128xf32, #tpu.memory_space<vmem>>
      %gather3A_2467 = tpu.memref_squeeze %gather3A_2466 : memref<1x32x128xf32, #tpu.memory_space<vmem>> -> memref<32x128xf32, #tpu.memory_space<vmem>>
      %gather3A_2468 = tpu.vector_load_idx %gather3A_2467[%add3A_2462, %mul3A_2436] : memref<32x128xf32, #tpu.memory_space<vmem>>[vector<16xi32>, vector<16xi32>], vector<16xf32>,
      %gather3A_2469 = arith.constant 3 : i32
      %gather3A_2470 = arith.constant 0 : i32
      %gather3A_2471 = arith.constant 0 : i32
      %gather3A_2472 = tpu.memref_slice %arg12[%gather3A_2469, %gather3A_2470, %gather3A_2471] : memref<4x32x128xf32, #tpu.memory_space<vmem>> -> memref<1x32x128xf32, #tpu.memory_space<vmem>>
      %gather3A_2473 = tpu.memref_squeeze %gather3A_2472 : memref<1x32x128xf32, #tpu.memory_space<vmem>> -> memref<32x128xf32, #tpu.memory_space<vmem>>
      %gather3A_2474 = tpu.vector_load_idx %gather3A_2473[%add3A_2462, %mul3A_2444] : memref<32x128xf32, #tpu.memory_space<vmem>>[vector<16xi32>, vector<16xi32>], vector<16xf32>,
      tpu.vector_store_idx %arg15[%add3A_2462, %mul3A_2428], %gather3A_2468 : memref<32x512xf32, #tpu.memory_space<vmem>>[vector<16xi32>, vector<16xi32>], vector<16xf32>,
      tpu.vector_store_idx %arg16[%add3A_2462, %mul3A_2428], %gather3A_2474 : memref<32x512xf32, #tpu.memory_space<vmem>>[vector<16xi32>, vector<16xi32>], vector<16xf32>,
      scf.yield %get3A_514, %get3A_516 : vector<16xi32>, vector<16xi32>
    }
    %scan3A_165 = arith.constant 32 : i32
    %dma_wait3A = arith.constant 0 : i32
    %dma_wait3A_166 = arith.constant 0 : i32
    %dma_wait3A_167 = arith.constant 0 : i32
    %dma_wait3A_168 = tpu.memref_slice %arg13[%dma_wait3A, %dma_wait3A_166, %dma_wait3A_167] : memref<4x32x128xf32, #tpu.memory_space<vmem>> -> memref<1x32x128xf32, #tpu.memory_space<vmem>>
    %dma_wait3A_169 = tpu.memref_squeeze %dma_wait3A_168 : memref<1x32x128xf32, #tpu.memory_space<vmem>> -> memref<32x128xf32, #tpu.memory_space<vmem>>
    %dma_wait3A_170 = arith.constant 0 : i32
    %dma_wait3A_171 = arith.constant 0 : i32
    %dma_wait3A_172 = tpu.memref_slice %arg4[%dma_wait3A_170, %dma_wait3A_171] : memref<32x1000000xf32, #tpu.memory_space<hbm>> -> memref<32x128xf32, #tpu.memory_space<hbm>>
    %dma_wait3A_173 = arith.constant 0 : i32
    %dma_wait3A_174 = arith.constant 0 : i32
    %dma_wait3A_175 = tpu.memref_slice %arg13[%dma_wait3A, %dma_wait3A_173, %dma_wait3A_174] : memref<4x32x128xf32, #tpu.memory_space<vmem>> -> memref<1x32x128xf32, #tpu.memory_space<vmem>>
    %dma_wait3A_176 = tpu.memref_squeeze %dma_wait3A_175 : memref<1x32x128xf32, #tpu.memory_space<vmem>> -> memref<32x128xf32, #tpu.memory_space<vmem>>
    %dma_wait3A_177 = arith.constant 0 : i32
    %dma_wait3A_178 = arith.constant 0 : i32
    %dma_wait3A_179 = tpu.memref_slice %arg4[%dma_wait3A_177, %dma_wait3A_178] : memref<32x1000000xf32, #tpu.memory_space<hbm>> -> memref<32x128xf32, #tpu.memory_space<hbm>>
    tpu.wait_dma2 semaphore(%arg19 : memref<!tpu.dma_semaphore, #tpu.memory_space<semaphore_mem>>) src(%dma_wait3A_179 : memref<32x128xf32, #tpu.memory_space<hbm>>) dst(%dma_wait3A_176 : memref<32x128xf32, #tpu.memory_space<vmem>>)
    %dma_wait3A_180 = arith.constant 0 : i32
    %dma_wait3A_181 = arith.constant 0 : i32
    %dma_wait3A_182 = arith.constant 0 : i32
    %dma_wait3A_183 = tpu.memref_slice %arg14[%dma_wait3A_180, %dma_wait3A_181, %dma_wait3A_182] : memref<4x32x128xf32, #tpu.memory_space<vmem>> -> memref<1x32x128xf32, #tpu.memory_space<vmem>>
    %dma_wait3A_184 = tpu.memref_squeeze %dma_wait3A_183 : memref<1x32x128xf32, #tpu.memory_space<vmem>> -> memref<32x128xf32, #tpu.memory_space<vmem>>
    %dma_wait3A_185 = arith.constant 0 : i32
    %dma_wait3A_186 = arith.constant 0 : i32
    %dma_wait3A_187 = tpu.memref_slice %arg4[%dma_wait3A_185, %dma_wait3A_186] : memref<32x1000000xf32, #tpu.memory_space<hbm>> -> memref<32x128xf32, #tpu.memory_space<hbm>>
    %dma_wait3A_188 = arith.constant 0 : i32
    %dma_wait3A_189 = arith.constant 0 : i32
    %dma_wait3A_190 = tpu.memref_slice %arg14[%dma_wait3A_180, %dma_wait3A_188, %dma_wait3A_189] : memref<4x32x128xf32, #tpu.memory_space<vmem>> -> memref<1x32x128xf32, #tpu.memory_space<vmem>>
    %dma_wait3A_191 = tpu.memref_squeeze %dma_wait3A_190 : memref<1x32x128xf32, #tpu.memory_space<vmem>> -> memref<32x128xf32, #tpu.memory_space<vmem>>
    %dma_wait3A_192 = arith.constant 0 : i32
    %dma_wait3A_193 = arith.constant 0 : i32
    %dma_wait3A_194 = tpu.memref_slice %arg4[%dma_wait3A_192, %dma_wait3A_193] : memref<32x1000000xf32, #tpu.memory_space<hbm>> -> memref<32x128xf32, #tpu.memory_space<hbm>>
    tpu.wait_dma2 semaphore(%arg19 : memref<!tpu.dma_semaphore, #tpu.memory_space<semaphore_mem>>) src(%dma_wait3A_194 : memref<32x128xf32, #tpu.memory_space<hbm>>) dst(%dma_wait3A_191 : memref<32x128xf32, #tpu.memory_space<vmem>>)
    %dma_wait3A_195 = arith.constant 1 : i32
    %dma_wait3A_196 = arith.constant 0 : i32
    %dma_wait3A_197 = arith.constant 0 : i32
    %dma_wait3A_198 = tpu.memref_slice %arg13[%dma_wait3A_195, %dma_wait3A_196, %dma_wait3A_197] : memref<4x32x128xf32, #tpu.memory_space<vmem>> -> memref<1x32x128xf32, #tpu.memory_space<vmem>>
    %dma_wait3A_199 = tpu.memref_squeeze %dma_wait3A_198 : memref<1x32x128xf32, #tpu.memory_space<vmem>> -> memref<32x128xf32, #tpu.memory_space<vmem>>
    %dma_wait3A_200 = arith.constant 0 : i32
    %dma_wait3A_201 = arith.constant 0 : i32
    %dma_wait3A_202 = tpu.memref_slice %arg4[%dma_wait3A_200, %dma_wait3A_201] : memref<32x1000000xf32, #tpu.memory_space<hbm>> -> memref<32x128xf32, #tpu.memory_space<hbm>>
    %dma_wait3A_203 = arith.constant 0 : i32
    %dma_wait3A_204 = arith.constant 0 : i32
    %dma_wait3A_205 = tpu.memref_slice %arg13[%dma_wait3A_195, %dma_wait3A_203, %dma_wait3A_204] : memref<4x32x128xf32, #tpu.memory_space<vmem>> -> memref<1x32x128xf32, #tpu.memory_space<vmem>>
    %dma_wait3A_206 = tpu.memref_squeeze %dma_wait3A_205 : memref<1x32x128xf32, #tpu.memory_space<vmem>> -> memref<32x128xf32, #tpu.memory_space<vmem>>
    %dma_wait3A_207 = arith.constant 0 : i32
    %dma_wait3A_208 = arith.constant 0 : i32
    %dma_wait3A_209 = tpu.memref_slice %arg4[%dma_wait3A_207, %dma_wait3A_208] : memref<32x1000000xf32, #tpu.memory_space<hbm>> -> memref<32x128xf32, #tpu.memory_space<hbm>>
    tpu.wait_dma2 semaphore(%arg19 : memref<!tpu.dma_semaphore, #tpu.memory_space<semaphore_mem>>) src(%dma_wait3A_209 : memref<32x128xf32, #tpu.memory_space<hbm>>) dst(%dma_wait3A_206 : memref<32x128xf32, #tpu.memory_space<vmem>>)
    %dma_wait3A_210 = arith.constant 1 : i32
    %dma_wait3A_211 = arith.constant 0 : i32
    %dma_wait3A_212 = arith.constant 0 : i32
    %dma_wait3A_213 = tpu.memref_slice %arg14[%dma_wait3A_210, %dma_wait3A_211, %dma_wait3A_212] : memref<4x32x128xf32, #tpu.memory_space<vmem>> -> memref<1x32x128xf32, #tpu.memory_space<vmem>>
    %dma_wait3A_214 = tpu.memref_squeeze %dma_wait3A_213 : memref<1x32x128xf32, #tpu.memory_space<vmem>> -> memref<32x128xf32, #tpu.memory_space<vmem>>
    %dma_wait3A_215 = arith.constant 0 : i32
    %dma_wait3A_216 = arith.constant 0 : i32
    %dma_wait3A_217 = tpu.memref_slice %arg4[%dma_wait3A_215, %dma_wait3A_216] : memref<32x1000000xf32, #tpu.memory_space<hbm>> -> memref<32x128xf32, #tpu.memory_space<hbm>>
    %dma_wait3A_218 = arith.constant 0 : i32
    %dma_wait3A_219 = arith.constant 0 : i32
    %dma_wait3A_220 = tpu.memref_slice %arg14[%dma_wait3A_210, %dma_wait3A_218, %dma_wait3A_219] : memref<4x32x128xf32, #tpu.memory_space<vmem>> -> memref<1x32x128xf32, #tpu.memory_space<vmem>>
    %dma_wait3A_221 = tpu.memref_squeeze %dma_wait3A_220 : memref<1x32x128xf32, #tpu.memory_space<vmem>> -> memref<32x128xf32, #tpu.memory_space<vmem>>
    %dma_wait3A_222 = arith.constant 0 : i32
    %dma_wait3A_223 = arith.constant 0 : i32
    %dma_wait3A_224 = tpu.memref_slice %arg4[%dma_wait3A_222, %dma_wait3A_223] : memref<32x1000000xf32, #tpu.memory_space<hbm>> -> memref<32x128xf32, #tpu.memory_space<hbm>>
    tpu.wait_dma2 semaphore(%arg19 : memref<!tpu.dma_semaphore, #tpu.memory_space<semaphore_mem>>) src(%dma_wait3A_224 : memref<32x128xf32, #tpu.memory_space<hbm>>) dst(%dma_wait3A_221 : memref<32x128xf32, #tpu.memory_space<vmem>>)
    %dma_wait3A_225 = arith.constant 2 : i32
    %dma_wait3A_226 = arith.constant 0 : i32
    %dma_wait3A_227 = arith.constant 0 : i32
    %dma_wait3A_228 = tpu.memref_slice %arg13[%dma_wait3A_225, %dma_wait3A_226, %dma_wait3A_227] : memref<4x32x128xf32, #tpu.memory_space<vmem>> -> memref<1x32x128xf32, #tpu.memory_space<vmem>>
    %dma_wait3A_229 = tpu.memref_squeeze %dma_wait3A_228 : memref<1x32x128xf32, #tpu.memory_space<vmem>> -> memref<32x128xf32, #tpu.memory_space<vmem>>
    %dma_wait3A_230 = arith.constant 0 : i32
    %dma_wait3A_231 = arith.constant 0 : i32
    %dma_wait3A_232 = tpu.memref_slice %arg4[%dma_wait3A_230, %dma_wait3A_231] : memref<32x1000000xf32, #tpu.memory_space<hbm>> -> memref<32x128xf32, #tpu.memory_space<hbm>>
    %dma_wait3A_233 = arith.constant 0 : i32
    %dma_wait3A_234 = arith.constant 0 : i32
    %dma_wait3A_235 = tpu.memref_slice %arg13[%dma_wait3A_225, %dma_wait3A_233, %dma_wait3A_234] : memref<4x32x128xf32, #tpu.memory_space<vmem>> -> memref<1x32x128xf32, #tpu.memory_space<vmem>>
    %dma_wait3A_236 = tpu.memref_squeeze %dma_wait3A_235 : memref<1x32x128xf32, #tpu.memory_space<vmem>> -> memref<32x128xf32, #tpu.memory_space<vmem>>
    %dma_wait3A_237 = arith.constant 0 : i32
    %dma_wait3A_238 = arith.constant 0 : i32
    %dma_wait3A_239 = tpu.memref_slice %arg4[%dma_wait3A_237, %dma_wait3A_238] : memref<32x1000000xf32, #tpu.memory_space<hbm>> -> memref<32x128xf32, #tpu.memory_space<hbm>>
    tpu.wait_dma2 semaphore(%arg19 : memref<!tpu.dma_semaphore, #tpu.memory_space<semaphore_mem>>) src(%dma_wait3A_239 : memref<32x128xf32, #tpu.memory_space<hbm>>) dst(%dma_wait3A_236 : memref<32x128xf32, #tpu.memory_space<vmem>>)
    %dma_wait3A_240 = arith.constant 2 : i32
    %dma_wait3A_241 = arith.constant 0 : i32
    %dma_wait3A_242 = arith.constant 0 : i32
    %dma_wait3A_243 = tpu.memref_slice %arg14[%dma_wait3A_240, %dma_wait3A_241, %dma_wait3A_242] : memref<4x32x128xf32, #tpu.memory_space<vmem>> -> memref<1x32x128xf32, #tpu.memory_space<vmem>>
    %dma_wait3A_244 = tpu.memref_squeeze %dma_wait3A_243 : memref<1x32x128xf32, #tpu.memory_space<vmem>> -> memref<32x128xf32, #tpu.memory_space<vmem>>
    %dma_wait3A_245 = arith.constant 0 : i32
    %dma_wait3A_246 = arith.constant 0 : i32
    %dma_wait3A_247 = tpu.memref_slice %arg4[%dma_wait3A_245, %dma_wait3A_246] : memref<32x1000000xf32, #tpu.memory_space<hbm>> -> memref<32x128xf32, #tpu.memory_space<hbm>>
    %dma_wait3A_248 = arith.constant 0 : i32
    %dma_wait3A_249 = arith.constant 0 : i32
    %dma_wait3A_250 = tpu.memref_slice %arg14[%dma_wait3A_240, %dma_wait3A_248, %dma_wait3A_249] : memref<4x32x128xf32, #tpu.memory_space<vmem>> -> memref<1x32x128xf32, #tpu.memory_space<vmem>>
    %dma_wait3A_251 = tpu.memref_squeeze %dma_wait3A_250 : memref<1x32x128xf32, #tpu.memory_space<vmem>> -> memref<32x128xf32, #tpu.memory_space<vmem>>
    %dma_wait3A_252 = arith.constant 0 : i32
    %dma_wait3A_253 = arith.constant 0 : i32
    %dma_wait3A_254 = tpu.memref_slice %arg4[%dma_wait3A_252, %dma_wait3A_253] : memref<32x1000000xf32, #tpu.memory_space<hbm>> -> memref<32x128xf32, #tpu.memory_space<hbm>>
    tpu.wait_dma2 semaphore(%arg19 : memref<!tpu.dma_semaphore, #tpu.memory_space<semaphore_mem>>) src(%dma_wait3A_254 : memref<32x128xf32, #tpu.memory_space<hbm>>) dst(%dma_wait3A_251 : memref<32x128xf32, #tpu.memory_space<vmem>>)
    %dma_wait3A_255 = arith.constant 3 : i32
    %dma_wait3A_256 = arith.constant 0 : i32
    %dma_wait3A_257 = arith.constant 0 : i32
    %dma_wait3A_258 = tpu.memref_slice %arg13[%dma_wait3A_255, %dma_wait3A_256, %dma_wait3A_257] : memref<4x32x128xf32, #tpu.memory_space<vmem>> -> memref<1x32x128xf32, #tpu.memory_space<vmem>>
    %dma_wait3A_259 = tpu.memref_squeeze %dma_wait3A_258 : memref<1x32x128xf32, #tpu.memory_space<vmem>> -> memref<32x128xf32, #tpu.memory_space<vmem>>
    %dma_wait3A_260 = arith.constant 0 : i32
    %dma_wait3A_261 = arith.constant 0 : i32
    %dma_wait3A_262 = tpu.memref_slice %arg4[%dma_wait3A_260, %dma_wait3A_261] : memref<32x1000000xf32, #tpu.memory_space<hbm>> -> memref<32x128xf32, #tpu.memory_space<hbm>>
    %dma_wait3A_263 = arith.constant 0 : i32
    %dma_wait3A_264 = arith.constant 0 : i32
    %dma_wait3A_265 = tpu.memref_slice %arg13[%dma_wait3A_255, %dma_wait3A_263, %dma_wait3A_264] : memref<4x32x128xf32, #tpu.memory_space<vmem>> -> memref<1x32x128xf32, #tpu.memory_space<vmem>>
    %dma_wait3A_266 = tpu.memref_squeeze %dma_wait3A_265 : memref<1x32x128xf32, #tpu.memory_space<vmem>> -> memref<32x128xf32, #tpu.memory_space<vmem>>
    %dma_wait3A_267 = arith.constant 0 : i32
    %dma_wait3A_268 = arith.constant 0 : i32
    %dma_wait3A_269 = tpu.memref_slice %arg4[%dma_wait3A_267, %dma_wait3A_268] : memref<32x1000000xf32, #tpu.memory_space<hbm>> -> memref<32x128xf32, #tpu.memory_space<hbm>>
    tpu.wait_dma2 semaphore(%arg19 : memref<!tpu.dma_semaphore, #tpu.memory_space<semaphore_mem>>) src(%dma_wait3A_269 : memref<32x128xf32, #tpu.memory_space<hbm>>) dst(%dma_wait3A_266 : memref<32x128xf32, #tpu.memory_space<vmem>>)
    %dma_wait3A_270 = arith.constant 3 : i32
    %dma_wait3A_271 = arith.constant 0 : i32
    %dma_wait3A_272 = arith.constant 0 : i32
    %dma_wait3A_273 = tpu.memref_slice %arg14[%dma_wait3A_270, %dma_wait3A_271, %dma_wait3A_272] : memref<4x32x128xf32, #tpu.memory_space<vmem>> -> memref<1x32x128xf32, #tpu.memory_space<vmem>>
    %dma_wait3A_274 = tpu.memref_squeeze %dma_wait3A_273 : memref<1x32x128xf32, #tpu.memory_space<vmem>> -> memref<32x128xf32, #tpu.memory_space<vmem>>
    %dma_wait3A_275 = arith.constant 0 : i32
    %dma_wait3A_276 = arith.constant 0 : i32
    %dma_wait3A_277 = tpu.memref_slice %arg4[%dma_wait3A_275, %dma_wait3A_276] : memref<32x1000000xf32, #tpu.memory_space<hbm>> -> memref<32x128xf32, #tpu.memory_space<hbm>>
    %dma_wait3A_278 = arith.constant 0 : i32
    %dma_wait3A_279 = arith.constant 0 : i32
    %dma_wait3A_280 = tpu.memref_slice %arg14[%dma_wait3A_270, %dma_wait3A_278, %dma_wait3A_279] : memref<4x32x128xf32, #tpu.memory_space<vmem>> -> memref<1x32x128xf32, #tpu.memory_space<vmem>>
    %dma_wait3A_281 = tpu.memref_squeeze %dma_wait3A_280 : memref<1x32x128xf32, #tpu.memory_space<vmem>> -> memref<32x128xf32, #tpu.memory_space<vmem>>
    %dma_wait3A_282 = arith.constant 0 : i32
    %dma_wait3A_283 = arith.constant 0 : i32
    %dma_wait3A_284 = tpu.memref_slice %arg4[%dma_wait3A_282, %dma_wait3A_283] : memref<32x1000000xf32, #tpu.memory_space<hbm>> -> memref<32x128xf32, #tpu.memory_space<hbm>>
    tpu.wait_dma2 semaphore(%arg19 : memref<!tpu.dma_semaphore, #tpu.memory_space<semaphore_mem>>) src(%dma_wait3A_284 : memref<32x128xf32, #tpu.memory_space<hbm>>) dst(%dma_wait3A_281 : memref<32x128xf32, #tpu.memory_space<vmem>>)
    %broadcast_in_dim3A = arith.constant 1 : i32
    %broadcast_in_dim3A_285 = vector.broadcast %broadcast_in_dim3A : i32 to vector<16xi32>
    %mul3A_286 = arith.constant 508 : i32
    %mul3A_287 = vector.broadcast %mul3A_286 : i32 to vector<16xi32>
    %mul3A_288 = arith.muli %broadcast_in_dim3A_285, %mul3A_287 : vector<16xi32>
    %broadcast_in_dim3A_289 = arith.constant 1 : i32
    %broadcast_in_dim3A_290 = vector.broadcast %broadcast_in_dim3A_289 : i32 to vector<16xi32>
    %slice3A_291 = vector.extract_strided_slice %scan3A_164#0 {offsets = [12], sizes = [1], strides = [1]} : vector<16xi32> to vector<1xi32>
    %squeeze3A_292 = vector.extract %slice3A_291[0] : i32 from vector<1xi32>
    %and3A = arith.constant 127 : i32
    %and3A_293 = arith.andi %squeeze3A_292, %and3A : i32
    %mul3A_294 = vector.broadcast %and3A_293 : i32 to vector<16xi32>
    %mul3A_295 = arith.muli %broadcast_in_dim3A_290, %mul3A_294 : vector<16xi32>
    %broadcast_in_dim3A_296 = arith.constant 1 : i32
    %broadcast_in_dim3A_297 = vector.broadcast %broadcast_in_dim3A_296 : i32 to vector<16xi32>
    %slice3A_298 = vector.extract_strided_slice %scan3A_164#1 {offsets = [12], sizes = [1], strides = [1]} : vector<16xi32> to vector<1xi32>
    %squeeze3A_299 = vector.extract %slice3A_298[0] : i32 from vector<1xi32>
    %and3A_300 = arith.constant 127 : i32
    %and3A_301 = arith.andi %squeeze3A_299, %and3A_300 : i32
    %mul3A_302 = vector.broadcast %and3A_301 : i32 to vector<16xi32>
    %mul3A_303 = arith.muli %broadcast_in_dim3A_297, %mul3A_302 : vector<16xi32>
    %add3A_304 = arith.constant 0 : i32
    %add3A_305 = vector.broadcast %add3A_304 : i32 to vector<16xi32>
    %add3A_306 = arith.addi %iota3A, %add3A_305 : vector<16xi32>
    %gather3A = arith.constant 0 : i32
    %gather3A_307 = arith.constant 0 : i32
    %gather3A_308 = arith.constant 0 : i32
    %gather3A_309 = tpu.memref_slice %arg13[%gather3A, %gather3A_307, %gather3A_308] : memref<4x32x128xf32, #tpu.memory_space<vmem>> -> memref<1x32x128xf32, #tpu.memory_space<vmem>>
    %gather3A_310 = tpu.memref_squeeze %gather3A_309 : memref<1x32x128xf32, #tpu.memory_space<vmem>> -> memref<32x128xf32, #tpu.memory_space<vmem>>
    %gather3A_311 = tpu.vector_load_idx %gather3A_310[%add3A_306, %mul3A_295] : memref<32x128xf32, #tpu.memory_space<vmem>>[vector<16xi32>, vector<16xi32>], vector<16xf32>,
    %gather3A_312 = arith.constant 0 : i32
    %gather3A_313 = arith.constant 0 : i32
    %gather3A_314 = arith.constant 0 : i32
    %gather3A_315 = tpu.memref_slice %arg14[%gather3A_312, %gather3A_313, %gather3A_314] : memref<4x32x128xf32, #tpu.memory_space<vmem>> -> memref<1x32x128xf32, #tpu.memory_space<vmem>>
    %gather3A_316 = tpu.memref_squeeze %gather3A_315 : memref<1x32x128xf32, #tpu.memory_space<vmem>> -> memref<32x128xf32, #tpu.memory_space<vmem>>
    %gather3A_317 = tpu.vector_load_idx %gather3A_316[%add3A_306, %mul3A_303] : memref<32x128xf32, #tpu.memory_space<vmem>>[vector<16xi32>, vector<16xi32>], vector<16xf32>,
    tpu.vector_store_idx %arg15[%add3A_306, %mul3A_288], %gather3A_311 : memref<32x512xf32, #tpu.memory_space<vmem>>[vector<16xi32>, vector<16xi32>], vector<16xf32>,
    tpu.vector_store_idx %arg16[%add3A_306, %mul3A_288], %gather3A_317 : memref<32x512xf32, #tpu.memory_space<vmem>>[vector<16xi32>, vector<16xi32>], vector<16xf32>,
    %add3A_318 = arith.constant 16 : i32
    %add3A_319 = vector.broadcast %add3A_318 : i32 to vector<16xi32>
    %add3A_320 = arith.addi %iota3A, %add3A_319 : vector<16xi32>
    %gather3A_321 = arith.constant 0 : i32
    %gather3A_322 = arith.constant 0 : i32
    %gather3A_323 = arith.constant 0 : i32
    %gather3A_324 = tpu.memref_slice %arg13[%gather3A_321, %gather3A_322, %gather3A_323] : memref<4x32x128xf32, #tpu.memory_space<vmem>> -> memref<1x32x128xf32, #tpu.memory_space<vmem>>
    %gather3A_325 = tpu.memref_squeeze %gather3A_324 : memref<1x32x128xf32, #tpu.memory_space<vmem>> -> memref<32x128xf32, #tpu.memory_space<vmem>>
    %gather3A_326 = tpu.vector_load_idx %gather3A_325[%add3A_320, %mul3A_295] : memref<32x128xf32, #tpu.memory_space<vmem>>[vector<16xi32>, vector<16xi32>], vector<16xf32>,
    %gather3A_327 = arith.constant 0 : i32
    %gather3A_328 = arith.constant 0 : i32
    %gather3A_329 = arith.constant 0 : i32
    %gather3A_330 = tpu.memref_slice %arg14[%gather3A_327, %gather3A_328, %gather3A_329] : memref<4x32x128xf32, #tpu.memory_space<vmem>> -> memref<1x32x128xf32, #tpu.memory_space<vmem>>
    %gather3A_331 = tpu.memref_squeeze %gather3A_330 : memref<1x32x128xf32, #tpu.memory_space<vmem>> -> memref<32x128xf32, #tpu.memory_space<vmem>>
    %gather3A_332 = tpu.vector_load_idx %gather3A_331[%add3A_320, %mul3A_303] : memref<32x128xf32, #tpu.memory_space<vmem>>[vector<16xi32>, vector<16xi32>], vector<16xf32>,
    tpu.vector_store_idx %arg15[%add3A_320, %mul3A_288], %gather3A_326 : memref<32x512xf32, #tpu.memory_space<vmem>>[vector<16xi32>, vector<16xi32>], vector<16xf32>,
    tpu.vector_store_idx %arg16[%add3A_320, %mul3A_288], %gather3A_332 : memref<32x512xf32, #tpu.memory_space<vmem>>[vector<16xi32>, vector<16xi32>], vector<16xf32>,
    %broadcast_in_dim3A_333 = arith.constant 1 : i32
    %broadcast_in_dim3A_334 = vector.broadcast %broadcast_in_dim3A_333 : i32 to vector<16xi32>
    %mul3A_335 = arith.constant 509 : i32
    %mul3A_336 = vector.broadcast %mul3A_335 : i32 to vector<16xi32>
    %mul3A_337 = arith.muli %broadcast_in_dim3A_334, %mul3A_336 : vector<16xi32>
    %broadcast_in_dim3A_338 = arith.constant 1 : i32
    %broadcast_in_dim3A_339 = vector.broadcast %broadcast_in_dim3A_338 : i32 to vector<16xi32>
    %slice3A_340 = vector.extract_strided_slice %scan3A_164#0 {offsets = [13], sizes = [1], strides = [1]} : vector<16xi32> to vector<1xi32>
    %squeeze3A_341 = vector.extract %slice3A_340[0] : i32 from vector<1xi32>
    %and3A_342 = arith.constant 127 : i32
    %and3A_343 = arith.andi %squeeze3A_341, %and3A_342 : i32
    %mul3A_344 = vector.broadcast %and3A_343 : i32 to vector<16xi32>
    %mul3A_345 = arith.muli %broadcast_in_dim3A_339, %mul3A_344 : vector<16xi32>
    %broadcast_in_dim3A_346 = arith.constant 1 : i32
    %broadcast_in_dim3A_347 = vector.broadcast %broadcast_in_dim3A_346 : i32 to vector<16xi32>
    %slice3A_348 = vector.extract_strided_slice %scan3A_164#1 {offsets = [13], sizes = [1], strides = [1]} : vector<16xi32> to vector<1xi32>
    %squeeze3A_349 = vector.extract %slice3A_348[0] : i32 from vector<1xi32>
    %and3A_350 = arith.constant 127 : i32
    %and3A_351 = arith.andi %squeeze3A_349, %and3A_350 : i32
    %mul3A_352 = vector.broadcast %and3A_351 : i32 to vector<16xi32>
    %mul3A_353 = arith.muli %broadcast_in_dim3A_347, %mul3A_352 : vector<16xi32>
    %add3A_354 = arith.constant 0 : i32
    %add3A_355 = vector.broadcast %add3A_354 : i32 to vector<16xi32>
    %add3A_356 = arith.addi %iota3A, %add3A_355 : vector<16xi32>
    %gather3A_357 = arith.constant 1 : i32
    %gather3A_358 = arith.constant 0 : i32
    %gather3A_359 = arith.constant 0 : i32
    %gather3A_360 = tpu.memref_slice %arg13[%gather3A_357, %gather3A_358, %gather3A_359] : memref<4x32x128xf32, #tpu.memory_space<vmem>> -> memref<1x32x128xf32, #tpu.memory_space<vmem>>
    %gather3A_361 = tpu.memref_squeeze %gather3A_360 : memref<1x32x128xf32, #tpu.memory_space<vmem>> -> memref<32x128xf32, #tpu.memory_space<vmem>>
    %gather3A_362 = tpu.vector_load_idx %gather3A_361[%add3A_356, %mul3A_345] : memref<32x128xf32, #tpu.memory_space<vmem>>[vector<16xi32>, vector<16xi32>], vector<16xf32>,
    %gather3A_363 = arith.constant 1 : i32
    %gather3A_364 = arith.constant 0 : i32
    %gather3A_365 = arith.constant 0 : i32
    %gather3A_366 = tpu.memref_slice %arg14[%gather3A_363, %gather3A_364, %gather3A_365] : memref<4x32x128xf32, #tpu.memory_space<vmem>> -> memref<1x32x128xf32, #tpu.memory_space<vmem>>
    %gather3A_367 = tpu.memref_squeeze %gather3A_366 : memref<1x32x128xf32, #tpu.memory_space<vmem>> -> memref<32x128xf32, #tpu.memory_space<vmem>>
    %gather3A_368 = tpu.vector_load_idx %gather3A_367[%add3A_356, %mul3A_353] : memref<32x128xf32, #tpu.memory_space<vmem>>[vector<16xi32>, vector<16xi32>], vector<16xf32>,
    tpu.vector_store_idx %arg15[%add3A_356, %mul3A_337], %gather3A_362 : memref<32x512xf32, #tpu.memory_space<vmem>>[vector<16xi32>, vector<16xi32>], vector<16xf32>,
    tpu.vector_store_idx %arg16[%add3A_356, %mul3A_337], %gather3A_368 : memref<32x512xf32, #tpu.memory_space<vmem>>[vector<16xi32>, vector<16xi32>], vector<16xf32>,
    %add3A_369 = arith.constant 16 : i32
    %add3A_370 = vector.broadcast %add3A_369 : i32 to vector<16xi32>
    %add3A_371 = arith.addi %iota3A, %add3A_370 : vector<16xi32>
    %gather3A_372 = arith.constant 1 : i32
    %gather3A_373 = arith.constant 0 : i32
    %gather3A_374 = arith.constant 0 : i32
    %gather3A_375 = tpu.memref_slice %arg13[%gather3A_372, %gather3A_373, %gather3A_374] : memref<4x32x128xf32, #tpu.memory_space<vmem>> -> memref<1x32x128xf32, #tpu.memory_space<vmem>>
    %gather3A_376 = tpu.memref_squeeze %gather3A_375 : memref<1x32x128xf32, #tpu.memory_space<vmem>> -> memref<32x128xf32, #tpu.memory_space<vmem>>
    %gather3A_377 = tpu.vector_load_idx %gather3A_376[%add3A_371, %mul3A_345] : memref<32x128xf32, #tpu.memory_space<vmem>>[vector<16xi32>, vector<16xi32>], vector<16xf32>,
    %gather3A_378 = arith.constant 1 : i32
    %gather3A_379 = arith.constant 0 : i32
    %gather3A_380 = arith.constant 0 : i32
    %gather3A_381 = tpu.memref_slice %arg14[%gather3A_378, %gather3A_379, %gather3A_380] : memref<4x32x128xf32, #tpu.memory_space<vmem>> -> memref<1x32x128xf32, #tpu.memory_space<vmem>>
    %gather3A_382 = tpu.memref_squeeze %gather3A_381 : memref<1x32x128xf32, #tpu.memory_space<vmem>> -> memref<32x128xf32, #tpu.memory_space<vmem>>
    %gather3A_383 = tpu.vector_load_idx %gather3A_382[%add3A_371, %mul3A_353] : memref<32x128xf32, #tpu.memory_space<vmem>>[vector<16xi32>, vector<16xi32>], vector<16xf32>,
    tpu.vector_store_idx %arg15[%add3A_371, %mul3A_337], %gather3A_377 : memref<32x512xf32, #tpu.memory_space<vmem>>[vector<16xi32>, vector<16xi32>], vector<16xf32>,
    tpu.vector_store_idx %arg16[%add3A_371, %mul3A_337], %gather3A_383 : memref<32x512xf32, #tpu.memory_space<vmem>>[vector<16xi32>, vector<16xi32>], vector<16xf32>,
    %broadcast_in_dim3A_384 = arith.constant 1 : i32
    %broadcast_in_dim3A_385 = vector.broadcast %broadcast_in_dim3A_384 : i32 to vector<16xi32>
    %mul3A_386 = arith.constant 510 : i32
    %mul3A_387 = vector.broadcast %mul3A_386 : i32 to vector<16xi32>
    %mul3A_388 = arith.muli %broadcast_in_dim3A_385, %mul3A_387 : vector<16xi32>
    %broadcast_in_dim3A_389 = arith.constant 1 : i32
    %broadcast_in_dim3A_390 = vector.broadcast %broadcast_in_dim3A_389 : i32 to vector<16xi32>
    %slice3A_391 = vector.extract_strided_slice %scan3A_164#0 {offsets = [14], sizes = [1], strides = [1]} : vector<16xi32> to vector<1xi32>
    %squeeze3A_392 = vector.extract %slice3A_391[0] : i32 from vector<1xi32>
    %and3A_393 = arith.constant 127 : i32
    %and3A_394 = arith.andi %squeeze3A_392, %and3A_393 : i32
    %mul3A_395 = vector.broadcast %and3A_394 : i32 to vector<16xi32>
    %mul3A_396 = arith.muli %broadcast_in_dim3A_390, %mul3A_395 : vector<16xi32>
    %broadcast_in_dim3A_397 = arith.constant 1 : i32
    %broadcast_in_dim3A_398 = vector.broadcast %broadcast_in_dim3A_397 : i32 to vector<16xi32>
    %slice3A_399 = vector.extract_strided_slice %scan3A_164#1 {offsets = [14], sizes = [1], strides = [1]} : vector<16xi32> to vector<1xi32>
    %squeeze3A_400 = vector.extract %slice3A_399[0] : i32 from vector<1xi32>
    %and3A_401 = arith.constant 127 : i32
    %and3A_402 = arith.andi %squeeze3A_400, %and3A_401 : i32
    %mul3A_403 = vector.broadcast %and3A_402 : i32 to vector<16xi32>
    %mul3A_404 = arith.muli %broadcast_in_dim3A_398, %mul3A_403 : vector<16xi32>
    %add3A_405 = arith.constant 0 : i32
    %add3A_406 = vector.broadcast %add3A_405 : i32 to vector<16xi32>
    %add3A_407 = arith.addi %iota3A, %add3A_406 : vector<16xi32>
    %gather3A_408 = arith.constant 2 : i32
    %gather3A_409 = arith.constant 0 : i32
    %gather3A_410 = arith.constant 0 : i32
    %gather3A_411 = tpu.memref_slice %arg13[%gather3A_408, %gather3A_409, %gather3A_410] : memref<4x32x128xf32, #tpu.memory_space<vmem>> -> memref<1x32x128xf32, #tpu.memory_space<vmem>>
    %gather3A_412 = tpu.memref_squeeze %gather3A_411 : memref<1x32x128xf32, #tpu.memory_space<vmem>> -> memref<32x128xf32, #tpu.memory_space<vmem>>
    %gather3A_413 = tpu.vector_load_idx %gather3A_412[%add3A_407, %mul3A_396] : memref<32x128xf32, #tpu.memory_space<vmem>>[vector<16xi32>, vector<16xi32>], vector<16xf32>,
    %gather3A_414 = arith.constant 2 : i32
    %gather3A_415 = arith.constant 0 : i32
    %gather3A_416 = arith.constant 0 : i32
    %gather3A_417 = tpu.memref_slice %arg14[%gather3A_414, %gather3A_415, %gather3A_416] : memref<4x32x128xf32, #tpu.memory_space<vmem>> -> memref<1x32x128xf32, #tpu.memory_space<vmem>>
    %gather3A_418 = tpu.memref_squeeze %gather3A_417 : memref<1x32x128xf32, #tpu.memory_space<vmem>> -> memref<32x128xf32, #tpu.memory_space<vmem>>
    %gather3A_419 = tpu.vector_load_idx %gather3A_418[%add3A_407, %mul3A_404] : memref<32x128xf32, #tpu.memory_space<vmem>>[vector<16xi32>, vector<16xi32>], vector<16xf32>,
    tpu.vector_store_idx %arg15[%add3A_407, %mul3A_388], %gather3A_413 : memref<32x512xf32, #tpu.memory_space<vmem>>[vector<16xi32>, vector<16xi32>], vector<16xf32>,
    tpu.vector_store_idx %arg16[%add3A_407, %mul3A_388], %gather3A_419 : memref<32x512xf32, #tpu.memory_space<vmem>>[vector<16xi32>, vector<16xi32>], vector<16xf32>,
    %add3A_420 = arith.constant 16 : i32
    %add3A_421 = vector.broadcast %add3A_420 : i32 to vector<16xi32>
    %add3A_422 = arith.addi %iota3A, %add3A_421 : vector<16xi32>
    %gather3A_423 = arith.constant 2 : i32
    %gather3A_424 = arith.constant 0 : i32
    %gather3A_425 = arith.constant 0 : i32
    %gather3A_426 = tpu.memref_slice %arg13[%gather3A_423, %gather3A_424, %gather3A_425] : memref<4x32x128xf32, #tpu.memory_space<vmem>> -> memref<1x32x128xf32, #tpu.memory_space<vmem>>
    %gather3A_427 = tpu.memref_squeeze %gather3A_426 : memref<1x32x128xf32, #tpu.memory_space<vmem>> -> memref<32x128xf32, #tpu.memory_space<vmem>>
    %gather3A_428 = tpu.vector_load_idx %gather3A_427[%add3A_422, %mul3A_396] : memref<32x128xf32, #tpu.memory_space<vmem>>[vector<16xi32>, vector<16xi32>], vector<16xf32>,
    %gather3A_429 = arith.constant 2 : i32
    %gather3A_430 = arith.constant 0 : i32
    %gather3A_431 = arith.constant 0 : i32
    %gather3A_432 = tpu.memref_slice %arg14[%gather3A_429, %gather3A_430, %gather3A_431] : memref<4x32x128xf32, #tpu.memory_space<vmem>> -> memref<1x32x128xf32, #tpu.memory_space<vmem>>
    %gather3A_433 = tpu.memref_squeeze %gather3A_432 : memref<1x32x128xf32, #tpu.memory_space<vmem>> -> memref<32x128xf32, #tpu.memory_space<vmem>>
    %gather3A_434 = tpu.vector_load_idx %gather3A_433[%add3A_422, %mul3A_404] : memref<32x128xf32, #tpu.memory_space<vmem>>[vector<16xi32>, vector<16xi32>], vector<16xf32>,
    tpu.vector_store_idx %arg15[%add3A_422, %mul3A_388], %gather3A_428 : memref<32x512xf32, #tpu.memory_space<vmem>>[vector<16xi32>, vector<16xi32>], vector<16xf32>,
    tpu.vector_store_idx %arg16[%add3A_422, %mul3A_388], %gather3A_434 : memref<32x512xf32, #tpu.memory_space<vmem>>[vector<16xi32>, vector<16xi32>], vector<16xf32>,
    %broadcast_in_dim3A_435 = arith.constant 1 : i32
    %broadcast_in_dim3A_436 = vector.broadcast %broadcast_in_dim3A_435 : i32 to vector<16xi32>
    %mul3A_437 = arith.constant 511 : i32
    %mul3A_438 = vector.broadcast %mul3A_437 : i32 to vector<16xi32>
    %mul3A_439 = arith.muli %broadcast_in_dim3A_436, %mul3A_438 : vector<16xi32>
    %broadcast_in_dim3A_440 = arith.constant 1 : i32
    %broadcast_in_dim3A_441 = vector.broadcast %broadcast_in_dim3A_440 : i32 to vector<16xi32>
    %slice3A_442 = vector.extract_strided_slice %scan3A_164#0 {offsets = [15], sizes = [1], strides = [1]} : vector<16xi32> to vector<1xi32>
    %squeeze3A_443 = vector.extract %slice3A_442[0] : i32 from vector<1xi32>
    %and3A_444 = arith.constant 127 : i32
    %and3A_445 = arith.andi %squeeze3A_443, %and3A_444 : i32
    %mul3A_446 = vector.broadcast %and3A_445 : i32 to vector<16xi32>
    %mul3A_447 = arith.muli %broadcast_in_dim3A_441, %mul3A_446 : vector<16xi32>
    %broadcast_in_dim3A_448 = arith.constant 1 : i32
    %broadcast_in_dim3A_449 = vector.broadcast %broadcast_in_dim3A_448 : i32 to vector<16xi32>
    %slice3A_450 = vector.extract_strided_slice %scan3A_164#1 {offsets = [15], sizes = [1], strides = [1]} : vector<16xi32> to vector<1xi32>
    %squeeze3A_451 = vector.extract %slice3A_450[0] : i32 from vector<1xi32>
    %and3A_452 = arith.constant 127 : i32
    %and3A_453 = arith.andi %squeeze3A_451, %and3A_452 : i32
    %mul3A_454 = vector.broadcast %and3A_453 : i32 to vector<16xi32>
    %mul3A_455 = arith.muli %broadcast_in_dim3A_449, %mul3A_454 : vector<16xi32>
    %add3A_456 = arith.constant 0 : i32
    %add3A_457 = vector.broadcast %add3A_456 : i32 to vector<16xi32>
    %add3A_458 = arith.addi %iota3A, %add3A_457 : vector<16xi32>
    %gather3A_459 = arith.constant 3 : i32
    %gather3A_460 = arith.constant 0 : i32
    %gather3A_461 = arith.constant 0 : i32
    %gather3A_462 = tpu.memref_slice %arg13[%gather3A_459, %gather3A_460, %gather3A_461] : memref<4x32x128xf32, #tpu.memory_space<vmem>> -> memref<1x32x128xf32, #tpu.memory_space<vmem>>
    %gather3A_463 = tpu.memref_squeeze %gather3A_462 : memref<1x32x128xf32, #tpu.memory_space<vmem>> -> memref<32x128xf32, #tpu.memory_space<vmem>>
    %gather3A_464 = tpu.vector_load_idx %gather3A_463[%add3A_458, %mul3A_447] : memref<32x128xf32, #tpu.memory_space<vmem>>[vector<16xi32>, vector<16xi32>], vector<16xf32>,
    %gather3A_465 = arith.constant 3 : i32
    %gather3A_466 = arith.constant 0 : i32
    %gather3A_467 = arith.constant 0 : i32
    %gather3A_468 = tpu.memref_slice %arg14[%gather3A_465, %gather3A_466, %gather3A_467] : memref<4x32x128xf32, #tpu.memory_space<vmem>> -> memref<1x32x128xf32, #tpu.memory_space<vmem>>
    %gather3A_469 = tpu.memref_squeeze %gather3A_468 : memref<1x32x128xf32, #tpu.memory_space<vmem>> -> memref<32x128xf32, #tpu.memory_space<vmem>>
    %gather3A_470 = tpu.vector_load_idx %gather3A_469[%add3A_458, %mul3A_455] : memref<32x128xf32, #tpu.memory_space<vmem>>[vector<16xi32>, vector<16xi32>], vector<16xf32>,
    tpu.vector_store_idx %arg15[%add3A_458, %mul3A_439], %gather3A_464 : memref<32x512xf32, #tpu.memory_space<vmem>>[vector<16xi32>, vector<16xi32>], vector<16xf32>,
    tpu.vector_store_idx %arg16[%add3A_458, %mul3A_439], %gather3A_470 : memref<32x512xf32, #tpu.memory_space<vmem>>[vector<16xi32>, vector<16xi32>], vector<16xf32>,
    %add3A_471 = arith.constant 16 : i32
    %add3A_472 = vector.broadcast %add3A_471 : i32 to vector<16xi32>
    %add3A_473 = arith.addi %iota3A, %add3A_472 : vector<16xi32>
    %gather3A_474 = arith.constant 3 : i32
    %gather3A_475 = arith.constant 0 : i32
    %gather3A_476 = arith.constant 0 : i32
    %gather3A_477 = tpu.memref_slice %arg13[%gather3A_474, %gather3A_475, %gather3A_476] : memref<4x32x128xf32, #tpu.memory_space<vmem>> -> memref<1x32x128xf32, #tpu.memory_space<vmem>>
    %gather3A_478 = tpu.memref_squeeze %gather3A_477 : memref<1x32x128xf32, #tpu.memory_space<vmem>> -> memref<32x128xf32, #tpu.memory_space<vmem>>
    %gather3A_479 = tpu.vector_load_idx %gather3A_478[%add3A_473, %mul3A_447] : memref<32x128xf32, #tpu.memory_space<vmem>>[vector<16xi32>, vector<16xi32>], vector<16xf32>,
    %gather3A_480 = arith.constant 3 : i32
    %gather3A_481 = arith.constant 0 : i32
    %gather3A_482 = arith.constant 0 : i32
    %gather3A_483 = tpu.memref_slice %arg14[%gather3A_480, %gather3A_481, %gather3A_482] : memref<4x32x128xf32, #tpu.memory_space<vmem>> -> memref<1x32x128xf32, #tpu.memory_space<vmem>>
    %gather3A_484 = tpu.memref_squeeze %gather3A_483 : memref<1x32x128xf32, #tpu.memory_space<vmem>> -> memref<32x128xf32, #tpu.memory_space<vmem>>
    %gather3A_485 = tpu.vector_load_idx %gather3A_484[%add3A_473, %mul3A_455] : memref<32x128xf32, #tpu.memory_space<vmem>>[vector<16xi32>, vector<16xi32>], vector<16xf32>,
    tpu.vector_store_idx %arg15[%add3A_473, %mul3A_439], %gather3A_479 : memref<32x512xf32, #tpu.memory_space<vmem>>[vector<16xi32>, vector<16xi32>], vector<16xf32>,
    tpu.vector_store_idx %arg16[%add3A_473, %mul3A_439], %gather3A_485 : memref<32x512xf32, #tpu.memory_space<vmem>>[vector<16xi32>, vector<16xi32>], vector<16xf32>,
    %dma_start3A_486 = arith.constant 0 : i32
    %dma_start3A_487 = tpu.memref_slice %arg6[%dma_start3A_486, %mul3A_2] : memref<32x16384xf32, #tpu.memory_space<hbm>> -> memref<32x512xf32, #tpu.memory_space<hbm>>
    %dma_start3A_488 = arith.constant 0 : i32
    %dma_start3A_489 = tpu.memref_slice %arg6[%dma_start3A_488, %mul3A_2] : memref<32x16384xf32, #tpu.memory_space<hbm>> -> memref<32x512xf32, #tpu.memory_space<hbm>>
    tpu.enqueue_dma source(%arg15 : memref<32x512xf32, #tpu.memory_space<vmem>>) target(%dma_start3A_489 : memref<32x512xf32, #tpu.memory_space<hbm>>) target_semaphore(%arg20 : memref<!tpu.dma_semaphore, #tpu.memory_space<semaphore_mem>>)
    %dma_start3A_490 = arith.constant 0 : i32
    %dma_start3A_491 = tpu.memref_slice %arg7[%dma_start3A_490, %mul3A_2] : memref<32x16384xf32, #tpu.memory_space<hbm>> -> memref<32x512xf32, #tpu.memory_space<hbm>>
    %dma_start3A_492 = arith.constant 0 : i32
    %dma_start3A_493 = tpu.memref_slice %arg7[%dma_start3A_492, %mul3A_2] : memref<32x16384xf32, #tpu.memory_space<hbm>> -> memref<32x512xf32, #tpu.memory_space<hbm>>
    tpu.enqueue_dma source(%arg16 : memref<32x512xf32, #tpu.memory_space<vmem>>) target(%dma_start3A_493 : memref<32x512xf32, #tpu.memory_space<hbm>>) target_semaphore(%arg20 : memref<!tpu.dma_semaphore, #tpu.memory_space<semaphore_mem>>)
    %scan3A_494 = arith.constant 0 : i32
    %scan3A_495 = arith.constant 0 : i32
    %scan3A_496 = arith.constant 32 : i32
    %scan3A_497 = arith.addi %scan3A_495, %scan3A_496 : i32
    %scan3A_498 = arith.constant 1 : i32
    scf.for %scan3A_508 = %scan3A_495 to %scan3A_497 step %scan3A_498  : i32 {
      %mul3A_509 = arith.constant 16 : i32
      %mul3A_510 = arith.muli %scan3A_508, %mul3A_509 : i32
      %broadcast_in_dim3A_511 = arith.constant 0.000000e+00 : f32
      %broadcast_in_dim3A_512 = vector.broadcast %broadcast_in_dim3A_511 : f32 to vector<16xf32>
      %get3A_513 = arith.constant 0 : i32
      %get3A_514 = arith.index_cast %get3A_513 : i32 to index
      %get3A_515 = arith.index_cast %mul3A_510 : i32 to index
      %get3A_516 = tpu.vector_load %arg15[%get3A_514, %get3A_515] {strides = array<i32>} : memref<32x512xf32, #tpu.memory_space<vmem>>, vector<16xf32>,
      %get3A_517 = arith.constant 0 : i32
      %get3A_518 = arith.index_cast %get3A_517 : i32 to index
      %get3A_519 = arith.index_cast %mul3A_510 : i32 to index
      %get3A_520 = tpu.vector_load %arg16[%get3A_518, %get3A_519] {strides = array<i32>} : memref<32x512xf32, #tpu.memory_space<vmem>>, vector<16xf32>,
      %mul3A_521 = arith.mulf %get3A_516, %get3A_520 : vector<16xf32>
      %add3A_522 = arith.addf %broadcast_in_dim3A_512, %mul3A_521 : vector<16xf32>
      %get3A_523 = arith.constant 1 : i32
      %get3A_524 = arith.index_cast %get3A_523 : i32 to index
      %get3A_525 = arith.index_cast %mul3A_510 : i32 to index
      %get3A_526 = tpu.vector_load %arg15[%get3A_524, %get3A_525] {strides = array<i32>} : memref<32x512xf32, #tpu.memory_space<vmem>>, vector<16xf32>,
      %get3A_527 = arith.constant 1 : i32
      %get3A_528 = arith.index_cast %get3A_527 : i32 to index
      %get3A_529 = arith.index_cast %mul3A_510 : i32 to index
      %get3A_530 = tpu.vector_load %arg16[%get3A_528, %get3A_529] {strides = array<i32>} : memref<32x512xf32, #tpu.memory_space<vmem>>, vector<16xf32>,
      %mul3A_531 = arith.mulf %get3A_526, %get3A_530 : vector<16xf32>
      %add3A_532 = arith.addf %add3A_522, %mul3A_531 : vector<16xf32>
      %get3A_533 = arith.constant 2 : i32
      %get3A_534 = arith.index_cast %get3A_533 : i32 to index
      %get3A_535 = arith.index_cast %mul3A_510 : i32 to index
      %get3A_536 = tpu.vector_load %arg15[%get3A_534, %get3A_535] {strides = array<i32>} : memref<32x512xf32, #tpu.memory_space<vmem>>, vector<16xf32>,
      %get3A_537 = arith.constant 2 : i32
      %get3A_538 = arith.index_cast %get3A_537 : i32 to index
      %get3A_539 = arith.index_cast %mul3A_510 : i32 to index
      %get3A_540 = tpu.vector_load %arg16[%get3A_538, %get3A_539] {strides = array<i32>} : memref<32x512xf32, #tpu.memory_space<vmem>>, vector<16xf32>,
      %mul3A_541 = arith.mulf %get3A_536, %get3A_540 : vector<16xf32>
      %add3A_542 = arith.addf %add3A_532, %mul3A_541 : vector<16xf32>
      %get3A_543 = arith.constant 3 : i32
      %get3A_544 = arith.index_cast %get3A_543 : i32 to index
      %get3A_545 = arith.index_cast %mul3A_510 : i32 to index
      %get3A_546 = tpu.vector_load %arg15[%get3A_544, %get3A_545] {strides = array<i32>} : memref<32x512xf32, #tpu.memory_space<vmem>>, vector<16xf32>,
      %get3A_547 = arith.constant 3 : i32
      %get3A_548 = arith.index_cast %get3A_547 : i32 to index
      %get3A_549 = arith.index_cast %mul3A_510 : i32 to index
      %get3A_550 = tpu.vector_load %arg16[%get3A_548, %get3A_549] {strides = array<i32>} : memref<32x512xf32, #tpu.memory_space<vmem>>, vector<16xf32>,
      %mul3A_551 = arith.mulf %get3A_546, %get3A_550 : vector<16xf32>
      %add3A_552 = arith.addf %add3A_542, %mul3A_551 : vector<16xf32>
      %get3A_553 = arith.constant 4 : i32
      %get3A_554 = arith.index_cast %get3A_553 : i32 to index
      %get3A_555 = arith.index_cast %mul3A_510 : i32 to index
      %get3A_556 = tpu.vector_load %arg15[%get3A_554, %get3A_555] {strides = array<i32>} : memref<32x512xf32, #tpu.memory_space<vmem>>, vector<16xf32>,
      %get3A_557 = arith.constant 4 : i32
      %get3A_558 = arith.index_cast %get3A_557 : i32 to index
      %get3A_559 = arith.index_cast %mul3A_510 : i32 to index
      %get3A_560 = tpu.vector_load %arg16[%get3A_558, %get3A_559] {strides = array<i32>} : memref<32x512xf32, #tpu.memory_space<vmem>>, vector<16xf32>,
      %mul3A_561 = arith.mulf %get3A_556, %get3A_560 : vector<16xf32>
      %add3A_562 = arith.addf %add3A_552, %mul3A_561 : vector<16xf32>
      %get3A_563 = arith.constant 5 : i32
      %get3A_564 = arith.index_cast %get3A_563 : i32 to index
      %get3A_565 = arith.index_cast %mul3A_510 : i32 to index
      %get3A_566 = tpu.vector_load %arg15[%get3A_564, %get3A_565] {strides = array<i32>} : memref<32x512xf32, #tpu.memory_space<vmem>>, vector<16xf32>,
      %get3A_567 = arith.constant 5 : i32
      %get3A_568 = arith.index_cast %get3A_567 : i32 to index
      %get3A_569 = arith.index_cast %mul3A_510 : i32 to index
      %get3A_570 = tpu.vector_load %arg16[%get3A_568, %get3A_569] {strides = array<i32>} : memref<32x512xf32, #tpu.memory_space<vmem>>, vector<16xf32>,
      %mul3A_571 = arith.mulf %get3A_566, %get3A_570 : vector<16xf32>
      %add3A_572 = arith.addf %add3A_562, %mul3A_571 : vector<16xf32>
      %get3A_573 = arith.constant 6 : i32
      %get3A_574 = arith.index_cast %get3A_573 : i32 to index
      %get3A_575 = arith.index_cast %mul3A_510 : i32 to index
      %get3A_576 = tpu.vector_load %arg15[%get3A_574, %get3A_575] {strides = array<i32>} : memref<32x512xf32, #tpu.memory_space<vmem>>, vector<16xf32>,
      %get3A_577 = arith.constant 6 : i32
      %get3A_578 = arith.index_cast %get3A_577 : i32 to index
      %get3A_579 = arith.index_cast %mul3A_510 : i32 to index
      %get3A_580 = tpu.vector_load %arg16[%get3A_578, %get3A_579] {strides = array<i32>} : memref<32x512xf32, #tpu.memory_space<vmem>>, vector<16xf32>,
      %mul3A_581 = arith.mulf %get3A_576, %get3A_580 : vector<16xf32>
      %add3A_582 = arith.addf %add3A_572, %mul3A_581 : vector<16xf32>
      %get3A_583 = arith.constant 7 : i32
      %get3A_584 = arith.index_cast %get3A_583 : i32 to index
      %get3A_585 = arith.index_cast %mul3A_510 : i32 to index
      %get3A_586 = tpu.vector_load %arg15[%get3A_584, %get3A_585] {strides = array<i32>} : memref<32x512xf32, #tpu.memory_space<vmem>>, vector<16xf32>,
      %get3A_587 = arith.constant 7 : i32
      %get3A_588 = arith.index_cast %get3A_587 : i32 to index
      %get3A_589 = arith.index_cast %mul3A_510 : i32 to index
      %get3A_590 = tpu.vector_load %arg16[%get3A_588, %get3A_589] {strides = array<i32>} : memref<32x512xf32, #tpu.memory_space<vmem>>, vector<16xf32>,
      %mul3A_591 = arith.mulf %get3A_586, %get3A_590 : vector<16xf32>
      %add3A_592 = arith.addf %add3A_582, %mul3A_591 : vector<16xf32>
      %get3A_593 = arith.constant 8 : i32
      %get3A_594 = arith.index_cast %get3A_593 : i32 to index
      %get3A_595 = arith.index_cast %mul3A_510 : i32 to index
      %get3A_596 = tpu.vector_load %arg15[%get3A_594, %get3A_595] {strides = array<i32>} : memref<32x512xf32, #tpu.memory_space<vmem>>, vector<16xf32>,
      %get3A_597 = arith.constant 8 : i32
      %get3A_598 = arith.index_cast %get3A_597 : i32 to index
      %get3A_599 = arith.index_cast %mul3A_510 : i32 to index
      %get3A_600 = tpu.vector_load %arg16[%get3A_598, %get3A_599] {strides = array<i32>} : memref<32x512xf32, #tpu.memory_space<vmem>>, vector<16xf32>,
      %mul3A_601 = arith.mulf %get3A_596, %get3A_600 : vector<16xf32>
      %add3A_602 = arith.addf %add3A_592, %mul3A_601 : vector<16xf32>
      %get3A_603 = arith.constant 9 : i32
      %get3A_604 = arith.index_cast %get3A_603 : i32 to index
      %get3A_605 = arith.index_cast %mul3A_510 : i32 to index
      %get3A_606 = tpu.vector_load %arg15[%get3A_604, %get3A_605] {strides = array<i32>} : memref<32x512xf32, #tpu.memory_space<vmem>>, vector<16xf32>,
      %get3A_607 = arith.constant 9 : i32
      %get3A_608 = arith.index_cast %get3A_607 : i32 to index
      %get3A_609 = arith.index_cast %mul3A_510 : i32 to index
      %get3A_610 = tpu.vector_load %arg16[%get3A_608, %get3A_609] {strides = array<i32>} : memref<32x512xf32, #tpu.memory_space<vmem>>, vector<16xf32>,
      %mul3A_611 = arith.mulf %get3A_606, %get3A_610 : vector<16xf32>
      %add3A_612 = arith.addf %add3A_602, %mul3A_611 : vector<16xf32>
      %get3A_613 = arith.constant 10 : i32
      %get3A_614 = arith.index_cast %get3A_613 : i32 to index
      %get3A_615 = arith.index_cast %mul3A_510 : i32 to index
      %get3A_616 = tpu.vector_load %arg15[%get3A_614, %get3A_615] {strides = array<i32>} : memref<32x512xf32, #tpu.memory_space<vmem>>, vector<16xf32>,
      %get3A_617 = arith.constant 10 : i32
      %get3A_618 = arith.index_cast %get3A_617 : i32 to index
      %get3A_619 = arith.index_cast %mul3A_510 : i32 to index
      %get3A_620 = tpu.vector_load %arg16[%get3A_618, %get3A_619] {strides = array<i32>} : memref<32x512xf32, #tpu.memory_space<vmem>>, vector<16xf32>,
      %mul3A_621 = arith.mulf %get3A_616, %get3A_620 : vector<16xf32>
      %add3A_622 = arith.addf %add3A_612, %mul3A_621 : vector<16xf32>
      %get3A_623 = arith.constant 11 : i32
      %get3A_624 = arith.index_cast %get3A_623 : i32 to index
      %get3A_625 = arith.index_cast %mul3A_510 : i32 to index
      %get3A_626 = tpu.vector_load %arg15[%get3A_624, %get3A_625] {strides = array<i32>} : memref<32x512xf32, #tpu.memory_space<vmem>>, vector<16xf32>,
      %get3A_627 = arith.constant 11 : i32
      %get3A_628 = arith.index_cast %get3A_627 : i32 to index
      %get3A_629 = arith.index_cast %mul3A_510 : i32 to index
      %get3A_630 = tpu.vector_load %arg16[%get3A_628, %get3A_629] {strides = array<i32>} : memref<32x512xf32, #tpu.memory_space<vmem>>, vector<16xf32>,
      %mul3A_631 = arith.mulf %get3A_626, %get3A_630 : vector<16xf32>
      %add3A_632 = arith.addf %add3A_622, %mul3A_631 : vector<16xf32>
      %get3A_633 = arith.constant 12 : i32
      %get3A_634 = arith.index_cast %get3A_633 : i32 to index
      %get3A_635 = arith.index_cast %mul3A_510 : i32 to index
      %get3A_636 = tpu.vector_load %arg15[%get3A_634, %get3A_635] {strides = array<i32>} : memref<32x512xf32, #tpu.memory_space<vmem>>, vector<16xf32>,
      %get3A_637 = arith.constant 12 : i32
      %get3A_638 = arith.index_cast %get3A_637 : i32 to index
      %get3A_639 = arith.index_cast %mul3A_510 : i32 to index
      %get3A_640 = tpu.vector_load %arg16[%get3A_638, %get3A_639] {strides = array<i32>} : memref<32x512xf32, #tpu.memory_space<vmem>>, vector<16xf32>,
      %mul3A_641 = arith.mulf %get3A_636, %get3A_640 : vector<16xf32>
      %add3A_642 = arith.addf %add3A_632, %mul3A_641 : vector<16xf32>
      %get3A_643 = arith.constant 13 : i32
      %get3A_644 = arith.index_cast %get3A_643 : i32 to index
      %get3A_645 = arith.index_cast %mul3A_510 : i32 to index
      %get3A_646 = tpu.vector_load %arg15[%get3A_644, %get3A_645] {strides = array<i32>} : memref<32x512xf32, #tpu.memory_space<vmem>>, vector<16xf32>,
      %get3A_647 = arith.constant 13 : i32
      %get3A_648 = arith.index_cast %get3A_647 : i32 to index
      %get3A_649 = arith.index_cast %mul3A_510 : i32 to index
      %get3A_650 = tpu.vector_load %arg16[%get3A_648, %get3A_649] {strides = array<i32>} : memref<32x512xf32, #tpu.memory_space<vmem>>, vector<16xf32>,
      %mul3A_651 = arith.mulf %get3A_646, %get3A_650 : vector<16xf32>
      %add3A_652 = arith.addf %add3A_642, %mul3A_651 : vector<16xf32>
      %get3A_653 = arith.constant 14 : i32
      %get3A_654 = arith.index_cast %get3A_653 : i32 to index
      %get3A_655 = arith.index_cast %mul3A_510 : i32 to index
      %get3A_656 = tpu.vector_load %arg15[%get3A_654, %get3A_655] {strides = array<i32>} : memref<32x512xf32, #tpu.memory_space<vmem>>, vector<16xf32>,
      %get3A_657 = arith.constant 14 : i32
      %get3A_658 = arith.index_cast %get3A_657 : i32 to index
      %get3A_659 = arith.index_cast %mul3A_510 : i32 to index
      %get3A_660 = tpu.vector_load %arg16[%get3A_658, %get3A_659] {strides = array<i32>} : memref<32x512xf32, #tpu.memory_space<vmem>>, vector<16xf32>,
      %mul3A_661 = arith.mulf %get3A_656, %get3A_660 : vector<16xf32>
      %add3A_662 = arith.addf %add3A_652, %mul3A_661 : vector<16xf32>
      %get3A_663 = arith.constant 15 : i32
      %get3A_664 = arith.index_cast %get3A_663 : i32 to index
      %get3A_665 = arith.index_cast %mul3A_510 : i32 to index
      %get3A_666 = tpu.vector_load %arg15[%get3A_664, %get3A_665] {strides = array<i32>} : memref<32x512xf32, #tpu.memory_space<vmem>>, vector<16xf32>,
      %get3A_667 = arith.constant 15 : i32
      %get3A_668 = arith.index_cast %get3A_667 : i32 to index
      %get3A_669 = arith.index_cast %mul3A_510 : i32 to index
      %get3A_670 = tpu.vector_load %arg16[%get3A_668, %get3A_669] {strides = array<i32>} : memref<32x512xf32, #tpu.memory_space<vmem>>, vector<16xf32>,
      %mul3A_671 = arith.mulf %get3A_666, %get3A_670 : vector<16xf32>
      %add3A_672 = arith.addf %add3A_662, %mul3A_671 : vector<16xf32>
      %get3A_673 = arith.constant 16 : i32
      %get3A_674 = arith.index_cast %get3A_673 : i32 to index
      %get3A_675 = arith.index_cast %mul3A_510 : i32 to index
      %get3A_676 = tpu.vector_load %arg15[%get3A_674, %get3A_675] {strides = array<i32>} : memref<32x512xf32, #tpu.memory_space<vmem>>, vector<16xf32>,
      %get3A_677 = arith.constant 16 : i32
      %get3A_678 = arith.index_cast %get3A_677 : i32 to index
      %get3A_679 = arith.index_cast %mul3A_510 : i32 to index
      %get3A_680 = tpu.vector_load %arg16[%get3A_678, %get3A_679] {strides = array<i32>} : memref<32x512xf32, #tpu.memory_space<vmem>>, vector<16xf32>,
      %mul3A_681 = arith.mulf %get3A_676, %get3A_680 : vector<16xf32>
      %add3A_682 = arith.addf %add3A_672, %mul3A_681 : vector<16xf32>
      %get3A_683 = arith.constant 17 : i32
      %get3A_684 = arith.index_cast %get3A_683 : i32 to index
      %get3A_685 = arith.index_cast %mul3A_510 : i32 to index
      %get3A_686 = tpu.vector_load %arg15[%get3A_684, %get3A_685] {strides = array<i32>} : memref<32x512xf32, #tpu.memory_space<vmem>>, vector<16xf32>,
      %get3A_687 = arith.constant 17 : i32
      %get3A_688 = arith.index_cast %get3A_687 : i32 to index
      %get3A_689 = arith.index_cast %mul3A_510 : i32 to index
      %get3A_690 = tpu.vector_load %arg16[%get3A_688, %get3A_689] {strides = array<i32>} : memref<32x512xf32, #tpu.memory_space<vmem>>, vector<16xf32>,
      %mul3A_691 = arith.mulf %get3A_686, %get3A_690 : vector<16xf32>
      %add3A_692 = arith.addf %add3A_682, %mul3A_691 : vector<16xf32>
      %get3A_693 = arith.constant 18 : i32
      %get3A_694 = arith.index_cast %get3A_693 : i32 to index
      %get3A_695 = arith.index_cast %mul3A_510 : i32 to index
      %get3A_696 = tpu.vector_load %arg15[%get3A_694, %get3A_695] {strides = array<i32>} : memref<32x512xf32, #tpu.memory_space<vmem>>, vector<16xf32>,
      %get3A_697 = arith.constant 18 : i32
      %get3A_698 = arith.index_cast %get3A_697 : i32 to index
      %get3A_699 = arith.index_cast %mul3A_510 : i32 to index
      %get3A_700 = tpu.vector_load %arg16[%get3A_698, %get3A_699] {strides = array<i32>} : memref<32x512xf32, #tpu.memory_space<vmem>>, vector<16xf32>,
      %mul3A_701 = arith.mulf %get3A_696, %get3A_700 : vector<16xf32>
      %add3A_702 = arith.addf %add3A_692, %mul3A_701 : vector<16xf32>
      %get3A_703 = arith.constant 19 : i32
      %get3A_704 = arith.index_cast %get3A_703 : i32 to index
      %get3A_705 = arith.index_cast %mul3A_510 : i32 to index
      %get3A_706 = tpu.vector_load %arg15[%get3A_704, %get3A_705] {strides = array<i32>} : memref<32x512xf32, #tpu.memory_space<vmem>>, vector<16xf32>,
      %get3A_707 = arith.constant 19 : i32
      %get3A_708 = arith.index_cast %get3A_707 : i32 to index
      %get3A_709 = arith.index_cast %mul3A_510 : i32 to index
      %get3A_710 = tpu.vector_load %arg16[%get3A_708, %get3A_709] {strides = array<i32>} : memref<32x512xf32, #tpu.memory_space<vmem>>, vector<16xf32>,
      %mul3A_711 = arith.mulf %get3A_706, %get3A_710 : vector<16xf32>
      %add3A_712 = arith.addf %add3A_702, %mul3A_711 : vector<16xf32>
      %get3A_713 = arith.constant 20 : i32
      %get3A_714 = arith.index_cast %get3A_713 : i32 to index
      %get3A_715 = arith.index_cast %mul3A_510 : i32 to index
      %get3A_716 = tpu.vector_load %arg15[%get3A_714, %get3A_715] {strides = array<i32>} : memref<32x512xf32, #tpu.memory_space<vmem>>, vector<16xf32>,
      %get3A_717 = arith.constant 20 : i32
      %get3A_718 = arith.index_cast %get3A_717 : i32 to index
      %get3A_719 = arith.index_cast %mul3A_510 : i32 to index
      %get3A_720 = tpu.vector_load %arg16[%get3A_718, %get3A_719] {strides = array<i32>} : memref<32x512xf32, #tpu.memory_space<vmem>>, vector<16xf32>,
      %mul3A_721 = arith.mulf %get3A_716, %get3A_720 : vector<16xf32>
      %add3A_722 = arith.addf %add3A_712, %mul3A_721 : vector<16xf32>
      %get3A_723 = arith.constant 21 : i32
      %get3A_724 = arith.index_cast %get3A_723 : i32 to index
      %get3A_725 = arith.index_cast %mul3A_510 : i32 to index
      %get3A_726 = tpu.vector_load %arg15[%get3A_724, %get3A_725] {strides = array<i32>} : memref<32x512xf32, #tpu.memory_space<vmem>>, vector<16xf32>,
      %get3A_727 = arith.constant 21 : i32
      %get3A_728 = arith.index_cast %get3A_727 : i32 to index
      %get3A_729 = arith.index_cast %mul3A_510 : i32 to index
      %get3A_730 = tpu.vector_load %arg16[%get3A_728, %get3A_729] {strides = array<i32>} : memref<32x512xf32, #tpu.memory_space<vmem>>, vector<16xf32>,
      %mul3A_731 = arith.mulf %get3A_726, %get3A_730 : vector<16xf32>
      %add3A_732 = arith.addf %add3A_722, %mul3A_731 : vector<16xf32>
      %get3A_733 = arith.constant 22 : i32
      %get3A_734 = arith.index_cast %get3A_733 : i32 to index
      %get3A_735 = arith.index_cast %mul3A_510 : i32 to index
      %get3A_736 = tpu.vector_load %arg15[%get3A_734, %get3A_735] {strides = array<i32>} : memref<32x512xf32, #tpu.memory_space<vmem>>, vector<16xf32>,
      %get3A_737 = arith.constant 22 : i32
      %get3A_738 = arith.index_cast %get3A_737 : i32 to index
      %get3A_739 = arith.index_cast %mul3A_510 : i32 to index
      %get3A_740 = tpu.vector_load %arg16[%get3A_738, %get3A_739] {strides = array<i32>} : memref<32x512xf32, #tpu.memory_space<vmem>>, vector<16xf32>,
      %mul3A_741 = arith.mulf %get3A_736, %get3A_740 : vector<16xf32>
      %add3A_742 = arith.addf %add3A_732, %mul3A_741 : vector<16xf32>
      %get3A_743 = arith.constant 23 : i32
      %get3A_744 = arith.index_cast %get3A_743 : i32 to index
      %get3A_745 = arith.index_cast %mul3A_510 : i32 to index
      %get3A_746 = tpu.vector_load %arg15[%get3A_744, %get3A_745] {strides = array<i32>} : memref<32x512xf32, #tpu.memory_space<vmem>>, vector<16xf32>,
      %get3A_747 = arith.constant 23 : i32
      %get3A_748 = arith.index_cast %get3A_747 : i32 to index
      %get3A_749 = arith.index_cast %mul3A_510 : i32 to index
      %get3A_750 = tpu.vector_load %arg16[%get3A_748, %get3A_749] {strides = array<i32>} : memref<32x512xf32, #tpu.memory_space<vmem>>, vector<16xf32>,
      %mul3A_751 = arith.mulf %get3A_746, %get3A_750 : vector<16xf32>
      %add3A_752 = arith.addf %add3A_742, %mul3A_751 : vector<16xf32>
      %get3A_753 = arith.constant 24 : i32
      %get3A_754 = arith.index_cast %get3A_753 : i32 to index
      %get3A_755 = arith.index_cast %mul3A_510 : i32 to index
      %get3A_756 = tpu.vector_load %arg15[%get3A_754, %get3A_755] {strides = array<i32>} : memref<32x512xf32, #tpu.memory_space<vmem>>, vector<16xf32>,
      %get3A_757 = arith.constant 24 : i32
      %get3A_758 = arith.index_cast %get3A_757 : i32 to index
      %get3A_759 = arith.index_cast %mul3A_510 : i32 to index
      %get3A_760 = tpu.vector_load %arg16[%get3A_758, %get3A_759] {strides = array<i32>} : memref<32x512xf32, #tpu.memory_space<vmem>>, vector<16xf32>,
      %mul3A_761 = arith.mulf %get3A_756, %get3A_760 : vector<16xf32>
      %add3A_762 = arith.addf %add3A_752, %mul3A_761 : vector<16xf32>
      %get3A_763 = arith.constant 25 : i32
      %get3A_764 = arith.index_cast %get3A_763 : i32 to index
      %get3A_765 = arith.index_cast %mul3A_510 : i32 to index
      %get3A_766 = tpu.vector_load %arg15[%get3A_764, %get3A_765] {strides = array<i32>} : memref<32x512xf32, #tpu.memory_space<vmem>>, vector<16xf32>,
      %get3A_767 = arith.constant 25 : i32
      %get3A_768 = arith.index_cast %get3A_767 : i32 to index
      %get3A_769 = arith.index_cast %mul3A_510 : i32 to index
      %get3A_770 = tpu.vector_load %arg16[%get3A_768, %get3A_769] {strides = array<i32>} : memref<32x512xf32, #tpu.memory_space<vmem>>, vector<16xf32>,
      %mul3A_771 = arith.mulf %get3A_766, %get3A_770 : vector<16xf32>
      %add3A_772 = arith.addf %add3A_762, %mul3A_771 : vector<16xf32>
      %get3A_773 = arith.constant 26 : i32
      %get3A_774 = arith.index_cast %get3A_773 : i32 to index
      %get3A_775 = arith.index_cast %mul3A_510 : i32 to index
      %get3A_776 = tpu.vector_load %arg15[%get3A_774, %get3A_775] {strides = array<i32>} : memref<32x512xf32, #tpu.memory_space<vmem>>, vector<16xf32>,
      %get3A_777 = arith.constant 26 : i32
      %get3A_778 = arith.index_cast %get3A_777 : i32 to index
      %get3A_779 = arith.index_cast %mul3A_510 : i32 to index
      %get3A_780 = tpu.vector_load %arg16[%get3A_778, %get3A_779] {strides = array<i32>} : memref<32x512xf32, #tpu.memory_space<vmem>>, vector<16xf32>,
      %mul3A_781 = arith.mulf %get3A_776, %get3A_780 : vector<16xf32>
      %add3A_782 = arith.addf %add3A_772, %mul3A_781 : vector<16xf32>
      %get3A_783 = arith.constant 27 : i32
      %get3A_784 = arith.index_cast %get3A_783 : i32 to index
      %get3A_785 = arith.index_cast %mul3A_510 : i32 to index
      %get3A_786 = tpu.vector_load %arg15[%get3A_784, %get3A_785] {strides = array<i32>} : memref<32x512xf32, #tpu.memory_space<vmem>>, vector<16xf32>,
      %get3A_787 = arith.constant 27 : i32
      %get3A_788 = arith.index_cast %get3A_787 : i32 to index
      %get3A_789 = arith.index_cast %mul3A_510 : i32 to index
      %get3A_790 = tpu.vector_load %arg16[%get3A_788, %get3A_789] {strides = array<i32>} : memref<32x512xf32, #tpu.memory_space<vmem>>, vector<16xf32>,
      %mul3A_791 = arith.mulf %get3A_786, %get3A_790 : vector<16xf32>
      %add3A_792 = arith.addf %add3A_782, %mul3A_791 : vector<16xf32>
      %get3A_793 = arith.constant 28 : i32
      %get3A_794 = arith.index_cast %get3A_793 : i32 to index
      %get3A_795 = arith.index_cast %mul3A_510 : i32 to index
      %get3A_796 = tpu.vector_load %arg15[%get3A_794, %get3A_795] {strides = array<i32>} : memref<32x512xf32, #tpu.memory_space<vmem>>, vector<16xf32>,
      %get3A_797 = arith.constant 28 : i32
      %get3A_798 = arith.index_cast %get3A_797 : i32 to index
      %get3A_799 = arith.index_cast %mul3A_510 : i32 to index
      %get3A_800 = tpu.vector_load %arg16[%get3A_798, %get3A_799] {strides = array<i32>} : memref<32x512xf32, #tpu.memory_space<vmem>>, vector<16xf32>,
      %mul3A_801 = arith.mulf %get3A_796, %get3A_800 : vector<16xf32>
      %add3A_802 = arith.addf %add3A_792, %mul3A_801 : vector<16xf32>
      %get3A_803 = arith.constant 29 : i32
      %get3A_804 = arith.index_cast %get3A_803 : i32 to index
      %get3A_805 = arith.index_cast %mul3A_510 : i32 to index
      %get3A_806 = tpu.vector_load %arg15[%get3A_804, %get3A_805] {strides = array<i32>} : memref<32x512xf32, #tpu.memory_space<vmem>>, vector<16xf32>,
      %get3A_807 = arith.constant 29 : i32
      %get3A_808 = arith.index_cast %get3A_807 : i32 to index
      %get3A_809 = arith.index_cast %mul3A_510 : i32 to index
      %get3A_810 = tpu.vector_load %arg16[%get3A_808, %get3A_809] {strides = array<i32>} : memref<32x512xf32, #tpu.memory_space<vmem>>, vector<16xf32>,
      %mul3A_811 = arith.mulf %get3A_806, %get3A_810 : vector<16xf32>
      %add3A_812 = arith.addf %add3A_802, %mul3A_811 : vector<16xf32>
      %get3A_813 = arith.constant 30 : i32
      %get3A_814 = arith.index_cast %get3A_813 : i32 to index
      %get3A_815 = arith.index_cast %mul3A_510 : i32 to index
      %get3A_816 = tpu.vector_load %arg15[%get3A_814, %get3A_815] {strides = array<i32>} : memref<32x512xf32, #tpu.memory_space<vmem>>, vector<16xf32>,
      %get3A_817 = arith.constant 30 : i32
      %get3A_818 = arith.index_cast %get3A_817 : i32 to index
      %get3A_819 = arith.index_cast %mul3A_510 : i32 to index
      %get3A_820 = tpu.vector_load %arg16[%get3A_818, %get3A_819] {strides = array<i32>} : memref<32x512xf32, #tpu.memory_space<vmem>>, vector<16xf32>,
      %mul3A_821 = arith.mulf %get3A_816, %get3A_820 : vector<16xf32>
      %add3A_822 = arith.addf %add3A_812, %mul3A_821 : vector<16xf32>
      %get3A_823 = arith.constant 31 : i32
      %get3A_824 = arith.index_cast %get3A_823 : i32 to index
      %get3A_825 = arith.index_cast %mul3A_510 : i32 to index
      %get3A_826 = tpu.vector_load %arg15[%get3A_824, %get3A_825] {strides = array<i32>} : memref<32x512xf32, #tpu.memory_space<vmem>>, vector<16xf32>,
      %get3A_827 = arith.constant 31 : i32
      %get3A_828 = arith.index_cast %get3A_827 : i32 to index
      %get3A_829 = arith.index_cast %mul3A_510 : i32 to index
      %get3A_830 = tpu.vector_load %arg16[%get3A_828, %get3A_829] {strides = array<i32>} : memref<32x512xf32, #tpu.memory_space<vmem>>, vector<16xf32>,
      %mul3A_831 = arith.mulf %get3A_826, %get3A_830 : vector<16xf32>
      %add3A_832 = arith.addf %add3A_822, %mul3A_831 : vector<16xf32>
      %swap3A = arith.index_cast %mul3A_510 : i32 to index
      %swap3A_833 = tpu.vector_load %arg17[%swap3A] {strides = array<i32>} : memref<512xf32, #tpu.memory_space<vmem>>, vector<16xf32>,
      tpu.vector_store %arg17[%swap3A], %add3A_832 {strides = array<i32>} : memref<512xf32, #tpu.memory_space<vmem>>, vector<16xf32>,
    }
    %scan3A_499 = arith.constant 32 : i32
    "tpu.region"() ({
      %run_scoped3A = tpu.sem_alloc : memref<!tpu.dma_semaphore, #tpu.memory_space<semaphore_mem>>
      %dma_start3A_508 = tpu.memref_slice %arg8[%mul3A_2] : memref<16384xf32, #tpu.memory_space<hbm>> -> memref<512xf32, #tpu.memory_space<hbm>>
      %dma_start3A_509 = tpu.memref_slice %arg8[%mul3A_2] : memref<16384xf32, #tpu.memory_space<hbm>> -> memref<512xf32, #tpu.memory_space<hbm>>
      tpu.enqueue_dma source(%arg17 : memref<512xf32, #tpu.memory_space<vmem>>) target(%dma_start3A_509 : memref<512xf32, #tpu.memory_space<hbm>>) target_semaphore(%run_scoped3A : memref<!tpu.dma_semaphore, #tpu.memory_space<semaphore_mem>>)
      %dma_wait3A_510 = tpu.memref_slice %arg8[%mul3A_2] : memref<16384xf32, #tpu.memory_space<hbm>> -> memref<512xf32, #tpu.memory_space<hbm>>
      %dma_wait3A_511 = tpu.memref_slice %arg8[%mul3A_2] : memref<16384xf32, #tpu.memory_space<hbm>> -> memref<512xf32, #tpu.memory_space<hbm>>
      tpu.wait_dma2 semaphore(%run_scoped3A : memref<!tpu.dma_semaphore, #tpu.memory_space<semaphore_mem>>) src(%arg17 : memref<512xf32, #tpu.memory_space<vmem>>) dst(%dma_wait3A_511 : memref<512xf32, #tpu.memory_space<hbm>>)
      tpu.yield
    }) : () -> ()
    %dma_wait3A_500 = arith.constant 0 : i32
    %dma_wait3A_501 = tpu.memref_slice %arg6[%dma_wait3A_500, %mul3A_2] : memref<32x16384xf32, #tpu.memory_space<hbm>> -> memref<32x512xf32, #tpu.memory_space<hbm>>
    %dma_wait3A_502 = arith.constant 0 : i32
    %dma_wait3A_503 = tpu.memref_slice %arg6[%dma_wait3A_502, %mul3A_2] : memref<32x16384xf32, #tpu.memory_space<hbm>> -> memref<32x512xf32, #tpu.memory_space<hbm>>
    tpu.wait_dma2 semaphore(%arg20 : memref<!tpu.dma_semaphore, #tpu.memory_space<semaphore_mem>>) src(%arg15 : memref<32x512xf32, #tpu.memory_space<vmem>>) dst(%dma_wait3A_503 : memref<32x512xf32, #tpu.memory_space<hbm>>)
    %dma_wait3A_504 = arith.constant 0 : i32
    %dma_wait3A_505 = tpu.memref_slice %arg7[%dma_wait3A_504, %mul3A_2] : memref<32x16384xf32, #tpu.memory_space<hbm>> -> memref<32x512xf32, #tpu.memory_space<hbm>>
    %dma_wait3A_506 = arith.constant 0 : i32
    %dma_wait3A_507 = tpu.memref_slice %arg7[%dma_wait3A_506, %mul3A_2] : memref<32x16384xf32, #tpu.memory_space<hbm>> -> memref<32x512xf32, #tpu.memory_space<hbm>>
    tpu.wait_dma2 semaphore(%arg20 : memref<!tpu.dma_semaphore, #tpu.memory_space<semaphore_mem>>) src(%arg16 : memref<32x512xf32, #tpu.memory_space<vmem>>) dst(%dma_wait3A_507 : memref<32x512xf32, #tpu.memory_space<hbm>>)
    return
  }
}

</mosaic_0001>

<sc_bundles>
// kernel: kernel.3.cloned.1.call-start
scs
__scs_entry_jumppad:
0x0: {  	(pc) =	sbr.rel $0x88, $3  }
0x1: {  	(tag) =	ssettag $0x0;
	lr =	simm.s32 $0x1  }
0x2: {  	[smem:$0x3F9D] =	sst lr;
	_ =	strace $0xD0000000  }
0x3: {  	_ = 	snop  }
0x4: {  	_ = 	snop  }
0x5: {  	_ = 	snop  }
0x6: {  	_ = 	snop  }
0x7: {  	_ = 	snop  }
__scs_overlays_trampoline_lowered:
0x8: {  	[smem:$0x3FAC] =	sst s0  }
0x9: {  	[smem:$0x3FAD] =	sst s1  }
0xa: {  	[smem:$0x3FAE] =	sst s2  }
0xb: {  	[smem:$0x3FAF] =	sst s3  }
0xc: {  	[smem:$0x3FB0] =	sst s4  }
0xd: {  	[smem:$0x3FB1] =	sst s5  }
0xe: {  	[smem:$0x3FB2] =	sst s6  }
0xf: {  	[smem:$0x3FB3] =	sst s7  }
0x10: {  	[smem:$0x3FB4] =	sst s8  }
0x11: {  	[smem:$0x3FB5] =	sst s9;
	s0 =	simm.s32 @!p0 $0x0  }
0x12: {  	s1 =	sld [smem:$0x3F9B];
	s0 =	simm.s32 @p0 $0x1  }
0x13: {  	[smem:$0x3FB6] =	sst s0;
	s0 =	simm.s32 @!p1 $0x0  }
0x14: {  	s2 =	sld [smem:$0x3F9A];
	s0 =	simm.s32 @p1 $0x1  }
0x15: {  	[smem:$0x3FB7] =	sst s0;
	s0 =	simm.s32 @!p2 $0x0  }
0x16: {  	s3 =	sld [smem:$0x3FDB];
	s0 =	simm.s32 @p2 $0x1  }
0x17: {  	s4 =	simm.s32 $0x1BF5;
	[smem:$0x3FB9] =	sst s0  }
0x18: {  	s0 =	sld [smem:$0x3F9C];
	_ =	swait.ge [sflag:s4], $0x0  }
0x19: {  	s7 =	sld [smem:$0x3F9D]  }
0x1a: {  	s8 =	sadd.s32 $0xFFFFE003, lr  }
0x1b: {  	s9 =	sadd.s32 $0xFFFFFEF7, lr;
	s5 =	simm.s32 $0xFFFFFFFF;
	p2 =	slt.u32 s8, $0xFFFFF086  }
0x1c: {  	p1 =	slt.u32 s9, $0xF7A;
	s5 =	simm.s32 @!p2 $0x0  }
0x1d: {  	s5 =	simm.s32 @p1 $0x1;
	p0 =	seq.s32 s7, s2  }
0x1e: {  	s7 =	smul.u32 @!p0 $0xF7A, s2;
	p2 =	seq.s32 @!p0 s5, $0x0  }
0x1f: {  	s9 =	smul.u32 $0xF7A, s1;
	s8 =	simm.s32 @!p0 $0x1BF5;
	p2 =	por !p2, p0  }
0x20: {  	[sflag:s8] =	ssyncset.s32 @!p0 $0xFFFFF086;
	s6 =	sadd.s32 @!p0 s3, s7;
	s7 =	simm.s32 @!p0 $0x108  }
0x21: {  	s3 =	sadd.s32 s3, s9;
	s6 =	sadd.s32 @!p0 $0x88, s6;
	s7 =	simm.s32 @p2 $0x1082  }
0x22: {  	[simem:s7], [sflag:s8] =	dma.local @!p0 [hbm:s6], $0xF7A  }
0x23: {  	s9 =	sor.u32 $0xD0000000, s2;
	s6 =	simm.s32 $0x108;
	_ =	swait.ge @!p0 [sflag:s8], $0x0  }
0x24: {  	s3 =	sadd.s32 $0x88, s3;
	s6 =	simm.s32 @!p1 $0x1082;
	[sflag:s4] =	ssyncset.s32 $0xFFFFF086  }
0x25: {  	[simem:s6], [sflag:s4] =	dma.local [hbm:s3], $0xF7A  }
0x26: {  	[smem:$0x3F9D] =	sst s1;
	(tag) =	ssettag s2;
	_ =	strace s9  }
0x27: {  	s1 =	sld [smem:$0x3FAD]  }
0x28: {  	s2 =	sld [smem:$0x3FAE]  }
0x29: {  	s4 =	sld [smem:$0x3FB0]  }
0x2a: {  	p0 =	seq.s32 s5, $0x0;
	s5 =	sld [smem:$0x3FB1]  }
0x2b: {  	s6 =	sld [smem:$0x3FB2]  }
0x2c: {  	s7 =	sld [smem:$0x3FB3]  }
0x2d: {  	s3 =	simm.s32 $0x108;
	s8 =	sld [smem:$0x3FB4]  }
0x2e: {  	s3 =	simm.s32 @!p0 $0x1082;
	s9 =	sld [smem:$0x3FB5]  }
0x2f: {  	lr =	sadd.s32 s0, s3;
	s0 =	sld [smem:$0x3FAC]  }
0x30: {  	s3 =	sld [smem:$0x3FAF]  }
0x31: {  	[smem:$0x3FB8] =	sst s10  }
0x32: {  	s10 =	sld [smem:$0x3FB6];
	_ =	sdelay $0x3  }
0x33: {  	p0 =	seq.s32 s10, $0x1;
	s10 =	sld [smem:$0x3FB8];
	_ =	sdelay $0x3  }
0x34: {  	[smem:$0x3FB8] =	sst s10  }
0x35: {  	s10 =	sld [smem:$0x3FB7];
	_ =	sdelay $0x3  }
0x36: {  	p1 =	seq.s32 s10, $0x1;
	s10 =	sld [smem:$0x3FB8];
	_ =	sdelay $0x3  }
0x37: {  	[smem:$0x3FB8] =	sst s10  }
0x38: {  	s10 =	sld [smem:$0x3FB9]  }
0x39: {  	_ = 	snop;
	(pc) =	sbr.ind lr, $3  }
0x3a: {  	_ = 	snop  }
0x3b: {  	_ = 	snop  }
0x3c: {  	p2 =	seq.s32 s10, $0x1;
	s10 =	sld [smem:$0x3FB8]  }
0x3d: {  	_ =	shalt  }
0x3e: {  	_ =	shalt  }
0x3f: {  	_ =	shalt  }
0x40: {  	_ =	shalt  }
0x41: {  	_ =	shalt  }
0x42: {  	_ =	shalt  }
0x43: {  	_ =	shalt  }
0x44: {  	_ =	shalt  }
0x45: {  	_ =	shalt  }
0x46: {  	_ =	shalt  }
0x47: {  	_ =	shalt  }
0x48: {  	_ =	shalt  }
0x49: {  	_ =	shalt  }
0x4a: {  	_ =	shalt  }
0x4b: {  	_ =	shalt  }
0x4c: {  	_ =	shalt  }
0x4d: {  	_ =	shalt  }
0x4e: {  	_ =	shalt  }
0x4f: {  	_ =	shalt  }
0x50: {  	_ =	shalt  }
0x51: {  	_ =	shalt  }
0x52: {  	_ =	shalt  }
0x53: {  	_ =	shalt  }
0x54: {  	_ =	shalt  }
0x55: {  	_ =	shalt  }
0x56: {  	_ =	shalt  }
0x57: {  	_ =	shalt  }
0x58: {  	_ =	shalt  }
0x59: {  	_ =	shalt  }
0x5a: {  	_ =	shalt  }
0x5b: {  	_ =	shalt  }
0x5c: {  	_ =	shalt  }
0x5d: {  	_ =	shalt  }
0x5e: {  	_ =	shalt  }
0x5f: {  	_ =	shalt  }
0x60: {  	_ =	shalt  }
0x61: {  	_ =	shalt  }
0x62: {  	_ =	shalt  }
0x63: {  	_ =	shalt  }
0x64: {  	_ =	shalt  }
0x65: {  	_ =	shalt  }
0x66: {  	_ =	shalt  }
0x67: {  	_ =	shalt  }
0x68: {  	_ =	shalt  }
0x69: {  	_ =	shalt  }
0x6a: {  	_ =	shalt  }
0x6b: {  	_ =	shalt  }
0x6c: {  	_ =	shalt  }
0x6d: {  	_ =	shalt  }
0x6e: {  	_ =	shalt  }
0x6f: {  	_ =	shalt  }
0x70: {  	_ =	shalt  }
0x71: {  	_ =	shalt  }
0x72: {  	_ =	shalt  }
0x73: {  	_ =	shalt  }
0x74: {  	_ =	shalt  }
0x75: {  	_ =	shalt  }
0x76: {  	_ =	shalt  }
0x77: {  	_ =	shalt  }
0x78: {  	_ =	shalt  }
0x79: {  	_ =	shalt  }
0x7a: {  	_ =	shalt  }
0x7b: {  	_ =	shalt  }
0x7c: {  	_ =	shalt  }
0x7d: {  	_ =	shalt  }
0x7e: {  	_ =	shalt  }
0x7f: {  	_ =	shalt  }
0x80: {  	_ =	shalt  }
0x81: {  	_ =	shalt  }
0x82: {  	_ =	shalt  }
0x83: {  	_ =	shalt  }
0x84: {  	_ =	shalt  }
0x85: {  	_ =	shalt  }
0x86: {  	_ =	shalt  }
0x87: {  	_ =	shalt  }
.Lfunc_end0:
.L_simem_size_0:
called_computation_lowered:
.L_overlay_start_0:
0x88: {  	s2 =	sld [smem:$0x3FD9]  }
0x89: {  	s3 =	sld [smem:$0x3FFE];
	_ =	sdelay $0x1  }
0x8a: {  	s1 =	srdreg.scid  }
0x8b: {  	s0 =	sand.u32 $0x1, s1  }
0x8c: {  	s14 =	sshll.u32 s0, $0xA;
	s2 =	sadd.s32 s3, s2  }
0x8d: {  	s2 =	sadd.s32 s2, s14  }
0x8e: {  	[smem:$0x3FC4] =	sst s2  }
0x8f: {  	_ = 	snop  }
0x90: {  	s2 =	sld [smem:$0x3FD0];
	_ =	sdelay $0x1  }
0x91: {  	s15 =	sld [smem:$0x3FC7]  }
0x92: {  	s5 =	simm.s32 $0xA;
	s6 =	simm.s32 $0x10;
	s4 =	sld [smem:$0x3FC6]  }
0x93: {  	[smem:s6], [sflag:s5] =	dma.local [hbm:s2], $0x1  }
0x94: {  	_ =	swait.eq [sflag:s5], $0x1  }
0x95: {  	s16 =	sld [smem:$0x10];
	[sflag:s5] =	ssyncset.done $0x0  }
0x96: {  	s17 =	sld [smem:$0x11];
	[sflag:s5] =	ssyncadd.s32 $0xFFFFFFFF  }
0x97: {  	s18 =	sld [smem:$0x12];
	(tm) =	ssettm $0x1  }
0x98: {  	s7 =	sld [smem:$0x3FFB];
	_ =	sdelay $0x3  }
0x99: {  	_ =	strace s7  }
0x9a: {  	s7 =	sld [smem:$0x3FFC];
	_ =	sdelay $0x3  }
0x9b: {  	_ =	strace s7  }
0x9c: {  	s7 =	sld [smem:$0x3FFD];
	_ =	sdelay $0x3  }
0x9d: {  	_ =	strace s7  }
0x9e: {  	_ =	strace $0x8FFFFFFF  }
0x9f: {  	s19 =	sld [smem:$0x3FDB];
	_ =	sdelay $0x1  }
0xa0: {  	s8 =	simm.s32 $_scs_section_size  }
0xa1: {  	s9 =	simm.s32 $_size__tile_overlayer_lowered;
	s10 =	simm.s32 $_tile_overlayer_lowered  }
0xa2: {  	s22 =	simm.s32 $0x1BFF;
	s21 =	sshll.u32 s10, $0x1;
	s7 =	sadd.s32 s8, s19  }
0xa3: {  	s11 =	simm.s32 $0x0;
	s20 =	sshll.u32 s9, $0x1;
	s9 =	sadd.s32 s21, s7  }
0xa4: {  	[timem:s11], [sflag:s22] =	dma.local [hbm:s9], s20  }
0xa5: {  	_ =	swait.ge [sflag:s22], s20  }
0xa6: {  	s8 =	ssub.s32 $0x0, s20;
	[sflag:s22] =	ssyncset.done $0x0  }
0xa7: {  	[sflag:s22] =	ssyncadd.s32 s8;
	_ =	sdelay $0x1  }
0xa8: {  	s23 =	simm.s32 $0x1B8B  }
0xa9: {  	_ =	swait.ge [sflag:s23], $0x1  }
0xaa: {  	[sflag:s23] =	ssyncset.done $0x0  }
0xab: {  	s25 =	simm.s32 $0x1B8E;
	s24 =	sld [smem:$0x3FFE];
	[sflag:s23] =	ssyncadd.s32 $0xFFFFFFFF  }
0xac: {  	s26 =	simm.s32 $execute0_lowered;
	[smem:$0x3FD2] =	sst s25  }
0xad: {  	s9 =	sshll.u32 s26, $0x1;
	_ =	strace $0x80000046;
	[dreg:$0x1] =	wrdreg $0xFFFFFFFF  }
0xae: {  	s28 =	simm.s32 $_size_execute0_lowered;
	s7 =	sadd.s32 s7, s9;
	[dreg:$0x0] =	wrdreg $0x0  }
0xaf: {  	s9 =	sshll.u32 s28, $0x1;
	[dreg:$0x2] =	wrdreg s7  }
0xb0: {  	[dreg:$0x3] =	wrdreg s9  }
0xb1: {  	[dreg:$0x4] =	wrdreg $0xC0  }
0xb2: {  	_ =	task [dreg:s11], $0x5FFFF  }
0xb3: {  	[dreg:$0x1] =	wrdreg $0xFFFFFFFF  }
0xb4: {  	[dreg:$0x0] =	wrdreg $0x60  }
0xb5: {  	[dreg:$0x2] =	wrdreg s24  }
0xb6: {  	[dreg:$0x3] =	wrdreg s15  }
0xb7: {  	[dreg:$0x4] =	wrdreg s4  }
0xb8: {  	[dreg:$0x5] =	wrdreg s16  }
0xb9: {  	[dreg:$0x6] =	wrdreg s17  }
0xba: {  	[dreg:$0x7] =	wrdreg s18  }
0xbb: {  	[dreg:$0x8] =	wrdreg $0x9  }
0xbc: {  	_ =	task.clear_ibuf [dreg:s11], $0x9FFFF;
	_ =	strace $0x90000046  }
0xbd: {  	s29 =	simm.s32 $0x9;
	_ =	strace $0x80000048  }
0xbe: {  	_ =	swait.ge [sflag:s29], $0x1  }
0xbf: {  	[sflag:s29] =	ssyncadd.s32 $0xFFFFFFFF  }
0xc0: {  	_ =	strace $0x90000048  }
0xc1: {  	_ =	sfence  }
0xc2: {  	s30 =	sld [smem:$0x0];
	_ =	sdelay $0x2  }
0xc3: {  	s31 =	sshll.u32 s1, $0xD;
	s1 =	sshrl.u32 s1, $0x2  }
0xc4: {  	s3 =	sand.u32 $0x4000, s31;
	s1 =	sadd.s32 s1, s30  }
0xc5: {  	s0 =	sor.u32 s3, s0;
	s1 =	sshll.u32 s1, $0x11  }
0xc6: {  	s0 =	sor.u32 s1, s0  }
0xc7: {  	s0 =	sadd.s32 $0x8F2B, s0  }
0xc8: {  	[sflag:s0] =	ssyncadd.remote.s32 $0x1  }
0xc9: {  	_ =	sfence.sel $0xFFFF  }
0xca: {  	[dreg:$0x0] =	wrdreg $0xFFFFFFFF;
	(pc) =	sbr.abs _section_cstart, $3  }
0xcb: {  	[dreg:$0x1] =	wrdreg $0xFFFFFFFF  }
0xcc: {  	_ =	task.clear_ibuf [dreg:s11], $0x2FFFF;
	_ =	strace $0x9FFFFFFF  }
0xcd: {  	(tm) =	ssettm $0x7FFFFFFF  }
tec
execute0_lowered:
.L_overlay_start_1:
0x0: {  	(tag) =	ssettag $0x1  }
0x1: {  	v0 =	vimm.s32 $0x138C  }
0x2: {  	vm14 =	vcmask $0x300;
	vm13 =	vcmask $0x704;
	vm12 =	vcmask $0xB08  }
0x3: {  	vm11 =	vcmask $0xF0C;
	vm10 =	vcmask $0x1310;
	vm9 =	vcmask $0x1714  }
0x4: {  	vm8 =	vcmask $0x1B18;
	vm7 =	vcmask $0x1F1C;
	vm6 =	vcmask $0x2320  }
0x5: {  	vm5 =	vcmask $0x2724;
	vm4 =	vcmask $0x2B28;
	vm3 =	vcmask $0x2F2C  }
0x6: {  	v1 =	vlaneseq.u32;
	vm2 =	vcmask $0x3330;
	vm1 =	vcmask $0x3734  }
0x7: {  	vm0 =	vcmask $0x3B38;
	v3 =	vimm.s32 $0x338C;
	v4 =	vimm.s32 $0x138D  }
0x8: {  	v5 =	vimm.s32 $0x338D;
	v6 =	vimm.s32 $0x138E;
	v7 =	vimm.s32 $0x338E  }
0x9: {  	v8 =	vimm.s32 $0x138F;
	v9 =	vimm.s32 $0x338F;
	v10 =	vimm.s32 $0x1380  }
0xa: {  	v11 =	vimm.s32 $0x3380;
	v12 =	vimm.s32 $0x1381;
	v13 =	vimm.s32 $0x3381  }
0xb: {  	v14 =	vimm.s32 $0x1382;
	v15 =	vimm.s32 $0x3382;
	v16 =	vimm.s32 $0x1383  }
0xc: {  	v17 =	vimm.s32 $0x3383;
	v18 =	vimm.s32 $0x1384;
	v19 =	vimm.s32 $0x3384  }
0xd: {  	v20 =	vimm.s32 $0x1385;
	v21 =	vimm.s32 $0x3385;
	v22 =	vimm.s32 $0x1386  }
0xe: {  	v23 =	vimm.s32 $0x3386;
	v24 =	vimm.s32 $0x1387;
	v25 =	vimm.s32 $0x3387  }
0xf: {  	v26 =	vimm.s32 $0x1388;
	v27 =	vimm.s32 $0x3388;
	v28 =	vimm.s32 $0x1389  }
0x10: {  	v29 =	vimm.s32 $0x3389;
	v30 =	vimm.s32 $0x138A;
	v31 =	vimm.s32 $0x338A  }
0x11: {  	v32 =	vimm.s32 $0x138B;
	v33 =	vimm.s32 $0x338B;
	v34 =	vimm.s32 $0x1FFC  }
0x12: {  	v35 =	vimm.s32 $0x3FFC;
	v36 =	vimm.s32 $0x1FFD;
	v37 =	vimm.s32 $0x3FFD  }
0x13: {  	v38 =	vimm.s32 $0x1FFE;
	v39 =	vimm.s32 $0x3FFE;
	v40 =	vimm.s32 $0x1FFF  }
0x14: {  	v41 =	vimm.s32 $0x3FFF;
	v0 =	vsel vm14, $0xC, v0;
	v3 =	vsel vm14, $0x200C, v3  }
0x15: {  	v4 =	vsel vm14, $0xD, v4;
	v5 =	vsel vm14, $0x200D, v5;
	v6 =	vsel vm14, $0xE, v6  }
0x16: {  	v7 =	vsel vm14, $0x200E, v7;
	v8 =	vsel vm14, $0xF, v8;
	v9 =	vsel vm14, $0x200F, v9  }
0x17: {  	v10 =	vsel vm14, $0x0, v10;
	v11 =	vsel vm14, $0x2000, v11;
	v12 =	vsel vm14, $0x1, v12  }
0x18: {  	v13 =	vsel vm14, $0x2001, v13;
	v14 =	vsel vm14, $0x2, v14;
	v15 =	vsel vm14, $0x2002, v15  }
0x19: {  	v16 =	vsel vm14, $0x3, v16;
	v17 =	vsel vm14, $0x2003, v17;
	v18 =	vsel vm14, $0x4, v18  }
0x1a: {  	v19 =	vsel vm14, $0x2004, v19;
	v20 =	vsel vm14, $0x5, v20;
	v21 =	vsel vm14, $0x2005, v21  }
0x1b: {  	v22 =	vsel vm14, $0x6, v22;
	v23 =	vsel vm14, $0x2006, v23;
	v24 =	vsel vm14, $0x7, v24  }
0x1c: {  	v25 =	vsel vm14, $0x2007, v25;
	v26 =	vsel vm14, $0x8, v26;
	v27 =	vsel vm14, $0x2008, v27  }
0x1d: {  	v28 =	vsel vm14, $0x9, v28;
	v29 =	vsel vm14, $0x2009, v29;
	v30 =	vsel vm14, $0xA, v30  }
0x1e: {  	v31 =	vsel vm14, $0x200A, v31;
	v32 =	vsel vm14, $0xB, v32;
	v33 =	vsel vm14, $0x200B, v33  }
0x1f: {  	v34 =	vsel vm14, $0xC7C, v34;
	v35 =	vsel vm14, $0x2C7C, v35;
	v36 =	vsel vm14, $0xC7D, v36  }
0x20: {  	v37 =	vsel vm14, $0x2C7D, v37;
	v38 =	vsel vm14, $0xC7E, v38;
	v39 =	vsel vm14, $0x2C7E, v39  }
0x21: {  	v40 =	vsel vm14, $0xC7F, v40;
	v41 =	vsel vm14, $0x2C7F, v41;
	v0 =	vsel vm13, $0x8C, v0  }
0x22: {  	v3 =	vsel vm13, $0x208C, v3;
	v4 =	vsel vm13, $0x8D, v4;
	v5 =	vsel vm13, $0x208D, v5  }
0x23: {  	v6 =	vsel vm13, $0x8E, v6;
	v7 =	vsel vm13, $0x208E, v7;
	v8 =	vsel vm13, $0x8F, v8  }
0x24: {  	v9 =	vsel vm13, $0x208F, v9;
	v10 =	vsel vm13, $0x80, v10;
	v11 =	vsel vm13, $0x2080, v11  }
0x25: {  	v12 =	vsel vm13, $0x81, v12;
	v13 =	vsel vm13, $0x2081, v13;
	v14 =	vsel vm13, $0x82, v14  }
0x26: {  	v15 =	vsel vm13, $0x2082, v15;
	v16 =	vsel vm13, $0x83, v16;
	v17 =	vsel vm13, $0x2083, v17  }
0x27: {  	v18 =	vsel vm13, $0x84, v18;
	v19 =	vsel vm13, $0x2084, v19;
	v20 =	vsel vm13, $0x85, v20  }
0x28: {  	v21 =	vsel vm13, $0x2085, v21;
	v22 =	vsel vm13, $0x86, v22;
	v23 =	vsel vm13, $0x2086, v23  }
0x29: {  	v24 =	vsel vm13, $0x87, v24;
	v25 =	vsel vm13, $0x2087, v25;
	v26 =	vsel vm13, $0x88, v26  }
0x2a: {  	v27 =	vsel vm13, $0x2088, v27;
	v28 =	vsel vm13, $0x89, v28;
	v29 =	vsel vm13, $0x2089, v29  }
0x2b: {  	v30 =	vsel vm13, $0x8A, v30;
	v31 =	vsel vm13, $0x208A, v31;
	v32 =	vsel vm13, $0x8B, v32  }
0x2c: {  	v33 =	vsel vm13, $0x208B, v33;
	v34 =	vsel vm13, $0xCFC, v34;
	v35 =	vsel vm13, $0x2CFC, v35  }
0x2d: {  	v36 =	vsel vm13, $0xCFD, v36;
	v37 =	vsel vm13, $0x2CFD, v37;
	v38 =	vsel vm13, $0xCFE, v38  }
0x2e: {  	v39 =	vsel vm13, $0x2CFE, v39;
	v40 =	vsel vm13, $0xCFF, v40;
	v41 =	vsel vm13, $0x2CFF, v41  }
0x2f: {  	v0 =	vsel vm12, $0x10C, v0;
	v3 =	vsel vm12, $0x210C, v3;
	v4 =	vsel vm12, $0x10D, v4  }
0x30: {  	v5 =	vsel vm12, $0x210D, v5;
	v6 =	vsel vm12, $0x10E, v6;
	v7 =	vsel vm12, $0x210E, v7  }
0x31: {  	v8 =	vsel vm12, $0x10F, v8;
	v9 =	vsel vm12, $0x210F, v9;
	v10 =	vsel vm12, $0x100, v10  }
0x32: {  	v11 =	vsel vm12, $0x2100, v11;
	v12 =	vsel vm12, $0x101, v12;
	v13 =	vsel vm12, $0x2101, v13  }
0x33: {  	v14 =	vsel vm12, $0x102, v14;
	v15 =	vsel vm12, $0x2102, v15;
	v16 =	vsel vm12, $0x103, v16  }
0x34: {  	v17 =	vsel vm12, $0x2103, v17;
	v18 =	vsel vm12, $0x104, v18;
	v19 =	vsel vm12, $0x2104, v19  }
0x35: {  	v20 =	vsel vm12, $0x105, v20;
	v21 =	vsel vm12, $0x2105, v21;
	v22 =	vsel vm12, $0x106, v22  }
0x36: {  	v23 =	vsel vm12, $0x2106, v23;
	v24 =	vsel vm12, $0x107, v24;
	v25 =	vsel vm12, $0x2107, v25  }
0x37: {  	v26 =	vsel vm12, $0x108, v26;
	v27 =	vsel vm12, $0x2108, v27;
	v28 =	vsel vm12, $0x109, v28  }
0x38: {  	v29 =	vsel vm12, $0x2109, v29;
	v30 =	vsel vm12, $0x10A, v30;
	v31 =	vsel vm12, $0x210A, v31  }
0x39: {  	v32 =	vsel vm12, $0x10B, v32;
	v33 =	vsel vm12, $0x210B, v33;
	v34 =	vsel vm12, $0xD7C, v34  }
0x3a: {  	v35 =	vsel vm12, $0x2D7C, v35;
	v36 =	vsel vm12, $0xD7D, v36;
	v37 =	vsel vm12, $0x2D7D, v37  }
0x3b: {  	v38 =	vsel vm12, $0xD7E, v38;
	v39 =	vsel vm12, $0x2D7E, v39;
	v40 =	vsel vm12, $0xD7F, v40  }
0x3c: {  	v41 =	vsel vm12, $0x2D7F, v41;
	v0 =	vsel vm11, $0x18C, v0;
	v3 =	vsel vm11, $0x218C, v3  }
0x3d: {  	v4 =	vsel vm11, $0x18D, v4;
	v5 =	vsel vm11, $0x218D, v5;
	v6 =	vsel vm11, $0x18E, v6  }
0x3e: {  	v7 =	vsel vm11, $0x218E, v7;
	v8 =	vsel vm11, $0x18F, v8;
	v9 =	vsel vm11, $0x218F, v9  }
0x3f: {  	v10 =	vsel vm11, $0x180, v10;
	v11 =	vsel vm11, $0x2180, v11;
	v12 =	vsel vm11, $0x181, v12  }
0x40: {  	v13 =	vsel vm11, $0x2181, v13;
	v14 =	vsel vm11, $0x182, v14;
	v15 =	vsel vm11, $0x2182, v15  }
0x41: {  	v16 =	vsel vm11, $0x183, v16;
	v17 =	vsel vm11, $0x2183, v17;
	v18 =	vsel vm11, $0x184, v18  }
0x42: {  	v19 =	vsel vm11, $0x2184, v19;
	v20 =	vsel vm11, $0x185, v20;
	v21 =	vsel vm11, $0x2185, v21  }
0x43: {  	v22 =	vsel vm11, $0x186, v22;
	v23 =	vsel vm11, $0x2186, v23;
	v24 =	vsel vm11, $0x187, v24  }
0x44: {  	v25 =	vsel vm11, $0x2187, v25;
	v26 =	vsel vm11, $0x188, v26;
	v27 =	vsel vm11, $0x2188, v27  }
0x45: {  	v28 =	vsel vm11, $0x189, v28;
	v29 =	vsel vm11, $0x2189, v29;
	v30 =	vsel vm11, $0x18A, v30  }
0x46: {  	v31 =	vsel vm11, $0x218A, v31;
	v32 =	vsel vm11, $0x18B, v32;
	v33 =	vsel vm11, $0x218B, v33  }
0x47: {  	v34 =	vsel vm11, $0xDFC, v34;
	v35 =	vsel vm11, $0x2DFC, v35;
	v36 =	vsel vm11, $0xDFD, v36  }
0x48: {  	v37 =	vsel vm11, $0x2DFD, v37;
	v38 =	vsel vm11, $0xDFE, v38;
	v39 =	vsel vm11, $0x2DFE, v39  }
0x49: {  	v40 =	vsel vm11, $0xDFF, v40;
	v41 =	vsel vm11, $0x2DFF, v41;
	v0 =	vsel vm10, $0x20C, v0  }
0x4a: {  	v3 =	vsel vm10, $0x220C, v3;
	v4 =	vsel vm10, $0x20D, v4;
	v5 =	vsel vm10, $0x220D, v5  }
0x4b: {  	v6 =	vsel vm10, $0x20E, v6;
	v7 =	vsel vm10, $0x220E, v7;
	v8 =	vsel vm10, $0x20F, v8  }
0x4c: {  	v9 =	vsel vm10, $0x220F, v9;
	v10 =	vsel vm10, $0x200, v10;
	v11 =	vsel vm10, $0x2200, v11  }
0x4d: {  	v12 =	vsel vm10, $0x201, v12;
	v13 =	vsel vm10, $0x2201, v13;
	v14 =	vsel vm10, $0x202, v14  }
0x4e: {  	v15 =	vsel vm10, $0x2202, v15;
	v16 =	vsel vm10, $0x203, v16;
	v17 =	vsel vm10, $0x2203, v17  }
0x4f: {  	v18 =	vsel vm10, $0x204, v18;
	v19 =	vsel vm10, $0x2204, v19;
	v20 =	vsel vm10, $0x205, v20  }
0x50: {  	v21 =	vsel vm10, $0x2205, v21;
	v22 =	vsel vm10, $0x206, v22;
	v23 =	vsel vm10, $0x2206, v23  }
0x51: {  	v24 =	vsel vm10, $0x207, v24;
	v25 =	vsel vm10, $0x2207, v25;
	v26 =	vsel vm10, $0x208, v26  }
0x52: {  	v27 =	vsel vm10, $0x2208, v27;
	v28 =	vsel vm10, $0x209, v28;
	v29 =	vsel vm10, $0x2209, v29  }
0x53: {  	v30 =	vsel vm10, $0x20A, v30;
	v31 =	vsel vm10, $0x220A, v31;
	v32 =	vsel vm10, $0x20B, v32  }
0x54: {  	v33 =	vsel vm10, $0x220B, v33;
	v34 =	vsel vm10, $0xE7C, v34;
	v35 =	vsel vm10, $0x2E7C, v35  }
0x55: {  	v36 =	vsel vm10, $0xE7D, v36;
	v37 =	vsel vm10, $0x2E7D, v37;
	v38 =	vsel vm10, $0xE7E, v38  }
0x56: {  	v39 =	vsel vm10, $0x2E7E, v39;
	v40 =	vsel vm10, $0xE7F, v40;
	v41 =	vsel vm10, $0x2E7F, v41  }
0x57: {  	v0 =	vsel vm9, $0x28C, v0;
	v3 =	vsel vm9, $0x228C, v3;
	v4 =	vsel vm9, $0x28D, v4  }
0x58: {  	v5 =	vsel vm9, $0x228D, v5;
	v6 =	vsel vm9, $0x28E, v6;
	v7 =	vsel vm9, $0x228E, v7  }
0x59: {  	v8 =	vsel vm9, $0x28F, v8;
	v9 =	vsel vm9, $0x228F, v9;
	v10 =	vsel vm9, $0x280, v10  }
0x5a: {  	v11 =	vsel vm9, $0x2280, v11;
	v12 =	vsel vm9, $0x281, v12;
	v13 =	vsel vm9, $0x2281, v13  }
0x5b: {  	v14 =	vsel vm9, $0x282, v14;
	v15 =	vsel vm9, $0x2282, v15;
	v16 =	vsel vm9, $0x283, v16  }
0x5c: {  	v17 =	vsel vm9, $0x2283, v17;
	v18 =	vsel vm9, $0x284, v18;
	v19 =	vsel vm9, $0x2284, v19  }
0x5d: {  	v20 =	vsel vm9, $0x285, v20;
	v21 =	vsel vm9, $0x2285, v21;
	v22 =	vsel vm9, $0x286, v22  }
0x5e: {  	v23 =	vsel vm9, $0x2286, v23;
	v24 =	vsel vm9, $0x287, v24;
	v25 =	vsel vm9, $0x2287, v25  }
0x5f: {  	v26 =	vsel vm9, $0x288, v26;
	v27 =	vsel vm9, $0x2288, v27;
	v28 =	vsel vm9, $0x289, v28  }
0x60: {  	v29 =	vsel vm9, $0x2289, v29;
	v30 =	vsel vm9, $0x28A, v30;
	v31 =	vsel vm9, $0x228A, v31  }
0x61: {  	v32 =	vsel vm9, $0x28B, v32;
	v33 =	vsel vm9, $0x228B, v33;
	v34 =	vsel vm9, $0xEFC, v34  }
0x62: {  	v35 =	vsel vm9, $0x2EFC, v35;
	v36 =	vsel vm9, $0xEFD, v36;
	v37 =	vsel vm9, $0x2EFD, v37  }
0x63: {  	v38 =	vsel vm9, $0xEFE, v38;
	v39 =	vsel vm9, $0x2EFE, v39;
	v40 =	vsel vm9, $0xEFF, v40  }
0x64: {  	v41 =	vsel vm9, $0x2EFF, v41;
	v0 =	vsel vm8, $0x30C, v0;
	v3 =	vsel vm8, $0x230C, v3  }
0x65: {  	v4 =	vsel vm8, $0x30D, v4;
	v5 =	vsel vm8, $0x230D, v5;
	v6 =	vsel vm8, $0x30E, v6  }
0x66: {  	v7 =	vsel vm8, $0x230E, v7;
	v8 =	vsel vm8, $0x30F, v8;
	v9 =	vsel vm8, $0x230F, v9  }
0x67: {  	v10 =	vsel vm8, $0x300, v10;
	v11 =	vsel vm8, $0x2300, v11;
	v12 =	vsel vm8, $0x301, v12  }
0x68: {  	v13 =	vsel vm8, $0x2301, v13;
	v14 =	vsel vm8, $0x302, v14;
	v15 =	vsel vm8, $0x2302, v15  }
0x69: {  	v16 =	vsel vm8, $0x303, v16;
	v17 =	vsel vm8, $0x2303, v17;
	v18 =	vsel vm8, $0x304, v18  }
0x6a: {  	v19 =	vsel vm8, $0x2304, v19;
	v20 =	vsel vm8, $0x305, v20;
	v21 =	vsel vm8, $0x2305, v21  }
0x6b: {  	v22 =	vsel vm8, $0x306, v22;
	v23 =	vsel vm8, $0x2306, v23;
	v24 =	vsel vm8, $0x307, v24  }
0x6c: {  	v25 =	vsel vm8, $0x2307, v25;
	v26 =	vsel vm8, $0x308, v26;
	v27 =	vsel vm8, $0x2308, v27  }
0x6d: {  	v28 =	vsel vm8, $0x309, v28;
	v29 =	vsel vm8, $0x2309, v29;
	v30 =	vsel vm8, $0x30A, v30  }
0x6e: {  	v31 =	vsel vm8, $0x230A, v31;
	v32 =	vsel vm8, $0x30B, v32;
	v33 =	vsel vm8, $0x230B, v33  }
0x6f: {  	v34 =	vsel vm8, $0xF7C, v34;
	v35 =	vsel vm8, $0x2F7C, v35;
	v36 =	vsel vm8, $0xF7D, v36  }
0x70: {  	v37 =	vsel vm8, $0x2F7D, v37;
	v38 =	vsel vm8, $0xF7E, v38;
	v39 =	vsel vm8, $0x2F7E, v39  }
0x71: {  	v40 =	vsel vm8, $0xF7F, v40;
	v41 =	vsel vm8, $0x2F7F, v41;
	v0 =	vsel vm7, $0x38C, v0  }
0x72: {  	v3 =	vsel vm7, $0x238C, v3;
	v4 =	vsel vm7, $0x38D, v4;
	v5 =	vsel vm7, $0x238D, v5  }
0x73: {  	v6 =	vsel vm7, $0x38E, v6;
	v7 =	vsel vm7, $0x238E, v7;
	v8 =	vsel vm7, $0x38F, v8  }
0x74: {  	v9 =	vsel vm7, $0x238F, v9;
	v10 =	vsel vm7, $0x380, v10;
	v11 =	vsel vm7, $0x2380, v11  }
0x75: {  	v12 =	vsel vm7, $0x381, v12;
	v13 =	vsel vm7, $0x2381, v13;
	v14 =	vsel vm7, $0x382, v14  }
0x76: {  	v15 =	vsel vm7, $0x2382, v15;
	v16 =	vsel vm7, $0x383, v16;
	v17 =	vsel vm7, $0x2383, v17  }
0x77: {  	v18 =	vsel vm7, $0x384, v18;
	v19 =	vsel vm7, $0x2384, v19;
	v20 =	vsel vm7, $0x385, v20  }
0x78: {  	v21 =	vsel vm7, $0x2385, v21;
	v22 =	vsel vm7, $0x386, v22;
	v23 =	vsel vm7, $0x2386, v23  }
0x79: {  	v24 =	vsel vm7, $0x387, v24;
	v25 =	vsel vm7, $0x2387, v25;
	v26 =	vsel vm7, $0x388, v26  }
0x7a: {  	v27 =	vsel vm7, $0x2388, v27;
	v28 =	vsel vm7, $0x389, v28;
	v29 =	vsel vm7, $0x2389, v29  }
0x7b: {  	v30 =	vsel vm7, $0x38A, v30;
	v31 =	vsel vm7, $0x238A, v31;
	v32 =	vsel vm7, $0x38B, v32  }
0x7c: {  	v33 =	vsel vm7, $0x238B, v33;
	v34 =	vsel vm7, $0xFFC, v34;
	v35 =	vsel vm7, $0x2FFC, v35  }
0x7d: {  	v36 =	vsel vm7, $0xFFD, v36;
	v37 =	vsel vm7, $0x2FFD, v37;
	v38 =	vsel vm7, $0xFFE, v38  }
0x7e: {  	v39 =	vsel vm7, $0x2FFE, v39;
	v40 =	vsel vm7, $0xFFF, v40;
	v41 =	vsel vm7, $0x2FFF, v41  }
0x7f: {  	v0 =	vsel vm6, $0x100C, v0;
	v3 =	vsel vm6, $0x300C, v3;
	v4 =	vsel vm6, $0x100D, v4  }
0x80: {  	v5 =	vsel vm6, $0x300D, v5;
	v6 =	vsel vm6, $0x100E, v6;
	v7 =	vsel vm6, $0x300E, v7  }
0x81: {  	v8 =	vsel vm6, $0x100F, v8;
	v9 =	vsel vm6, $0x300F, v9;
	v10 =	vsel vm6, $0x1000, v10  }
0x82: {  	v11 =	vsel vm6, $0x3000, v11;
	v12 =	vsel vm6, $0x1001, v12;
	v13 =	vsel vm6, $0x3001, v13  }
0x83: {  	v14 =	vsel vm6, $0x1002, v14;
	v15 =	vsel vm6, $0x3002, v15;
	v16 =	vsel vm6, $0x1003, v16  }
0x84: {  	v17 =	vsel vm6, $0x3003, v17;
	v18 =	vsel vm6, $0x1004, v18;
	v19 =	vsel vm6, $0x3004, v19  }
0x85: {  	v20 =	vsel vm6, $0x1005, v20;
	v21 =	vsel vm6, $0x3005, v21;
	v22 =	vsel vm6, $0x1006, v22  }
0x86: {  	v23 =	vsel vm6, $0x3006, v23;
	v24 =	vsel vm6, $0x1007, v24;
	v25 =	vsel vm6, $0x3007, v25  }
0x87: {  	v26 =	vsel vm6, $0x1008, v26;
	v27 =	vsel vm6, $0x3008, v27;
	v28 =	vsel vm6, $0x1009, v28  }
0x88: {  	v29 =	vsel vm6, $0x3009, v29;
	v30 =	vsel vm6, $0x100A, v30;
	v31 =	vsel vm6, $0x300A, v31  }
0x89: {  	v32 =	vsel vm6, $0x100B, v32;
	v33 =	vsel vm6, $0x300B, v33;
	v34 =	vsel vm6, $0x1C7C, v34  }
0x8a: {  	v35 =	vsel vm6, $0x3C7C, v35;
	v36 =	vsel vm6, $0x1C7D, v36;
	v37 =	vsel vm6, $0x3C7D, v37  }
0x8b: {  	v38 =	vsel vm6, $0x1C7E, v38;
	v39 =	vsel vm6, $0x3C7E, v39;
	v40 =	vsel vm6, $0x1C7F, v40  }
0x8c: {  	v41 =	vsel vm6, $0x3C7F, v41;
	v0 =	vsel vm5, $0x108C, v0;
	v3 =	vsel vm5, $0x308C, v3  }
0x8d: {  	v4 =	vsel vm5, $0x108D, v4;
	v5 =	vsel vm5, $0x308D, v5;
	v6 =	vsel vm5, $0x108E, v6  }
0x8e: {  	v7 =	vsel vm5, $0x308E, v7;
	v8 =	vsel vm5, $0x108F, v8;
	v9 =	vsel vm5, $0x308F, v9  }
0x8f: {  	v10 =	vsel vm5, $0x1080, v10;
	v11 =	vsel vm5, $0x3080, v11;
	v12 =	vsel vm5, $0x1081, v12  }
0x90: {  	v13 =	vsel vm5, $0x3081, v13;
	v14 =	vsel vm5, $0x1082, v14;
	v15 =	vsel vm5, $0x3082, v15  }
0x91: {  	v16 =	vsel vm5, $0x1083, v16;
	v17 =	vsel vm5, $0x3083, v17;
	v18 =	vsel vm5, $0x1084, v18  }
0x92: {  	v19 =	vsel vm5, $0x3084, v19;
	v20 =	vsel vm5, $0x1085, v20;
	v21 =	vsel vm5, $0x3085, v21  }
0x93: {  	v22 =	vsel vm5, $0x1086, v22;
	v23 =	vsel vm5, $0x3086, v23;
	v24 =	vsel vm5, $0x1087, v24  }
0x94: {  	v25 =	vsel vm5, $0x3087, v25;
	v26 =	vsel vm5, $0x1088, v26;
	v27 =	vsel vm5, $0x3088, v27  }
0x95: {  	v28 =	vsel vm5, $0x1089, v28;
	v29 =	vsel vm5, $0x3089, v29;
	v30 =	vsel vm5, $0x108A, v30  }
0x96: {  	v31 =	vsel vm5, $0x308A, v31;
	v32 =	vsel vm5, $0x108B, v32;
	v33 =	vsel vm5, $0x308B, v33  }
0x97: {  	v34 =	vsel vm5, $0x1CFC, v34;
	v35 =	vsel vm5, $0x3CFC, v35;
	v36 =	vsel vm5, $0x1CFD, v36  }
0x98: {  	v37 =	vsel vm5, $0x3CFD, v37;
	v38 =	vsel vm5, $0x1CFE, v38;
	v39 =	vsel vm5, $0x3CFE, v39  }
0x99: {  	v40 =	vsel vm5, $0x1CFF, v40;
	v41 =	vsel vm5, $0x3CFF, v41;
	v0 =	vsel vm4, $0x110C, v0  }
0x9a: {  	v3 =	vsel vm4, $0x310C, v3;
	v4 =	vsel vm4, $0x110D, v4;
	v5 =	vsel vm4, $0x310D, v5  }
0x9b: {  	v6 =	vsel vm4, $0x110E, v6;
	v7 =	vsel vm4, $0x310E, v7;
	v8 =	vsel vm4, $0x110F, v8  }
0x9c: {  	v9 =	vsel vm4, $0x310F, v9;
	v10 =	vsel vm4, $0x1100, v10;
	v11 =	vsel vm4, $0x3100, v11  }
0x9d: {  	v12 =	vsel vm4, $0x1101, v12;
	v13 =	vsel vm4, $0x3101, v13;
	v14 =	vsel vm4, $0x1102, v14  }
0x9e: {  	v15 =	vsel vm4, $0x3102, v15;
	v16 =	vsel vm4, $0x1103, v16;
	v17 =	vsel vm4, $0x3103, v17  }
0x9f: {  	v18 =	vsel vm4, $0x1104, v18;
	v19 =	vsel vm4, $0x3104, v19;
	v20 =	vsel vm4, $0x1105, v20  }
0xa0: {  	v21 =	vsel vm4, $0x3105, v21;
	v22 =	vsel vm4, $0x1106, v22;
	v23 =	vsel vm4, $0x3106, v23  }
0xa1: {  	v24 =	vsel vm4, $0x1107, v24;
	v25 =	vsel vm4, $0x3107, v25;
	v26 =	vsel vm4, $0x1108, v26  }
0xa2: {  	v27 =	vsel vm4, $0x3108, v27;
	v28 =	vsel vm4, $0x1109, v28;
	v29 =	vsel vm4, $0x3109, v29  }
0xa3: {  	v30 =	vsel vm4, $0x110A, v30;
	v31 =	vsel vm4, $0x310A, v31;
	v32 =	vsel vm4, $0x110B, v32  }
0xa4: {  	v33 =	vsel vm4, $0x310B, v33;
	v34 =	vsel vm4, $0x1D7C, v34;
	v35 =	vsel vm4, $0x3D7C, v35  }
0xa5: {  	v36 =	vsel vm4, $0x1D7D, v36;
	v37 =	vsel vm4, $0x3D7D, v37;
	v38 =	vsel vm4, $0x1D7E, v38  }
0xa6: {  	v39 =	vsel vm4, $0x3D7E, v39;
	v40 =	vsel vm4, $0x1D7F, v40;
	v41 =	vsel vm4, $0x3D7F, v41  }
0xa7: {  	v2 =	vsel vm3, $0x118C, v0;
	v0 =	vmul.u32 $0x80, v1;
	v3 =	vsel vm3, $0x318C, v3  }
0xa8: {  	v4 =	vsel vm3, $0x118D, v4;
	v5 =	vsel vm3, $0x318D, v5;
	v6 =	vsel vm3, $0x118E, v6  }
0xa9: {  	v7 =	vsel vm3, $0x318E, v7;
	v8 =	vsel vm3, $0x118F, v8;
	v9 =	vsel vm3, $0x318F, v9  }
0xaa: {  	v10 =	vsel vm3, $0x1180, v10;
	v11 =	vsel vm3, $0x3180, v11;
	v12 =	vsel vm3, $0x1181, v12  }
0xab: {  	v13 =	vsel vm3, $0x3181, v13;
	v14 =	vsel vm3, $0x1182, v14;
	v15 =	vsel vm3, $0x3182, v15  }
0xac: {  	v16 =	vsel vm3, $0x1183, v16;
	v17 =	vsel vm3, $0x3183, v17;
	v18 =	vsel vm3, $0x1184, v18  }
0xad: {  	v19 =	vsel vm3, $0x3184, v19;
	v20 =	vsel vm3, $0x1185, v20;
	v21 =	vsel vm3, $0x3185, v21  }
0xae: {  	v22 =	vsel vm3, $0x1186, v22;
	v23 =	vsel vm3, $0x3186, v23;
	v24 =	vsel vm3, $0x1187, v24  }
0xaf: {  	v25 =	vsel vm3, $0x3187, v25;
	v26 =	vsel vm3, $0x1188, v26;
	v27 =	vsel vm3, $0x3188, v27  }
0xb0: {  	v28 =	vsel vm3, $0x1189, v28;
	v29 =	vsel vm3, $0x3189, v29;
	v30 =	vsel vm3, $0x118A, v30  }
0xb1: {  	v31 =	vsel vm3, $0x318A, v31;
	v32 =	vsel vm3, $0x118B, v32;
	v33 =	vsel vm3, $0x318B, v33  }
0xb2: {  	v34 =	vsel vm3, $0x1DFC, v34;
	v35 =	vsel vm3, $0x3DFC, v35;
	v36 =	vsel vm3, $0x1DFD, v36  }
0xb3: {  	v37 =	vsel vm3, $0x3DFD, v37;
	v38 =	vsel vm3, $0x1DFE, v38;
	v39 =	vsel vm3, $0x3DFE, v39  }
0xb4: {  	v40 =	vsel vm3, $0x1DFF, v40;
	v41 =	vsel vm3, $0x3DFF, v41;
	v1 =	vsel vm2, $0x120C, v2  }
0xb5: {  	v3 =	vsel vm2, $0x320C, v3;
	v4 =	vsel vm2, $0x120D, v4;
	v5 =	vsel vm2, $0x320D, v5  }
0xb6: {  	v6 =	vsel vm2, $0x120E, v6;
	v7 =	vsel vm2, $0x320E, v7;
	v8 =	vsel vm2, $0x120F, v8  }
0xb7: {  	v9 =	vsel vm2, $0x320F, v9;
	v10 =	vsel vm2, $0x1200, v10;
	v11 =	vsel vm2, $0x3200, v11  }
0xb8: {  	v12 =	vsel vm2, $0x1201, v12;
	v13 =	vsel vm2, $0x3201, v13;
	v14 =	vsel vm2, $0x1202, v14  }
0xb9: {  	v15 =	vsel vm2, $0x3202, v15;
	v16 =	vsel vm2, $0x1203, v16;
	v17 =	vsel vm2, $0x3203, v17  }
0xba: {  	v18 =	vsel vm2, $0x1204, v18;
	v19 =	vsel vm2, $0x3204, v19;
	v20 =	vsel vm2, $0x1205, v20  }
0xbb: {  	v21 =	vsel vm2, $0x3205, v21;
	v22 =	vsel vm2, $0x1206, v22;
	v23 =	vsel vm2, $0x3206, v23  }
0xbc: {  	v24 =	vsel vm2, $0x1207, v24;
	v25 =	vsel vm2, $0x3207, v25;
	v26 =	vsel vm2, $0x1208, v26  }
0xbd: {  	v27 =	vsel vm2, $0x3208, v27;
	v28 =	vsel vm2, $0x1209, v28;
	v29 =	vsel vm2, $0x3209, v29  }
0xbe: {  	v30 =	vsel vm2, $0x120A, v30;
	v31 =	vsel vm2, $0x320A, v31;
	v32 =	vsel vm2, $0x120B, v32  }
0xbf: {  	v33 =	vsel vm2, $0x320B, v33;
	v34 =	vsel vm2, $0x1E7C, v34;
	v35 =	vsel vm2, $0x3E7C, v35  }
0xc0: {  	v36 =	vsel vm2, $0x1E7D, v36;
	v37 =	vsel vm2, $0x3E7D, v37;
	v38 =	vsel vm2, $0x1E7E, v38  }
0xc1: {  	v39 =	vsel vm2, $0x3E7E, v39;
	v40 =	vsel vm2, $0x1E7F, v40;
	v41 =	vsel vm2, $0x3E7F, v41  }
0xc2: {  	v1 =	vsel vm1, $0x128C, v1;
	v2 =	vor.u32 $0x800, v0;
	v3 =	vsel vm1, $0x328C, v3  }
0xc3: {  	v4 =	vsel vm1, $0x128D, v4;
	v5 =	vsel vm1, $0x328D, v5;
	v6 =	vsel vm1, $0x128E, v6  }
0xc4: {  	v7 =	vsel vm1, $0x328E, v7;
	v8 =	vsel vm1, $0x128F, v8;
	v9 =	vsel vm1, $0x328F, v9  }
0xc5: {  	v10 =	vsel vm1, $0x1280, v10;
	v11 =	vsel vm1, $0x3280, v11;
	v12 =	vsel vm1, $0x1281, v12  }
0xc6: {  	v13 =	vsel vm1, $0x3281, v13;
	v14 =	vsel vm1, $0x1282, v14;
	v15 =	vsel vm1, $0x3282, v15  }
0xc7: {  	v16 =	vsel vm1, $0x1283, v16;
	v17 =	vsel vm1, $0x3283, v17;
	v18 =	vsel vm1, $0x1284, v18  }
0xc8: {  	v19 =	vsel vm1, $0x3284, v19;
	v20 =	vsel vm1, $0x1285, v20;
	v21 =	vsel vm1, $0x3285, v21  }
0xc9: {  	s2 =	rddreg [dreg:$0x0];
	v22 =	vsel vm1, $0x1286, v22;
	v23 =	vsel vm1, $0x3286, v23;
	v24 =	vsel vm1, $0x1287, v24  }
0xca: {  	s0 =	rddreg [dreg:$0x1];
	v25 =	vsel vm1, $0x3287, v25;
	v26 =	vsel vm1, $0x1288, v26;
	v27 =	vsel vm1, $0x3288, v27  }
0xcb: {  	s4 =	rddreg [dreg:$0x3];
	v28 =	vsel vm1, $0x1289, v28;
	v29 =	vsel vm1, $0x3289, v29;
	v30 =	vsel vm1, $0x128A, v30  }
0xcc: {  	s3 =	srdreg.scid;
	s6 =	rddreg [dreg:$0x4];
	v31 =	vsel vm1, $0x328A, v31;
	v32 =	vsel vm1, $0x128B, v32;
	v33 =	vsel vm1, $0x328B, v33  }
0xcd: {  	s5 =	stileid.u32;
	s7 =	rddreg [dreg:$0x5];
	s15 =	simm.s32 $0x400;
	v34 =	vsel vm1, $0x1EFC, v34;
	v35 =	vsel vm1, $0x3EFC, v35;
	v36 =	vsel vm1, $0x1EFD, v36  }
0xce: {  	s11 =	simm.s32 $0x0;
	s12 =	simm.s32 $0x7A1400;
	s20 =	simm.s32 $0x8400;
	v37 =	vsel vm1, $0x3EFD, v37;
	v38 =	vsel vm1, $0x1EFE, v38;
	v39 =	vsel vm1, $0x3EFE, v39  }
0xcf: {  	s17 =	simm.s32 $0xC400;
	s19 =	simm.s32 $0x9400;
	s26 =	simm.s32 $0xD400;
	v40 =	vsel vm1, $0x1EFF, v40;
	v41 =	vsel vm1, $0x3EFF, v41;
	v1 =	vsel vm0, $0x130C, v1  }
0xd0: {  	s21 =	simm.s32 $0xA400;
	s16 =	simm.s32 $0xE400;
	s18 =	simm.s32 $0xB400;
	v3 =	vsel vm0, $0x330C, v3;
	v4 =	vsel vm0, $0x130D, v4;
	v5 =	vsel vm0, $0x330D, v5  }
0xd1: {  	s25 =	simm.s32 $0xF400;
	s3 =	sand.u32 $0x1, s3;
	s5 =	sshll.u32 s5, $0x1;
	v6 =	vsel vm0, $0x130E, v6;
	v7 =	vsel vm0, $0x330E, v7;
	v8 =	vsel vm0, $0x130F, v8  }
0xd2: {  	s14 =	simm.s32 $0x14400;
	[smem:$0x7FF] =	sst s11;
	s5 =	sor.u32 s3, s5;
	v9 =	vsel vm0, $0x330F, v9;
	v10 =	vsel vm0, $0x1300, v10;
	v11 =	vsel vm0, $0x3300, v11  }
0xd3: {  	s3 =	ssub.s32 $0x2, s3;
	_ =	strace $0x80000047;
	s8 =	sshll.u32 s5, $0x9;
	v12 =	vsel vm0, $0x1301, v12;
	v13 =	vsel vm0, $0x3301, v13;
	v14 =	vsel vm0, $0x1302, v14  }
0xd4: {  	s9 =	sshll.u32 s5, $0x7;
	s28 =	sshrl.u32 s3, $0x1;
	s29 =	sshll.u32 s5, $0x6;
	v15 =	vsel vm0, $0x3302, v15;
	v16 =	vsel vm0, $0x1303, v16;
	v17 =	vsel vm0, $0x3303, v17  }
0xd5: {  	s10 =	sand.u32 $0x3000, s8;
	s9 =	sand.u32 $0x380, s9;
	s3 =	ssub.s32 s3, s28;
	v18 =	vsel vm0, $0x1304, v18;
	v19 =	vsel vm0, $0x3304, v19;
	v20 =	vsel vm0, $0x1305, v20  }
0xd6: {  	s4 =	sadd.s32 s4, s8;
	s30 =	sadd.s32 s6, s8;
	s9 =	sor.u32 s9, s10;
	v21 =	vsel vm0, $0x3305, v21;
	v22 =	vsel vm0, $0x1306, v22;
	v23 =	vsel vm0, $0x3306, v23  }
0xd7: {  	s8 =	simm.s32 $0x0;
	[dreg:$0x9] =	wrdreg s4;
	s9 =	sshrl.u32 s9, $0x3;
	v24 =	vsel vm0, $0x1307, v24;
	v25 =	vsel vm0, $0x3307, v25;
	v26 =	vsel vm0, $0x1308, v26  }
0xd8: {  	[dreg:$0xa] =	wrdreg s30;
	s31 =	smax.u32 s3, $0x1;
	s2 =	sadd.s32 s9, s2;
	v27 =	vsel vm0, $0x3308, v27;
	v28 =	vsel vm0, $0x1309, v28;
	v29 =	vsel vm0, $0x3309, v29  }
0xd9: {  	s3 =	simm.s32 $0x2;
	[dreg:$0xc] =	wrdreg s31;
	s9 =	sadd.s32 $0x800, s2;
	v30 =	vsel vm0, $0x130A, v30;
	v31 =	vsel vm0, $0x330A, v31;
	v32 =	vsel vm0, $0x130B, v32  }
0xda: {  	s4 =	simm.s32 $0x1;
	s2 =	sadd.s32 $0x1000, s2;
	[dreg:$0x7] =	wrdreg s9;
	v33 =	vsel vm0, $0x330B, v33;
	v34 =	vsel vm0, $0x1F7C, v34;
	v35 =	vsel vm0, $0x3F7C, v35  }
0xdb: {  	[dreg:$0x8] =	wrdreg s2;
	s2 =	sadd.s32 s7, s29;
	s7 =	simm.s32 $0x4;
	v36 =	vsel vm0, $0x1F7D, v36;
	v37 =	vsel vm0, $0x3F7D, v37;
	v38 =	vsel vm0, $0x1F7E, v38  }
0xdc: {  	s9 =	simm.s32 $0x4400;
	[dreg:$0xb] =	wrdreg s2;
	s2 =	simm.s32 $0x10400;
	v39 =	vsel vm0, $0x3F7E, v39;
	v40 =	vsel vm0, $0x1F7F, v40;
	v41 =	vsel vm0, $0x3F7F, v41  }
.LBB2_1:
0xdd: {  	[dreg:$0xd] =	wrdreg s8  }
0xde: {  	s5 =	rddreg [dreg:$0x7];
	s6 =	simm.s32 $0x80  }
0xdf: {  	[tilespmem:s11], [sflag:$0x4] =	stream.strided.gather [hbm4b:s5+s6], $0x200, s15, s6, $0x38;
	[tilespmem:$0x18600] =	vst v63  }
0xe0: {  	_ =	swait.ge [sflag:s7], $0x200  }
0xe1: {  	[sflag:s7] =	ssyncset.done $0x0  }
0xe2: {  	s29 =	simm.s32 $0x200;
	s28 =	rddreg [dreg:$0x8];
	[sflag:s7] =	ssyncadd.s32 $0xFFFFFE00  }
0xe3: {  	[tilespmem:s29], [sflag:$0x4] =	stream.strided.gather [hbm4b:s28+s6], $0x200, s15, s6, $0x38;
	[tilespmem:$0x18600] =	vst v63  }
0xe4: {  	_ =	swait.ge [sflag:s7], $0x200  }
0xe5: {  	[sflag:s7] =	ssyncset.done $0x0  }
0xe6: {  	[sflag:s7] =	ssyncadd.s32 $0xFFFFFE00  }
0xe7: {  	v42 =	vld [tilespmem:$0x0]  }
0xe8: {  	v43 =	vld [tilespmem:$0x200];
	_ =	sdelay $0x3  }
0xe9: {  	(v2sf) =	vpush v42, $0xC  }
0xea: {  	(v2sf) =	vpush v43, $0xC;
	_ =	sdelay $0x4  }
0xeb: {  	(v2sf) =	vpush v42, $0xD;
	_ =	sdelay $0x4  }
0xec: {  	(v2sf) =	vpush v43, $0xD;
	_ =	sdelay $0x3  }
0xed: {  	s24 =	spop (v2sf);
	(v2sf) =	vpush v42, $0xE  }
0xee: {  	s30 =	sand.u32 $0xFFFFF80, s24;
	s28 =	spop (v2sf);
	(v2sf) =	vpush v43, $0xE  }
0xef: {  	s1 =	rddreg [dreg:$0x2];
	s5 =	sadd.s32 s0, s30;
	s31 =	sand.u32 $0xFFFFF80, s28  }
0xf0: {  	[tilespmem:s20], [sflag:$0x2] =	stream.strided.gather [hbm4b:s5+s15], $0x1000, s12, s15, $0x38;
	[tilespmem:$0x18600] =	vst v63  }
0xf1: {  	s5 =	sadd.s32 s1, s31  }
0xf2: {  	[tilespmem:s17], [sflag:$0x2] =	stream.strided.gather [hbm4b:s5+s15], $0x1000, s12, s15, $0x38;
	[tilespmem:$0x18600] =	vst v63  }
0xf3: {  	s17 =	spop (v2sf);
	(v2sf) =	vpush v42, $0xF  }
0xf4: {  	(v2sf) =	vpush v43, $0xF  }
0xf5: {  	s6 =	sand.u32 $0xFFFFF80, s17  }
0xf6: {  	s5 =	sadd.s32 s0, s6  }
0xf7: {  	[tilespmem:s19], [sflag:$0x2] =	stream.strided.gather [hbm4b:s5+s15], $0x1000, s12, s15, $0x38;
	[tilespmem:$0x18600] =	vst v63  }
0xf8: {  	s19 =	spop (v2sf)  }
0xf9: {  	s7 =	sand.u32 $0xFFFFF80, s19  }
0xfa: {  	s5 =	sadd.s32 s1, s7  }
0xfb: {  	[tilespmem:s26], [sflag:$0x2] =	stream.strided.gather [hbm4b:s5+s15], $0x1000, s12, s15, $0x38;
	[tilespmem:$0x18600] =	vst v63  }
0xfc: {  	s10 =	spop (v2sf)  }
0xfd: {  	s8 =	sand.u32 $0xFFFFF80, s10;
	s13 =	spop (v2sf)  }
0xfe: {  	s5 =	sadd.s32 s0, s8;
	s11 =	sand.u32 $0xFFFFF80, s13  }
0xff: {  	[tilespmem:s21], [sflag:$0x2] =	stream.strided.gather [hbm4b:s5+s15], $0x1000, s12, s15, $0x38;
	[tilespmem:$0x18600] =	vst v63  }
0x100: {  	s5 =	sadd.s32 s1, s11  }
0x101: {  	[tilespmem:s16], [sflag:$0x2] =	stream.strided.gather [hbm4b:s5+s15], $0x1000, s12, s15, $0x38;
	[tilespmem:$0x18600] =	vst v63  }
0x102: {  	s6 =	spop (v2sf)  }
0x103: {  	s16 =	sand.u32 $0xFFFFF80, s6;
	s8 =	spop (v2sf)  }
0x104: {  	s5 =	sadd.s32 s0, s16;
	s20 =	sand.u32 $0xFFFFF80, s8  }
0x105: {  	[tilespmem:s18], [sflag:$0x2] =	stream.strided.gather [hbm4b:s5+s15], $0x1000, s12, s15, $0x38;
	[tilespmem:$0x18600] =	vst v63  }
0x106: {  	s5 =	sadd.s32 s1, s20  }
0x107: {  	[tilespmem:s25], [sflag:$0x2] =	stream.strided.gather [hbm4b:s5+s15], $0x1000, s12, s15, $0x38;
	[tilespmem:$0x18600] =	vst v63  }
0x108: {  	v45 =	vld [tilespmem:$0x0];
	_ =	sdelay $0x1  }
0x109: {  	v44 =	vld [tilespmem:$0x200];
	_ =	sdelay $0x2  }
0x10a: {  	(v2sf) =	vpush v45, $0x0;
	_ =	sdelay $0x1  }
0x10b: {  	(v2sf) =	vpush v44, $0x0;
	_ =	sdelay $0x1  }
0x10c: {  	(v2sf) =	vpush v45, $0x1;
	_ =	sdelay $0x2  }
0x10d: {  	(v2sf) =	vpush v44, $0x1;
	_ =	sdelay $0x1  }
0x10e: {  	(v2sf) =	vpush v45, $0x2;
	_ =	sdelay $0x5  }
0x10f: {  	s25 =	spop (v2sf);
	(v2sf) =	vpush v44, $0x2;
	_ =	sdelay $0x1  }
0x110: {  	s26 =	spop (v2sf);
	(v2sf) =	vpush v45, $0x3;
	_ =	sdelay $0x1  }
0x111: {  	s21 =	sand.u32 $0xFFFFF80, s25;
	s16 =	spop (v2sf);
	(v2sf) =	vpush v44, $0x3  }
0x112: {  	s29 =	simm.s32 $0x1400;
	s5 =	sadd.s32 s0, s21;
	s22 =	sand.u32 $0xFFFFF80, s26  }
0x113: {  	[tilespmem:s15], [sflag:$0x1] =	stream.strided.gather [hbm4b:s5+s15], $0x1000, s12, s15, $0x38;
	[tilespmem:$0x18600] =	vst v63  }
0x114: {  	s5 =	sadd.s32 s1, s22;
	s23 =	sand.u32 $0xFFFFF80, s16;
	s18 =	spop (v2sf)  }
0x115: {  	[tilespmem:s9], [sflag:$0x1] =	stream.strided.gather [hbm4b:s5+s15], $0x1000, s12, s15, $0x38;
	[tilespmem:$0x18600] =	vst v63  }
0x116: {  	s22 =	spop (v2sf);
	s5 =	sadd.s32 s0, s23;
	s9 =	sand.u32 $0xFFFFF80, s18  }
0x117: {  	[tilespmem:s29], [sflag:$0x1] =	stream.strided.gather [hbm4b:s5+s15], $0x1000, s12, s15, $0x38;
	[tilespmem:$0x18600] =	vst v63  }
0x118: {  	s11 =	simm.s32 $0x5400;
	s20 =	sand.u32 $0xFFFFF80, s22;
	s5 =	sadd.s32 s1, s9  }
0x119: {  	[tilespmem:s11], [sflag:$0x1] =	stream.strided.gather [hbm4b:s5+s15], $0x1000, s12, s15, $0x38;
	[tilespmem:$0x18600] =	vst v63  }
0x11a: {  	s21 =	simm.s32 $0x2400;
	s5 =	sadd.s32 s0, s20  }
0x11b: {  	[tilespmem:s21], [sflag:$0x1] =	stream.strided.gather [hbm4b:s5+s15], $0x1000, s12, s15, $0x38;
	[tilespmem:$0x18600] =	vst v63  }
0x11c: {  	s11 =	spop (v2sf)  }
0x11d: {  	s23 =	sand.u32 $0xFFFFF80, s11  }
0x11e: {  	s29 =	simm.s32 $0x6400;
	s5 =	sadd.s32 s1, s23;
	s23 =	spop (v2sf)  }
0x11f: {  	[tilespmem:s29], [sflag:$0x1] =	stream.strided.gather [hbm4b:s5+s15], $0x1000, s12, s15, $0x38;
	[tilespmem:$0x18600] =	vst v63  }
0x120: {  	s29 =	sand.u32 $0xFFFFF80, s23;
	s20 =	spop (v2sf)  }
0x121: {  	s5 =	simm.s32 $0x3400;
	s29 =	sadd.s32 s0, s29;
	s21 =	sand.u32 $0xFFFFF80, s20  }
0x122: {  	[tilespmem:s5], [sflag:$0x1] =	stream.strided.gather [hbm4b:s29+s15], $0x1000, s12, s15, $0x38;
	[tilespmem:$0x18600] =	vst v63  }
0x123: {  	s29 =	sadd.s32 s1, s21;
	s5 =	simm.s32 $0x7400  }
0x124: {  	[tilespmem:s5], [sflag:$0x1] =	stream.strided.gather [hbm4b:s29+s15], $0x1000, s12, s15, $0x38;
	[tilespmem:$0x18600] =	vst v63  }
0x125: {  	_ =	swait.ge [sflag:s3], $0x1000  }
0x126: {  	[sflag:s3] =	ssyncset.done $0x0  }
0x127: {  	[sflag:s3] =	ssyncadd.s32 $0xFFFFF000  }
0x128: {  	_ =	swait.ge [sflag:s3], $0x1000  }
0x129: {  	[sflag:s3] =	ssyncset.done $0x0  }
0x12a: {  	[sflag:s3] =	ssyncadd.s32 $0xFFFFF000  }
0x12b: {  	_ =	swait.ge [sflag:s3], $0x1000  }
0x12c: {  	[sflag:s3] =	ssyncset.done $0x0  }
0x12d: {  	[sflag:s3] =	ssyncadd.s32 $0xFFFFF000  }
0x12e: {  	_ =	swait.ge [sflag:s3], $0x1000  }
0x12f: {  	[sflag:s3] =	ssyncset.done $0x0  }
0x130: {  	[sflag:s3] =	ssyncadd.s32 $0xFFFFF000  }
0x131: {  	_ =	swait.ge [sflag:s3], $0x1000  }
0x132: {  	[sflag:s3] =	ssyncset.done $0x0  }
0x133: {  	[sflag:s3] =	ssyncadd.s32 $0xFFFFF000  }
0x134: {  	_ =	swait.ge [sflag:s3], $0x1000  }
0x135: {  	[sflag:s3] =	ssyncset.done $0x0  }
0x136: {  	[sflag:s3] =	ssyncadd.s32 $0xFFFFF000  }
0x137: {  	s24 =	sand.u32 $0x7F, s24;
	_ =	swait.ge [sflag:s3], $0x1000  }
0x138: {  	s28 =	sand.u32 $0x7F, s28;
	v50 =	vor.u32 s24, v0;
	[sflag:s3] =	ssyncset.done $0x0  }
0x139: {  	v51 =	vor.u32 s28, v0;
	[sflag:s3] =	ssyncadd.s32 $0xFFFFF000  }
0x13a: {  	_ =	swait.ge [sflag:s3], $0x1000  }
0x13b: {  	[sflag:s3] =	ssyncset.done $0x0  }
0x13c: {  	s29 =	simm.s32 $0x8400;
	[sflag:s3] =	ssyncadd.s32 $0xFFFFF000  }
0x13d: {  	s21 =	simm.s32 $0xC400;
	v42 =	vld.idx.msk [tilespmem:v50+s29+$0x0], $0xffff  }
0x13e: {  	v43 =	vld.idx.msk [tilespmem:v51+s21+$0x0], $0xffff  }
0x13f: {  	v46 =	vor.u32 s24, v2  }
0x140: {  	v47 =	vor.u32 s28, v2;
	_ =	sdelay $0x1  }
0x141: {  	[tilespmem:v1+s2+$0x0] =	vst.idx.msk $0xffff, v42  }
0x142: {  	[tilespmem:v1+s14+$0x0] =	vst.idx.msk $0xffff, v43  }
0x143: {  	v42 =	vld.idx.msk [tilespmem:v46+s29+$0x0], $0xffff  }
0x144: {  	s17 =	sand.u32 $0x7F, s17;
	v43 =	vld.idx.msk [tilespmem:v47+s21+$0x0], $0xffff  }
0x145: {  	v52 =	vor.u32 s17, v0;
	s19 =	sand.u32 $0x7F, s19  }
0x146: {  	v53 =	vor.u32 s19, v0;
	_ =	sdelay $0x1  }
0x147: {  	[tilespmem:v3+s2+$0x0] =	vst.idx.msk $0xffff, v42  }
0x148: {  	s5 =	simm.s32 $0x9400;
	[tilespmem:v3+s14+$0x0] =	vst.idx.msk $0xffff, v43  }
0x149: {  	s9 =	simm.s32 $0xD400;
	v42 =	vld.idx.msk [tilespmem:v52+s5+$0x0], $0xffff  }
0x14a: {  	v43 =	vld.idx.msk [tilespmem:v53+s9+$0x0], $0xffff  }
0x14b: {  	v54 =	vor.u32 s17, v2  }
0x14c: {  	v55 =	vor.u32 s19, v2;
	_ =	sdelay $0x1  }
0x14d: {  	[tilespmem:v4+s2+$0x0] =	vst.idx.msk $0xffff, v42  }
0x14e: {  	[tilespmem:v4+s14+$0x0] =	vst.idx.msk $0xffff, v43  }
0x14f: {  	v42 =	vld.idx.msk [tilespmem:v54+s5+$0x0], $0xffff  }
0x150: {  	s10 =	sand.u32 $0x7F, s10;
	v43 =	vld.idx.msk [tilespmem:v55+s9+$0x0], $0xffff  }
0x151: {  	s13 =	sand.u32 $0x7F, s13;
	v56 =	vor.u32 s10, v0  }
0x152: {  	v57 =	vor.u32 s13, v0;
	_ =	sdelay $0x1  }
0x153: {  	[tilespmem:v5+s2+$0x0] =	vst.idx.msk $0xffff, v42  }
0x154: {  	s7 =	simm.s32 $0xA400;
	[tilespmem:v5+s14+$0x0] =	vst.idx.msk $0xffff, v43  }
0x155: {  	s30 =	simm.s32 $0xE400;
	v42 =	vld.idx.msk [tilespmem:v56+s7+$0x0], $0xffff  }
0x156: {  	v43 =	vld.idx.msk [tilespmem:v57+s30+$0x0], $0xffff  }
0x157: {  	v58 =	vor.u32 s10, v2  }
0x158: {  	v59 =	vor.u32 s13, v2  }
0x159: {  	(v2sf) =	vpush v45, $0x4  }
0x15a: {  	[tilespmem:v6+s2+$0x0] =	vst.idx.msk $0xffff, v42  }
0x15b: {  	[tilespmem:v6+s14+$0x0] =	vst.idx.msk $0xffff, v43  }
0x15c: {  	v42 =	vld.idx.msk [tilespmem:v58+s7+$0x0], $0xffff  }
0x15d: {  	s6 =	sand.u32 $0x7F, s6;
	v43 =	vld.idx.msk [tilespmem:v59+s30+$0x0], $0xffff  }
0x15e: {  	s8 =	sand.u32 $0x7F, s8;
	v60 =	vor.u32 s6, v0  }
0x15f: {  	v61 =	vor.u32 s8, v0;
	(v2sf) =	vpush v44, $0x4  }
0x160: {  	(v2sf) =	vpush v45, $0x5  }
0x161: {  	[tilespmem:v7+s2+$0x0] =	vst.idx.msk $0xffff, v42  }
0x162: {  	s31 =	simm.s32 $0xB400;
	[tilespmem:v7+s14+$0x0] =	vst.idx.msk $0xffff, v43  }
0x163: {  	s17 =	simm.s32 $0xF400;
	v42 =	vld.idx.msk [tilespmem:v60+s31+$0x0], $0xffff  }
0x164: {  	v43 =	vld.idx.msk [tilespmem:v61+s17+$0x0], $0xffff  }
0x165: {  	v62 =	vor.u32 s6, v2;
	(v2sf) =	vpush v44, $0x5  }
0x166: {  	v63 =	vor.u32 s8, v2  }
0x167: {  	(v2sf) =	vpush v45, $0x6  }
0x168: {  	s24 =	spop (v2sf);
	(v2sf) =	vpush v44, $0x6;
	[tilespmem:v8+s2+$0x0] =	vst.idx.msk $0xffff, v42  }
0x169: {  	[tilespmem:v8+s14+$0x0] =	vst.idx.msk $0xffff, v43  }
0x16a: {  	v42 =	vld.idx.msk [tilespmem:v62+s31+$0x0], $0xffff  }
0x16b: {  	v43 =	vld.idx.msk [tilespmem:v63+s17+$0x0], $0xffff;
	_ =	sdelay $0x2  }
0x16c: {  	s28 =	spop (v2sf);
	(v2sf) =	vpush v45, $0x7  }
0x16d: {  	s19 =	sand.u32 $0xFFFFF80, s24;
	s17 =	spop (v2sf);
	(v2sf) =	vpush v44, $0x7;
	[tilespmem:v9+s2+$0x0] =	vst.idx.msk $0xffff, v42  }
0x16e: {  	s29 =	simm.s32 $0x8400;
	s6 =	sadd.s32 s0, s19;
	s8 =	sand.u32 $0xFFFFF80, s28;
	[tilespmem:v9+s14+$0x0] =	vst.idx.msk $0xffff, v43  }
0x16f: {  	[tilespmem:s29], [sflag:$0x2] =	stream.strided.gather [hbm4b:s6+s15], $0x1000, s12, s15, $0x38;
	[tilespmem:$0x18600] =	vst v63  }
0x170: {  	s10 =	simm.s32 $0xC400;
	s13 =	sand.u32 $0xFFFFF80, s17;
	s6 =	sadd.s32 s1, s8  }
0x171: {  	[tilespmem:s10], [sflag:$0x2] =	stream.strided.gather [hbm4b:s6+s15], $0x1000, s12, s15, $0x38;
	[tilespmem:$0x18600] =	vst v63  }
0x172: {  	s21 =	simm.s32 $0x9400;
	s19 =	spop (v2sf);
	s6 =	sadd.s32 s0, s13  }
0x173: {  	[tilespmem:s21], [sflag:$0x2] =	stream.strided.gather [hbm4b:s6+s15], $0x1000, s12, s15, $0x38;
	[tilespmem:$0x18600] =	vst v63  }
0x174: {  	s10 =	spop (v2sf);
	s21 =	sand.u32 $0xFFFFF80, s19  }
0x175: {  	s29 =	sand.u32 $0xFFFFF80, s10;
	s13 =	spop (v2sf);
	s6 =	sadd.s32 s1, s21  }
0x176: {  	[tilespmem:s9], [sflag:$0x2] =	stream.strided.gather [hbm4b:s6+s15], $0x1000, s12, s15, $0x38;
	[tilespmem:$0x18600] =	vst v63  }
0x177: {  	s8 =	sand.u32 $0xFFFFF80, s13;
	s6 =	sadd.s32 s0, s29  }
0x178: {  	[tilespmem:s7], [sflag:$0x2] =	stream.strided.gather [hbm4b:s6+s15], $0x1000, s12, s15, $0x38;
	[tilespmem:$0x18600] =	vst v63  }
0x179: {  	s6 =	sadd.s32 s1, s8  }
0x17a: {  	[tilespmem:s30], [sflag:$0x2] =	stream.strided.gather [hbm4b:s6+s15], $0x1000, s12, s15, $0x38;
	[tilespmem:$0x18600] =	vst v63  }
0x17b: {  	s6 =	spop (v2sf)  }
0x17c: {  	s9 =	sand.u32 $0xFFFFF80, s6;
	s8 =	spop (v2sf)  }
0x17d: {  	s29 =	sadd.s32 s0, s9;
	s21 =	sand.u32 $0xFFFFF80, s8  }
0x17e: {  	[tilespmem:s31], [sflag:$0x2] =	stream.strided.gather [hbm4b:s29+s15], $0x1000, s12, s15, $0x38;
	[tilespmem:$0x18600] =	vst v63  }
0x17f: {  	s5 =	simm.s32 $0xF400;
	s29 =	sadd.s32 s1, s21  }
0x180: {  	[tilespmem:s5], [sflag:$0x2] =	stream.strided.gather [hbm4b:s29+s15], $0x1000, s12, s15, $0x38;
	[tilespmem:$0x18600] =	vst v63  }
0x181: {  	_ =	swait.ge [sflag:s4], $0x1000  }
0x182: {  	[sflag:s4] =	ssyncset.done $0x0  }
0x183: {  	[sflag:s4] =	ssyncadd.s32 $0xFFFFF000  }
0x184: {  	_ =	swait.ge [sflag:s4], $0x1000  }
0x185: {  	[sflag:s4] =	ssyncset.done $0x0  }
0x186: {  	[sflag:s4] =	ssyncadd.s32 $0xFFFFF000  }
0x187: {  	_ =	swait.ge [sflag:s4], $0x1000  }
0x188: {  	[sflag:s4] =	ssyncset.done $0x0  }
0x189: {  	[sflag:s4] =	ssyncadd.s32 $0xFFFFF000  }
0x18a: {  	_ =	swait.ge [sflag:s4], $0x1000  }
0x18b: {  	[sflag:s4] =	ssyncset.done $0x0  }
0x18c: {  	[sflag:s4] =	ssyncadd.s32 $0xFFFFF000  }
0x18d: {  	_ =	swait.ge [sflag:s4], $0x1000  }
0x18e: {  	[sflag:s4] =	ssyncset.done $0x0  }
0x18f: {  	[sflag:s4] =	ssyncadd.s32 $0xFFFFF000  }
0x190: {  	_ =	swait.ge [sflag:s4], $0x1000  }
0x191: {  	[sflag:s4] =	ssyncset.done $0x0  }
0x192: {  	[sflag:s4] =	ssyncadd.s32 $0xFFFFF000  }
0x193: {  	s25 =	sand.u32 $0x7F, s25;
	_ =	swait.ge [sflag:s4], $0x1000  }
0x194: {  	s26 =	sand.u32 $0x7F, s26;
	v48 =	vor.u32 s25, v0;
	[sflag:s4] =	ssyncset.done $0x0  }
0x195: {  	v49 =	vor.u32 s26, v0;
	[sflag:s4] =	ssyncadd.s32 $0xFFFFF000  }
0x196: {  	_ =	swait.ge [sflag:s4], $0x1000  }
0x197: {  	[sflag:s4] =	ssyncset.done $0x0  }
0x198: {  	[sflag:s4] =	ssyncadd.s32 $0xFFFFF000  }
0x199: {  	s29 =	simm.s32 $0x4400;
	v42 =	vld.idx.msk [tilespmem:v48+s15+$0x0], $0xffff  }
0x19a: {  	v43 =	vld.idx.msk [tilespmem:v49+s29+$0x0], $0xffff  }
0x19b: {  	v50 =	vor.u32 s25, v2  }
0x19c: {  	v51 =	vor.u32 s26, v2;
	_ =	sdelay $0x1  }
0x19d: {  	[tilespmem:v10+s2+$0x0] =	vst.idx.msk $0xffff, v42  }
0x19e: {  	[tilespmem:v10+s14+$0x0] =	vst.idx.msk $0xffff, v43  }
0x19f: {  	v42 =	vld.idx.msk [tilespmem:v50+s15+$0x0], $0xffff  }
0x1a0: {  	s16 =	sand.u32 $0x7F, s16;
	v43 =	vld.idx.msk [tilespmem:v51+s29+$0x0], $0xffff  }
0x1a1: {  	s18 =	sand.u32 $0x7F, s18;
	v52 =	vor.u32 s16, v0  }
0x1a2: {  	v53 =	vor.u32 s18, v0;
	_ =	sdelay $0x1  }
0x1a3: {  	[tilespmem:v11+s2+$0x0] =	vst.idx.msk $0xffff, v42  }
0x1a4: {  	s30 =	simm.s32 $0x1400;
	[tilespmem:v11+s14+$0x0] =	vst.idx.msk $0xffff, v43  }
0x1a5: {  	s31 =	simm.s32 $0x5400;
	v42 =	vld.idx.msk [tilespmem:v52+s30+$0x0], $0xffff  }
0x1a6: {  	v43 =	vld.idx.msk [tilespmem:v53+s31+$0x0], $0xffff  }
0x1a7: {  	v54 =	vor.u32 s16, v2  }
0x1a8: {  	v55 =	vor.u32 s18, v2;
	_ =	sdelay $0x1  }
0x1a9: {  	[tilespmem:v12+s2+$0x0] =	vst.idx.msk $0xffff, v42  }
0x1aa: {  	[tilespmem:v12+s14+$0x0] =	vst.idx.msk $0xffff, v43  }
0x1ab: {  	v42 =	vld.idx.msk [tilespmem:v54+s30+$0x0], $0xffff  }
0x1ac: {  	s7 =	sand.u32 $0x7F, s22;
	v43 =	vld.idx.msk [tilespmem:v55+s31+$0x0], $0xffff  }
0x1ad: {  	s11 =	sand.u32 $0x7F, s11;
	v56 =	vor.u32 s7, v0  }
0x1ae: {  	v57 =	vor.u32 s11, v0;
	_ =	sdelay $0x1  }
0x1af: {  	[tilespmem:v13+s2+$0x0] =	vst.idx.msk $0xffff, v42  }
0x1b0: {  	s16 =	simm.s32 $0x2400;
	[tilespmem:v13+s14+$0x0] =	vst.idx.msk $0xffff, v43  }
0x1b1: {  	s18 =	simm.s32 $0x6400;
	v42 =	vld.idx.msk [tilespmem:v56+s16+$0x0], $0xffff  }
0x1b2: {  	v43 =	vld.idx.msk [tilespmem:v57+s18+$0x0], $0xffff  }
0x1b3: {  	v58 =	vor.u32 s7, v2  }
0x1b4: {  	v59 =	vor.u32 s11, v2;
	(v2sf) =	vpush v45, $0x8;
	_ =	sdelay $0x1  }
0x1b5: {  	[tilespmem:v14+s2+$0x0] =	vst.idx.msk $0xffff, v42  }
0x1b6: {  	[tilespmem:v14+s14+$0x0] =	vst.idx.msk $0xffff, v43  }
0x1b7: {  	v42 =	vld.idx.msk [tilespmem:v58+s16+$0x0], $0xffff  }
0x1b8: {  	s22 =	sand.u32 $0x7F, s23;
	v43 =	vld.idx.msk [tilespmem:v59+s18+$0x0], $0xffff  }
0x1b9: {  	s23 =	sand.u32 $0x7F, s20;
	v60 =	vor.u32 s22, v0;
	(v2sf) =	vpush v44, $0x8  }
0x1ba: {  	v61 =	vor.u32 s23, v0;
	(v2sf) =	vpush v45, $0x9;
	_ =	sdelay $0x1  }
0x1bb: {  	[tilespmem:v15+s2+$0x0] =	vst.idx.msk $0xffff, v42  }
0x1bc: {  	s25 =	simm.s32 $0x3400;
	[tilespmem:v15+s14+$0x0] =	vst.idx.msk $0xffff, v43  }
0x1bd: {  	s26 =	simm.s32 $0x7400;
	(v2sf) =	vpush v44, $0x9;
	v42 =	vld.idx.msk [tilespmem:v60+s25+$0x0], $0xffff  }
0x1be: {  	v43 =	vld.idx.msk [tilespmem:v61+s26+$0x0], $0xffff  }
0x1bf: {  	v62 =	vor.u32 s22, v2;
	(v2sf) =	vpush v45, $0xA  }
0x1c0: {  	v63 =	vor.u32 s23, v2  }
0x1c1: {  	s25 =	spop (v2sf);
	(v2sf) =	vpush v44, $0xA  }
0x1c2: {  	[tilespmem:v16+s2+$0x0] =	vst.idx.msk $0xffff, v42  }
0x1c3: {  	s9 =	simm.s32 $0x3400;
	[tilespmem:v16+s14+$0x0] =	vst.idx.msk $0xffff, v43  }
0x1c4: {  	s11 =	simm.s32 $0x7400;
	v42 =	vld.idx.msk [tilespmem:v62+s9+$0x0], $0xffff  }
0x1c5: {  	v43 =	vld.idx.msk [tilespmem:v63+s11+$0x0], $0xffff;
	_ =	sdelay $0x1  }
0x1c6: {  	s16 =	sand.u32 $0xFFFFF80, s25;
	s26 =	spop (v2sf);
	(v2sf) =	vpush v45, $0xB  }
0x1c7: {  	s5 =	sadd.s32 s0, s16;
	s16 =	spop (v2sf);
	(v2sf) =	vpush v44, $0xB  }
0x1c8: {  	s20 =	simm.s32 $0x4400;
	[tilespmem:v17+s2+$0x0] =	vst.idx.msk $0xffff, v42  }
0x1c9: {  	s21 =	simm.s32 $0x1400;
	s31 =	simm.s32 $0x5400;
	s18 =	sand.u32 $0xFFFFF80, s26;
	[tilespmem:v17+s14+$0x0] =	vst.idx.msk $0xffff, v43  }
0x1ca: {  	[tilespmem:s15], [sflag:$0x1] =	stream.strided.gather [hbm4b:s5+s15], $0x1000, s12, s15, $0x38;
	[tilespmem:$0x18600] =	vst v63  }
0x1cb: {  	s22 =	sand.u32 $0xFFFFF80, s16;
	s5 =	sadd.s32 s1, s18;
	s18 =	spop (v2sf)  }
0x1cc: {  	[tilespmem:s20], [sflag:$0x1] =	stream.strided.gather [hbm4b:s5+s15], $0x1000, s12, s15, $0x38;
	[tilespmem:$0x18600] =	vst v63  }
0x1cd: {  	s23 =	sand.u32 $0xFFFFF80, s18;
	s9 =	spop (v2sf);
	s5 =	sadd.s32 s0, s22  }
0x1ce: {  	[tilespmem:s21], [sflag:$0x1] =	stream.strided.gather [hbm4b:s5+s15], $0x1000, s12, s15, $0x38;
	[tilespmem:$0x18600] =	vst v63  }
0x1cf: {  	s7 =	sand.u32 $0xFFFFF80, s9;
	s11 =	spop (v2sf);
	s5 =	sadd.s32 s1, s23  }
0x1d0: {  	[tilespmem:s31], [sflag:$0x1] =	stream.strided.gather [hbm4b:s5+s15], $0x1000, s12, s15, $0x38;
	[tilespmem:$0x18600] =	vst v63  }
0x1d1: {  	s29 =	simm.s32 $0x2400;
	s20 =	sand.u32 $0xFFFFF80, s11;
	s5 =	sadd.s32 s0, s7  }
0x1d2: {  	[tilespmem:s29], [sflag:$0x1] =	stream.strided.gather [hbm4b:s5+s15], $0x1000, s12, s15, $0x38;
	[tilespmem:$0x18600] =	vst v63  }
0x1d3: {  	s30 =	simm.s32 $0x6400;
	s5 =	sadd.s32 s1, s20  }
0x1d4: {  	[tilespmem:s30], [sflag:$0x1] =	stream.strided.gather [hbm4b:s5+s15], $0x1000, s12, s15, $0x38;
	[tilespmem:$0x18600] =	vst v63  }
0x1d5: {  	s5 =	spop (v2sf)  }
0x1d6: {  	s21 =	sand.u32 $0xFFFFF80, s5;
	s7 =	spop (v2sf)  }
0x1d7: {  	s22 =	simm.s32 $0x3400;
	s29 =	sadd.s32 s0, s21;
	s23 =	sand.u32 $0xFFFFF80, s7  }
0x1d8: {  	[tilespmem:s22], [sflag:$0x1] =	stream.strided.gather [hbm4b:s29+s15], $0x1000, s12, s15, $0x38;
	[tilespmem:$0x18600] =	vst v63  }
0x1d9: {  	s21 =	simm.s32 $0x7400;
	s29 =	sadd.s32 s1, s23  }
0x1da: {  	[tilespmem:s21], [sflag:$0x1] =	stream.strided.gather [hbm4b:s29+s15], $0x1000, s12, s15, $0x38;
	[tilespmem:$0x18600] =	vst v63  }
0x1db: {  	_ =	swait.ge [sflag:s3], $0x1000  }
0x1dc: {  	[sflag:s3] =	ssyncset.done $0x0  }
0x1dd: {  	[sflag:s3] =	ssyncadd.s32 $0xFFFFF000  }
0x1de: {  	_ =	swait.ge [sflag:s3], $0x1000  }
0x1df: {  	[sflag:s3] =	ssyncset.done $0x0  }
0x1e0: {  	[sflag:s3] =	ssyncadd.s32 $0xFFFFF000  }
0x1e1: {  	_ =	swait.ge [sflag:s3], $0x1000  }
0x1e2: {  	[sflag:s3] =	ssyncset.done $0x0  }
0x1e3: {  	[sflag:s3] =	ssyncadd.s32 $0xFFFFF000  }
0x1e4: {  	_ =	swait.ge [sflag:s3], $0x1000  }
0x1e5: {  	[sflag:s3] =	ssyncset.done $0x0  }
0x1e6: {  	[sflag:s3] =	ssyncadd.s32 $0xFFFFF000  }
0x1e7: {  	_ =	swait.ge [sflag:s3], $0x1000  }
0x1e8: {  	[sflag:s3] =	ssyncset.done $0x0  }
0x1e9: {  	[sflag:s3] =	ssyncadd.s32 $0xFFFFF000  }
0x1ea: {  	_ =	swait.ge [sflag:s3], $0x1000  }
0x1eb: {  	[sflag:s3] =	ssyncset.done $0x0  }
0x1ec: {  	[sflag:s3] =	ssyncadd.s32 $0xFFFFF000  }
0x1ed: {  	s24 =	sand.u32 $0x7F, s24;
	_ =	swait.ge [sflag:s3], $0x1000  }
0x1ee: {  	s28 =	sand.u32 $0x7F, s28;
	v48 =	vor.u32 s24, v0;
	[sflag:s3] =	ssyncset.done $0x0  }
0x1ef: {  	v49 =	vor.u32 s28, v0;
	[sflag:s3] =	ssyncadd.s32 $0xFFFFF000  }
0x1f0: {  	_ =	swait.ge [sflag:s3], $0x1000  }
0x1f1: {  	[sflag:s3] =	ssyncset.done $0x0  }
0x1f2: {  	s30 =	simm.s32 $0x8400;
	[sflag:s3] =	ssyncadd.s32 $0xFFFFF000  }
0x1f3: {  	s31 =	simm.s32 $0xC400;
	v42 =	vld.idx.msk [tilespmem:v48+s30+$0x0], $0xffff  }
0x1f4: {  	v43 =	vld.idx.msk [tilespmem:v49+s31+$0x0], $0xffff  }
0x1f5: {  	v50 =	vor.u32 s24, v2  }
0x1f6: {  	v51 =	vor.u32 s28, v2;
	_ =	sdelay $0x1  }
0x1f7: {  	[tilespmem:v18+s2+$0x0] =	vst.idx.msk $0xffff, v42  }
0x1f8: {  	[tilespmem:v18+s14+$0x0] =	vst.idx.msk $0xffff, v43  }
0x1f9: {  	v42 =	vld.idx.msk [tilespmem:v50+s30+$0x0], $0xffff  }
0x1fa: {  	s17 =	sand.u32 $0x7F, s17;
	v43 =	vld.idx.msk [tilespmem:v51+s31+$0x0], $0xffff  }
0x1fb: {  	s19 =	sand.u32 $0x7F, s19;
	v52 =	vor.u32 s17, v0  }
0x1fc: {  	v53 =	vor.u32 s19, v0;
	_ =	sdelay $0x1  }
0x1fd: {  	[tilespmem:v19+s2+$0x0] =	vst.idx.msk $0xffff, v42  }
0x1fe: {  	s28 =	simm.s32 $0x9400;
	[tilespmem:v19+s14+$0x0] =	vst.idx.msk $0xffff, v43  }
0x1ff: {  	s29 =	simm.s32 $0xD400;
	v42 =	vld.idx.msk [tilespmem:v52+s28+$0x0], $0xffff  }
0x200: {  	v43 =	vld.idx.msk [tilespmem:v53+s29+$0x0], $0xffff  }
0x201: {  	v54 =	vor.u32 s17, v2  }
0x202: {  	v55 =	vor.u32 s19, v2;
	_ =	sdelay $0x1  }
0x203: {  	[tilespmem:v20+s2+$0x0] =	vst.idx.msk $0xffff, v42  }
0x204: {  	[tilespmem:v20+s14+$0x0] =	vst.idx.msk $0xffff, v43  }
0x205: {  	v42 =	vld.idx.msk [tilespmem:v54+s28+$0x0], $0xffff  }
0x206: {  	s10 =	sand.u32 $0x7F, s10;
	v43 =	vld.idx.msk [tilespmem:v55+s29+$0x0], $0xffff  }
0x207: {  	s13 =	sand.u32 $0x7F, s13;
	v56 =	vor.u32 s10, v0  }
0x208: {  	v57 =	vor.u32 s13, v0;
	_ =	sdelay $0x1  }
0x209: {  	[tilespmem:v21+s2+$0x0] =	vst.idx.msk $0xffff, v42  }
0x20a: {  	s30 =	simm.s32 $0xA400;
	[tilespmem:v21+s14+$0x0] =	vst.idx.msk $0xffff, v43  }
0x20b: {  	s31 =	simm.s32 $0xE400;
	v42 =	vld.idx.msk [tilespmem:v56+s30+$0x0], $0xffff  }
0x20c: {  	v43 =	vld.idx.msk [tilespmem:v57+s31+$0x0], $0xffff  }
0x20d: {  	v58 =	vor.u32 s10, v2  }
0x20e: {  	v59 =	vor.u32 s13, v2;
	_ =	sdelay $0x1  }
0x20f: {  	[tilespmem:v22+s2+$0x0] =	vst.idx.msk $0xffff, v42  }
0x210: {  	(v2sf) =	vpush v45, $0xC;
	[tilespmem:v22+s14+$0x0] =	vst.idx.msk $0xffff, v43  }
0x211: {  	v42 =	vld.idx.msk [tilespmem:v58+s30+$0x0], $0xffff  }
0x212: {  	s6 =	sand.u32 $0x7F, s6;
	v43 =	vld.idx.msk [tilespmem:v59+s31+$0x0], $0xffff  }
0x213: {  	s8 =	sand.u32 $0x7F, s8;
	v60 =	vor.u32 s6, v0;
	(v2sf) =	vpush v44, $0xC  }
0x214: {  	v61 =	vor.u32 s8, v0;
	_ =	sdelay $0x1  }
0x215: {  	[tilespmem:v23+s2+$0x0] =	vst.idx.msk $0xffff, v42  }
0x216: {  	s29 =	simm.s32 $0xB400;
	[tilespmem:v23+s14+$0x0] =	vst.idx.msk $0xffff, v43  }
0x217: {  	(v2sf) =	vpush v45, $0xD;
	s30 =	simm.s32 $0xF400;
	v42 =	vld.idx.msk [tilespmem:v60+s29+$0x0], $0xffff  }
0x218: {  	v43 =	vld.idx.msk [tilespmem:v61+s30+$0x0], $0xffff  }
0x219: {  	v62 =	vor.u32 s6, v2  }
0x21a: {  	v63 =	vor.u32 s8, v2  }
0x21b: {  	(v2sf) =	vpush v44, $0xD  }
0x21c: {  	[tilespmem:v24+s2+$0x0] =	vst.idx.msk $0xffff, v42  }
0x21d: {  	[tilespmem:v24+s14+$0x0] =	vst.idx.msk $0xffff, v43  }
0x21e: {  	s31 =	spop (v2sf);
	(v2sf) =	vpush v45, $0xE;
	v42 =	vld.idx.msk [tilespmem:v62+s29+$0x0], $0xffff  }
0x21f: {  	v43 =	vld.idx.msk [tilespmem:v63+s30+$0x0], $0xffff;
	_ =	sdelay $0x1  }
0x220: {  	s10 =	spop (v2sf);
	(v2sf) =	vpush v44, $0xE;
	_ =	sdelay $0x1  }
0x221: {  	s6 =	sand.u32 $0xFFFFF80, s31;
	[tilespmem:v25+s2+$0x0] =	vst.idx.msk $0xffff, v42  }
0x222: {  	s23 =	simm.s32 $0x8400;
	s6 =	sadd.s32 s0, s6;
	[tilespmem:v25+s14+$0x0] =	vst.idx.msk $0xffff, v43  }
0x223: {  	[tilespmem:s23], [sflag:$0x2] =	stream.strided.gather [hbm4b:s6+s15], $0x1000, s12, s15, $0x38;
	[tilespmem:$0x18600] =	vst v63  }
0x224: {  	s6 =	sand.u32 $0xFFFFF80, s10;
	s23 =	spop (v2sf);
	(v2sf) =	vpush v45, $0xF  }
0x225: {  	s22 =	simm.s32 $0xC400;
	s6 =	sadd.s32 s1, s6  }
0x226: {  	[tilespmem:s22], [sflag:$0x2] =	stream.strided.gather [hbm4b:s6+s15], $0x1000, s12, s15, $0x38;
	[tilespmem:$0x18600] =	vst v63  }
0x227: {  	s6 =	sand.u32 $0xFFFFF80, s23  }
0x228: {  	s17 =	simm.s32 $0x9400;
	s29 =	spop (v2sf);
	(v2sf) =	vpush v44, $0xF;
	s6 =	sadd.s32 s0, s6  }
0x229: {  	[tilespmem:s17], [sflag:$0x2] =	stream.strided.gather [hbm4b:s6+s15], $0x1000, s12, s15, $0x38;
	[tilespmem:$0x18600] =	vst v63  }
0x22a: {  	s6 =	sand.u32 $0xFFFFF80, s29  }
0x22b: {  	s24 =	simm.s32 $0xD400;
	s30 =	spop (v2sf);
	s6 =	sadd.s32 s1, s6  }
0x22c: {  	[tilespmem:s24], [sflag:$0x2] =	stream.strided.gather [hbm4b:s6+s15], $0x1000, s12, s15, $0x38;
	[tilespmem:$0x18600] =	vst v63  }
0x22d: {  	s6 =	sand.u32 $0xFFFFF80, s30  }
0x22e: {  	s28 =	simm.s32 $0xA400;
	s31 =	spop (v2sf);
	s6 =	sadd.s32 s0, s6  }
0x22f: {  	[tilespmem:s28], [sflag:$0x2] =	stream.strided.gather [hbm4b:s6+s15], $0x1000, s12, s15, $0x38;
	[tilespmem:$0x18600] =	vst v63  }
0x230: {  	s6 =	sand.u32 $0xFFFFF80, s31  }
0x231: {  	s19 =	simm.s32 $0xE400;
	s6 =	sadd.s32 s1, s6  }
0x232: {  	[tilespmem:s19], [sflag:$0x2] =	stream.strided.gather [hbm4b:s6+s15], $0x1000, s12, s15, $0x38;
	[tilespmem:$0x18600] =	vst v63  }
0x233: {  	s10 =	spop (v2sf)  }
0x234: {  	s6 =	sand.u32 $0xFFFFF80, s10  }
0x235: {  	s13 =	simm.s32 $0xB400;
	s6 =	sadd.s32 s0, s6  }
0x236: {  	[tilespmem:s13], [sflag:$0x2] =	stream.strided.gather [hbm4b:s6+s15], $0x1000, s12, s15, $0x38;
	[tilespmem:$0x18600] =	vst v63  }
0x237: {  	s13 =	spop (v2sf)  }
0x238: {  	s6 =	sand.u32 $0xFFFFF80, s13  }
0x239: {  	s8 =	simm.s32 $0xF400;
	s6 =	sadd.s32 s1, s6  }
0x23a: {  	[tilespmem:s8], [sflag:$0x2] =	stream.strided.gather [hbm4b:s6+s15], $0x1000, s12, s15, $0x38;
	[tilespmem:$0x18600] =	vst v63  }
0x23b: {  	_ =	swait.ge [sflag:s4], $0x1000  }
0x23c: {  	[sflag:s4] =	ssyncset.done $0x0  }
0x23d: {  	[sflag:s4] =	ssyncadd.s32 $0xFFFFF000  }
0x23e: {  	_ =	swait.ge [sflag:s4], $0x1000  }
0x23f: {  	[sflag:s4] =	ssyncset.done $0x0  }
0x240: {  	[sflag:s4] =	ssyncadd.s32 $0xFFFFF000  }
0x241: {  	_ =	swait.ge [sflag:s4], $0x1000  }
0x242: {  	[sflag:s4] =	ssyncset.done $0x0  }
0x243: {  	[sflag:s4] =	ssyncadd.s32 $0xFFFFF000  }
0x244: {  	_ =	swait.ge [sflag:s4], $0x1000  }
0x245: {  	[sflag:s4] =	ssyncset.done $0x0  }
0x246: {  	[sflag:s4] =	ssyncadd.s32 $0xFFFFF000  }
0x247: {  	_ =	swait.ge [sflag:s4], $0x1000  }
0x248: {  	[sflag:s4] =	ssyncset.done $0x0  }
0x249: {  	[sflag:s4] =	ssyncadd.s32 $0xFFFFF000  }
0x24a: {  	_ =	swait.ge [sflag:s4], $0x1000  }
0x24b: {  	[sflag:s4] =	ssyncset.done $0x0  }
0x24c: {  	[sflag:s4] =	ssyncadd.s32 $0xFFFFF000  }
0x24d: {  	s17 =	sand.u32 $0x7F, s25;
	_ =	swait.ge [sflag:s4], $0x1000  }
0x24e: {  	v48 =	vor.u32 s17, v0;
	s19 =	sand.u32 $0x7F, s26;
	[sflag:s4] =	ssyncset.done $0x0  }
0x24f: {  	v49 =	vor.u32 s19, v0;
	[sflag:s4] =	ssyncadd.s32 $0xFFFFF000  }
0x250: {  	_ =	swait.ge [sflag:s4], $0x1000  }
0x251: {  	[sflag:s4] =	ssyncset.done $0x0  }
0x252: {  	[sflag:s4] =	ssyncadd.s32 $0xFFFFF000  }
0x253: {  	s25 =	simm.s32 $0x4400;
	v42 =	vld.idx.msk [tilespmem:v48+s15+$0x0], $0xffff  }
0x254: {  	v43 =	vld.idx.msk [tilespmem:v49+s25+$0x0], $0xffff  }
0x255: {  	v50 =	vor.u32 s17, v2  }
0x256: {  	v51 =	vor.u32 s19, v2;
	_ =	sdelay $0x1  }
0x257: {  	[tilespmem:v26+s2+$0x0] =	vst.idx.msk $0xffff, v42  }
0x258: {  	[tilespmem:v26+s14+$0x0] =	vst.idx.msk $0xffff, v43  }
0x259: {  	v42 =	vld.idx.msk [tilespmem:v50+s15+$0x0], $0xffff  }
0x25a: {  	s26 =	sand.u32 $0x7F, s16;
	v43 =	vld.idx.msk [tilespmem:v51+s25+$0x0], $0xffff  }
0x25b: {  	s28 =	sand.u32 $0x7F, s18;
	v52 =	vor.u32 s26, v0  }
0x25c: {  	v53 =	vor.u32 s28, v0;
	_ =	sdelay $0x1  }
0x25d: {  	[tilespmem:v27+s2+$0x0] =	vst.idx.msk $0xffff, v42  }
0x25e: {  	s20 =	simm.s32 $0x1400;
	[tilespmem:v27+s14+$0x0] =	vst.idx.msk $0xffff, v43  }
0x25f: {  	s23 =	simm.s32 $0x5400;
	v42 =	vld.idx.msk [tilespmem:v52+s20+$0x0], $0xffff  }
0x260: {  	v43 =	vld.idx.msk [tilespmem:v53+s23+$0x0], $0xffff  }
0x261: {  	v54 =	vor.u32 s26, v2  }
0x262: {  	v55 =	vor.u32 s28, v2;
	_ =	sdelay $0x1  }
0x263: {  	[tilespmem:v28+s2+$0x0] =	vst.idx.msk $0xffff, v42  }
0x264: {  	[tilespmem:v28+s14+$0x0] =	vst.idx.msk $0xffff, v43  }
0x265: {  	v42 =	vld.idx.msk [tilespmem:v54+s20+$0x0], $0xffff  }
0x266: {  	s29 =	sand.u32 $0x7F, s9;
	v43 =	vld.idx.msk [tilespmem:v55+s23+$0x0], $0xffff  }
0x267: {  	v56 =	vor.u32 s29, v0;
	s30 =	sand.u32 $0x7F, s11  }
0x268: {  	v57 =	vor.u32 s30, v0;
	_ =	sdelay $0x1  }
0x269: {  	[tilespmem:v29+s2+$0x0] =	vst.idx.msk $0xffff, v42  }
0x26a: {  	s11 =	simm.s32 $0x2400;
	[tilespmem:v29+s14+$0x0] =	vst.idx.msk $0xffff, v43  }
0x26b: {  	s22 =	simm.s32 $0x6400;
	v42 =	vld.idx.msk [tilespmem:v56+s11+$0x0], $0xffff  }
0x26c: {  	v43 =	vld.idx.msk [tilespmem:v57+s22+$0x0], $0xffff  }
0x26d: {  	v58 =	vor.u32 s29, v2  }
0x26e: {  	v59 =	vor.u32 s30, v2;
	_ =	sdelay $0x1  }
0x26f: {  	[tilespmem:v30+s2+$0x0] =	vst.idx.msk $0xffff, v42  }
0x270: {  	[tilespmem:v30+s14+$0x0] =	vst.idx.msk $0xffff, v43  }
0x271: {  	v42 =	vld.idx.msk [tilespmem:v58+s11+$0x0], $0xffff  }
0x272: {  	s5 =	sand.u32 $0x7F, s5;
	v43 =	vld.idx.msk [tilespmem:v59+s22+$0x0], $0xffff  }
0x273: {  	v60 =	vor.u32 s5, v0;
	s31 =	sand.u32 $0x7F, s7  }
0x274: {  	v61 =	vor.u32 s31, v0;
	_ =	sdelay $0x1  }
0x275: {  	[tilespmem:v31+s2+$0x0] =	vst.idx.msk $0xffff, v42  }
0x276: {  	s24 =	simm.s32 $0x3400;
	[tilespmem:v31+s14+$0x0] =	vst.idx.msk $0xffff, v43  }
0x277: {  	v42 =	vld.idx.msk [tilespmem:v60+s24+$0x0], $0xffff  }
0x278: {  	v43 =	vld.idx.msk [tilespmem:v61+s21+$0x0], $0xffff  }
0x279: {  	v62 =	vor.u32 s5, v2  }
0x27a: {  	v63 =	vor.u32 s31, v2;
	_ =	sdelay $0x1  }
0x27b: {  	[tilespmem:v32+s2+$0x0] =	vst.idx.msk $0xffff, v42  }
0x27c: {  	[tilespmem:v32+s14+$0x0] =	vst.idx.msk $0xffff, v43  }
0x27d: {  	v42 =	vld.idx.msk [tilespmem:v62+s24+$0x0], $0xffff  }
0x27e: {  	v43 =	vld.idx.msk [tilespmem:v63+s21+$0x0], $0xffff;
	_ =	sdelay $0x3  }
0x27f: {  	[tilespmem:v33+s2+$0x0] =	vst.idx.msk $0xffff, v42  }
0x280: {  	s5 =	simm.s32 $0x10;
	s8 =	simm.s32 $0x1B;
	s6 =	simm.s32 $0x210;
	[tilespmem:v33+s14+$0x0] =	vst.idx.msk $0xffff, v43  }
.LBB2_2:
0x281: {  	v42 =	vld [tilespmem:s5+$0x0];
	_ =	sdelay $0x1  }
0x282: {  	v43 =	vld [tilespmem:s6+$0x0];
	_ =	sdelay $0x2  }
0x283: {  	(v2sf) =	vpush v42, $0x0;
	_ =	sdelay $0x1  }
0x284: {  	(v2sf) =	vpush v43, $0x0;
	_ =	sdelay $0x1  }
0x285: {  	(v2sf) =	vpush v42, $0x1;
	_ =	sdelay $0x2  }
0x286: {  	(v2sf) =	vpush v43, $0x1;
	_ =	sdelay $0x1  }
0x287: {  	(v2sf) =	vpush v42, $0x2;
	_ =	sdelay $0x5  }
0x288: {  	s16 =	spop (v2sf);
	(v2sf) =	vpush v43, $0x2;
	_ =	sdelay $0x1  }
0x289: {  	[dreg:$0xf] =	wrdreg s6;
	s30 =	spop (v2sf);
	(v2sf) =	vpush v42, $0x3  }
0x28a: {  	[dreg:$0xe] =	wrdreg s5  }
0x28b: {  	s1 =	rddreg [dreg:$0x2];
	s6 =	sand.u32 $0xFFFFF80, s16;
	s25 =	spop (v2sf);
	(v2sf) =	vpush v43, $0x3  }
0x28c: {  	s9 =	simm.s32 $0x4400;
	s5 =	sadd.s32 s0, s6;
	s7 =	sand.u32 $0xFFFFF80, s30  }
0x28d: {  	[tilespmem:s15], [sflag:$0x1] =	stream.strided.gather [hbm4b:s5+s15], $0x1000, s12, s15, $0x38;
	[tilespmem:$0x18600] =	vst v63  }
0x28e: {  	s5 =	sadd.s32 s1, s7;
	s10 =	sand.u32 $0xFFFFF80, s25;
	s26 =	spop (v2sf)  }
0x28f: {  	[tilespmem:s9], [sflag:$0x1] =	stream.strided.gather [hbm4b:s5+s15], $0x1000, s12, s15, $0x38;
	[tilespmem:$0x18600] =	vst v63  }
0x290: {  	s13 =	sand.u32 $0xFFFFF80, s26;
	s6 =	spop (v2sf);
	s5 =	sadd.s32 s0, s10  }
0x291: {  	[tilespmem:s20], [sflag:$0x1] =	stream.strided.gather [hbm4b:s5+s15], $0x1000, s12, s15, $0x38;
	[tilespmem:$0x18600] =	vst v63  }
0x292: {  	s17 =	sand.u32 $0xFFFFF80, s6;
	s5 =	sadd.s32 s1, s13  }
0x293: {  	[tilespmem:s23], [sflag:$0x1] =	stream.strided.gather [hbm4b:s5+s15], $0x1000, s12, s15, $0x38;
	[tilespmem:$0x18600] =	vst v63  }
0x294: {  	s5 =	sadd.s32 s0, s17  }
0x295: {  	[tilespmem:s11], [sflag:$0x1] =	stream.strided.gather [hbm4b:s5+s15], $0x1000, s12, s15, $0x38;
	[tilespmem:$0x18600] =	vst v63  }
0x296: {  	s13 =	spop (v2sf)  }
0x297: {  	s18 =	sand.u32 $0xFFFFF80, s13  }
0x298: {  	s11 =	spop (v2sf);
	s5 =	sadd.s32 s1, s18  }
0x299: {  	[tilespmem:s22], [sflag:$0x1] =	stream.strided.gather [hbm4b:s5+s15], $0x1000, s12, s15, $0x38;
	[tilespmem:$0x18600] =	vst v63  }
0x29a: {  	s7 =	sand.u32 $0xFFFFF80, s11;
	s5 =	spop (v2sf)  }
0x29b: {  	s21 =	simm.s32 $0x3400;
	s7 =	sadd.s32 s0, s7;
	s19 =	sand.u32 $0xFFFFF80, s5  }
0x29c: {  	[tilespmem:s21], [sflag:$0x1] =	stream.strided.gather [hbm4b:s7+s15], $0x1000, s12, s15, $0x38;
	[tilespmem:$0x18600] =	vst v63  }
0x29d: {  	s17 =	simm.s32 $0x7400;
	s7 =	sadd.s32 s1, s19  }
0x29e: {  	[tilespmem:s17], [sflag:$0x1] =	stream.strided.gather [hbm4b:s7+s15], $0x1000, s12, s15, $0x38;
	[tilespmem:$0x18600] =	vst v63  }
0x29f: {  	_ =	swait.ge [sflag:s3], $0x1000  }
0x2a0: {  	[sflag:s3] =	ssyncset.done $0x0  }
0x2a1: {  	[sflag:s3] =	ssyncadd.s32 $0xFFFFF000  }
0x2a2: {  	_ =	swait.ge [sflag:s3], $0x1000  }
0x2a3: {  	[sflag:s3] =	ssyncset.done $0x0  }
0x2a4: {  	[sflag:s3] =	ssyncadd.s32 $0xFFFFF000  }
0x2a5: {  	_ =	swait.ge [sflag:s3], $0x1000  }
0x2a6: {  	[sflag:s3] =	ssyncset.done $0x0  }
0x2a7: {  	[sflag:s3] =	ssyncadd.s32 $0xFFFFF000  }
0x2a8: {  	_ =	swait.ge [sflag:s3], $0x1000  }
0x2a9: {  	[sflag:s3] =	ssyncset.done $0x0  }
0x2aa: {  	[sflag:s3] =	ssyncadd.s32 $0xFFFFF000  }
0x2ab: {  	_ =	swait.ge [sflag:s3], $0x1000  }
0x2ac: {  	[sflag:s3] =	ssyncset.done $0x0  }
0x2ad: {  	[sflag:s3] =	ssyncadd.s32 $0xFFFFF000  }
0x2ae: {  	_ =	swait.ge [sflag:s3], $0x1000  }
0x2af: {  	[sflag:s3] =	ssyncset.done $0x0  }
0x2b0: {  	[sflag:s3] =	ssyncadd.s32 $0xFFFFF000  }
0x2b1: {  	_ =	swait.ge [sflag:s3], $0x1000  }
0x2b2: {  	[sflag:s3] =	ssyncset.done $0x0  }
0x2b3: {  	[sflag:s3] =	ssyncadd.s32 $0xFFFFF000  }
0x2b4: {  	_ =	swait.ge [sflag:s3], $0x1000  }
0x2b5: {  	(v2sf) =	vpush v45, $0xC  }
0x2b6: {  	(v2sf) =	vpush v44, $0xC;
	_ =	sdelay $0xc  }
0x2b7: {  	(v2sf) =	vpush v45, $0xD  }
0x2b8: {  	s20 =	spop (v2sf);
	(v2sf) =	vpush v44, $0xD  }
0x2b9: {  	s7 =	sand.u32 $0x7F, s20;
	s22 =	spop (v2sf)  }
0x2ba: {  	s18 =	sadd.s32 $0xFFFFFFF1, s8;
	s17 =	sand.u32 $0x7F, s22;
	v46 =	vor.u32 s7, v0  }
0x2bb: {  	v47 =	vmov s18;
	v48 =	vor.u32 s17, v0  }
0x2bc: {  	v49 =	vshll.u32 v47, $0x3  }
0x2bd: {  	v47 =	vand.u32 $0x7C, v47;
	v49 =	vand.u32 $0xFFFFFC00, v49;
	[sflag:s3] =	ssyncset.done $0x0  }
0x2be: {  	s23 =	simm.s32 $0x8400;
	v47 =	vor.u32 v47, v49;
	[sflag:s3] =	ssyncadd.s32 $0xFFFFF000  }
0x2bf: {  	v49 =	vadd.s32 v10, v47;
	s20 =	simm.s32 $0xC400;
	v46 =	vld.idx.msk [tilespmem:v46+s23+$0x0], $0xffff  }
0x2c0: {  	v48 =	vld.idx.msk [tilespmem:v48+s20+$0x0], $0xffff  }
0x2c1: {  	v50 =	vor.u32 s7, v2  }
0x2c2: {  	v51 =	vor.u32 s17, v2;
	_ =	sdelay $0x1  }
0x2c3: {  	[tilespmem:v49+s2+$0x0] =	vst.idx.msk $0xffff, v46  }
0x2c4: {  	(v2sf) =	vpush v45, $0xE;
	[tilespmem:v49+s14+$0x0] =	vst.idx.msk $0xffff, v48  }
0x2c5: {  	v47 =	vadd.s32 v11, v47;
	s24 =	spop (v2sf);
	(v2sf) =	vpush v44, $0xE;
	v46 =	vld.idx.msk [tilespmem:v50+s23+$0x0], $0xffff  }
0x2c6: {  	s7 =	sand.u32 $0x7F, s24;
	v48 =	vld.idx.msk [tilespmem:v51+s20+$0x0], $0xffff;
	s3 =	spop (v2sf)  }
0x2c7: {  	s4 =	sadd.s32 $0xFFFFFFF2, s8;
	v61 =	vor.u32 s7, v0;
	s17 =	sand.u32 $0x7F, s3  }
0x2c8: {  	v62 =	vmov s4;
	v63 =	vor.u32 s17, v0  }
0x2c9: {  	v52 =	vshll.u32 v62, $0x3  }
0x2ca: {  	v56 =	vand.u32 $0x7D, v62;
	v57 =	vand.u32 $0xFFFFFC00, v52;
	[tilespmem:v47+s2+$0x0] =	vst.idx.msk $0xffff, v46  }
0x2cb: {  	s9 =	simm.s32 $0x9400;
	v46 =	vor.u32 v56, v57;
	[tilespmem:v47+s14+$0x0] =	vst.idx.msk $0xffff, v48  }
0x2cc: {  	s23 =	simm.s32 $0xD400;
	v58 =	vadd.s32 v10, v46;
	v47 =	vld.idx.msk [tilespmem:v61+s9+$0x0], $0xffff  }
0x2cd: {  	v59 =	vld.idx.msk [tilespmem:v63+s23+$0x0], $0xffff  }
0x2ce: {  	v60 =	vor.u32 s7, v2  }
0x2cf: {  	v61 =	vor.u32 s17, v2;
	_ =	sdelay $0x1  }
0x2d0: {  	[tilespmem:v58+s2+$0x0] =	vst.idx.msk $0xffff, v47  }
0x2d1: {  	(v2sf) =	vpush v45, $0xF;
	[tilespmem:v58+s14+$0x0] =	vst.idx.msk $0xffff, v59  }
0x2d2: {  	v46 =	vadd.s32 v11, v46;
	v62 =	vld.idx.msk [tilespmem:v60+s9+$0x0], $0xffff;
	s9 =	spop (v2sf);
	(v2sf) =	vpush v44, $0xF  }
0x2d3: {  	v63 =	vld.idx.msk [tilespmem:v61+s23+$0x0], $0xffff;
	s7 =	sand.u32 $0x7F, s9;
	s10 =	spop (v2sf)  }
0x2d4: {  	s12 =	sadd.s32 $0xFFFFFFF3, s8;
	s17 =	sand.u32 $0x7F, s10;
	v52 =	vor.u32 s7, v0  }
0x2d5: {  	v53 =	vmov s12;
	v54 =	vor.u32 s17, v0  }
0x2d6: {  	v55 =	vshll.u32 v53, $0x3  }
0x2d7: {  	v56 =	vand.u32 $0x7E, v53;
	v57 =	vand.u32 $0xFFFFFC00, v55;
	[tilespmem:v46+s2+$0x0] =	vst.idx.msk $0xffff, v62  }
0x2d8: {  	s18 =	simm.s32 $0xA400;
	v58 =	vor.u32 v56, v57;
	[tilespmem:v46+s14+$0x0] =	vst.idx.msk $0xffff, v63  }
0x2d9: {  	v60 =	vadd.s32 v10, v58;
	s10 =	simm.s32 $0xE400;
	v59 =	vld.idx.msk [tilespmem:v52+s18+$0x0], $0xffff  }
0x2da: {  	v61 =	vld.idx.msk [tilespmem:v54+s10+$0x0], $0xffff  }
0x2db: {  	v62 =	vor.u32 s7, v2  }
0x2dc: {  	v63 =	vor.u32 s17, v2;
	_ =	sdelay $0x1  }
0x2dd: {  	[tilespmem:v60+s2+$0x0] =	vst.idx.msk $0xffff, v59  }
0x2de: {  	[tilespmem:v60+s14+$0x0] =	vst.idx.msk $0xffff, v61  }
0x2df: {  	v44 =	vadd.s32 v11, v58;
	(v2sf) =	vpush v42, $0x4;
	s19 =	spop (v2sf);
	v45 =	vld.idx.msk [tilespmem:v62+s18+$0x0], $0xffff  }
0x2e0: {  	s7 =	sand.u32 $0x7F, s19;
	v46 =	vld.idx.msk [tilespmem:v63+s10+$0x0], $0xffff;
	s3 =	spop (v2sf)  }
0x2e1: {  	s4 =	sadd.s32 $0xFFFFFFF4, s8;
	v52 =	vor.u32 s7, v0;
	s17 =	sand.u32 $0x7F, s3  }
0x2e2: {  	v53 =	vmov s4;
	v54 =	vor.u32 s17, v0  }
0x2e3: {  	v55 =	vshll.u32 v53, $0x3;
	(v2sf) =	vpush v43, $0x4  }
0x2e4: {  	v56 =	vand.u32 $0x7F, v53;
	v57 =	vand.u32 $0xFFFFFC00, v55;
	[tilespmem:v44+s2+$0x0] =	vst.idx.msk $0xffff, v45  }
0x2e5: {  	v58 =	vor.u32 v56, v57;
	s19 =	simm.s32 $0xB400;
	[tilespmem:v44+s14+$0x0] =	vst.idx.msk $0xffff, v46  }
0x2e6: {  	s9 =	simm.s32 $0xF400;
	(v2sf) =	vpush v42, $0x5;
	v60 =	vadd.s32 v10, v58;
	v59 =	vld.idx.msk [tilespmem:v52+s19+$0x0], $0xffff  }
0x2e7: {  	v61 =	vld.idx.msk [tilespmem:v54+s9+$0x0], $0xffff  }
0x2e8: {  	(v2sf) =	vpush v43, $0x5;
	v62 =	vor.u32 s7, v2  }
0x2e9: {  	v63 =	vor.u32 s17, v2  }
0x2ea: {  	s14 =	simm.s32 $0x10400  }
0x2eb: {  	s12 =	simm.s32 $0x14400;
	(v2sf) =	vpush v42, $0x6;
	[tilespmem:v60+s14+$0x0] =	vst.idx.msk $0xffff, v59  }
0x2ec: {  	[tilespmem:v60+s12+$0x0] =	vst.idx.msk $0xffff, v61  }
0x2ed: {  	v44 =	vadd.s32 v11, v58;
	v45 =	vld.idx.msk [tilespmem:v62+s19+$0x0], $0xffff  }
0x2ee: {  	s18 =	spop (v2sf);
	(v2sf) =	vpush v43, $0x6;
	v46 =	vld.idx.msk [tilespmem:v63+s9+$0x0], $0xffff;
	_ =	sdelay $0x3  }
0x2ef: {  	s22 =	simm.s32 $0x8400;
	s17 =	sand.u32 $0xFFFFF80, s18;
	s19 =	spop (v2sf);
	[tilespmem:v44+s14+$0x0] =	vst.idx.msk $0xffff, v45  }
0x2f0: {  	s7 =	sadd.s32 s0, s17;
	s2 =	simm.s32 $0x7A1400;
	(v2sf) =	vpush v42, $0x7;
	s17 =	sand.u32 $0xFFFFF80, s19;
	[tilespmem:v44+s12+$0x0] =	vst.idx.msk $0xffff, v46  }
0x2f1: {  	[tilespmem:s22], [sflag:$0x2] =	stream.strided.gather [hbm4b:s7+s15], $0x1000, s2, s15, $0x38;
	[tilespmem:$0x18600] =	vst v63  }
0x2f2: {  	s7 =	sadd.s32 s1, s17;
	s17 =	spop (v2sf)  }
0x2f3: {  	[tilespmem:s20], [sflag:$0x2] =	stream.strided.gather [hbm4b:s7+s15], $0x1000, s2, s15, $0x38;
	[tilespmem:$0x18600] =	vst v63  }
0x2f4: {  	(v2sf) =	vpush v43, $0x7;
	s31 =	spop (v2sf);
	s20 =	sand.u32 $0xFFFFF80, s17  }
0x2f5: {  	s28 =	simm.s32 $0x9400;
	s22 =	sand.u32 $0xFFFFF80, s31;
	s7 =	sadd.s32 s0, s20  }
0x2f6: {  	[tilespmem:s28], [sflag:$0x2] =	stream.strided.gather [hbm4b:s7+s15], $0x1000, s2, s15, $0x38;
	[tilespmem:$0x18600] =	vst v63  }
0x2f7: {  	s7 =	sadd.s32 s1, s22;
	s28 =	spop (v2sf)  }
0x2f8: {  	[tilespmem:s23], [sflag:$0x2] =	stream.strided.gather [hbm4b:s7+s15], $0x1000, s2, s15, $0x38;
	[tilespmem:$0x18600] =	vst v63  }
0x2f9: {  	s23 =	sand.u32 $0xFFFFF80, s28  }
0x2fa: {  	s24 =	simm.s32 $0xA400;
	s29 =	spop (v2sf);
	s7 =	sadd.s32 s0, s23  }
0x2fb: {  	[tilespmem:s24], [sflag:$0x2] =	stream.strided.gather [hbm4b:s7+s15], $0x1000, s2, s15, $0x38;
	[tilespmem:$0x18600] =	vst v63  }
0x2fc: {  	s24 =	sand.u32 $0xFFFFF80, s29  }
0x2fd: {  	s10 =	simm.s32 $0xE400;
	s7 =	sadd.s32 s1, s24  }
0x2fe: {  	[tilespmem:s10], [sflag:$0x2] =	stream.strided.gather [hbm4b:s7+s15], $0x1000, s2, s15, $0x38;
	[tilespmem:$0x18600] =	vst v63  }
0x2ff: {  	s7 =	spop (v2sf)  }
0x300: {  	s10 =	sand.u32 $0xFFFFF80, s7  }
0x301: {  	s4 =	simm.s32 $0xB400;
	s20 =	sadd.s32 s0, s10  }
0x302: {  	[tilespmem:s4], [sflag:$0x2] =	stream.strided.gather [hbm4b:s20+s15], $0x1000, s2, s15, $0x38;
	[tilespmem:$0x18600] =	vst v63  }
0x303: {  	s24 =	spop (v2sf)  }
0x304: {  	s4 =	sand.u32 $0xFFFFF80, s24  }
0x305: {  	s3 =	simm.s32 $0x1;
	s9 =	simm.s32 $0xF400;
	s20 =	sadd.s32 s1, s4  }
0x306: {  	[tilespmem:s9], [sflag:$0x2] =	stream.strided.gather [hbm4b:s20+s15], $0x1000, s2, s15, $0x38;
	[tilespmem:$0x18600] =	vst v63  }
0x307: {  	_ =	swait.ge [sflag:s3], $0x1000  }
0x308: {  	[sflag:s3] =	ssyncset.done $0x0  }
0x309: {  	[sflag:s3] =	ssyncadd.s32 $0xFFFFF000  }
0x30a: {  	_ =	swait.ge [sflag:s3], $0x1000  }
0x30b: {  	[sflag:s3] =	ssyncset.done $0x0  }
0x30c: {  	[sflag:s3] =	ssyncadd.s32 $0xFFFFF000  }
0x30d: {  	_ =	swait.ge [sflag:s3], $0x1000  }
0x30e: {  	[sflag:s3] =	ssyncset.done $0x0  }
0x30f: {  	[sflag:s3] =	ssyncadd.s32 $0xFFFFF000  }
0x310: {  	_ =	swait.ge [sflag:s3], $0x1000  }
0x311: {  	[sflag:s3] =	ssyncset.done $0x0  }
0x312: {  	[sflag:s3] =	ssyncadd.s32 $0xFFFFF000  }
0x313: {  	_ =	swait.ge [sflag:s3], $0x1000  }
0x314: {  	[sflag:s3] =	ssyncset.done $0x0  }
0x315: {  	[sflag:s3] =	ssyncadd.s32 $0xFFFFF000  }
0x316: {  	_ =	swait.ge [sflag:s3], $0x1000  }
0x317: {  	[sflag:s3] =	ssyncset.done $0x0  }
0x318: {  	[sflag:s3] =	ssyncadd.s32 $0xFFFFF000  }
0x319: {  	s16 =	sand.u32 $0x7F, s16;
	_ =	swait.ge [sflag:s3], $0x1000  }
0x31a: {  	s30 =	sand.u32 $0x7F, s30;
	v48 =	vor.u32 s16, v0;
	s9 =	sadd.s32 $0xFFFFFFF5, s8;
	[sflag:s3] =	ssyncset.done $0x0  }
0x31b: {  	v50 =	vor.u32 s30, v0;
	v49 =	vmov s9;
	[sflag:s3] =	ssyncadd.s32 $0xFFFFF000  }
0x31c: {  	v51 =	vshll.u32 v49, $0x3;
	_ =	swait.ge [sflag:s3], $0x1000  }
0x31d: {  	v45 =	vand.u32 $0x70, v49;
	v47 =	vand.u32 $0xC00, v51;
	[sflag:s3] =	ssyncset.done $0x0  }
0x31e: {  	v45 =	vor.u32 v45, v47;
	[sflag:s3] =	ssyncadd.s32 $0xFFFFF000  }
0x31f: {  	s10 =	simm.s32 $0x4400;
	v47 =	vor.u32 v10, v45;
	v44 =	vld.idx.msk [tilespmem:v48+s15+$0x0], $0xffff  }
0x320: {  	v46 =	vld.idx.msk [tilespmem:v50+s10+$0x0], $0xffff  }
0x321: {  	v52 =	vor.u32 s16, v2  }
0x322: {  	v53 =	vor.u32 s30, v2;
	_ =	sdelay $0x1  }
0x323: {  	[tilespmem:v47+s14+$0x0] =	vst.idx.msk $0xffff, v44  }
0x324: {  	[tilespmem:v47+s12+$0x0] =	vst.idx.msk $0xffff, v46  }
0x325: {  	v45 =	vor.u32 v11, v45;
	v44 =	vld.idx.msk [tilespmem:v52+s15+$0x0], $0xffff  }
0x326: {  	s30 =	sand.u32 $0x7F, s25;
	v46 =	vld.idx.msk [tilespmem:v53+s10+$0x0], $0xffff  }
0x327: {  	v54 =	vor.u32 s30, v0;
	s9 =	sadd.s32 $0xFFFFFFF6, s8;
	s10 =	sand.u32 $0x7F, s26  }
0x328: {  	v55 =	vmov s9;
	v56 =	vor.u32 s10, v0  }
0x329: {  	v57 =	vshll.u32 v55, $0x3  }
0x32a: {  	v58 =	vand.u32 $0x71, v55;
	v59 =	vand.u32 $0xC00, v57;
	[tilespmem:v45+s14+$0x0] =	vst.idx.msk $0xffff, v44  }
0x32b: {  	s23 =	simm.s32 $0x1400;
	v44 =	vor.u32 v58, v59;
	[tilespmem:v45+s12+$0x0] =	vst.idx.msk $0xffff, v46  }
0x32c: {  	s22 =	simm.s32 $0x5400;
	v60 =	vor.u32 v10, v44;
	v45 =	vld.idx.msk [tilespmem:v54+s23+$0x0], $0xffff  }
0x32d: {  	v61 =	vld.idx.msk [tilespmem:v56+s22+$0x0], $0xffff  }
0x32e: {  	v62 =	vor.u32 s30, v2  }
0x32f: {  	v63 =	vor.u32 s10, v2;
	_ =	sdelay $0x1  }
0x330: {  	[tilespmem:v60+s14+$0x0] =	vst.idx.msk $0xffff, v45  }
0x331: {  	[tilespmem:v60+s12+$0x0] =	vst.idx.msk $0xffff, v61  }
0x332: {  	v44 =	vor.u32 v11, v44;
	v45 =	vld.idx.msk [tilespmem:v62+s23+$0x0], $0xffff  }
0x333: {  	s6 =	sand.u32 $0x7F, s6;
	v46 =	vld.idx.msk [tilespmem:v63+s22+$0x0], $0xffff  }
0x334: {  	s13 =	sand.u32 $0x7F, s13;
	s20 =	sadd.s32 $0xFFFFFFF7, s8;
	v52 =	vor.u32 s6, v0  }
0x335: {  	v53 =	vmov s20;
	v54 =	vor.u32 s13, v0  }
0x336: {  	v55 =	vshll.u32 v53, $0x3  }
0x337: {  	v57 =	vand.u32 $0xC00, v55;
	v56 =	vand.u32 $0x72, v53;
	[tilespmem:v44+s14+$0x0] =	vst.idx.msk $0xffff, v45  }
0x338: {  	s25 =	simm.s32 $0x2400;
	v58 =	vor.u32 v56, v57;
	[tilespmem:v44+s12+$0x0] =	vst.idx.msk $0xffff, v46  }
0x339: {  	v60 =	vor.u32 v10, v58;
	s22 =	simm.s32 $0x6400;
	v59 =	vld.idx.msk [tilespmem:v52+s25+$0x0], $0xffff  }
0x33a: {  	v61 =	vld.idx.msk [tilespmem:v54+s22+$0x0], $0xffff  }
0x33b: {  	v62 =	vor.u32 s6, v2  }
0x33c: {  	v63 =	vor.u32 s13, v2;
	_ =	sdelay $0x1  }
0x33d: {  	(v2sf) =	vpush v42, $0x8;
	[tilespmem:v60+s14+$0x0] =	vst.idx.msk $0xffff, v59  }
0x33e: {  	s26 =	simm.s32 $0x2400;
	[tilespmem:v60+s12+$0x0] =	vst.idx.msk $0xffff, v61  }
0x33f: {  	v44 =	vor.u32 v11, v58;
	v45 =	vld.idx.msk [tilespmem:v62+s26+$0x0], $0xffff  }
0x340: {  	s30 =	sand.u32 $0x7F, s11;
	v46 =	vld.idx.msk [tilespmem:v63+s22+$0x0], $0xffff  }
0x341: {  	s5 =	sand.u32 $0x7F, s5;
	s9 =	sadd.s32 $0xFFFFFFF8, s8;
	(v2sf) =	vpush v43, $0x8;
	v52 =	vor.u32 s30, v0  }
0x342: {  	v53 =	vmov s9;
	v54 =	vor.u32 s5, v0  }
0x343: {  	v55 =	vshll.u32 v53, $0x3  }
0x344: {  	v56 =	vand.u32 $0x73, v53;
	v57 =	vand.u32 $0xC00, v55;
	[tilespmem:v44+s14+$0x0] =	vst.idx.msk $0xffff, v45  }
0x345: {  	v58 =	vor.u32 v56, v57;
	[tilespmem:v44+s12+$0x0] =	vst.idx.msk $0xffff, v46  }
0x346: {  	(v2sf) =	vpush v42, $0x9;
	s10 =	simm.s32 $0x7400;
	v60 =	vor.u32 v10, v58;
	v59 =	vld.idx.msk [tilespmem:v52+s21+$0x0], $0xffff  }
0x347: {  	(v2sf) =	vpush v43, $0x9;
	v61 =	vld.idx.msk [tilespmem:v54+s10+$0x0], $0xffff  }
0x348: {  	v62 =	vor.u32 s30, v2  }
0x349: {  	(v2sf) =	vpush v42, $0xA;
	v63 =	vor.u32 s5, v2;
	_ =	sdelay $0x1  }
0x34a: {  	[tilespmem:v60+s14+$0x0] =	vst.idx.msk $0xffff, v59  }
0x34b: {  	s26 =	spop (v2sf);
	(v2sf) =	vpush v43, $0xA;
	[tilespmem:v60+s12+$0x0] =	vst.idx.msk $0xffff, v61  }
0x34c: {  	s11 =	simm.s32 $0x7400;
	v44 =	vor.u32 v11, v58;
	v45 =	vld.idx.msk [tilespmem:v62+s21+$0x0], $0xffff  }
0x34d: {  	v46 =	vld.idx.msk [tilespmem:v63+s11+$0x0], $0xffff;
	_ =	sdelay $0x1  }
0x34e: {  	s30 =	spop (v2sf);
	(v2sf) =	vpush v42, $0xB;
	_ =	sdelay $0x1  }
0x34f: {  	s13 =	sand.u32 $0xFFFFF80, s26;
	[tilespmem:v44+s14+$0x0] =	vst.idx.msk $0xffff, v45  }
0x350: {  	s5 =	sadd.s32 s0, s13;
	s16 =	sand.u32 $0xFFFFF80, s30;
	[tilespmem:v44+s12+$0x0] =	vst.idx.msk $0xffff, v46  }
0x351: {  	[tilespmem:s15], [sflag:$0x1] =	stream.strided.gather [hbm4b:s5+s15], $0x1000, s2, s15, $0x38;
	[tilespmem:$0x18600] =	vst v63  }
0x352: {  	s5 =	sadd.s32 s1, s16;
	s16 =	spop (v2sf);
	(v2sf) =	vpush v43, $0xB  }
0x353: {  	s4 =	simm.s32 $0x4400;
	s25 =	spop (v2sf)  }
0x354: {  	[tilespmem:s4], [sflag:$0x1] =	stream.strided.gather [hbm4b:s5+s15], $0x1000, s2, s15, $0x38;
	[tilespmem:$0x18600] =	vst v63  }
0x355: {  	s20 =	sand.u32 $0xFFFFF80, s16;
	s11 =	spop (v2sf)  }
0x356: {  	s5 =	sadd.s32 s0, s20;
	s4 =	sand.u32 $0xFFFFF80, s25;
	s6 =	sand.u32 $0xFFFFF80, s11  }
0x357: {  	[tilespmem:s23], [sflag:$0x1] =	stream.strided.gather [hbm4b:s5+s15], $0x1000, s2, s15, $0x38;
	[tilespmem:$0x18600] =	vst v63  }
0x358: {  	s13 =	spop (v2sf);
	s23 =	simm.s32 $0x5400;
	s5 =	sadd.s32 s1, s4  }
0x359: {  	[tilespmem:s23], [sflag:$0x1] =	stream.strided.gather [hbm4b:s5+s15], $0x1000, s2, s15, $0x38;
	[tilespmem:$0x18600] =	vst v63  }
0x35a: {  	s9 =	simm.s32 $0x2400;
	s10 =	sand.u32 $0xFFFFF80, s13;
	s5 =	sadd.s32 s0, s6  }
0x35b: {  	[tilespmem:s9], [sflag:$0x1] =	stream.strided.gather [hbm4b:s5+s15], $0x1000, s2, s15, $0x38;
	[tilespmem:$0x18600] =	vst v63  }
0x35c: {  	s20 =	spop (v2sf);
	s5 =	sadd.s32 s1, s10  }
0x35d: {  	[tilespmem:s22], [sflag:$0x1] =	stream.strided.gather [hbm4b:s5+s15], $0x1000, s2, s15, $0x38;
	[tilespmem:$0x18600] =	vst v63  }
0x35e: {  	s5 =	sand.u32 $0xFFFFF80, s20  }
0x35f: {  	[dreg:$0x10] =	wrdreg s20;
	s20 =	sadd.s32 s0, s5  }
0x360: {  	[tilespmem:s21], [sflag:$0x1] =	stream.strided.gather [hbm4b:s20+s15], $0x1000, s2, s15, $0x38;
	[tilespmem:$0x18600] =	vst v63  }
0x361: {  	s6 =	spop (v2sf)  }
0x362: {  	s3 =	simm.s32 $0x2;
	s9 =	sand.u32 $0xFFFFF80, s6  }
0x363: {  	s10 =	simm.s32 $0x7400;
	[dreg:$0x11] =	wrdreg s6;
	s20 =	sadd.s32 s1, s9  }
0x364: {  	[tilespmem:s10], [sflag:$0x1] =	stream.strided.gather [hbm4b:s20+s15], $0x1000, s2, s15, $0x38;
	[tilespmem:$0x18600] =	vst v63  }
0x365: {  	_ =	swait.ge [sflag:s3], $0x1000  }
0x366: {  	[sflag:s3] =	ssyncset.done $0x0  }
0x367: {  	[sflag:s3] =	ssyncadd.s32 $0xFFFFF000  }
0x368: {  	_ =	swait.ge [sflag:s3], $0x1000  }
0x369: {  	[sflag:s3] =	ssyncset.done $0x0  }
0x36a: {  	[sflag:s3] =	ssyncadd.s32 $0xFFFFF000  }
0x36b: {  	_ =	swait.ge [sflag:s3], $0x1000  }
0x36c: {  	[sflag:s3] =	ssyncset.done $0x0  }
0x36d: {  	[sflag:s3] =	ssyncadd.s32 $0xFFFFF000  }
0x36e: {  	_ =	swait.ge [sflag:s3], $0x1000  }
0x36f: {  	[sflag:s3] =	ssyncset.done $0x0  }
0x370: {  	[sflag:s3] =	ssyncadd.s32 $0xFFFFF000  }
0x371: {  	_ =	swait.ge [sflag:s3], $0x1000  }
0x372: {  	[sflag:s3] =	ssyncset.done $0x0  }
0x373: {  	[sflag:s3] =	ssyncadd.s32 $0xFFFFF000  }
0x374: {  	_ =	swait.ge [sflag:s3], $0x1000  }
0x375: {  	[sflag:s3] =	ssyncset.done $0x0  }
0x376: {  	[sflag:s3] =	ssyncadd.s32 $0xFFFFF000  }
0x377: {  	s18 =	sand.u32 $0x7F, s18;
	_ =	swait.ge [sflag:s3], $0x1000  }
0x378: {  	s19 =	sand.u32 $0x7F, s19;
	v48 =	vor.u32 s18, v0;
	s4 =	sadd.s32 $0xFFFFFFF9, s8;
	[sflag:s3] =	ssyncset.done $0x0  }
0x379: {  	v50 =	vor.u32 s19, v0;
	v49 =	vmov s4;
	[sflag:s3] =	ssyncadd.s32 $0xFFFFF000  }
0x37a: {  	v51 =	vshll.u32 v49, $0x3;
	_ =	swait.ge [sflag:s3], $0x1000  }
0x37b: {  	v45 =	vand.u32 $0x74, v49;
	v47 =	vand.u32 $0xC00, v51;
	[sflag:s3] =	ssyncset.done $0x0  }
0x37c: {  	v45 =	vor.u32 v45, v47;
	s5 =	simm.s32 $0x8400;
	[sflag:s3] =	ssyncadd.s32 $0xFFFFF000  }
0x37d: {  	v47 =	vor.u32 v10, v45;
	s6 =	simm.s32 $0xC400;
	v44 =	vld.idx.msk [tilespmem:v48+s5+$0x0], $0xffff  }
0x37e: {  	v46 =	vld.idx.msk [tilespmem:v50+s6+$0x0], $0xffff  }
0x37f: {  	v52 =	vor.u32 s18, v2  }
0x380: {  	v53 =	vor.u32 s19, v2;
	_ =	sdelay $0x1  }
0x381: {  	[tilespmem:v47+s14+$0x0] =	vst.idx.msk $0xffff, v44  }
0x382: {  	[tilespmem:v47+s12+$0x0] =	vst.idx.msk $0xffff, v46  }
0x383: {  	v45 =	vor.u32 v11, v45;
	v44 =	vld.idx.msk [tilespmem:v52+s5+$0x0], $0xffff  }
0x384: {  	s17 =	sand.u32 $0x7F, s17;
	v46 =	vld.idx.msk [tilespmem:v53+s6+$0x0], $0xffff  }
0x385: {  	v54 =	vor.u32 s17, v0;
	s9 =	sadd.s32 $0xFFFFFFFA, s8;
	s10 =	sand.u32 $0x7F, s31  }
0x386: {  	v55 =	vmov s9;
	v56 =	vor.u32 s10, v0  }
0x387: {  	v57 =	vshll.u32 v55, $0x3  }
0x388: {  	v58 =	vand.u32 $0x75, v55;
	v59 =	vand.u32 $0xC00, v57;
	[tilespmem:v45+s14+$0x0] =	vst.idx.msk $0xffff, v44  }
0x389: {  	s15 =	simm.s32 $0x9400;
	v44 =	vor.u32 v58, v59;
	[tilespmem:v45+s12+$0x0] =	vst.idx.msk $0xffff, v46  }
0x38a: {  	s18 =	simm.s32 $0xD400;
	v60 =	vor.u32 v10, v44;
	v45 =	vld.idx.msk [tilespmem:v54+s15+$0x0], $0xffff  }
0x38b: {  	v61 =	vld.idx.msk [tilespmem:v56+s18+$0x0], $0xffff  }
0x38c: {  	v62 =	vor.u32 s17, v2  }
0x38d: {  	v63 =	vor.u32 s10, v2;
	_ =	sdelay $0x1  }
0x38e: {  	[tilespmem:v60+s14+$0x0] =	vst.idx.msk $0xffff, v45  }
0x38f: {  	[tilespmem:v60+s12+$0x0] =	vst.idx.msk $0xffff, v61  }
0x390: {  	v44 =	vor.u32 v11, v44;
	v45 =	vld.idx.msk [tilespmem:v62+s15+$0x0], $0xffff  }
0x391: {  	s19 =	sand.u32 $0x7F, s28;
	v46 =	vld.idx.msk [tilespmem:v63+s18+$0x0], $0xffff  }
0x392: {  	s4 =	sadd.s32 $0xFFFFFFFB, s8;
	s5 =	sand.u32 $0x7F, s29;
	v52 =	vor.u32 s19, v0  }
0x393: {  	v53 =	vmov s4;
	v54 =	vor.u32 s5, v0  }
0x394: {  	v55 =	vshll.u32 v53, $0x3  }
0x395: {  	v57 =	vand.u32 $0xC00, v55;
	v56 =	vand.u32 $0x76, v53;
	[tilespmem:v44+s14+$0x0] =	vst.idx.msk $0xffff, v45  }
0x396: {  	s4 =	simm.s32 $0xA400;
	v58 =	vor.u32 v56, v57;
	[tilespmem:v44+s12+$0x0] =	vst.idx.msk $0xffff, v46  }
0x397: {  	s6 =	simm.s32 $0xE400;
	v60 =	vor.u32 v10, v58;
	v59 =	vld.idx.msk [tilespmem:v52+s4+$0x0], $0xffff  }
0x398: {  	v61 =	vld.idx.msk [tilespmem:v54+s6+$0x0], $0xffff  }
0x399: {  	v62 =	vor.u32 s19, v2  }
0x39a: {  	v63 =	vor.u32 s5, v2;
	_ =	sdelay $0x1  }
0x39b: {  	[tilespmem:v60+s14+$0x0] =	vst.idx.msk $0xffff, v59  }
0x39c: {  	(v2sf) =	vpush v42, $0xC;
	[tilespmem:v60+s12+$0x0] =	vst.idx.msk $0xffff, v61  }
0x39d: {  	v44 =	vor.u32 v11, v58;
	v45 =	vld.idx.msk [tilespmem:v62+s4+$0x0], $0xffff  }
0x39e: {  	s7 =	sand.u32 $0x7F, s7;
	(v2sf) =	vpush v43, $0xC;
	v46 =	vld.idx.msk [tilespmem:v63+s6+$0x0], $0xffff  }
0x39f: {  	s19 =	sadd.s32 $0xFFFFFFFC, s8;
	v52 =	vor.u32 s7, v0;
	s4 =	sand.u32 $0x7F, s24  }
0x3a0: {  	v53 =	vmov s19;
	v54 =	vor.u32 s4, v0  }
0x3a1: {  	v55 =	vshll.u32 v53, $0x3  }
0x3a2: {  	(v2sf) =	vpush v42, $0xD;
	v56 =	vand.u32 $0x77, v53;
	v57 =	vand.u32 $0xC00, v55;
	[tilespmem:v44+s14+$0x0] =	vst.idx.msk $0xffff, v45  }
0x3a3: {  	s19 =	simm.s32 $0xB400;
	v58 =	vor.u32 v56, v57;
	[tilespmem:v44+s12+$0x0] =	vst.idx.msk $0xffff, v46  }
0x3a4: {  	v60 =	vor.u32 v10, v58;
	s24 =	simm.s32 $0xF400;
	v59 =	vld.idx.msk [tilespmem:v52+s19+$0x0], $0xffff  }
0x3a5: {  	v61 =	vld.idx.msk [tilespmem:v54+s24+$0x0], $0xffff  }
0x3a6: {  	(v2sf) =	vpush v43, $0xD;
	v62 =	vor.u32 s7, v2  }
0x3a7: {  	v63 =	vor.u32 s4, v2  }
0x3a8: {  	(v2sf) =	vpush v42, $0xE  }
0x3a9: {  	[tilespmem:v60+s14+$0x0] =	vst.idx.msk $0xffff, v59  }
0x3aa: {  	[tilespmem:v60+s12+$0x0] =	vst.idx.msk $0xffff, v61  }
0x3ab: {  	s29 =	spop (v2sf);
	(v2sf) =	vpush v43, $0xE;
	v44 =	vor.u32 v11, v58;
	v45 =	vld.idx.msk [tilespmem:v62+s19+$0x0], $0xffff  }
0x3ac: {  	v46 =	vld.idx.msk [tilespmem:v63+s24+$0x0], $0xffff  }
0x3ad: {  	s31 =	spop (v2sf);
	(v2sf) =	vpush v42, $0xF;
	_ =	sdelay $0x1  }
0x3ae: {  	s21 =	simm.s32 $0x8400  }
0x3af: {  	s9 =	simm.s32 $0x400;
	s18 =	sand.u32 $0xFFFFF80, s29;
	[tilespmem:v44+s14+$0x0] =	vst.idx.msk $0xffff, v45;
	s14 =	simm.s32 $0x14400  }
0x3b0: {  	s7 =	sadd.s32 s0, s18;
	s19 =	sand.u32 $0xFFFFF80, s31;
	s24 =	spop (v2sf);
	[tilespmem:v44+s14+$0x0] =	vst.idx.msk $0xffff, v46  }
0x3b1: {  	(v2sf) =	vpush v43, $0xF;
	[tilespmem:s21], [sflag:$0x2] =	stream.strided.gather [hbm4b:s7+s9], $0x1000, s2, s9, $0x38;
	[tilespmem:$0x18600] =	vst v63  }
0x3b2: {  	s20 =	simm.s32 $0xC400;
	s7 =	sadd.s32 s1, s19;
	s21 =	sand.u32 $0xFFFFF80, s24  }
0x3b3: {  	[tilespmem:s20], [sflag:$0x2] =	stream.strided.gather [hbm4b:s7+s9], $0x1000, s2, s9, $0x38;
	[tilespmem:$0x18600] =	vst v63  }
0x3b4: {  	s10 =	simm.s32 $0x9400;
	s28 =	spop (v2sf);
	s7 =	sadd.s32 s0, s21  }
0x3b5: {  	[tilespmem:s10], [sflag:$0x2] =	stream.strided.gather [hbm4b:s7+s9], $0x1000, s2, s9, $0x38;
	[tilespmem:$0x18600] =	vst v63  }
0x3b6: {  	s15 =	simm.s32 $0xD400;
	s18 =	spop (v2sf);
	s10 =	sand.u32 $0xFFFFF80, s28  }
0x3b7: {  	s5 =	simm.s32 $0xA400;
	s17 =	sand.u32 $0xFFFFF80, s18;
	s7 =	sadd.s32 s1, s10  }
0x3b8: {  	[tilespmem:s15], [sflag:$0x2] =	stream.strided.gather [hbm4b:s7+s9], $0x1000, s2, s9, $0x38;
	[tilespmem:$0x18600] =	vst v63  }
0x3b9: {  	s19 =	spop (v2sf);
	s15 =	simm.s32 $0x400;
	s7 =	sadd.s32 s0, s17  }
0x3ba: {  	[tilespmem:s5], [sflag:$0x2] =	stream.strided.gather [hbm4b:s7+s15], $0x1000, s2, s15, $0x38;
	[tilespmem:$0x18600] =	vst v63  }
0x3bb: {  	s20 =	sand.u32 $0xFFFFF80, s19;
	s7 =	spop (v2sf)  }
0x3bc: {  	s6 =	simm.s32 $0xE400;
	s17 =	sadd.s32 s1, s20;
	s21 =	sand.u32 $0xFFFFF80, s7  }
0x3bd: {  	[tilespmem:s6], [sflag:$0x2] =	stream.strided.gather [hbm4b:s17+s15], $0x1000, s2, s15, $0x38;
	[tilespmem:$0x18600] =	vst v63  }
0x3be: {  	s4 =	simm.s32 $0xB400;
	s17 =	sadd.s32 s0, s21  }
0x3bf: {  	[tilespmem:s4], [sflag:$0x2] =	stream.strided.gather [hbm4b:s17+s15], $0x1000, s2, s15, $0x38;
	[tilespmem:$0x18600] =	vst v63  }
0x3c0: {  	s17 =	spop (v2sf)  }
0x3c1: {  	s5 =	sand.u32 $0xFFFFF80, s17  }
0x3c2: {  	s12 =	simm.s32 $0xF400;
	s4 =	simm.s32 $0x1;
	s20 =	sadd.s32 s1, s5  }
0x3c3: {  	[tilespmem:s12], [sflag:$0x2] =	stream.strided.gather [hbm4b:s20+s15], $0x1000, s2, s15, $0x38;
	[tilespmem:$0x18600] =	vst v63  }
0x3c4: {  	_ =	swait.ge [sflag:s4], $0x1000  }
0x3c5: {  	[sflag:s4] =	ssyncset.done $0x0  }
0x3c6: {  	[sflag:s4] =	ssyncadd.s32 $0xFFFFF000  }
0x3c7: {  	_ =	swait.ge [sflag:s4], $0x1000  }
0x3c8: {  	[sflag:s4] =	ssyncset.done $0x0  }
0x3c9: {  	[sflag:s4] =	ssyncadd.s32 $0xFFFFF000  }
0x3ca: {  	_ =	swait.ge [sflag:s4], $0x1000  }
0x3cb: {  	[sflag:s4] =	ssyncset.done $0x0  }
0x3cc: {  	[sflag:s4] =	ssyncadd.s32 $0xFFFFF000  }
0x3cd: {  	_ =	swait.ge [sflag:s4], $0x1000  }
0x3ce: {  	[sflag:s4] =	ssyncset.done $0x0  }
0x3cf: {  	[sflag:s4] =	ssyncadd.s32 $0xFFFFF000  }
0x3d0: {  	_ =	swait.ge [sflag:s4], $0x1000  }
0x3d1: {  	[sflag:s4] =	ssyncset.done $0x0  }
0x3d2: {  	[sflag:s4] =	ssyncadd.s32 $0xFFFFF000  }
0x3d3: {  	_ =	swait.ge [sflag:s4], $0x1000  }
0x3d4: {  	[sflag:s4] =	ssyncset.done $0x0  }
0x3d5: {  	[sflag:s4] =	ssyncadd.s32 $0xFFFFF000  }
0x3d6: {  	s6 =	sand.u32 $0x7F, s26;
	_ =	swait.ge [sflag:s4], $0x1000  }
0x3d7: {  	s30 =	sand.u32 $0x7F, s30;
	s9 =	sadd.s32 $0xFFFFFFFD, s8;
	v48 =	vor.u32 s6, v0;
	[sflag:s4] =	ssyncset.done $0x0  }
0x3d8: {  	v50 =	vor.u32 s30, v0;
	v49 =	vmov s9;
	[sflag:s4] =	ssyncadd.s32 $0xFFFFF000  }
0x3d9: {  	v51 =	vshll.u32 v49, $0x3;
	_ =	swait.ge [sflag:s4], $0x1000  }
0x3da: {  	v45 =	vand.u32 $0x78, v49;
	v47 =	vand.u32 $0xC00, v51;
	[sflag:s4] =	ssyncset.done $0x0  }
0x3db: {  	v45 =	vor.u32 v45, v47;
	[sflag:s4] =	ssyncadd.s32 $0xFFFFF000  }
0x3dc: {  	s10 =	simm.s32 $0x4400;
	v47 =	vor.u32 v10, v45;
	v44 =	vld.idx.msk [tilespmem:v48+s15+$0x0], $0xffff  }
0x3dd: {  	v46 =	vld.idx.msk [tilespmem:v50+s10+$0x0], $0xffff  }
0x3de: {  	v52 =	vor.u32 s6, v2  }
0x3df: {  	v53 =	vor.u32 s30, v2  }
0x3e0: {  	s2 =	simm.s32 $0x10400  }
0x3e1: {  	[tilespmem:v47+s2+$0x0] =	vst.idx.msk $0xffff, v44  }
0x3e2: {  	[tilespmem:v47+s14+$0x0] =	vst.idx.msk $0xffff, v46  }
0x3e3: {  	v45 =	vor.u32 v11, v45;
	v44 =	vld.idx.msk [tilespmem:v52+s15+$0x0], $0xffff  }
0x3e4: {  	s16 =	sand.u32 $0x7F, s16;
	v46 =	vld.idx.msk [tilespmem:v53+s10+$0x0], $0xffff  }
0x3e5: {  	s25 =	sand.u32 $0x7F, s25;
	v54 =	vor.u32 s16, v0;
	s26 =	sadd.s32 $0xFFFFFFFE, s8  }
0x3e6: {  	v56 =	vor.u32 s25, v0;
	v55 =	vmov s26  }
0x3e7: {  	v57 =	vshll.u32 v55, $0x3  }
0x3e8: {  	v58 =	vand.u32 $0x79, v55;
	v59 =	vand.u32 $0xC00, v57;
	[tilespmem:v45+s2+$0x0] =	vst.idx.msk $0xffff, v44  }
0x3e9: {  	s20 =	simm.s32 $0x1400;
	v44 =	vor.u32 v58, v59;
	[tilespmem:v45+s14+$0x0] =	vst.idx.msk $0xffff, v46  }
0x3ea: {  	v60 =	vor.u32 v10, v44;
	v45 =	vld.idx.msk [tilespmem:v54+s20+$0x0], $0xffff  }
0x3eb: {  	v61 =	vld.idx.msk [tilespmem:v56+s23+$0x0], $0xffff  }
0x3ec: {  	v62 =	vor.u32 s16, v2  }
0x3ed: {  	v63 =	vor.u32 s25, v2;
	_ =	sdelay $0x1  }
0x3ee: {  	[tilespmem:v60+s2+$0x0] =	vst.idx.msk $0xffff, v45  }
0x3ef: {  	[tilespmem:v60+s14+$0x0] =	vst.idx.msk $0xffff, v61  }
0x3f0: {  	v44 =	vor.u32 v11, v44;
	v45 =	vld.idx.msk [tilespmem:v62+s20+$0x0], $0xffff  }
0x3f1: {  	s11 =	sand.u32 $0x7F, s11;
	v46 =	vld.idx.msk [tilespmem:v63+s23+$0x0], $0xffff  }
0x3f2: {  	s13 =	sand.u32 $0x7F, s13;
	s30 =	sadd.s32 $0xFFFFFFFF, s8;
	v52 =	vor.u32 s11, v0  }
0x3f3: {  	v53 =	vmov s30;
	v54 =	vor.u32 s13, v0  }
0x3f4: {  	v55 =	vshll.u32 v53, $0x3  }
0x3f5: {  	v57 =	vand.u32 $0xC00, v55;
	v56 =	vand.u32 $0x7A, v53;
	[tilespmem:v44+s2+$0x0] =	vst.idx.msk $0xffff, v45  }
0x3f6: {  	s1 =	simm.s32 $0x2400;
	v58 =	vor.u32 v56, v57;
	[tilespmem:v44+s14+$0x0] =	vst.idx.msk $0xffff, v46  }
0x3f7: {  	v60 =	vor.u32 v10, v58;
	v59 =	vld.idx.msk [tilespmem:v52+s1+$0x0], $0xffff  }
0x3f8: {  	v61 =	vld.idx.msk [tilespmem:v54+s22+$0x0], $0xffff  }
0x3f9: {  	v62 =	vor.u32 s11, v2  }
0x3fa: {  	v63 =	vor.u32 s13, v2;
	_ =	sdelay $0x1  }
0x3fb: {  	[tilespmem:v60+s2+$0x0] =	vst.idx.msk $0xffff, v59  }
0x3fc: {  	s11 =	simm.s32 $0x2400;
	[tilespmem:v60+s14+$0x0] =	vst.idx.msk $0xffff, v61  }
0x3fd: {  	s5 =	rddreg [dreg:$0x10];
	v44 =	vor.u32 v11, v58;
	v45 =	vld.idx.msk [tilespmem:v62+s11+$0x0], $0xffff  }
0x3fe: {  	s9 =	rddreg [dreg:$0x11];
	s6 =	sand.u32 $0x7F, s5;
	v46 =	vld.idx.msk [tilespmem:v63+s22+$0x0], $0xffff  }
0x3ff: {  	s10 =	sand.u32 $0x7F, s9;
	v52 =	vor.u32 s6, v0  }
0x400: {  	v53 =	vmov s8;
	v54 =	vor.u32 s10, v0  }
0x401: {  	v55 =	vshll.u32 v53, $0x3  }
0x402: {  	v56 =	vand.u32 $0x7B, v53;
	v57 =	vand.u32 $0xC00, v55;
	[tilespmem:v44+s2+$0x0] =	vst.idx.msk $0xffff, v45  }
0x403: {  	s21 =	simm.s32 $0x3400;
	v58 =	vor.u32 v56, v57;
	[tilespmem:v44+s14+$0x0] =	vst.idx.msk $0xffff, v46  }
0x404: {  	s16 =	simm.s32 $0x7400;
	v60 =	vor.u32 v10, v58;
	v59 =	vld.idx.msk [tilespmem:v52+s21+$0x0], $0xffff  }
0x405: {  	v61 =	vld.idx.msk [tilespmem:v54+s16+$0x0], $0xffff  }
0x406: {  	v62 =	vor.u32 s6, v2  }
0x407: {  	v63 =	vor.u32 s10, v2;
	_ =	sdelay $0x1  }
0x408: {  	[tilespmem:v60+s2+$0x0] =	vst.idx.msk $0xffff, v59  }
0x409: {  	[tilespmem:v60+s14+$0x0] =	vst.idx.msk $0xffff, v61  }
0x40a: {  	s26 =	simm.s32 $0x7400;
	v44 =	vor.u32 v11, v58;
	v45 =	vld.idx.msk [tilespmem:v62+s21+$0x0], $0xffff  }
0x40b: {  	p0 =	sne.s32 s8, $0x1FB;
	v46 =	vld.idx.msk [tilespmem:v63+s26+$0x0], $0xffff  }
.Ltmp0:
0x40c: {  	_ = 	snop;
	(pc) =	sbr.rel @p0 .LBB2_2-.Ltmp0, $4  }
0x40d: {  	_ = 	snop  }
0x40e: {  	s25 =	rddreg [dreg:$0xf]  }
0x40f: {  	s12 =	simm.s32 $0x7A1400;
	s30 =	rddreg [dreg:$0xe];
	[tilespmem:v44+s2+$0x0] =	vst.idx.msk $0xffff, v45  }
0x410: {  	s5 =	sadd.s32 $0x10, s30;
	s8 =	sadd.s32 $0x10, s8;
	s6 =	sadd.s32 $0x10, s25;
	v45 =	vmov v42;
	[tilespmem:v44+s14+$0x0] =	vst.idx.msk $0xffff, v46;
	v44 =	vmov v43  }
0x411: {  	_ =	swait.ge [sflag:s3], $0x1000  }
0x412: {  	[sflag:s3] =	ssyncset.done $0x0  }
0x413: {  	[sflag:s3] =	ssyncadd.s32 $0xFFFFF000  }
0x414: {  	_ =	swait.ge [sflag:s3], $0x1000  }
0x415: {  	[sflag:s3] =	ssyncset.done $0x0  }
0x416: {  	[sflag:s3] =	ssyncadd.s32 $0xFFFFF000  }
0x417: {  	_ =	swait.ge [sflag:s3], $0x1000  }
0x418: {  	[sflag:s3] =	ssyncset.done $0x0  }
0x419: {  	[sflag:s3] =	ssyncadd.s32 $0xFFFFF000  }
0x41a: {  	_ =	swait.ge [sflag:s3], $0x1000  }
0x41b: {  	[sflag:s3] =	ssyncset.done $0x0  }
0x41c: {  	[sflag:s3] =	ssyncadd.s32 $0xFFFFF000  }
0x41d: {  	_ =	swait.ge [sflag:s3], $0x1000  }
0x41e: {  	[sflag:s3] =	ssyncset.done $0x0  }
0x41f: {  	[sflag:s3] =	ssyncadd.s32 $0xFFFFF000  }
0x420: {  	_ =	swait.ge [sflag:s3], $0x1000  }
0x421: {  	[sflag:s3] =	ssyncset.done $0x0  }
0x422: {  	[sflag:s3] =	ssyncadd.s32 $0xFFFFF000  }
0x423: {  	s5 =	sand.u32 $0x7F, s29;
	_ =	swait.ge [sflag:s3], $0x1000  }
0x424: {  	s6 =	sand.u32 $0x7F, s31;
	v42 =	vor.u32 s5, v0;
	[sflag:s3] =	ssyncset.done $0x0  }
0x425: {  	v43 =	vor.u32 s6, v0;
	[sflag:s3] =	ssyncadd.s32 $0xFFFFF000  }
0x426: {  	_ =	swait.ge [sflag:s3], $0x1000  }
0x427: {  	[sflag:s3] =	ssyncset.done $0x0  }
0x428: {  	s8 =	simm.s32 $0x8400;
	[sflag:s3] =	ssyncadd.s32 $0xFFFFF000  }
0x429: {  	s9 =	simm.s32 $0xC400;
	v42 =	vld.idx.msk [tilespmem:v42+s8+$0x0], $0xffff  }
0x42a: {  	v43 =	vld.idx.msk [tilespmem:v43+s9+$0x0], $0xffff  }
0x42b: {  	v44 =	vor.u32 s5, v2  }
0x42c: {  	v45 =	vor.u32 s6, v2;
	_ =	sdelay $0x1  }
0x42d: {  	[tilespmem:v34+s2+$0x0] =	vst.idx.msk $0xffff, v42  }
0x42e: {  	[tilespmem:v34+s14+$0x0] =	vst.idx.msk $0xffff, v43  }
0x42f: {  	v42 =	vld.idx.msk [tilespmem:v44+s8+$0x0], $0xffff  }
0x430: {  	s24 =	sand.u32 $0x7F, s24;
	v43 =	vld.idx.msk [tilespmem:v45+s9+$0x0], $0xffff  }
0x431: {  	s25 =	sand.u32 $0x7F, s28;
	v49 =	vor.u32 s24, v0  }
0x432: {  	v50 =	vor.u32 s25, v0;
	_ =	sdelay $0x1  }
0x433: {  	[tilespmem:v35+s2+$0x0] =	vst.idx.msk $0xffff, v42  }
0x434: {  	s26 =	simm.s32 $0x9400;
	[tilespmem:v35+s14+$0x0] =	vst.idx.msk $0xffff, v43  }
0x435: {  	s28 =	simm.s32 $0xD400;
	v42 =	vld.idx.msk [tilespmem:v49+s26+$0x0], $0xffff  }
0x436: {  	v43 =	vld.idx.msk [tilespmem:v50+s28+$0x0], $0xffff  }
0x437: {  	v51 =	vor.u32 s24, v2  }
0x438: {  	v52 =	vor.u32 s25, v2;
	_ =	sdelay $0x1  }
0x439: {  	[tilespmem:v36+s2+$0x0] =	vst.idx.msk $0xffff, v42  }
0x43a: {  	[tilespmem:v36+s14+$0x0] =	vst.idx.msk $0xffff, v43  }
0x43b: {  	v42 =	vld.idx.msk [tilespmem:v51+s26+$0x0], $0xffff  }
0x43c: {  	s29 =	sand.u32 $0x7F, s18;
	v43 =	vld.idx.msk [tilespmem:v52+s28+$0x0], $0xffff  }
0x43d: {  	s30 =	sand.u32 $0x7F, s19;
	v53 =	vor.u32 s29, v0  }
0x43e: {  	v54 =	vor.u32 s30, v0;
	_ =	sdelay $0x1  }
0x43f: {  	[tilespmem:v37+s2+$0x0] =	vst.idx.msk $0xffff, v42  }
0x440: {  	s31 =	simm.s32 $0xA400;
	[tilespmem:v37+s14+$0x0] =	vst.idx.msk $0xffff, v43  }
0x441: {  	s1 =	simm.s32 $0xE400;
	v42 =	vld.idx.msk [tilespmem:v53+s31+$0x0], $0xffff  }
0x442: {  	v43 =	vld.idx.msk [tilespmem:v54+s1+$0x0], $0xffff  }
0x443: {  	v55 =	vor.u32 s29, v2  }
0x444: {  	v56 =	vor.u32 s30, v2;
	_ =	sdelay $0x1  }
0x445: {  	[tilespmem:v38+s2+$0x0] =	vst.idx.msk $0xffff, v42  }
0x446: {  	[tilespmem:v38+s14+$0x0] =	vst.idx.msk $0xffff, v43  }
0x447: {  	v42 =	vld.idx.msk [tilespmem:v55+s31+$0x0], $0xffff  }
0x448: {  	s7 =	sand.u32 $0x7F, s7;
	v43 =	vld.idx.msk [tilespmem:v56+s1+$0x0], $0xffff  }
0x449: {  	v57 =	vor.u32 s7, v0;
	s8 =	sand.u32 $0x7F, s17  }
0x44a: {  	v58 =	vor.u32 s8, v0;
	_ =	sdelay $0x1  }
0x44b: {  	[tilespmem:v39+s2+$0x0] =	vst.idx.msk $0xffff, v42  }
0x44c: {  	s9 =	simm.s32 $0xB400;
	[tilespmem:v39+s14+$0x0] =	vst.idx.msk $0xffff, v43  }
0x44d: {  	s10 =	simm.s32 $0xF400;
	v42 =	vld.idx.msk [tilespmem:v57+s9+$0x0], $0xffff  }
0x44e: {  	v43 =	vld.idx.msk [tilespmem:v58+s10+$0x0], $0xffff  }
0x44f: {  	v59 =	vor.u32 s7, v2  }
0x450: {  	v60 =	vor.u32 s8, v2;
	_ =	sdelay $0x1  }
0x451: {  	[tilespmem:v40+s2+$0x0] =	vst.idx.msk $0xffff, v42  }
0x452: {  	[tilespmem:v40+s14+$0x0] =	vst.idx.msk $0xffff, v43  }
0x453: {  	v42 =	vld.idx.msk [tilespmem:v59+s9+$0x0], $0xffff  }
0x454: {  	v43 =	vld.idx.msk [tilespmem:v60+s10+$0x0], $0xffff;
	_ =	sdelay $0x3  }
0x455: {  	s13 =	simm.s32 $0x1000;
	s16 =	simm.s32 $0x20000;
	s18 =	simm.s32 $0x0;
	[tilespmem:v41+s2+$0x0] =	vst.idx.msk $0xffff, v42  }
0x456: {  	s19 =	sand.u32 $0x70, s18;
	s20 =	sand.u32 $0xC00, s18;
	s11 =	rddreg [dreg:$0x9];
	[tilespmem:v41+s14+$0x0] =	vst.idx.msk $0xffff, v43  }
0x457: {  	[hbm4b:s11+s13] =	stream.strided.scatter [tilespmem:s2], [sflag:$0x3], $0x4000, s16, s13, $0x38;
	[tilespmem:$0x18600] =	vst v63  }
0x458: {  	s5 =	sor.u32 s19, s20;
	s17 =	rddreg [dreg:$0xa]  }
0x459: {  	[hbm4b:s17+s13] =	stream.strided.scatter [tilespmem:s14], [sflag:$0x3], $0x4000, s16, s13, $0x38;
	[tilespmem:$0x18600] =	vst v63  }
0x45a: {  	v42 =	vld [tilespmem:s5+$0x14400]  }
0x45b: {  	v43 =	vld [tilespmem:s5+$0x10400]  }
0x45c: {  	v61 =	vld [tilespmem:s5+$0x10480]  }
0x45d: {  	s21 =	sand.u32 $0xFFFFFC00, s18;
	v62 =	vld [tilespmem:s5+$0x14480]  }
0x45e: {  	s6 =	sadd.s32 $0x0, s21;
	v46 =	vld [tilespmem:s5+$0x10500]  }
0x45f: {  	s22 =	sor.u32 $0x180, s6;
	v47 =	vld [tilespmem:s5+$0x14500]  }
0x460: {  	v63 =	vld [tilespmem:s22+$0x10400];
	v42 =	vmul.f32 v42, v43  }
0x461: {  	v48 =	vld [tilespmem:s22+$0x14400]  }
0x462: {  	v52 =	vld [tilespmem:s5+$0x10600];
	v44 =	vmul.f32 v62, v61;
	v42 =	vadd.f32 $0.0e+00, v42  }
0x463: {  	v49 =	vld [tilespmem:s5+$0x14600]  }
0x464: {  	v54 =	vld [tilespmem:s5+$0x10680];
	v53 =	vmul.f32 v47, v46;
	v42 =	vadd.f32 v44, v42  }
0x465: {  	v55 =	vld [tilespmem:s5+$0x14680]  }
0x466: {  	s7 =	sor.u32 s18, s18;
	v56 =	vld [tilespmem:s5+$0x10700];
	v43 =	vmul.f32 v48, v63;
	v42 =	vadd.f32 v53, v42  }
0x467: {  	s23 =	sor.u32 $0x380, s7;
	v57 =	vld [tilespmem:s5+$0x14700]  }
0x468: {  	v59 =	vld [tilespmem:s23+$0x10400];
	v58 =	vmul.f32 v49, v52;
	v42 =	vadd.f32 v43, v42  }
0x469: {  	v60 =	vld [tilespmem:s23+$0x14400]  }
0x46a: {  	v61 =	vmul.f32 v55, v54;
	v62 =	vld [tilespmem:s5+$0x11400];
	v42 =	vadd.f32 v58, v42  }
0x46b: {  	v63 =	vld [tilespmem:s5+$0x15400]  }
0x46c: {  	v52 =	vmul.f32 v57, v56;
	v54 =	vld [tilespmem:s5+$0x15480];
	v42 =	vadd.f32 v61, v42  }
0x46d: {  	v53 =	vld [tilespmem:s5+$0x11480]  }
0x46e: {  	v55 =	vmul.f32 v60, v59;
	v56 =	vld [tilespmem:s5+$0x11500];
	v42 =	vadd.f32 v52, v42  }
0x46f: {  	s24 =	sor.u32 $0x1180, s6;
	v57 =	vld [tilespmem:s5+$0x15500]  }
0x470: {  	v59 =	vld [tilespmem:s24+$0x10400];
	v58 =	vmul.f32 v63, v62;
	v42 =	vadd.f32 v55, v42  }
0x471: {  	v60 =	vld [tilespmem:s24+$0x14400]  }
0x472: {  	v62 =	vld [tilespmem:s5+$0x11600];
	v61 =	vmul.f32 v54, v53;
	v42 =	vadd.f32 v58, v42  }
0x473: {  	v63 =	vld [tilespmem:s5+$0x15600]  }
0x474: {  	v53 =	vld [tilespmem:s5+$0x11680];
	v52 =	vmul.f32 v57, v56;
	v42 =	vadd.f32 v61, v42  }
0x475: {  	v54 =	vld [tilespmem:s5+$0x15680]  }
0x476: {  	v56 =	vld [tilespmem:s5+$0x11700];
	v55 =	vmul.f32 v60, v59;
	v42 =	vadd.f32 v52, v42  }
0x477: {  	s25 =	sor.u32 $0x1380, s7;
	v57 =	vld [tilespmem:s5+$0x15700]  }
0x478: {  	v59 =	vld [tilespmem:s25+$0x10400];
	v58 =	vmul.f32 v63, v62;
	v42 =	vadd.f32 v55, v42  }
0x479: {  	v60 =	vld [tilespmem:s25+$0x14400]  }
0x47a: {  	v62 =	vld [tilespmem:s5+$0x12400];
	v61 =	vmul.f32 v54, v53;
	v42 =	vadd.f32 v58, v42  }
0x47b: {  	v63 =	vld [tilespmem:s5+$0x16400]  }
0x47c: {  	v53 =	vld [tilespmem:s5+$0x12480];
	v52 =	vmul.f32 v57, v56;
	v42 =	vadd.f32 v61, v42  }
0x47d: {  	v54 =	vld [tilespmem:s5+$0x16480]  }
0x47e: {  	v56 =	vld [tilespmem:s5+$0x12500];
	v55 =	vmul.f32 v60, v59;
	v42 =	vadd.f32 v52, v42  }
0x47f: {  	s26 =	sor.u32 $0x2180, s6;
	v57 =	vld [tilespmem:s5+$0x16500]  }
0x480: {  	v59 =	vld [tilespmem:s26+$0x10400];
	v58 =	vmul.f32 v63, v62;
	v42 =	vadd.f32 v55, v42  }
0x481: {  	v60 =	vld [tilespmem:s26+$0x14400]  }
0x482: {  	v62 =	vld [tilespmem:s5+$0x12600];
	v61 =	vmul.f32 v54, v53;
	v42 =	vadd.f32 v58, v42  }
0x483: {  	v63 =	vld [tilespmem:s5+$0x16600]  }
0x484: {  	v53 =	vld [tilespmem:s5+$0x12680];
	v52 =	vmul.f32 v57, v56;
	v42 =	vadd.f32 v61, v42  }
0x485: {  	v54 =	vld [tilespmem:s5+$0x16680]  }
0x486: {  	v56 =	vld [tilespmem:s5+$0x12700];
	v55 =	vmul.f32 v60, v59;
	v42 =	vadd.f32 v52, v42  }
0x487: {  	s28 =	sor.u32 $0x2380, s7;
	v57 =	vld [tilespmem:s5+$0x16700]  }
0x488: {  	v59 =	vld [tilespmem:s28+$0x10400];
	v58 =	vmul.f32 v63, v62;
	v42 =	vadd.f32 v55, v42  }
0x489: {  	v60 =	vld [tilespmem:s28+$0x14400]  }
0x48a: {  	v62 =	vld [tilespmem:s5+$0x13400];
	v61 =	vmul.f32 v54, v53;
	v42 =	vadd.f32 v58, v42  }
0x48b: {  	v63 =	vld [tilespmem:s5+$0x17400]  }
0x48c: {  	v53 =	vld [tilespmem:s5+$0x13480];
	v52 =	vmul.f32 v57, v56;
	v42 =	vadd.f32 v61, v42  }
0x48d: {  	v54 =	vld [tilespmem:s5+$0x17480]  }
0x48e: {  	v56 =	vld [tilespmem:s5+$0x13500];
	v55 =	vmul.f32 v60, v59;
	v42 =	vadd.f32 v52, v42  }
0x48f: {  	s6 =	sor.u32 $0x3180, s6;
	v57 =	vld [tilespmem:s5+$0x17500]  }
0x490: {  	v59 =	vld [tilespmem:s6+$0x10400];
	v58 =	vmul.f32 v63, v62;
	v42 =	vadd.f32 v55, v42  }
0x491: {  	v60 =	vld [tilespmem:s6+$0x14400]  }
0x492: {  	v62 =	vld [tilespmem:s5+$0x13600];
	v61 =	vmul.f32 v54, v53;
	v42 =	vadd.f32 v58, v42  }
0x493: {  	v63 =	vld [tilespmem:s5+$0x17600]  }
0x494: {  	v53 =	vld [tilespmem:s5+$0x13680];
	v52 =	vmul.f32 v57, v56;
	v42 =	vadd.f32 v61, v42  }
0x495: {  	v54 =	vld [tilespmem:s5+$0x17680]  }
0x496: {  	v56 =	vld [tilespmem:s5+$0x13700];
	v55 =	vmul.f32 v60, v59;
	v42 =	vadd.f32 v52, v42  }
0x497: {  	s29 =	sor.u32 $0x3380, s7;
	v57 =	vld [tilespmem:s5+$0x17700]  }
0x498: {  	v59 =	vld [tilespmem:s29+$0x10400];
	v58 =	vmul.f32 v63, v62;
	v42 =	vadd.f32 v55, v42  }
0x499: {  	v60 =	vld [tilespmem:s29+$0x14400]  }
0x49a: {  	v61 =	vmul.f32 v54, v53;
	v42 =	vadd.f32 v58, v42;
	_ =	sdelay $0x1  }
0x49b: {  	v62 =	vmul.f32 v57, v56;
	v42 =	vadd.f32 v61, v42;
	_ =	sdelay $0x1  }
0x49c: {  	s18 =	simm.s32 $0xB400;
	s20 =	simm.s32 $0x8400;
	s19 =	simm.s32 $0x9400;
	v63 =	vmul.f32 v60, v59;
	v42 =	vadd.f32 v62, v42  }
0x49d: {  	s21 =	simm.s32 $0xA400;
	s8 =	simm.s32 $0x18400;
	s10 =	simm.s32 $0x80  }
0x49e: {  	s31 =	sand.u32 $0xC00, s10;
	s17 =	simm.s32 $0xC400;
	s5 =	simm.s32 $0x10;
	v42 =	vadd.f32 v63, v42  }
0x49f: {  	s16 =	simm.s32 $0xE400;
	s25 =	simm.s32 $0xF400;
	s30 =	sand.u32 $0x70, s5  }
0x4a0: {  	s26 =	simm.s32 $0xD400;
	s6 =	simm.s32 $0x20;
	s9 =	sor.u32 s30, s31;
	[tilespmem:s8+$0x0] =	vst v42  }
.LBB2_4:
0x4a1: {  	p0 =	sne.s32 s6, $0x1F0;
	v42 =	vld [tilespmem:s9+$0x14400]  }
0x4a2: {  	v43 =	vld [tilespmem:s9+$0x10400]  }
0x4a3: {  	v44 =	vld [tilespmem:s9+$0x10480]  }
0x4a4: {  	s7 =	sand.u32 $0xFFFFFC00, s10;
	v45 =	vld [tilespmem:s9+$0x14480]  }
0x4a5: {  	s7 =	sadd.s32 s7, s5;
	v46 =	vld [tilespmem:s9+$0x10500]  }
0x4a6: {  	s11 =	sor.u32 $0x180, s7;
	v47 =	vld [tilespmem:s9+$0x14500]  }
0x4a7: {  	v42 =	vmul.f32 v42, v43;
	v43 =	vld [tilespmem:s11+$0x10400]  }
0x4a8: {  	v48 =	vld [tilespmem:s11+$0x14400]  }
0x4a9: {  	v42 =	vadd.f32 $0.0e+00, v42;
	v44 =	vmul.f32 v45, v44;
	v45 =	vld [tilespmem:s9+$0x10600]  }
0x4aa: {  	v49 =	vld [tilespmem:s9+$0x14600]  }
0x4ab: {  	v42 =	vadd.f32 v44, v42;
	v44 =	vmul.f32 v47, v46;
	v46 =	vld [tilespmem:s9+$0x10680]  }
0x4ac: {  	v47 =	vld [tilespmem:s9+$0x14680]  }
0x4ad: {  	s11 =	sor.u32 s5, s10;
	s5 =	smov.u32 s6;
	v42 =	vadd.f32 v44, v42;
	v43 =	vmul.f32 v48, v43;
	v44 =	vld [tilespmem:s9+$0x10700]  }
0x4ae: {  	s13 =	sor.u32 $0x380, s11;
	v48 =	vld [tilespmem:s9+$0x14700]  }
0x4af: {  	v42 =	vadd.f32 v43, v42;
	v43 =	vmul.f32 v49, v45;
	v45 =	vld [tilespmem:s13+$0x10400]  }
0x4b0: {  	v49 =	vld [tilespmem:s13+$0x14400]  }
0x4b1: {  	v42 =	vadd.f32 v43, v42;
	v43 =	vmul.f32 v47, v46;
	v46 =	vld [tilespmem:s9+$0x11400]  }
0x4b2: {  	v47 =	vld [tilespmem:s9+$0x15400]  }
0x4b3: {  	v42 =	vadd.f32 v43, v42;
	v43 =	vmul.f32 v48, v44;
	v44 =	vld [tilespmem:s9+$0x11480]  }
0x4b4: {  	v48 =	vld [tilespmem:s9+$0x15480]  }
0x4b5: {  	v42 =	vadd.f32 v43, v42;
	v43 =	vmul.f32 v49, v45;
	v45 =	vld [tilespmem:s9+$0x11500]  }
0x4b6: {  	s13 =	sor.u32 $0x1180, s7;
	v49 =	vld [tilespmem:s9+$0x15500]  }
0x4b7: {  	v42 =	vadd.f32 v43, v42;
	v43 =	vmul.f32 v47, v46;
	v46 =	vld [tilespmem:s13+$0x10400]  }
0x4b8: {  	v47 =	vld [tilespmem:s13+$0x14400]  }
0x4b9: {  	v42 =	vadd.f32 v43, v42;
	v43 =	vmul.f32 v48, v44;
	v44 =	vld [tilespmem:s9+$0x11600]  }
0x4ba: {  	v48 =	vld [tilespmem:s9+$0x15600]  }
0x4bb: {  	v42 =	vadd.f32 v43, v42;
	v43 =	vmul.f32 v49, v45;
	v45 =	vld [tilespmem:s9+$0x11680]  }
0x4bc: {  	v49 =	vld [tilespmem:s9+$0x15680]  }
0x4bd: {  	v42 =	vadd.f32 v43, v42;
	v43 =	vmul.f32 v47, v46;
	v46 =	vld [tilespmem:s9+$0x11700]  }
0x4be: {  	s13 =	sor.u32 $0x1380, s11;
	v47 =	vld [tilespmem:s9+$0x15700]  }
0x4bf: {  	v42 =	vadd.f32 v43, v42;
	v43 =	vmul.f32 v48, v44;
	v44 =	vld [tilespmem:s13+$0x10400]  }
0x4c0: {  	v48 =	vld [tilespmem:s13+$0x14400]  }
0x4c1: {  	v42 =	vadd.f32 v43, v42;
	v43 =	vmul.f32 v49, v45;
	v45 =	vld [tilespmem:s9+$0x12400]  }
0x4c2: {  	v49 =	vld [tilespmem:s9+$0x16400]  }
0x4c3: {  	v42 =	vadd.f32 v43, v42;
	v43 =	vmul.f32 v47, v46;
	v46 =	vld [tilespmem:s9+$0x12480]  }
0x4c4: {  	v47 =	vld [tilespmem:s9+$0x16480]  }
0x4c5: {  	v42 =	vadd.f32 v43, v42;
	v43 =	vmul.f32 v48, v44;
	v44 =	vld [tilespmem:s9+$0x12500]  }
0x4c6: {  	s13 =	sor.u32 $0x2180, s7;
	v48 =	vld [tilespmem:s9+$0x16500]  }
0x4c7: {  	v42 =	vadd.f32 v43, v42;
	v43 =	vmul.f32 v49, v45;
	v45 =	vld [tilespmem:s13+$0x10400]  }
0x4c8: {  	v49 =	vld [tilespmem:s13+$0x14400]  }
0x4c9: {  	v42 =	vadd.f32 v43, v42;
	v43 =	vmul.f32 v47, v46;
	v46 =	vld [tilespmem:s9+$0x12600]  }
0x4ca: {  	v47 =	vld [tilespmem:s9+$0x16600]  }
0x4cb: {  	v42 =	vadd.f32 v43, v42;
	v43 =	vmul.f32 v48, v44;
	v44 =	vld [tilespmem:s9+$0x12680]  }
0x4cc: {  	v48 =	vld [tilespmem:s9+$0x16680]  }
0x4cd: {  	v42 =	vadd.f32 v43, v42;
	v43 =	vmul.f32 v49, v45;
	v45 =	vld [tilespmem:s9+$0x12700]  }
0x4ce: {  	s13 =	sor.u32 $0x2380, s11;
	v49 =	vld [tilespmem:s9+$0x16700]  }
0x4cf: {  	v42 =	vadd.f32 v43, v42;
	v43 =	vmul.f32 v47, v46;
	v46 =	vld [tilespmem:s13+$0x10400]  }
0x4d0: {  	v47 =	vld [tilespmem:s13+$0x14400]  }
0x4d1: {  	v42 =	vadd.f32 v43, v42;
	v43 =	vmul.f32 v48, v44;
	v44 =	vld [tilespmem:s9+$0x13400]  }
0x4d2: {  	v48 =	vld [tilespmem:s9+$0x17400]  }
0x4d3: {  	v42 =	vadd.f32 v43, v42;
	v43 =	vmul.f32 v49, v45;
	v45 =	vld [tilespmem:s9+$0x13480]  }
0x4d4: {  	v49 =	vld [tilespmem:s9+$0x17480]  }
0x4d5: {  	v42 =	vadd.f32 v43, v42;
	v43 =	vmul.f32 v47, v46;
	v46 =	vld [tilespmem:s9+$0x13500]  }
0x4d6: {  	s7 =	sor.u32 $0x3180, s7;
	v47 =	vld [tilespmem:s9+$0x17500]  }
0x4d7: {  	v42 =	vadd.f32 v43, v42;
	v43 =	vmul.f32 v48, v44;
	v44 =	vld [tilespmem:s7+$0x10400]  }
0x4d8: {  	v48 =	vld [tilespmem:s7+$0x14400]  }
0x4d9: {  	v42 =	vadd.f32 v43, v42;
	v43 =	vmul.f32 v49, v45;
	v45 =	vld [tilespmem:s9+$0x13600]  }
0x4da: {  	v49 =	vld [tilespmem:s9+$0x17600]  }
0x4db: {  	v42 =	vadd.f32 v43, v42;
	v43 =	vmul.f32 v47, v46;
	v46 =	vld [tilespmem:s9+$0x13680]  }
0x4dc: {  	v47 =	vld [tilespmem:s9+$0x17680]  }
0x4dd: {  	v42 =	vadd.f32 v43, v42;
	v43 =	vmul.f32 v48, v44;
	v44 =	vld [tilespmem:s9+$0x13700]  }
0x4de: {  	s7 =	sor.u32 $0x3380, s11;
	v48 =	vld [tilespmem:s9+$0x17700]  }
0x4df: {  	v42 =	vadd.f32 v43, v42;
	v43 =	vmul.f32 v49, v45;
	v45 =	vld [tilespmem:s7+$0x10400]  }
0x4e0: {  	v49 =	vld [tilespmem:s7+$0x14400]  }
0x4e1: {  	v42 =	vadd.f32 v43, v42;
	v43 =	vmul.f32 v47, v46;
	_ =	sdelay $0x1  }
0x4e2: {  	v42 =	vadd.f32 v43, v42;
	v43 =	vmul.f32 v48, v44;
	_ =	sdelay $0x1  }
.Ltmp1:
0x4e3: {  	v42 =	vadd.f32 v43, v42;
	v43 =	vmul.f32 v49, v45;
	(pc) =	sbr.rel @p0 .LBB2_4-.Ltmp1, $4  }
0x4e4: {  	_ = 	snop  }
0x4e5: {  	s10 =	sadd.s32 $0x80, s10;
	v42 =	vadd.f32 v43, v42  }
0x4e6: {  	s8 =	sadd.s32 $0x10, s8;
	s9 =	sand.u32 $0xC00, s10;
	s7 =	sand.u32 $0x70, s6  }
0x4e7: {  	s6 =	sadd.s32 $0x10, s6;
	s9 =	sor.u32 s7, s9;
	[tilespmem:s8+$0x0] =	vst v42  }
0x4e8: {  	v42 =	vld [tilespmem:s9+$0x14400]  }
0x4e9: {  	v43 =	vld [tilespmem:s9+$0x10400]  }
0x4ea: {  	v44 =	vld [tilespmem:s9+$0x10480]  }
0x4eb: {  	s6 =	sand.u32 $0xFFFFFC00, s10;
	v45 =	vld [tilespmem:s9+$0x14480]  }
0x4ec: {  	v46 =	vld [tilespmem:s9+$0x10500];
	s6 =	sadd.s32 s6, s5  }
0x4ed: {  	v47 =	vld [tilespmem:s9+$0x14500];
	s7 =	sor.u32 $0x180, s6  }
0x4ee: {  	v63 =	vld [tilespmem:s7+$0x10400];
	v42 =	vmul.f32 v42, v43  }
0x4ef: {  	v48 =	vld [tilespmem:s7+$0x14400]  }
0x4f0: {  	v52 =	vld [tilespmem:s9+$0x10600];
	v44 =	vmul.f32 v45, v44;
	v42 =	vadd.f32 $0.0e+00, v42  }
0x4f1: {  	v49 =	vld [tilespmem:s9+$0x14600]  }
0x4f2: {  	v54 =	vld [tilespmem:s9+$0x10680];
	v53 =	vmul.f32 v47, v46;
	v42 =	vadd.f32 v44, v42  }
0x4f3: {  	v55 =	vld [tilespmem:s9+$0x14680]  }
0x4f4: {  	v56 =	vld [tilespmem:s9+$0x10700];
	s31 =	sor.u32 s5, s10;
	v43 =	vmul.f32 v48, v63;
	v42 =	vadd.f32 v53, v42  }
0x4f5: {  	v57 =	vld [tilespmem:s9+$0x14700];
	s1 =	sor.u32 $0x380, s31  }
0x4f6: {  	v59 =	vld [tilespmem:s1+$0x10400];
	v58 =	vmul.f32 v49, v52;
	v42 =	vadd.f32 v43, v42  }
0x4f7: {  	v60 =	vld [tilespmem:s1+$0x14400]  }
0x4f8: {  	v62 =	vld [tilespmem:s9+$0x11400];
	v61 =	vmul.f32 v55, v54;
	v42 =	vadd.f32 v58, v42  }
0x4f9: {  	v63 =	vld [tilespmem:s9+$0x15400]  }
0x4fa: {  	v52 =	vmul.f32 v57, v56;
	v54 =	vld [tilespmem:s9+$0x15480];
	v42 =	vadd.f32 v61, v42  }
0x4fb: {  	v53 =	vld [tilespmem:s9+$0x11480]  }
0x4fc: {  	v56 =	vld [tilespmem:s9+$0x11500];
	v55 =	vmul.f32 v60, v59;
	v42 =	vadd.f32 v52, v42  }
0x4fd: {  	s10 =	sor.u32 $0x1180, s6;
	v57 =	vld [tilespmem:s9+$0x15500]  }
0x4fe: {  	v59 =	vld [tilespmem:s10+$0x10400];
	v58 =	vmul.f32 v63, v62;
	v42 =	vadd.f32 v55, v42  }
0x4ff: {  	v60 =	vld [tilespmem:s10+$0x14400]  }
0x500: {  	v62 =	vld [tilespmem:s9+$0x11600];
	v61 =	vmul.f32 v54, v53;
	v42 =	vadd.f32 v58, v42  }
0x501: {  	v63 =	vld [tilespmem:s9+$0x15600]  }
0x502: {  	v53 =	vld [tilespmem:s9+$0x11680];
	v52 =	vmul.f32 v57, v56;
	v42 =	vadd.f32 v61, v42  }
0x503: {  	v54 =	vld [tilespmem:s9+$0x15680]  }
0x504: {  	v56 =	vld [tilespmem:s9+$0x11700];
	v55 =	vmul.f32 v60, v59;
	v42 =	vadd.f32 v52, v42  }
0x505: {  	s11 =	sor.u32 $0x1380, s31;
	v57 =	vld [tilespmem:s9+$0x15700]  }
0x506: {  	v59 =	vld [tilespmem:s11+$0x10400];
	v58 =	vmul.f32 v63, v62;
	v42 =	vadd.f32 v55, v42  }
0x507: {  	v60 =	vld [tilespmem:s11+$0x14400]  }
0x508: {  	v62 =	vld [tilespmem:s9+$0x12400];
	v61 =	vmul.f32 v54, v53;
	v42 =	vadd.f32 v58, v42  }
0x509: {  	v63 =	vld [tilespmem:s9+$0x16400]  }
0x50a: {  	v53 =	vld [tilespmem:s9+$0x12480];
	v52 =	vmul.f32 v57, v56;
	v42 =	vadd.f32 v61, v42  }
0x50b: {  	v54 =	vld [tilespmem:s9+$0x16480]  }
0x50c: {  	v56 =	vld [tilespmem:s9+$0x12500];
	v55 =	vmul.f32 v60, v59;
	v42 =	vadd.f32 v52, v42  }
0x50d: {  	s13 =	sor.u32 $0x2180, s6;
	v57 =	vld [tilespmem:s9+$0x16500]  }
0x50e: {  	v59 =	vld [tilespmem:s13+$0x10400];
	v58 =	vmul.f32 v63, v62;
	v42 =	vadd.f32 v55, v42  }
0x50f: {  	v60 =	vld [tilespmem:s13+$0x14400]  }
0x510: {  	v62 =	vld [tilespmem:s9+$0x12600];
	v61 =	vmul.f32 v54, v53;
	v42 =	vadd.f32 v58, v42  }
0x511: {  	v63 =	vld [tilespmem:s9+$0x16600]  }
0x512: {  	v53 =	vld [tilespmem:s9+$0x12680];
	v52 =	vmul.f32 v57, v56;
	v42 =	vadd.f32 v61, v42  }
0x513: {  	v54 =	vld [tilespmem:s9+$0x16680]  }
0x514: {  	v56 =	vld [tilespmem:s9+$0x12700];
	v55 =	vmul.f32 v60, v59;
	v42 =	vadd.f32 v52, v42  }
0x515: {  	s22 =	sor.u32 $0x2380, s31;
	v57 =	vld [tilespmem:s9+$0x16700]  }
0x516: {  	v59 =	vld [tilespmem:s22+$0x10400];
	v58 =	vmul.f32 v63, v62;
	v42 =	vadd.f32 v55, v42  }
0x517: {  	v60 =	vld [tilespmem:s22+$0x14400]  }
0x518: {  	v62 =	vld [tilespmem:s9+$0x13400];
	v61 =	vmul.f32 v54, v53;
	v42 =	vadd.f32 v58, v42  }
0x519: {  	v63 =	vld [tilespmem:s9+$0x17400]  }
0x51a: {  	v53 =	vld [tilespmem:s9+$0x13480];
	v52 =	vmul.f32 v57, v56;
	v42 =	vadd.f32 v61, v42  }
0x51b: {  	v54 =	vld [tilespmem:s9+$0x17480]  }
0x51c: {  	v56 =	vld [tilespmem:s9+$0x13500];
	v55 =	vmul.f32 v60, v59;
	v42 =	vadd.f32 v52, v42  }
0x51d: {  	s6 =	sor.u32 $0x3180, s6;
	v57 =	vld [tilespmem:s9+$0x17500]  }
0x51e: {  	v59 =	vld [tilespmem:s6+$0x10400];
	v58 =	vmul.f32 v63, v62;
	v42 =	vadd.f32 v55, v42  }
0x51f: {  	v60 =	vld [tilespmem:s6+$0x14400]  }
0x520: {  	v62 =	vld [tilespmem:s9+$0x13600];
	v61 =	vmul.f32 v54, v53;
	v42 =	vadd.f32 v58, v42  }
0x521: {  	v63 =	vld [tilespmem:s9+$0x17600]  }
0x522: {  	v53 =	vld [tilespmem:s9+$0x13680];
	v52 =	vmul.f32 v57, v56;
	v42 =	vadd.f32 v61, v42  }
0x523: {  	v54 =	vld [tilespmem:s9+$0x17680]  }
0x524: {  	v56 =	vld [tilespmem:s9+$0x13700];
	v55 =	vmul.f32 v60, v59;
	v42 =	vadd.f32 v52, v42  }
0x525: {  	s5 =	sor.u32 $0x3380, s31;
	v57 =	vld [tilespmem:s9+$0x17700]  }
0x526: {  	v59 =	vld [tilespmem:s5+$0x10400];
	v58 =	vmul.f32 v63, v62;
	v42 =	vadd.f32 v55, v42  }
0x527: {  	v60 =	vld [tilespmem:s5+$0x14400]  }
0x528: {  	v61 =	vmul.f32 v54, v53;
	v42 =	vadd.f32 v58, v42;
	_ =	sdelay $0x1  }
0x529: {  	v62 =	vmul.f32 v57, v56;
	v42 =	vadd.f32 v61, v42;
	_ =	sdelay $0x1  }
0x52a: {  	v63 =	vmul.f32 v60, v59;
	v42 =	vadd.f32 v62, v42;
	_ =	sdelay $0x1  }
0x52b: {  	v42 =	vadd.f32 v63, v42  }
0x52c: {  	s23 =	sadd.s32 $0x10, s8;
	s24 =	rddreg [dreg:$0xb]  }
0x52d: {  	s28 =	simm.s32 $0x18400;
	s7 =	simm.s32 $0x4;
	s11 =	simm.s32 $0x0;
	[tilespmem:s23+$0x0] =	vst v42  }
0x52e: {  	[hbm4b:s24+s11] =	stream.linear.scatter [tilespmem:s28], [sflag:$0x4], $0x200, $0x38;
	[tilespmem:$0x18600] =	vst v63  }
0x52f: {  	_ =	swait.ge [sflag:s7], $0x200  }
0x530: {  	[sflag:s7] =	ssyncset.done $0x0  }
0x531: {  	s29 =	simm.s32 $0x3;
	[sflag:s7] =	ssyncadd.s32 $0xFFFFFE00  }
0x532: {  	_ =	swait.ge [sflag:s29], $0x4000  }
0x533: {  	[sflag:s29] =	ssyncset.done $0x0  }
0x534: {  	[sflag:s29] =	ssyncadd.s32 $0xFFFFC000  }
0x535: {  	_ =	swait.ge [sflag:s29], $0x4000  }
0x536: {  	s30 =	rddreg [dreg:$0xd]  }
0x537: {  	s31 =	rddreg [dreg:$0xc];
	s8 =	sadd.s32 $0x1, s30  }
0x538: {  	p0 =	sne.s32 s8, s31  }
.Ltmp2:
0x539: {  	_ = 	snop;
	(pc) =	sbr.rel @p0 .LBB2_1-.Ltmp2, $3  }
0x53a: {  	_ =	sdelay $0x1  }
0x53b: {  	[sflag:s29] =	ssyncset.done $0x0  }
0x53c: {  	s9 =	simm.s32 $0x4400;
	[sflag:s29] =	ssyncadd.s32 $0xFFFFC000  }
0x53d: {  	_ =	sfence.sel $0x180000  }
0x53e: {  	[bflag:$0x0] =	sbarrier.arrive $0xFFFF  }
0x53f: {  	_ =	strace $0x90000047  }
0x540: {  	s0 =	stileid.u32;
	[bflag:$0x2] =	sbarrier.arrive $0xFFFF  }
0x541: {  	p0 =	sne.s32 s0, $0x0;
	s0 =	rddreg [dreg:$0x6]  }
0x542: {  	s0 =	sadd.s32 @!p0 $0x100000, s0  }
0x543: {  	[sflag:s0] =	ssyncadd.tile.s32 @!p0 $0x1;
	_ =	shalt  }
.Lfunc_end2:
_tile_overlayer_lowered:
.L_overlay_start_2:
0x544: {  	(tag) =	ssettag $0x2  }
0x545: {  	s0 =	rddreg [dreg:$0x0];
	s2 =	stileid.u32  }
0x546: {  	s1 =	rddreg [dreg:$0x1];
	p0 =	sne.s32 s2, $0x0  }
0x547: {  	s3 =	rddreg [dreg:$0x2];
	[bflag:$0x3] =	sbarrier.arrive $0xFFFF;
	s2 =	simm.s32 @!p0 $0x1C04  }
0x548: {  	[timem:s3], [sflag:s2] =	dma.local @!p0 [hbm:s0], s1  }
0x549: {  	s0 =	simm.s32 @!p0 $0x4  }
0x54a: {  	_ =	swait.ge @!p0 [sflag:s0], s1  }
0x54b: {  	s1 =	ssub.s32 @!p0 $0x0, s1;
	[sflag:s0] =	ssyncset.done @!p0 $0x0  }
0x54c: {  	[sflag:s0] =	ssyncadd.s32 @!p0 s1  }
0x54d: {  	[bflag:$0x3] =	sbarrier.arrive $0xFFFF  }
0x54e: {  	_ =	shalt  }

</sc_bundles>
